<compile_context>
chip_gen: v7x
topology: tpu7x:2x2x1
jax: 0.10.2.dev20260603
libtpu: 0.0.44.dev20260713+nightly
codegen_flags: <defaults>
</compile_context>

<pallas_src>
import functools

import jax
import jax.numpy as jnp
from jax import lax
from jax.experimental import pallas as pl
from jax.experimental.pallas import tpu as pltpu
from jax.experimental.pallas import tpu_sc as plsc

N = 10000
M = 12
D = 64
DN = 41
NPAD = 10240
BPAD = M * NPAD
NW = 32
CPW = 30
CHUNK = 128
RB = 1000
NBC = N // RB
RB2 = 2000
CG = 4
NCRY = 200
NA = 50
EPS = 1e-5


def _softplus(v):
    return jnp.maximum(v, 0.0) + jnp.log(1.0 + jnp.exp(-jnp.abs(v)))


def _sigmoid(v):
    return 0.5 + 0.5 * jnp.tanh(0.5 * v)


def _dotT(a, b):
    return lax.dot_general(a, b, (((1,), (1,)), ((), ())),
                           preferred_element_type=jnp.float32)


def _sc_gather(bv, idx3):
    mesh = plsc.VectorSubcoreMesh(core_axis_name="c", subcore_axis_name="s")

    @functools.partial(
        pl.kernel,
        mesh=mesh,
        out_type=jax.ShapeDtypeStruct((BPAD, 2 * D), jnp.float32),
        scratch_types=[
            pltpu.VMEM((CPW, CHUNK), jnp.int32),
            pltpu.VMEM((CHUNK, 2 * D), jnp.float32),
            pltpu.VMEM((CHUNK, 2 * D), jnp.float32),
            pltpu.VMEM_SHARED((N, 2 * D), jnp.float32),
            pltpu.SemaphoreType.DMA,
            pltpu.SemaphoreType.DMA,
            pltpu.SemaphoreType.DMA,
            pltpu.SemaphoreType.DMA,
        ],
    )
    def k(x_hbm, idx_hbm, out_hbm, idx_v, buf0, buf1, tab, gi0, gi1, go0, go1):
        sid = lax.axis_index("s")
        wid = sid * 2 + lax.axis_index("c")
        base = wid * (CPW * CHUNK)

        @pl.when(sid < 10)
        def _():
            pltpu.sync_copy(x_hbm.at[pl.ds(sid * 1000, 1000)],
                            tab.at[pl.ds(sid * 1000, 1000)])

        pltpu.sync_copy(idx_hbm.at[wid], idx_v)
        plsc.subcore_barrier()

        def g_start(c, buf, sem):
            pltpu.async_copy(tab.at[idx_v.at[c]], buf, sem)

        def g_wait(c, buf, sem):
            pltpu.make_async_copy(tab.at[idx_v.at[c]], buf, sem).wait()

        def s_start(c, buf, sem):
            pltpu.async_copy(buf, out_hbm.at[pl.ds(base + c * CHUNK, CHUNK)], sem)

        def s_wait(buf, sem):
            pltpu.make_async_copy(buf, out_hbm.at[pl.ds(base, CHUNK)], sem).wait()

        g_start(0, buf0, gi0)

        def outer(o, carry):
            c0 = 2 * o
            @pl.when(o > 0)
            def _():
                s_wait(buf1, go1)

            g_start(c0 + 1, buf1, gi1)
            g_wait(c0, buf0, gi0)
            s_start(c0, buf0, go0)

            @pl.when(o < CPW // 2 - 1)
            def _():
                s_wait(buf0, go0)
                g_start(c0 + 2, buf0, gi0)

            g_wait(c0 + 1, buf1, gi1)
            s_start(c0 + 1, buf1, go1)
            return carry

        lax.fori_loop(0, CPW // 2, outer, 0)
        s_wait(buf0, go0)
        s_wait(buf1, go1)

    return k(bv, idx3)


def _embed(atom_fea, W_emb):
    def body(a_ref, w_ref, o_ref):
        o_ref[...] = _dotT(a_ref[...], w_ref[...])

    return pl.pallas_call(
        body,
        grid=(N // RB2,),
        in_specs=[
            pl.BlockSpec((RB2, 92), lambda j: (j, 0)),
            pl.BlockSpec((D, 92), lambda j: (0, 0)),
        ],
        out_specs=pl.BlockSpec((RB2, D), lambda j: (j, 0)),
        out_shape=jax.ShapeDtypeStruct((N, D), jnp.float32),
    )(atom_fea, W_emb)


def _neighbor_transform(x, Wn):
    def body(x_ref, w_ref, o_ref):
        o_ref[...] = _dotT(x_ref[...], w_ref[...])

    return pl.pallas_call(
        body,
        grid=(N // RB2,),
        in_specs=[
            pl.BlockSpec((RB2, D), lambda j: (j, 0)),
            pl.BlockSpec((2 * D, D), lambda j: (0, 0)),
        ],
        out_specs=pl.BlockSpec((RB2, 2 * D), lambda j: (j, 0)),
        out_shape=jax.ShapeDtypeStruct((N, 2 * D), jnp.float32),
    )(x, Wn)


def _conv_layer(x, g0, nbr2, Ws, We, bful, g1, b1):

    def body(x_ref, g0_ref, nf_ref, ws_ref, we_ref, b_ref,
             g1_ref, b1_ref, ns_ref, st_ref, acc):
        ph = pl.program_id(0)
        j = pl.program_id(1)

        @pl.when((ph == 0) & (j == 0))
        def _():
            acc[...] = jnp.zeros_like(acc)

        @pl.when((ph == 1) & (j == 0))
        def _():
            cnt = float(N * M)
            mean = acc[0:1, :] / cnt
            var = acc[1:2, :] / cnt - mean * mean
            acc[2:3, :] = mean
            acc[3:4, :] = lax.rsqrt(var + EPS)

        a = _dotT(x_ref[...], ws_ref[...]) + b_ref[...]

        def g_of(nf, m):
            return a + g0_ref[m] + _dotT(nf[:, m * DN:(m + 1) * DN], we_ref[...])

        @pl.when(ph == 0)
        def _():
            nf = nf_ref[...]
            g = g_of(nf, 0)
            s = g
            s2 = g * g
            for m in range(1, M):
                g = g_of(nf, m)
                s = s + g
                s2 = s2 + g * g
            acc[0:1, :] += jnp.sum(s, axis=0, keepdims=True)
            acc[1:2, :] += jnp.sum(s2, axis=0, keepdims=True)

        @pl.when(ph == 1)
        def _():
            nf = nf_ref[...]
            mean = acc[2:3, :]
            scale = acc[3:4, :] * g1_ref[...]
            shift = b1_ref[...]
            ns = jnp.zeros((RB, D), jnp.float32)
            for m in range(M):
                ghat = (g_of(nf, m) - mean) * scale + shift
                ns = ns + _sigmoid(ghat[:, :D]) * _softplus(ghat[:, D:])
            ns_ref[...] = ns
            acc[4:5, :D] += jnp.sum(ns, axis=0, keepdims=True)
            acc[5:6, :D] += jnp.sum(ns * ns, axis=0, keepdims=True)

        @pl.when((ph == 1) & (j == NBC - 1))
        def _():
            st_ref[...] = acc[...]

    return pl.pallas_call(
        body,
        grid=(2, NBC),
        in_specs=[
            pl.BlockSpec((RB, D), lambda p, j: (j, 0)),
            pl.BlockSpec((M, RB, 2 * D), lambda p, j: (0, j, 0)),
            pl.BlockSpec((RB, M * DN), lambda p, j: (j, 0)),
            pl.BlockSpec((2 * D, D), lambda p, j: (0, 0)),
            pl.BlockSpec((2 * D, DN), lambda p, j: (0, 0)),
            pl.BlockSpec((1, 2 * D), lambda p, j: (0, 0)),
            pl.BlockSpec((1, 2 * D), lambda p, j: (0, 0)),
            pl.BlockSpec((1, 2 * D), lambda p, j: (0, 0)),
        ],
        out_specs=[
            pl.BlockSpec((RB, D), lambda p, j: (j, 0)),
            pl.BlockSpec((8, 2 * D), lambda p, j: (0, 0)),
        ],
        out_shape=[
            jax.ShapeDtypeStruct((N, D), jnp.float32),
            jax.ShapeDtypeStruct((8, 2 * D), jnp.float32),
        ],
        scratch_shapes=[pltpu.VMEM((8, 2 * D), jnp.float32)],
    )(x, g0, nbr2, Ws, We, bful, g1, b1)


def _bn2_apply(x, ns, stats, g2, b2):
    def body(x_ref, ns_ref, st_ref, g2_ref, b2_ref, o_ref):
        m2 = st_ref[4:5, :D] / float(N)
        v2 = st_ref[5:6, :D] / float(N) - m2 * m2
        sc = lax.rsqrt(v2 + EPS) * g2_ref[...]
        o_ref[...] = _softplus(x_ref[...] + (ns_ref[...] - m2) * sc + b2_ref[...])

    return pl.pallas_call(
        body,
        grid=(N // RB2,),
        in_specs=[
            pl.BlockSpec((RB2, D), lambda j: (j, 0)),
            pl.BlockSpec((RB2, D), lambda j: (j, 0)),
            pl.BlockSpec((8, 2 * D), lambda j: (0, 0)),
            pl.BlockSpec((1, D), lambda j: (0, 0)),
            pl.BlockSpec((1, D), lambda j: (0, 0)),
        ],
        out_specs=pl.BlockSpec((RB2, D), lambda j: (j, 0)),
        out_shape=jax.ShapeDtypeStruct((N, D), jnp.float32),
    )(x, ns, stats, g2, b2)


def _decoder(bt3, fc_adj_W, fc_edge_W, fc_atom_W, fc_atom_b,
             fc1_W, fc1_b, fc_adj_b, fc2_W, fc2_b, fc_edge_b):
    def body(bt_ref, adj_ref, edg_ref, aw_ref, ab_ref,
             fc1w_ref, fc1b_ref, adjb_ref, fc2w_ref, fc2b_ref, edgb_ref,
             op_ref, of_ref, oa_ref):
        Wp, bp = [], []
        for c in range(6):
            w = fc1w_ref[c, 0] * adj_ref[0]
            b = fc1w_ref[c, 0] * adjb_ref[0]
            for k2 in range(1, 6):
                w = w + fc1w_ref[c, k2] * adj_ref[k2]
                b = b + fc1w_ref[c, k2] * adjb_ref[k2]
            Wp.append(w)
            bp.append(b + fc1b_ref[c])
        Wf, bf = [], []
        for c in range(5):
            w = fc2w_ref[c, 0] * edg_ref[0]
            b = fc2w_ref[c, 0] * edgb_ref[0]
            for k2 in range(1, 5):
                w = w + fc2w_ref[c, k2] * edg_ref[k2]
                b = b + fc2w_ref[c, k2] * edgb_ref[k2]
            Wf.append(w)
            bf.append(b + fc2b_ref[c])

        for bb in range(CG):
            btb = bt_ref[bb]
            es = []
            for c in range(6):
                t = lax.dot_general(btb, Wp[c], (((1,), (0,)), ((), ())),
                                    preferred_element_type=jnp.float32)
                es.append(_dotT(t, btb) + bp[c])
            mx = es[0]
            for c in range(1, 6):
                mx = jnp.maximum(mx, es[c])
            ssum = jnp.exp(es[0] - mx)
            for c in range(1, 6):
                ssum = ssum + jnp.exp(es[c] - mx)
            lse = mx + jnp.log(ssum)
            for c in range(6):
                op_ref[c, bb] = es[c] - lse
            for c in range(5):
                t = lax.dot_general(btb, Wf[c], (((1,), (0,)), ((), ())),
                                    preferred_element_type=jnp.float32)
                of_ref[c, bb] = _dotT(t, btb) + bf[c]
            oa_ref[bb] = _dotT(btb, aw_ref[...]) + ab_ref[...]

    smem = pl.BlockSpec(memory_space=pltpu.SMEM)
    return pl.pallas_call(
        body,
        grid=(NCRY // CG,),
        in_specs=[
            pl.BlockSpec((CG, NA, D), lambda j: (j, 0, 0)),
            pl.BlockSpec((6, D, D), lambda j: (0, 0, 0)),
            pl.BlockSpec((5, D, D), lambda j: (0, 0, 0)),
            pl.BlockSpec((92, D), lambda j: (0, 0)),
            pl.BlockSpec((1, 92), lambda j: (0, 0)),
            smem, smem, smem, smem, smem, smem,
        ],
        out_specs=[
            pl.BlockSpec((6, CG, NA, NA), lambda j: (0, j, 0, 0)),
            pl.BlockSpec((5, CG, NA, NA), lambda j: (0, j, 0, 0)),
            pl.BlockSpec((CG, NA, 92), lambda j: (j, 0, 0)),
        ],
        out_shape=[
            jax.ShapeDtypeStruct((6, NCRY, NA, NA), jnp.float32),
            jax.ShapeDtypeStruct((5, NCRY, NA, NA), jnp.float32),
            jax.ShapeDtypeStruct((NCRY, NA, 92), jnp.float32),
        ],
    )(bt3, fc_adj_W, fc_edge_W, fc_atom_W, fc_atom_b,
      fc1_W, fc1_b, fc_adj_b, fc2_W, fc2_b, fc_edge_b)


def kernel(atom_fea, nbr_fea, nbr_fea_idx, crystal_atom_idx, W_emb,
           fc_full_W, fc_full_b, bn1_g, bn1_b, bn2_g, bn2_b,
           fc_adj_W, fc_adj_b, fc1_W, fc1_b, fc_edge_W, fc_edge_b,
           fc2_W, fc2_b, fc_atom_W, fc_atom_b):
    idxT = jnp.pad(nbr_fea_idx.T.astype(jnp.int32), ((0, 0), (0, NPAD - N)))
    idx3 = idxT.reshape(NW, CPW, CHUNK)
    nbr2 = nbr_fea.reshape(N, M * DN)

    x = _embed(atom_fea, W_emb)
    for i in range(3):
        Ws = fc_full_W[i][:, :D]
        Wn = fc_full_W[i][:, D:2 * D]
        We = fc_full_W[i][:, 2 * D:]
        bv = _neighbor_transform(x, Wn)
        g0 = _sc_gather(bv, idx3).reshape(M, NPAD, 2 * D)
        ns, stats = _conv_layer(x, g0, nbr2, Ws, We,
                                fc_full_b[i][None, :],
                                bn1_g[i][None, :], bn1_b[i][None, :])
        x = _bn2_apply(x, ns, stats, bn2_g[i][None, :], bn2_b[i][None, :])

    bt3 = x.reshape(NCRY, NA, D)
    op, of, oa = _decoder(bt3, fc_adj_W, fc_edge_W, fc_atom_W,
                          fc_atom_b[None, :], fc1_W, fc1_b, fc_adj_b,
                          fc2_W, fc2_b, fc_edge_b)
    edge_p = op.reshape(6, NCRY, NA * NA).transpose(1, 2, 0)
    edge_f = of.transpose(1, 2, 3, 0)
    atom_out = oa
    return edge_p, atom_out, edge_f

# --- scband reference (transcript-rebuilt; emitter-appended) ---
"""Pipeline reference for scband-crystal-ae-13116830122572 (READ-ONLY COPY).

The authoritative reference and input builder live on the scoring server;
editing this copy changes nothing except your own understanding.
"""

import jax, jax.numpy as jnp
import numpy as np


def _bn(x, g, b, eps=1e-5):
    m = jnp.mean(x, axis=0)
    v = jnp.var(x, axis=0)
    return g * (x - m) / jnp.sqrt(v + eps) + b


def setup_inputs(seed: int = 0) -> dict:
    key = jax.random.key(seed)
    ks = jax.random.split(key, 16)
    N, M, Dorig, Dnbr, D = 10000, 12, 92, 41, 64
    s = 0.05
    inp = {}
    inp["atom_fea"] = jax.random.normal(ks[0], (N, Dorig), dtype=jnp.float32)
    inp["nbr_fea"] = jax.random.normal(ks[1], (N, M, Dnbr), dtype=jnp.float32)
    inp["nbr_fea_idx"] = jax.random.randint(ks[2], (N, M), 0, N)
    inp["crystal_atom_idx"] = jnp.arange(N).reshape(200, 50)
    inp["W_emb"] = jax.random.normal(ks[3], (D, Dorig), dtype=jnp.float32) * s
    inp["fc_full_W"] = jax.random.normal(ks[4], (3, 2 * D, 2 * D + Dnbr), dtype=jnp.float32) * s
    inp["fc_full_b"] = jnp.zeros((3, 2 * D), dtype=jnp.float32)
    inp["bn1_g"] = jnp.ones((3, 2 * D), dtype=jnp.float32)
    inp["bn1_b"] = jnp.zeros((3, 2 * D), dtype=jnp.float32)
    inp["bn2_g"] = jnp.ones((3, D), dtype=jnp.float32)
    inp["bn2_b"] = jnp.zeros((3, D), dtype=jnp.float32)
    inp["fc_adj_W"] = jax.random.normal(ks[5], (6, D, D), dtype=jnp.float32) * s
    inp["fc_adj_b"] = jnp.zeros((6,), dtype=jnp.float32)
    inp["fc1_W"] = jax.random.normal(ks[6], (6, 6), dtype=jnp.float32) * s
    inp["fc1_b"] = jnp.zeros((6,), dtype=jnp.float32)
    inp["fc_edge_W"] = jax.random.normal(ks[7], (5, D, D), dtype=jnp.float32) * s
    inp["fc_edge_b"] = jnp.zeros((5,), dtype=jnp.float32)
    inp["fc2_W"] = jax.random.normal(ks[8], (5, 5), dtype=jnp.float32) * s
    inp["fc2_b"] = jnp.zeros((5,), dtype=jnp.float32)
    inp["fc_atom_W"] = jax.random.normal(ks[9], (Dorig, D), dtype=jnp.float32) * s
    inp["fc_atom_b"] = jnp.zeros((Dorig,), dtype=jnp.float32)
    return inp


def reference(atom_fea, nbr_fea, nbr_fea_idx, crystal_atom_idx, W_emb,
              fc_full_W, fc_full_b, bn1_g, bn1_b, bn2_g, bn2_b,
              fc_adj_W, fc_adj_b, fc1_W, fc1_b, fc_edge_W, fc_edge_b,
              fc2_W, fc2_b, fc_atom_W, fc_atom_b):
    x = atom_fea @ W_emb.T
    N, M = nbr_fea_idx.shape
    D = x.shape[1]
    for i in range(3):
        nb = x[nbr_fea_idx]  # gather [N, M, D]
        expd = jnp.broadcast_to(x[:, None, :], (N, M, D))
        tot = jnp.concatenate([expd, nb, nbr_fea], axis=2)
        g = tot @ fc_full_W[i].T + fc_full_b[i]
        g = _bn(g.reshape(-1, 2 * D), bn1_g[i], bn1_b[i]).reshape(N, M, 2 * D)
        nbr_filter = jax.nn.sigmoid(g[..., :D])
        nbr_core = jax.nn.softplus(g[..., D:])
        nbr_sumed = jnp.sum(nbr_filter * nbr_core, axis=1)
        nbr_sumed = _bn(nbr_sumed, bn2_g[i], bn2_b[i])
        x = jax.nn.softplus(x + nbr_sumed)
    bt = x[crystal_atom_idx]  # [B, n, D]
    B, n, _ = bt.shape
    # Bilinear fc_adj: pair (i, j) -> x1=atom[i], x2=atom[j]
    t = jnp.einsum('bid,kde->bike', bt, fc_adj_W)
    edge_p = jnp.einsum('bike,bje->bijk', t, bt) + fc_adj_b
    edge_p = edge_p.reshape(B, n * n, 6) @ fc1_W.T + fc1_b
    edge_p = jax.nn.log_softmax(edge_p, axis=-1)
    t2 = jnp.einsum('bid,kde->bike', bt, fc_edge_W)
    edge_f = jnp.einsum('bike,bje->bijk', t2, bt) + fc_edge_b
    edge_f = edge_f.reshape(B, n * n, 5) @ fc2_W.T + fc2_b
    edge_f = edge_f.reshape(B, n, n, 5)
    atom_out = bt @ fc_atom_W.T + fc_atom_b
    return edge_p, atom_out, edge_f

if __name__ == "__main__":
    import jax
    _d = setup_inputs()
    print(jax.jit(kernel)(*tuple(_d.values())))

</pallas_src>

<mosaic_0001>
#map = affine_map<(d0, d1) -> (0, 0)>
#map1 = affine_map<(d0, d1) -> (0, 0, 0)>
module attributes {stable_mosaic.version = 14 : i64} {
  func.func @k(%arg0: i32, %arg1: i32, %arg2: memref<10000x128xf32, #tpu.memory_space<hbm>>, %arg3: memref<32x30x128xi32, #tpu.memory_space<hbm>>, %arg4: memref<122880x128xf32, #tpu.memory_space<hbm>>, %arg5: memref<30x128xi32, #tpu.memory_space<vmem>>, %arg6: memref<128x128xf32, #tpu.memory_space<vmem>>, %arg7: memref<128x128xf32, #tpu.memory_space<vmem>>, %arg8: memref<10000x128xf32, #tpu.memory_space<vmem_shared>>, %arg9: memref<!tpu.dma_semaphore, #tpu.memory_space<semaphore_mem>>, %arg10: memref<!tpu.dma_semaphore, #tpu.memory_space<semaphore_mem>>, %arg11: memref<!tpu.dma_semaphore, #tpu.memory_space<semaphore_mem>>, %arg12: memref<!tpu.dma_semaphore, #tpu.memory_space<semaphore_mem>>) attributes {dimension_semantics = [#tpu.dimension_semantics<core_parallel>, #tpu.dimension_semantics<subcore_parallel>], iteration_bounds = array<i64: 2, 16>, scalar_prefetch = 0 : i64, scratch_operands = 8 : i64, tpu.core_type = #tpu.core_type<sc_vector_subcore>, window_params = [{transform_indices = #map}, {transform_indices = #map1}, {transform_indices = #map}]} {
    %mul3A = arith.constant 2 : i32
    %mul3A_0 = arith.muli %arg1, %mul3A : i32
    %add3A = arith.addi %mul3A_0, %arg0 : i32
    %mul3A_1 = arith.constant 3840 : i32
    %mul3A_2 = arith.muli %add3A, %mul3A_1 : i32
    %lt3A = arith.constant 10 : i32
    %lt3A_3 = arith.cmpi slt, %arg1, %lt3A : i32
    %convert_element_type3A = arith.extui %lt3A_3 : i1 to i32
    %cond3A = arith.constant 0 : i32
    %cond3A_4 = arith.cmpi ne, %convert_element_type3A, %cond3A : i32
    scf.if %cond3A_4 {
      %mul3A_23 = arith.constant 1000 : i32
      %mul3A_24 = arith.muli %arg1, %mul3A_23 : i32
      %mul3A_25 = arith.constant 1000 : i32
      %mul3A_26 = arith.muli %arg1, %mul3A_25 : i32
      "tpu.region"() ({
        %run_scoped3A = tpu.sem_alloc : memref<!tpu.dma_semaphore, #tpu.memory_space<semaphore_mem>>
        %dma_start3A_27 = arith.constant 0 : i32
        %dma_start3A_28 = tpu.memref_slice %arg8[%mul3A_26, %dma_start3A_27] : memref<10000x128xf32, #tpu.memory_space<vmem_shared>> -> memref<1000x128xf32, #tpu.memory_space<vmem_shared>>
        %dma_start3A_29 = arith.constant 0 : i32
        %dma_start3A_30 = tpu.memref_slice %arg2[%mul3A_24, %dma_start3A_29] : memref<10000x128xf32, #tpu.memory_space<hbm>> -> memref<1000x128xf32, #tpu.memory_space<hbm>>
        tpu.enqueue_dma source(%dma_start3A_30 : memref<1000x128xf32, #tpu.memory_space<hbm>>) target(%dma_start3A_28 : memref<1000x128xf32, #tpu.memory_space<vmem_shared>>) target_semaphore(%run_scoped3A : memref<!tpu.dma_semaphore, #tpu.memory_space<semaphore_mem>>)
        %dma_wait3A_31 = arith.constant 0 : i32
        %dma_wait3A_32 = tpu.memref_slice %arg8[%mul3A_26, %dma_wait3A_31] : memref<10000x128xf32, #tpu.memory_space<vmem_shared>> -> memref<1000x128xf32, #tpu.memory_space<vmem_shared>>
        %dma_wait3A_33 = arith.constant 0 : i32
        %dma_wait3A_34 = tpu.memref_slice %arg2[%mul3A_24, %dma_wait3A_33] : memref<10000x128xf32, #tpu.memory_space<hbm>> -> memref<1000x128xf32, #tpu.memory_space<hbm>>
        tpu.wait_dma2 semaphore(%run_scoped3A : memref<!tpu.dma_semaphore, #tpu.memory_space<semaphore_mem>>) src(%dma_wait3A_34 : memref<1000x128xf32, #tpu.memory_space<hbm>>) dst(%dma_wait3A_32 : memref<1000x128xf32, #tpu.memory_space<vmem_shared>>)
        tpu.yield
      }) : () -> ()
    } else {
    }
    "tpu.region"() ({
      %run_scoped3A = tpu.sem_alloc : memref<!tpu.dma_semaphore, #tpu.memory_space<semaphore_mem>>
      %dma_start3A_23 = arith.constant 0 : i32
      %dma_start3A_24 = arith.constant 0 : i32
      %dma_start3A_25 = tpu.memref_slice %arg3[%add3A, %dma_start3A_23, %dma_start3A_24] : memref<32x30x128xi32, #tpu.memory_space<hbm>> -> memref<1x30x128xi32, #tpu.memory_space<hbm>>
      %dma_start3A_26 = tpu.memref_squeeze %dma_start3A_25 : memref<1x30x128xi32, #tpu.memory_space<hbm>> -> memref<30x128xi32, #tpu.memory_space<hbm>>
      %dma_start3A_27 = arith.constant 0 : i32
      %dma_start3A_28 = arith.constant 0 : i32
      %dma_start3A_29 = tpu.memref_slice %arg3[%add3A, %dma_start3A_27, %dma_start3A_28] : memref<32x30x128xi32, #tpu.memory_space<hbm>> -> memref<1x30x128xi32, #tpu.memory_space<hbm>>
      %dma_start3A_30 = tpu.memref_squeeze %dma_start3A_29 : memref<1x30x128xi32, #tpu.memory_space<hbm>> -> memref<30x128xi32, #tpu.memory_space<hbm>>
      tpu.enqueue_dma source(%dma_start3A_30 : memref<30x128xi32, #tpu.memory_space<hbm>>) target(%arg5 : memref<30x128xi32, #tpu.memory_space<vmem>>) target_semaphore(%run_scoped3A : memref<!tpu.dma_semaphore, #tpu.memory_space<semaphore_mem>>)
      %dma_wait3A_31 = arith.constant 0 : i32
      %dma_wait3A_32 = arith.constant 0 : i32
      %dma_wait3A_33 = tpu.memref_slice %arg3[%add3A, %dma_wait3A_31, %dma_wait3A_32] : memref<32x30x128xi32, #tpu.memory_space<hbm>> -> memref<1x30x128xi32, #tpu.memory_space<hbm>>
      %dma_wait3A_34 = tpu.memref_squeeze %dma_wait3A_33 : memref<1x30x128xi32, #tpu.memory_space<hbm>> -> memref<30x128xi32, #tpu.memory_space<hbm>>
      %dma_wait3A_35 = arith.constant 0 : i32
      %dma_wait3A_36 = arith.constant 0 : i32
      %dma_wait3A_37 = tpu.memref_slice %arg3[%add3A, %dma_wait3A_35, %dma_wait3A_36] : memref<32x30x128xi32, #tpu.memory_space<hbm>> -> memref<1x30x128xi32, #tpu.memory_space<hbm>>
      %dma_wait3A_38 = tpu.memref_squeeze %dma_wait3A_37 : memref<1x30x128xi32, #tpu.memory_space<hbm>> -> memref<30x128xi32, #tpu.memory_space<hbm>>
      tpu.wait_dma2 semaphore(%run_scoped3A : memref<!tpu.dma_semaphore, #tpu.memory_space<semaphore_mem>>) src(%dma_wait3A_38 : memref<30x128xi32, #tpu.memory_space<hbm>>) dst(%arg5 : memref<30x128xi32, #tpu.memory_space<vmem>>)
      tpu.yield
    }) : () -> ()
    %barrier3A = arith.constant 0 : index
    tpu.barrier barrier_id(%barrier3A)
    %dma_start3A = arith.constant 0 : i32
    %dma_start3A_5 = arith.constant 0 : i32
    %dma_start3A_6 = tpu.memref_slice %arg5[%dma_start3A, %dma_start3A_5] : memref<30x128xi32, #tpu.memory_space<vmem>> -> memref<1x128xi32, #tpu.memory_space<vmem>>
    %dma_start3A_7 = tpu.memref_squeeze %dma_start3A_6 : memref<1x128xi32, #tpu.memory_space<vmem>> -> memref<128xi32, #tpu.memory_space<vmem>>
    %dma_start3A_8 = arith.constant 0 : i32
    %dma_start3A_9 = arith.constant 0 : i32
    %dma_start3A_10 = tpu.memref_slice %arg8[%dma_start3A_8, %dma_start3A_9] : memref<10000x128xf32, #tpu.memory_space<vmem_shared>> -> memref<10000x128xf32, #tpu.memory_space<vmem_shared>>
    tpu.enqueue_indirect_dma source(%dma_start3A_10 : memref<10000x128xf32, #tpu.memory_space<vmem_shared>>) target(%arg6 : memref<128x128xf32, #tpu.memory_space<vmem>>) offsets(%dma_start3A_7 : memref<128xi32, #tpu.memory_space<vmem>>) semaphore(%arg9 : memref<!tpu.dma_semaphore, #tpu.memory_space<semaphore_mem>>)
    %scan3A = arith.constant 0 : i32
    %scan3A_11 = arith.constant 0 : i32
    %scan3A_12 = arith.constant 15 : i32
    %scan3A_13 = arith.addi %scan3A_11, %scan3A_12 : i32
    %scan3A_14 = arith.constant 1 : i32
    scf.for %scan3A_23 = %scan3A_11 to %scan3A_13 step %scan3A_14  : i32 {
      %mul3A_24 = arith.constant 2 : i32
      %mul3A_25 = arith.muli %mul3A_24, %scan3A_23 : i32
      %gt3A = arith.constant 0 : i32
      %gt3A_26 = arith.cmpi sgt, %scan3A_23, %gt3A : i32
      %convert_element_type3A_27 = arith.extui %gt3A_26 : i1 to i32
      %cond3A_28 = arith.constant 0 : i32
      %cond3A_29 = arith.cmpi ne, %convert_element_type3A_27, %cond3A_28 : i32
      scf.if %cond3A_29 {
        %dma_wait3A_73 = arith.constant 0 : i32
        %dma_wait3A_74 = tpu.memref_slice %arg4[%mul3A_2, %dma_wait3A_73] : memref<122880x128xf32, #tpu.memory_space<hbm>> -> memref<128x128xf32, #tpu.memory_space<hbm>>
        %dma_wait3A_75 = arith.constant 0 : i32
        %dma_wait3A_76 = tpu.memref_slice %arg4[%mul3A_2, %dma_wait3A_75] : memref<122880x128xf32, #tpu.memory_space<hbm>> -> memref<128x128xf32, #tpu.memory_space<hbm>>
        tpu.wait_dma2 semaphore(%arg12 : memref<!tpu.dma_semaphore, #tpu.memory_space<semaphore_mem>>) src(%arg7 : memref<128x128xf32, #tpu.memory_space<vmem>>) dst(%dma_wait3A_76 : memref<128x128xf32, #tpu.memory_space<hbm>>)
      } else {
      }
      %add3A_30 = arith.constant 1 : i32
      %add3A_31 = arith.addi %mul3A_25, %add3A_30 : i32
      %dma_start3A_32 = arith.constant 0 : i32
      %dma_start3A_33 = tpu.memref_slice %arg5[%add3A_31, %dma_start3A_32] : memref<30x128xi32, #tpu.memory_space<vmem>> -> memref<1x128xi32, #tpu.memory_space<vmem>>
      %dma_start3A_34 = tpu.memref_squeeze %dma_start3A_33 : memref<1x128xi32, #tpu.memory_space<vmem>> -> memref<128xi32, #tpu.memory_space<vmem>>
      %dma_start3A_35 = arith.constant 0 : i32
      %dma_start3A_36 = arith.constant 0 : i32
      %dma_start3A_37 = tpu.memref_slice %arg8[%dma_start3A_35, %dma_start3A_36] : memref<10000x128xf32, #tpu.memory_space<vmem_shared>> -> memref<10000x128xf32, #tpu.memory_space<vmem_shared>>
      tpu.enqueue_indirect_dma source(%dma_start3A_37 : memref<10000x128xf32, #tpu.memory_space<vmem_shared>>) target(%arg7 : memref<128x128xf32, #tpu.memory_space<vmem>>) offsets(%dma_start3A_34 : memref<128xi32, #tpu.memory_space<vmem>>) semaphore(%arg10 : memref<!tpu.dma_semaphore, #tpu.memory_space<semaphore_mem>>)
      %dma_wait3A_38 = arith.constant 0 : i32
      %dma_wait3A_39 = tpu.memref_slice %arg5[%mul3A_25, %dma_wait3A_38] : memref<30x128xi32, #tpu.memory_space<vmem>> -> memref<1x128xi32, #tpu.memory_space<vmem>>
      %dma_wait3A_40 = tpu.memref_squeeze %dma_wait3A_39 : memref<1x128xi32, #tpu.memory_space<vmem>> -> memref<128xi32, #tpu.memory_space<vmem>>
      %dma_wait3A_41 = arith.constant 0 : i32
      %dma_wait3A_42 = arith.constant 0 : i32
      %dma_wait3A_43 = tpu.memref_slice %arg8[%dma_wait3A_41, %dma_wait3A_42] : memref<10000x128xf32, #tpu.memory_space<vmem_shared>> -> memref<10000x128xf32, #tpu.memory_space<vmem_shared>>
      tpu.wait_indirect_dma semaphore(%arg9 : memref<!tpu.dma_semaphore, #tpu.memory_space<semaphore_mem>>) src(%dma_wait3A_43 : memref<10000x128xf32, #tpu.memory_space<vmem_shared>>) dst(%arg6 : memref<128x128xf32, #tpu.memory_space<vmem>>)
      %mul3A_44 = arith.constant 128 : i32
      %mul3A_45 = arith.muli %mul3A_25, %mul3A_44 : i32
      %add3A_46 = arith.addi %mul3A_2, %mul3A_45 : i32
      %dma_start3A_47 = arith.constant 0 : i32
      %dma_start3A_48 = tpu.memref_slice %arg4[%add3A_46, %dma_start3A_47] : memref<122880x128xf32, #tpu.memory_space<hbm>> -> memref<128x128xf32, #tpu.memory_space<hbm>>
      %dma_start3A_49 = arith.constant 0 : i32
      %dma_start3A_50 = tpu.memref_slice %arg4[%add3A_46, %dma_start3A_49] : memref<122880x128xf32, #tpu.memory_space<hbm>> -> memref<128x128xf32, #tpu.memory_space<hbm>>
      tpu.enqueue_dma source(%arg6 : memref<128x128xf32, #tpu.memory_space<vmem>>) target(%dma_start3A_50 : memref<128x128xf32, #tpu.memory_space<hbm>>) target_semaphore(%arg11 : memref<!tpu.dma_semaphore, #tpu.memory_space<semaphore_mem>>)
      %lt3A_51 = arith.constant 14 : i32
      %lt3A_52 = arith.cmpi slt, %scan3A_23, %lt3A_51 : i32
      %convert_element_type3A_53 = arith.extui %lt3A_52 : i1 to i32
      %cond3A_54 = arith.constant 0 : i32
      %cond3A_55 = arith.cmpi ne, %convert_element_type3A_53, %cond3A_54 : i32
      scf.if %cond3A_55 {
        %dma_wait3A_73 = arith.constant 0 : i32
        %dma_wait3A_74 = tpu.memref_slice %arg4[%mul3A_2, %dma_wait3A_73] : memref<122880x128xf32, #tpu.memory_space<hbm>> -> memref<128x128xf32, #tpu.memory_space<hbm>>
        %dma_wait3A_75 = arith.constant 0 : i32
        %dma_wait3A_76 = tpu.memref_slice %arg4[%mul3A_2, %dma_wait3A_75] : memref<122880x128xf32, #tpu.memory_space<hbm>> -> memref<128x128xf32, #tpu.memory_space<hbm>>
        tpu.wait_dma2 semaphore(%arg11 : memref<!tpu.dma_semaphore, #tpu.memory_space<semaphore_mem>>) src(%arg6 : memref<128x128xf32, #tpu.memory_space<vmem>>) dst(%dma_wait3A_76 : memref<128x128xf32, #tpu.memory_space<hbm>>)
        %add3A_77 = arith.constant 2 : i32
        %add3A_78 = arith.addi %mul3A_25, %add3A_77 : i32
        %dma_start3A_79 = arith.constant 0 : i32
        %dma_start3A_80 = tpu.memref_slice %arg5[%add3A_78, %dma_start3A_79] : memref<30x128xi32, #tpu.memory_space<vmem>> -> memref<1x128xi32, #tpu.memory_space<vmem>>
        %dma_start3A_81 = tpu.memref_squeeze %dma_start3A_80 : memref<1x128xi32, #tpu.memory_space<vmem>> -> memref<128xi32, #tpu.memory_space<vmem>>
        %dma_start3A_82 = arith.constant 0 : i32
        %dma_start3A_83 = arith.constant 0 : i32
        %dma_start3A_84 = tpu.memref_slice %arg8[%dma_start3A_82, %dma_start3A_83] : memref<10000x128xf32, #tpu.memory_space<vmem_shared>> -> memref<10000x128xf32, #tpu.memory_space<vmem_shared>>
        tpu.enqueue_indirect_dma source(%dma_start3A_84 : memref<10000x128xf32, #tpu.memory_space<vmem_shared>>) target(%arg6 : memref<128x128xf32, #tpu.memory_space<vmem>>) offsets(%dma_start3A_81 : memref<128xi32, #tpu.memory_space<vmem>>) semaphore(%arg9 : memref<!tpu.dma_semaphore, #tpu.memory_space<semaphore_mem>>)
      } else {
      }
      %add3A_56 = arith.constant 1 : i32
      %add3A_57 = arith.addi %mul3A_25, %add3A_56 : i32
      %dma_wait3A_58 = arith.constant 0 : i32
      %dma_wait3A_59 = tpu.memref_slice %arg5[%add3A_57, %dma_wait3A_58] : memref<30x128xi32, #tpu.memory_space<vmem>> -> memref<1x128xi32, #tpu.memory_space<vmem>>
      %dma_wait3A_60 = tpu.memref_squeeze %dma_wait3A_59 : memref<1x128xi32, #tpu.memory_space<vmem>> -> memref<128xi32, #tpu.memory_space<vmem>>
      %dma_wait3A_61 = arith.constant 0 : i32
      %dma_wait3A_62 = arith.constant 0 : i32
      %dma_wait3A_63 = tpu.memref_slice %arg8[%dma_wait3A_61, %dma_wait3A_62] : memref<10000x128xf32, #tpu.memory_space<vmem_shared>> -> memref<10000x128xf32, #tpu.memory_space<vmem_shared>>
      tpu.wait_indirect_dma semaphore(%arg10 : memref<!tpu.dma_semaphore, #tpu.memory_space<semaphore_mem>>) src(%dma_wait3A_63 : memref<10000x128xf32, #tpu.memory_space<vmem_shared>>) dst(%arg7 : memref<128x128xf32, #tpu.memory_space<vmem>>)
      %add3A_64 = arith.constant 1 : i32
      %add3A_65 = arith.addi %mul3A_25, %add3A_64 : i32
      %mul3A_66 = arith.constant 128 : i32
      %mul3A_67 = arith.muli %add3A_65, %mul3A_66 : i32
      %add3A_68 = arith.addi %mul3A_2, %mul3A_67 : i32
      %dma_start3A_69 = arith.constant 0 : i32
      %dma_start3A_70 = tpu.memref_slice %arg4[%add3A_68, %dma_start3A_69] : memref<122880x128xf32, #tpu.memory_space<hbm>> -> memref<128x128xf32, #tpu.memory_space<hbm>>
      %dma_start3A_71 = arith.constant 0 : i32
      %dma_start3A_72 = tpu.memref_slice %arg4[%add3A_68, %dma_start3A_71] : memref<122880x128xf32, #tpu.memory_space<hbm>> -> memref<128x128xf32, #tpu.memory_space<hbm>>
      tpu.enqueue_dma source(%arg7 : memref<128x128xf32, #tpu.memory_space<vmem>>) target(%dma_start3A_72 : memref<128x128xf32, #tpu.memory_space<hbm>>) target_semaphore(%arg12 : memref<!tpu.dma_semaphore, #tpu.memory_space<semaphore_mem>>)
    }
    %scan3A_15 = arith.constant 15 : i32
    %dma_wait3A = arith.constant 0 : i32
    %dma_wait3A_16 = tpu.memref_slice %arg4[%mul3A_2, %dma_wait3A] : memref<122880x128xf32, #tpu.memory_space<hbm>> -> memref<128x128xf32, #tpu.memory_space<hbm>>
    %dma_wait3A_17 = arith.constant 0 : i32
    %dma_wait3A_18 = tpu.memref_slice %arg4[%mul3A_2, %dma_wait3A_17] : memref<122880x128xf32, #tpu.memory_space<hbm>> -> memref<128x128xf32, #tpu.memory_space<hbm>>
    tpu.wait_dma2 semaphore(%arg11 : memref<!tpu.dma_semaphore, #tpu.memory_space<semaphore_mem>>) src(%arg6 : memref<128x128xf32, #tpu.memory_space<vmem>>) dst(%dma_wait3A_18 : memref<128x128xf32, #tpu.memory_space<hbm>>)
    %dma_wait3A_19 = arith.constant 0 : i32
    %dma_wait3A_20 = tpu.memref_slice %arg4[%mul3A_2, %dma_wait3A_19] : memref<122880x128xf32, #tpu.memory_space<hbm>> -> memref<128x128xf32, #tpu.memory_space<hbm>>
    %dma_wait3A_21 = arith.constant 0 : i32
    %dma_wait3A_22 = tpu.memref_slice %arg4[%mul3A_2, %dma_wait3A_21] : memref<122880x128xf32, #tpu.memory_space<hbm>> -> memref<128x128xf32, #tpu.memory_space<hbm>>
    tpu.wait_dma2 semaphore(%arg12 : memref<!tpu.dma_semaphore, #tpu.memory_space<semaphore_mem>>) src(%arg7 : memref<128x128xf32, #tpu.memory_space<vmem>>) dst(%dma_wait3A_22 : memref<128x128xf32, #tpu.memory_space<hbm>>)
    return
  }
}

#map = affine_map<(d0, d1) -> (0, 0)>
#map1 = affine_map<(d0, d1) -> (0, 0, 0)>
module attributes {stable_mosaic.version = 14 : i64} {
  func.func @k(%arg0: i32, %arg1: i32, %arg2: memref<10000x128xf32, #tpu.memory_space<hbm>>, %arg3: memref<32x30x128xi32, #tpu.memory_space<hbm>>, %arg4: memref<122880x128xf32, #tpu.memory_space<hbm>>, %arg5: memref<30x128xi32, #tpu.memory_space<vmem>>, %arg6: memref<128x128xf32, #tpu.memory_space<vmem>>, %arg7: memref<128x128xf32, #tpu.memory_space<vmem>>, %arg8: memref<10000x128xf32, #tpu.memory_space<vmem_shared>>, %arg9: memref<!tpu.dma_semaphore, #tpu.memory_space<semaphore_mem>>, %arg10: memref<!tpu.dma_semaphore, #tpu.memory_space<semaphore_mem>>, %arg11: memref<!tpu.dma_semaphore, #tpu.memory_space<semaphore_mem>>, %arg12: memref<!tpu.dma_semaphore, #tpu.memory_space<semaphore_mem>>) attributes {dimension_semantics = [#tpu.dimension_semantics<core_parallel>, #tpu.dimension_semantics<subcore_parallel>], iteration_bounds = array<i64: 2, 16>, scalar_prefetch = 0 : i64, scratch_operands = 8 : i64, tpu.core_type = #tpu.core_type<sc_vector_subcore>, window_params = [{transform_indices = #map}, {transform_indices = #map1}, {transform_indices = #map}]} {
    %mul3A = arith.constant 2 : i32
    %mul3A_0 = arith.muli %arg1, %mul3A : i32
    %add3A = arith.addi %mul3A_0, %arg0 : i32
    %mul3A_1 = arith.constant 3840 : i32
    %mul3A_2 = arith.muli %add3A, %mul3A_1 : i32
    %lt3A = arith.constant 10 : i32
    %lt3A_3 = arith.cmpi slt, %arg1, %lt3A : i32
    %convert_element_type3A = arith.extui %lt3A_3 : i1 to i32
    %cond3A = arith.constant 0 : i32
    %cond3A_4 = arith.cmpi ne, %convert_element_type3A, %cond3A : i32
    scf.if %cond3A_4 {
      %mul3A_23 = arith.constant 1000 : i32
      %mul3A_24 = arith.muli %arg1, %mul3A_23 : i32
      %mul3A_25 = arith.constant 1000 : i32
      %mul3A_26 = arith.muli %arg1, %mul3A_25 : i32
      "tpu.region"() ({
        %run_scoped3A = tpu.sem_alloc : memref<!tpu.dma_semaphore, #tpu.memory_space<semaphore_mem>>
        %dma_start3A_27 = arith.constant 0 : i32
        %dma_start3A_28 = tpu.memref_slice %arg8[%mul3A_26, %dma_start3A_27] : memref<10000x128xf32, #tpu.memory_space<vmem_shared>> -> memref<1000x128xf32, #tpu.memory_space<vmem_shared>>
        %dma_start3A_29 = arith.constant 0 : i32
        %dma_start3A_30 = tpu.memref_slice %arg2[%mul3A_24, %dma_start3A_29] : memref<10000x128xf32, #tpu.memory_space<hbm>> -> memref<1000x128xf32, #tpu.memory_space<hbm>>
        tpu.enqueue_dma source(%dma_start3A_30 : memref<1000x128xf32, #tpu.memory_space<hbm>>) target(%dma_start3A_28 : memref<1000x128xf32, #tpu.memory_space<vmem_shared>>) target_semaphore(%run_scoped3A : memref<!tpu.dma_semaphore, #tpu.memory_space<semaphore_mem>>)
        %dma_wait3A_31 = arith.constant 0 : i32
        %dma_wait3A_32 = tpu.memref_slice %arg8[%mul3A_26, %dma_wait3A_31] : memref<10000x128xf32, #tpu.memory_space<vmem_shared>> -> memref<1000x128xf32, #tpu.memory_space<vmem_shared>>
        %dma_wait3A_33 = arith.constant 0 : i32
        %dma_wait3A_34 = tpu.memref_slice %arg2[%mul3A_24, %dma_wait3A_33] : memref<10000x128xf32, #tpu.memory_space<hbm>> -> memref<1000x128xf32, #tpu.memory_space<hbm>>
        tpu.wait_dma2 semaphore(%run_scoped3A : memref<!tpu.dma_semaphore, #tpu.memory_space<semaphore_mem>>) src(%dma_wait3A_34 : memref<1000x128xf32, #tpu.memory_space<hbm>>) dst(%dma_wait3A_32 : memref<1000x128xf32, #tpu.memory_space<vmem_shared>>)
        tpu.yield
      }) : () -> ()
    } else {
    }
    "tpu.region"() ({
      %run_scoped3A = tpu.sem_alloc : memref<!tpu.dma_semaphore, #tpu.memory_space<semaphore_mem>>
      %dma_start3A_23 = arith.constant 0 : i32
      %dma_start3A_24 = arith.constant 0 : i32
      %dma_start3A_25 = tpu.memref_slice %arg3[%add3A, %dma_start3A_23, %dma_start3A_24] : memref<32x30x128xi32, #tpu.memory_space<hbm>> -> memref<1x30x128xi32, #tpu.memory_space<hbm>>
      %dma_start3A_26 = tpu.memref_squeeze %dma_start3A_25 : memref<1x30x128xi32, #tpu.memory_space<hbm>> -> memref<30x128xi32, #tpu.memory_space<hbm>>
      %dma_start3A_27 = arith.constant 0 : i32
      %dma_start3A_28 = arith.constant 0 : i32
      %dma_start3A_29 = tpu.memref_slice %arg3[%add3A, %dma_start3A_27, %dma_start3A_28] : memref<32x30x128xi32, #tpu.memory_space<hbm>> -> memref<1x30x128xi32, #tpu.memory_space<hbm>>
      %dma_start3A_30 = tpu.memref_squeeze %dma_start3A_29 : memref<1x30x128xi32, #tpu.memory_space<hbm>> -> memref<30x128xi32, #tpu.memory_space<hbm>>
      tpu.enqueue_dma source(%dma_start3A_30 : memref<30x128xi32, #tpu.memory_space<hbm>>) target(%arg5 : memref<30x128xi32, #tpu.memory_space<vmem>>) target_semaphore(%run_scoped3A : memref<!tpu.dma_semaphore, #tpu.memory_space<semaphore_mem>>)
      %dma_wait3A_31 = arith.constant 0 : i32
      %dma_wait3A_32 = arith.constant 0 : i32
      %dma_wait3A_33 = tpu.memref_slice %arg3[%add3A, %dma_wait3A_31, %dma_wait3A_32] : memref<32x30x128xi32, #tpu.memory_space<hbm>> -> memref<1x30x128xi32, #tpu.memory_space<hbm>>
      %dma_wait3A_34 = tpu.memref_squeeze %dma_wait3A_33 : memref<1x30x128xi32, #tpu.memory_space<hbm>> -> memref<30x128xi32, #tpu.memory_space<hbm>>
      %dma_wait3A_35 = arith.constant 0 : i32
      %dma_wait3A_36 = arith.constant 0 : i32
      %dma_wait3A_37 = tpu.memref_slice %arg3[%add3A, %dma_wait3A_35, %dma_wait3A_36] : memref<32x30x128xi32, #tpu.memory_space<hbm>> -> memref<1x30x128xi32, #tpu.memory_space<hbm>>
      %dma_wait3A_38 = tpu.memref_squeeze %dma_wait3A_37 : memref<1x30x128xi32, #tpu.memory_space<hbm>> -> memref<30x128xi32, #tpu.memory_space<hbm>>
      tpu.wait_dma2 semaphore(%run_scoped3A : memref<!tpu.dma_semaphore, #tpu.memory_space<semaphore_mem>>) src(%dma_wait3A_38 : memref<30x128xi32, #tpu.memory_space<hbm>>) dst(%arg5 : memref<30x128xi32, #tpu.memory_space<vmem>>)
      tpu.yield
    }) : () -> ()
    %barrier3A = arith.constant 0 : index
    tpu.barrier barrier_id(%barrier3A)
    %dma_start3A = arith.constant 0 : i32
    %dma_start3A_5 = arith.constant 0 : i32
    %dma_start3A_6 = tpu.memref_slice %arg5[%dma_start3A, %dma_start3A_5] : memref<30x128xi32, #tpu.memory_space<vmem>> -> memref<1x128xi32, #tpu.memory_space<vmem>>
    %dma_start3A_7 = tpu.memref_squeeze %dma_start3A_6 : memref<1x128xi32, #tpu.memory_space<vmem>> -> memref<128xi32, #tpu.memory_space<vmem>>
    %dma_start3A_8 = arith.constant 0 : i32
    %dma_start3A_9 = arith.constant 0 : i32
    %dma_start3A_10 = tpu.memref_slice %arg8[%dma_start3A_8, %dma_start3A_9] : memref<10000x128xf32, #tpu.memory_space<vmem_shared>> -> memref<10000x128xf32, #tpu.memory_space<vmem_shared>>
    tpu.enqueue_indirect_dma source(%dma_start3A_10 : memref<10000x128xf32, #tpu.memory_space<vmem_shared>>) target(%arg6 : memref<128x128xf32, #tpu.memory_space<vmem>>) offsets(%dma_start3A_7 : memref<128xi32, #tpu.memory_space<vmem>>) semaphore(%arg9 : memref<!tpu.dma_semaphore, #tpu.memory_space<semaphore_mem>>)
    %scan3A = arith.constant 0 : i32
    %scan3A_11 = arith.constant 0 : i32
    %scan3A_12 = arith.constant 15 : i32
    %scan3A_13 = arith.addi %scan3A_11, %scan3A_12 : i32
    %scan3A_14 = arith.constant 1 : i32
    scf.for %scan3A_23 = %scan3A_11 to %scan3A_13 step %scan3A_14  : i32 {
      %mul3A_24 = arith.constant 2 : i32
      %mul3A_25 = arith.muli %mul3A_24, %scan3A_23 : i32
      %gt3A = arith.constant 0 : i32
      %gt3A_26 = arith.cmpi sgt, %scan3A_23, %gt3A : i32
      %convert_element_type3A_27 = arith.extui %gt3A_26 : i1 to i32
      %cond3A_28 = arith.constant 0 : i32
      %cond3A_29 = arith.cmpi ne, %convert_element_type3A_27, %cond3A_28 : i32
      scf.if %cond3A_29 {
        %dma_wait3A_73 = arith.constant 0 : i32
        %dma_wait3A_74 = tpu.memref_slice %arg4[%mul3A_2, %dma_wait3A_73] : memref<122880x128xf32, #tpu.memory_space<hbm>> -> memref<128x128xf32, #tpu.memory_space<hbm>>
        %dma_wait3A_75 = arith.constant 0 : i32
        %dma_wait3A_76 = tpu.memref_slice %arg4[%mul3A_2, %dma_wait3A_75] : memref<122880x128xf32, #tpu.memory_space<hbm>> -> memref<128x128xf32, #tpu.memory_space<hbm>>
        tpu.wait_dma2 semaphore(%arg12 : memref<!tpu.dma_semaphore, #tpu.memory_space<semaphore_mem>>) src(%arg7 : memref<128x128xf32, #tpu.memory_space<vmem>>) dst(%dma_wait3A_76 : memref<128x128xf32, #tpu.memory_space<hbm>>)
      } else {
      }
      %add3A_30 = arith.constant 1 : i32
      %add3A_31 = arith.addi %mul3A_25, %add3A_30 : i32
      %dma_start3A_32 = arith.constant 0 : i32
      %dma_start3A_33 = tpu.memref_slice %arg5[%add3A_31, %dma_start3A_32] : memref<30x128xi32, #tpu.memory_space<vmem>> -> memref<1x128xi32, #tpu.memory_space<vmem>>
      %dma_start3A_34 = tpu.memref_squeeze %dma_start3A_33 : memref<1x128xi32, #tpu.memory_space<vmem>> -> memref<128xi32, #tpu.memory_space<vmem>>
      %dma_start3A_35 = arith.constant 0 : i32
      %dma_start3A_36 = arith.constant 0 : i32
      %dma_start3A_37 = tpu.memref_slice %arg8[%dma_start3A_35, %dma_start3A_36] : memref<10000x128xf32, #tpu.memory_space<vmem_shared>> -> memref<10000x128xf32, #tpu.memory_space<vmem_shared>>
      tpu.enqueue_indirect_dma source(%dma_start3A_37 : memref<10000x128xf32, #tpu.memory_space<vmem_shared>>) target(%arg7 : memref<128x128xf32, #tpu.memory_space<vmem>>) offsets(%dma_start3A_34 : memref<128xi32, #tpu.memory_space<vmem>>) semaphore(%arg10 : memref<!tpu.dma_semaphore, #tpu.memory_space<semaphore_mem>>)
      %dma_wait3A_38 = arith.constant 0 : i32
      %dma_wait3A_39 = tpu.memref_slice %arg5[%mul3A_25, %dma_wait3A_38] : memref<30x128xi32, #tpu.memory_space<vmem>> -> memref<1x128xi32, #tpu.memory_space<vmem>>
      %dma_wait3A_40 = tpu.memref_squeeze %dma_wait3A_39 : memref<1x128xi32, #tpu.memory_space<vmem>> -> memref<128xi32, #tpu.memory_space<vmem>>
      %dma_wait3A_41 = arith.constant 0 : i32
      %dma_wait3A_42 = arith.constant 0 : i32
      %dma_wait3A_43 = tpu.memref_slice %arg8[%dma_wait3A_41, %dma_wait3A_42] : memref<10000x128xf32, #tpu.memory_space<vmem_shared>> -> memref<10000x128xf32, #tpu.memory_space<vmem_shared>>
      tpu.wait_indirect_dma semaphore(%arg9 : memref<!tpu.dma_semaphore, #tpu.memory_space<semaphore_mem>>) src(%dma_wait3A_43 : memref<10000x128xf32, #tpu.memory_space<vmem_shared>>) dst(%arg6 : memref<128x128xf32, #tpu.memory_space<vmem>>)
      %mul3A_44 = arith.constant 128 : i32
      %mul3A_45 = arith.muli %mul3A_25, %mul3A_44 : i32
      %add3A_46 = arith.addi %mul3A_2, %mul3A_45 : i32
      %dma_start3A_47 = arith.constant 0 : i32
      %dma_start3A_48 = tpu.memref_slice %arg4[%add3A_46, %dma_start3A_47] : memref<122880x128xf32, #tpu.memory_space<hbm>> -> memref<128x128xf32, #tpu.memory_space<hbm>>
      %dma_start3A_49 = arith.constant 0 : i32
      %dma_start3A_50 = tpu.memref_slice %arg4[%add3A_46, %dma_start3A_49] : memref<122880x128xf32, #tpu.memory_space<hbm>> -> memref<128x128xf32, #tpu.memory_space<hbm>>
      tpu.enqueue_dma source(%arg6 : memref<128x128xf32, #tpu.memory_space<vmem>>) target(%dma_start3A_50 : memref<128x128xf32, #tpu.memory_space<hbm>>) target_semaphore(%arg11 : memref<!tpu.dma_semaphore, #tpu.memory_space<semaphore_mem>>)
      %lt3A_51 = arith.constant 14 : i32
      %lt3A_52 = arith.cmpi slt, %scan3A_23, %lt3A_51 : i32
      %convert_element_type3A_53 = arith.extui %lt3A_52 : i1 to i32
      %cond3A_54 = arith.constant 0 : i32
      %cond3A_55 = arith.cmpi ne, %convert_element_type3A_53, %cond3A_54 : i32
      scf.if %cond3A_55 {
        %dma_wait3A_73 = arith.constant 0 : i32
        %dma_wait3A_74 = tpu.memref_slice %arg4[%mul3A_2, %dma_wait3A_73] : memref<122880x128xf32, #tpu.memory_space<hbm>> -> memref<128x128xf32, #tpu.memory_space<hbm>>
        %dma_wait3A_75 = arith.constant 0 : i32
        %dma_wait3A_76 = tpu.memref_slice %arg4[%mul3A_2, %dma_wait3A_75] : memref<122880x128xf32, #tpu.memory_space<hbm>> -> memref<128x128xf32, #tpu.memory_space<hbm>>
        tpu.wait_dma2 semaphore(%arg11 : memref<!tpu.dma_semaphore, #tpu.memory_space<semaphore_mem>>) src(%arg6 : memref<128x128xf32, #tpu.memory_space<vmem>>) dst(%dma_wait3A_76 : memref<128x128xf32, #tpu.memory_space<hbm>>)
        %add3A_77 = arith.constant 2 : i32
        %add3A_78 = arith.addi %mul3A_25, %add3A_77 : i32
        %dma_start3A_79 = arith.constant 0 : i32
        %dma_start3A_80 = tpu.memref_slice %arg5[%add3A_78, %dma_start3A_79] : memref<30x128xi32, #tpu.memory_space<vmem>> -> memref<1x128xi32, #tpu.memory_space<vmem>>
        %dma_start3A_81 = tpu.memref_squeeze %dma_start3A_80 : memref<1x128xi32, #tpu.memory_space<vmem>> -> memref<128xi32, #tpu.memory_space<vmem>>
        %dma_start3A_82 = arith.constant 0 : i32
        %dma_start3A_83 = arith.constant 0 : i32
        %dma_start3A_84 = tpu.memref_slice %arg8[%dma_start3A_82, %dma_start3A_83] : memref<10000x128xf32, #tpu.memory_space<vmem_shared>> -> memref<10000x128xf32, #tpu.memory_space<vmem_shared>>
        tpu.enqueue_indirect_dma source(%dma_start3A_84 : memref<10000x128xf32, #tpu.memory_space<vmem_shared>>) target(%arg6 : memref<128x128xf32, #tpu.memory_space<vmem>>) offsets(%dma_start3A_81 : memref<128xi32, #tpu.memory_space<vmem>>) semaphore(%arg9 : memref<!tpu.dma_semaphore, #tpu.memory_space<semaphore_mem>>)
      } else {
      }
      %add3A_56 = arith.constant 1 : i32
      %add3A_57 = arith.addi %mul3A_25, %add3A_56 : i32
      %dma_wait3A_58 = arith.constant 0 : i32
      %dma_wait3A_59 = tpu.memref_slice %arg5[%add3A_57, %dma_wait3A_58] : memref<30x128xi32, #tpu.memory_space<vmem>> -> memref<1x128xi32, #tpu.memory_space<vmem>>
      %dma_wait3A_60 = tpu.memref_squeeze %dma_wait3A_59 : memref<1x128xi32, #tpu.memory_space<vmem>> -> memref<128xi32, #tpu.memory_space<vmem>>
      %dma_wait3A_61 = arith.constant 0 : i32
      %dma_wait3A_62 = arith.constant 0 : i32
      %dma_wait3A_63 = tpu.memref_slice %arg8[%dma_wait3A_61, %dma_wait3A_62] : memref<10000x128xf32, #tpu.memory_space<vmem_shared>> -> memref<10000x128xf32, #tpu.memory_space<vmem_shared>>
      tpu.wait_indirect_dma semaphore(%arg10 : memref<!tpu.dma_semaphore, #tpu.memory_space<semaphore_mem>>) src(%dma_wait3A_63 : memref<10000x128xf32, #tpu.memory_space<vmem_shared>>) dst(%arg7 : memref<128x128xf32, #tpu.memory_space<vmem>>)
      %add3A_64 = arith.constant 1 : i32
      %add3A_65 = arith.addi %mul3A_25, %add3A_64 : i32
      %mul3A_66 = arith.constant 128 : i32
      %mul3A_67 = arith.muli %add3A_65, %mul3A_66 : i32
      %add3A_68 = arith.addi %mul3A_2, %mul3A_67 : i32
      %dma_start3A_69 = arith.constant 0 : i32
      %dma_start3A_70 = tpu.memref_slice %arg4[%add3A_68, %dma_start3A_69] : memref<122880x128xf32, #tpu.memory_space<hbm>> -> memref<128x128xf32, #tpu.memory_space<hbm>>
      %dma_start3A_71 = arith.constant 0 : i32
      %dma_start3A_72 = tpu.memref_slice %arg4[%add3A_68, %dma_start3A_71] : memref<122880x128xf32, #tpu.memory_space<hbm>> -> memref<128x128xf32, #tpu.memory_space<hbm>>
      tpu.enqueue_dma source(%arg7 : memref<128x128xf32, #tpu.memory_space<vmem>>) target(%dma_start3A_72 : memref<128x128xf32, #tpu.memory_space<hbm>>) target_semaphore(%arg12 : memref<!tpu.dma_semaphore, #tpu.memory_space<semaphore_mem>>)
    }
    %scan3A_15 = arith.constant 15 : i32
    %dma_wait3A = arith.constant 0 : i32
    %dma_wait3A_16 = tpu.memref_slice %arg4[%mul3A_2, %dma_wait3A] : memref<122880x128xf32, #tpu.memory_space<hbm>> -> memref<128x128xf32, #tpu.memory_space<hbm>>
    %dma_wait3A_17 = arith.constant 0 : i32
    %dma_wait3A_18 = tpu.memref_slice %arg4[%mul3A_2, %dma_wait3A_17] : memref<122880x128xf32, #tpu.memory_space<hbm>> -> memref<128x128xf32, #tpu.memory_space<hbm>>
    tpu.wait_dma2 semaphore(%arg11 : memref<!tpu.dma_semaphore, #tpu.memory_space<semaphore_mem>>) src(%arg6 : memref<128x128xf32, #tpu.memory_space<vmem>>) dst(%dma_wait3A_18 : memref<128x128xf32, #tpu.memory_space<hbm>>)
    %dma_wait3A_19 = arith.constant 0 : i32
    %dma_wait3A_20 = tpu.memref_slice %arg4[%mul3A_2, %dma_wait3A_19] : memref<122880x128xf32, #tpu.memory_space<hbm>> -> memref<128x128xf32, #tpu.memory_space<hbm>>
    %dma_wait3A_21 = arith.constant 0 : i32
    %dma_wait3A_22 = tpu.memref_slice %arg4[%mul3A_2, %dma_wait3A_21] : memref<122880x128xf32, #tpu.memory_space<hbm>> -> memref<128x128xf32, #tpu.memory_space<hbm>>
    tpu.wait_dma2 semaphore(%arg12 : memref<!tpu.dma_semaphore, #tpu.memory_space<semaphore_mem>>) src(%arg7 : memref<128x128xf32, #tpu.memory_space<vmem>>) dst(%dma_wait3A_22 : memref<128x128xf32, #tpu.memory_space<hbm>>)
    return
  }
}

#map = affine_map<(d0, d1) -> (0, 0)>
#map1 = affine_map<(d0, d1) -> (0, 0, 0)>
module attributes {stable_mosaic.version = 14 : i64} {
  func.func @k(%arg0: i32, %arg1: i32, %arg2: memref<10000x128xf32, #tpu.memory_space<hbm>>, %arg3: memref<32x30x128xi32, #tpu.memory_space<hbm>>, %arg4: memref<122880x128xf32, #tpu.memory_space<hbm>>, %arg5: memref<30x128xi32, #tpu.memory_space<vmem>>, %arg6: memref<128x128xf32, #tpu.memory_space<vmem>>, %arg7: memref<128x128xf32, #tpu.memory_space<vmem>>, %arg8: memref<10000x128xf32, #tpu.memory_space<vmem_shared>>, %arg9: memref<!tpu.dma_semaphore, #tpu.memory_space<semaphore_mem>>, %arg10: memref<!tpu.dma_semaphore, #tpu.memory_space<semaphore_mem>>, %arg11: memref<!tpu.dma_semaphore, #tpu.memory_space<semaphore_mem>>, %arg12: memref<!tpu.dma_semaphore, #tpu.memory_space<semaphore_mem>>) attributes {dimension_semantics = [#tpu.dimension_semantics<core_parallel>, #tpu.dimension_semantics<subcore_parallel>], iteration_bounds = array<i64: 2, 16>, scalar_prefetch = 0 : i64, scratch_operands = 8 : i64, tpu.core_type = #tpu.core_type<sc_vector_subcore>, window_params = [{transform_indices = #map}, {transform_indices = #map1}, {transform_indices = #map}]} {
    %mul3A = arith.constant 2 : i32
    %mul3A_0 = arith.muli %arg1, %mul3A : i32
    %add3A = arith.addi %mul3A_0, %arg0 : i32
    %mul3A_1 = arith.constant 3840 : i32
    %mul3A_2 = arith.muli %add3A, %mul3A_1 : i32
    %lt3A = arith.constant 10 : i32
    %lt3A_3 = arith.cmpi slt, %arg1, %lt3A : i32
    %convert_element_type3A = arith.extui %lt3A_3 : i1 to i32
    %cond3A = arith.constant 0 : i32
    %cond3A_4 = arith.cmpi ne, %convert_element_type3A, %cond3A : i32
    scf.if %cond3A_4 {
      %mul3A_23 = arith.constant 1000 : i32
      %mul3A_24 = arith.muli %arg1, %mul3A_23 : i32
      %mul3A_25 = arith.constant 1000 : i32
      %mul3A_26 = arith.muli %arg1, %mul3A_25 : i32
      "tpu.region"() ({
        %run_scoped3A = tpu.sem_alloc : memref<!tpu.dma_semaphore, #tpu.memory_space<semaphore_mem>>
        %dma_start3A_27 = arith.constant 0 : i32
        %dma_start3A_28 = tpu.memref_slice %arg8[%mul3A_26, %dma_start3A_27] : memref<10000x128xf32, #tpu.memory_space<vmem_shared>> -> memref<1000x128xf32, #tpu.memory_space<vmem_shared>>
        %dma_start3A_29 = arith.constant 0 : i32
        %dma_start3A_30 = tpu.memref_slice %arg2[%mul3A_24, %dma_start3A_29] : memref<10000x128xf32, #tpu.memory_space<hbm>> -> memref<1000x128xf32, #tpu.memory_space<hbm>>
        tpu.enqueue_dma source(%dma_start3A_30 : memref<1000x128xf32, #tpu.memory_space<hbm>>) target(%dma_start3A_28 : memref<1000x128xf32, #tpu.memory_space<vmem_shared>>) target_semaphore(%run_scoped3A : memref<!tpu.dma_semaphore, #tpu.memory_space<semaphore_mem>>)
        %dma_wait3A_31 = arith.constant 0 : i32
        %dma_wait3A_32 = tpu.memref_slice %arg8[%mul3A_26, %dma_wait3A_31] : memref<10000x128xf32, #tpu.memory_space<vmem_shared>> -> memref<1000x128xf32, #tpu.memory_space<vmem_shared>>
        %dma_wait3A_33 = arith.constant 0 : i32
        %dma_wait3A_34 = tpu.memref_slice %arg2[%mul3A_24, %dma_wait3A_33] : memref<10000x128xf32, #tpu.memory_space<hbm>> -> memref<1000x128xf32, #tpu.memory_space<hbm>>
        tpu.wait_dma2 semaphore(%run_scoped3A : memref<!tpu.dma_semaphore, #tpu.memory_space<semaphore_mem>>) src(%dma_wait3A_34 : memref<1000x128xf32, #tpu.memory_space<hbm>>) dst(%dma_wait3A_32 : memref<1000x128xf32, #tpu.memory_space<vmem_shared>>)
        tpu.yield
      }) : () -> ()
    } else {
    }
    "tpu.region"() ({
      %run_scoped3A = tpu.sem_alloc : memref<!tpu.dma_semaphore, #tpu.memory_space<semaphore_mem>>
      %dma_start3A_23 = arith.constant 0 : i32
      %dma_start3A_24 = arith.constant 0 : i32
      %dma_start3A_25 = tpu.memref_slice %arg3[%add3A, %dma_start3A_23, %dma_start3A_24] : memref<32x30x128xi32, #tpu.memory_space<hbm>> -> memref<1x30x128xi32, #tpu.memory_space<hbm>>
      %dma_start3A_26 = tpu.memref_squeeze %dma_start3A_25 : memref<1x30x128xi32, #tpu.memory_space<hbm>> -> memref<30x128xi32, #tpu.memory_space<hbm>>
      %dma_start3A_27 = arith.constant 0 : i32
      %dma_start3A_28 = arith.constant 0 : i32
      %dma_start3A_29 = tpu.memref_slice %arg3[%add3A, %dma_start3A_27, %dma_start3A_28] : memref<32x30x128xi32, #tpu.memory_space<hbm>> -> memref<1x30x128xi32, #tpu.memory_space<hbm>>
      %dma_start3A_30 = tpu.memref_squeeze %dma_start3A_29 : memref<1x30x128xi32, #tpu.memory_space<hbm>> -> memref<30x128xi32, #tpu.memory_space<hbm>>
      tpu.enqueue_dma source(%dma_start3A_30 : memref<30x128xi32, #tpu.memory_space<hbm>>) target(%arg5 : memref<30x128xi32, #tpu.memory_space<vmem>>) target_semaphore(%run_scoped3A : memref<!tpu.dma_semaphore, #tpu.memory_space<semaphore_mem>>)
      %dma_wait3A_31 = arith.constant 0 : i32
      %dma_wait3A_32 = arith.constant 0 : i32
      %dma_wait3A_33 = tpu.memref_slice %arg3[%add3A, %dma_wait3A_31, %dma_wait3A_32] : memref<32x30x128xi32, #tpu.memory_space<hbm>> -> memref<1x30x128xi32, #tpu.memory_space<hbm>>
      %dma_wait3A_34 = tpu.memref_squeeze %dma_wait3A_33 : memref<1x30x128xi32, #tpu.memory_space<hbm>> -> memref<30x128xi32, #tpu.memory_space<hbm>>
      %dma_wait3A_35 = arith.constant 0 : i32
      %dma_wait3A_36 = arith.constant 0 : i32
      %dma_wait3A_37 = tpu.memref_slice %arg3[%add3A, %dma_wait3A_35, %dma_wait3A_36] : memref<32x30x128xi32, #tpu.memory_space<hbm>> -> memref<1x30x128xi32, #tpu.memory_space<hbm>>
      %dma_wait3A_38 = tpu.memref_squeeze %dma_wait3A_37 : memref<1x30x128xi32, #tpu.memory_space<hbm>> -> memref<30x128xi32, #tpu.memory_space<hbm>>
      tpu.wait_dma2 semaphore(%run_scoped3A : memref<!tpu.dma_semaphore, #tpu.memory_space<semaphore_mem>>) src(%dma_wait3A_38 : memref<30x128xi32, #tpu.memory_space<hbm>>) dst(%arg5 : memref<30x128xi32, #tpu.memory_space<vmem>>)
      tpu.yield
    }) : () -> ()
    %barrier3A = arith.constant 0 : index
    tpu.barrier barrier_id(%barrier3A)
    %dma_start3A = arith.constant 0 : i32
    %dma_start3A_5 = arith.constant 0 : i32
    %dma_start3A_6 = tpu.memref_slice %arg5[%dma_start3A, %dma_start3A_5] : memref<30x128xi32, #tpu.memory_space<vmem>> -> memref<1x128xi32, #tpu.memory_space<vmem>>
    %dma_start3A_7 = tpu.memref_squeeze %dma_start3A_6 : memref<1x128xi32, #tpu.memory_space<vmem>> -> memref<128xi32, #tpu.memory_space<vmem>>
    %dma_start3A_8 = arith.constant 0 : i32
    %dma_start3A_9 = arith.constant 0 : i32
    %dma_start3A_10 = tpu.memref_slice %arg8[%dma_start3A_8, %dma_start3A_9] : memref<10000x128xf32, #tpu.memory_space<vmem_shared>> -> memref<10000x128xf32, #tpu.memory_space<vmem_shared>>
    tpu.enqueue_indirect_dma source(%dma_start3A_10 : memref<10000x128xf32, #tpu.memory_space<vmem_shared>>) target(%arg6 : memref<128x128xf32, #tpu.memory_space<vmem>>) offsets(%dma_start3A_7 : memref<128xi32, #tpu.memory_space<vmem>>) semaphore(%arg9 : memref<!tpu.dma_semaphore, #tpu.memory_space<semaphore_mem>>)
    %scan3A = arith.constant 0 : i32
    %scan3A_11 = arith.constant 0 : i32
    %scan3A_12 = arith.constant 15 : i32
    %scan3A_13 = arith.addi %scan3A_11, %scan3A_12 : i32
    %scan3A_14 = arith.constant 1 : i32
    scf.for %scan3A_23 = %scan3A_11 to %scan3A_13 step %scan3A_14  : i32 {
      %mul3A_24 = arith.constant 2 : i32
      %mul3A_25 = arith.muli %mul3A_24, %scan3A_23 : i32
      %gt3A = arith.constant 0 : i32
      %gt3A_26 = arith.cmpi sgt, %scan3A_23, %gt3A : i32
      %convert_element_type3A_27 = arith.extui %gt3A_26 : i1 to i32
      %cond3A_28 = arith.constant 0 : i32
      %cond3A_29 = arith.cmpi ne, %convert_element_type3A_27, %cond3A_28 : i32
      scf.if %cond3A_29 {
        %dma_wait3A_73 = arith.constant 0 : i32
        %dma_wait3A_74 = tpu.memref_slice %arg4[%mul3A_2, %dma_wait3A_73] : memref<122880x128xf32, #tpu.memory_space<hbm>> -> memref<128x128xf32, #tpu.memory_space<hbm>>
        %dma_wait3A_75 = arith.constant 0 : i32
        %dma_wait3A_76 = tpu.memref_slice %arg4[%mul3A_2, %dma_wait3A_75] : memref<122880x128xf32, #tpu.memory_space<hbm>> -> memref<128x128xf32, #tpu.memory_space<hbm>>
        tpu.wait_dma2 semaphore(%arg12 : memref<!tpu.dma_semaphore, #tpu.memory_space<semaphore_mem>>) src(%arg7 : memref<128x128xf32, #tpu.memory_space<vmem>>) dst(%dma_wait3A_76 : memref<128x128xf32, #tpu.memory_space<hbm>>)
      } else {
      }
      %add3A_30 = arith.constant 1 : i32
      %add3A_31 = arith.addi %mul3A_25, %add3A_30 : i32
      %dma_start3A_32 = arith.constant 0 : i32
      %dma_start3A_33 = tpu.memref_slice %arg5[%add3A_31, %dma_start3A_32] : memref<30x128xi32, #tpu.memory_space<vmem>> -> memref<1x128xi32, #tpu.memory_space<vmem>>
      %dma_start3A_34 = tpu.memref_squeeze %dma_start3A_33 : memref<1x128xi32, #tpu.memory_space<vmem>> -> memref<128xi32, #tpu.memory_space<vmem>>
      %dma_start3A_35 = arith.constant 0 : i32
      %dma_start3A_36 = arith.constant 0 : i32
      %dma_start3A_37 = tpu.memref_slice %arg8[%dma_start3A_35, %dma_start3A_36] : memref<10000x128xf32, #tpu.memory_space<vmem_shared>> -> memref<10000x128xf32, #tpu.memory_space<vmem_shared>>
      tpu.enqueue_indirect_dma source(%dma_start3A_37 : memref<10000x128xf32, #tpu.memory_space<vmem_shared>>) target(%arg7 : memref<128x128xf32, #tpu.memory_space<vmem>>) offsets(%dma_start3A_34 : memref<128xi32, #tpu.memory_space<vmem>>) semaphore(%arg10 : memref<!tpu.dma_semaphore, #tpu.memory_space<semaphore_mem>>)
      %dma_wait3A_38 = arith.constant 0 : i32
      %dma_wait3A_39 = tpu.memref_slice %arg5[%mul3A_25, %dma_wait3A_38] : memref<30x128xi32, #tpu.memory_space<vmem>> -> memref<1x128xi32, #tpu.memory_space<vmem>>
      %dma_wait3A_40 = tpu.memref_squeeze %dma_wait3A_39 : memref<1x128xi32, #tpu.memory_space<vmem>> -> memref<128xi32, #tpu.memory_space<vmem>>
      %dma_wait3A_41 = arith.constant 0 : i32
      %dma_wait3A_42 = arith.constant 0 : i32
      %dma_wait3A_43 = tpu.memref_slice %arg8[%dma_wait3A_41, %dma_wait3A_42] : memref<10000x128xf32, #tpu.memory_space<vmem_shared>> -> memref<10000x128xf32, #tpu.memory_space<vmem_shared>>
      tpu.wait_indirect_dma semaphore(%arg9 : memref<!tpu.dma_semaphore, #tpu.memory_space<semaphore_mem>>) src(%dma_wait3A_43 : memref<10000x128xf32, #tpu.memory_space<vmem_shared>>) dst(%arg6 : memref<128x128xf32, #tpu.memory_space<vmem>>)
      %mul3A_44 = arith.constant 128 : i32
      %mul3A_45 = arith.muli %mul3A_25, %mul3A_44 : i32
      %add3A_46 = arith.addi %mul3A_2, %mul3A_45 : i32
      %dma_start3A_47 = arith.constant 0 : i32
      %dma_start3A_48 = tpu.memref_slice %arg4[%add3A_46, %dma_start3A_47] : memref<122880x128xf32, #tpu.memory_space<hbm>> -> memref<128x128xf32, #tpu.memory_space<hbm>>
      %dma_start3A_49 = arith.constant 0 : i32
      %dma_start3A_50 = tpu.memref_slice %arg4[%add3A_46, %dma_start3A_49] : memref<122880x128xf32, #tpu.memory_space<hbm>> -> memref<128x128xf32, #tpu.memory_space<hbm>>
      tpu.enqueue_dma source(%arg6 : memref<128x128xf32, #tpu.memory_space<vmem>>) target(%dma_start3A_50 : memref<128x128xf32, #tpu.memory_space<hbm>>) target_semaphore(%arg11 : memref<!tpu.dma_semaphore, #tpu.memory_space<semaphore_mem>>)
      %lt3A_51 = arith.constant 14 : i32
      %lt3A_52 = arith.cmpi slt, %scan3A_23, %lt3A_51 : i32
      %convert_element_type3A_53 = arith.extui %lt3A_52 : i1 to i32
      %cond3A_54 = arith.constant 0 : i32
      %cond3A_55 = arith.cmpi ne, %convert_element_type3A_53, %cond3A_54 : i32
      scf.if %cond3A_55 {
        %dma_wait3A_73 = arith.constant 0 : i32
        %dma_wait3A_74 = tpu.memref_slice %arg4[%mul3A_2, %dma_wait3A_73] : memref<122880x128xf32, #tpu.memory_space<hbm>> -> memref<128x128xf32, #tpu.memory_space<hbm>>
        %dma_wait3A_75 = arith.constant 0 : i32
        %dma_wait3A_76 = tpu.memref_slice %arg4[%mul3A_2, %dma_wait3A_75] : memref<122880x128xf32, #tpu.memory_space<hbm>> -> memref<128x128xf32, #tpu.memory_space<hbm>>
        tpu.wait_dma2 semaphore(%arg11 : memref<!tpu.dma_semaphore, #tpu.memory_space<semaphore_mem>>) src(%arg6 : memref<128x128xf32, #tpu.memory_space<vmem>>) dst(%dma_wait3A_76 : memref<128x128xf32, #tpu.memory_space<hbm>>)
        %add3A_77 = arith.constant 2 : i32
        %add3A_78 = arith.addi %mul3A_25, %add3A_77 : i32
        %dma_start3A_79 = arith.constant 0 : i32
        %dma_start3A_80 = tpu.memref_slice %arg5[%add3A_78, %dma_start3A_79] : memref<30x128xi32, #tpu.memory_space<vmem>> -> memref<1x128xi32, #tpu.memory_space<vmem>>
        %dma_start3A_81 = tpu.memref_squeeze %dma_start3A_80 : memref<1x128xi32, #tpu.memory_space<vmem>> -> memref<128xi32, #tpu.memory_space<vmem>>
        %dma_start3A_82 = arith.constant 0 : i32
        %dma_start3A_83 = arith.constant 0 : i32
        %dma_start3A_84 = tpu.memref_slice %arg8[%dma_start3A_82, %dma_start3A_83] : memref<10000x128xf32, #tpu.memory_space<vmem_shared>> -> memref<10000x128xf32, #tpu.memory_space<vmem_shared>>
        tpu.enqueue_indirect_dma source(%dma_start3A_84 : memref<10000x128xf32, #tpu.memory_space<vmem_shared>>) target(%arg6 : memref<128x128xf32, #tpu.memory_space<vmem>>) offsets(%dma_start3A_81 : memref<128xi32, #tpu.memory_space<vmem>>) semaphore(%arg9 : memref<!tpu.dma_semaphore, #tpu.memory_space<semaphore_mem>>)
      } else {
      }
      %add3A_56 = arith.constant 1 : i32
      %add3A_57 = arith.addi %mul3A_25, %add3A_56 : i32
      %dma_wait3A_58 = arith.constant 0 : i32
      %dma_wait3A_59 = tpu.memref_slice %arg5[%add3A_57, %dma_wait3A_58] : memref<30x128xi32, #tpu.memory_space<vmem>> -> memref<1x128xi32, #tpu.memory_space<vmem>>
      %dma_wait3A_60 = tpu.memref_squeeze %dma_wait3A_59 : memref<1x128xi32, #tpu.memory_space<vmem>> -> memref<128xi32, #tpu.memory_space<vmem>>
      %dma_wait3A_61 = arith.constant 0 : i32
      %dma_wait3A_62 = arith.constant 0 : i32
      %dma_wait3A_63 = tpu.memref_slice %arg8[%dma_wait3A_61, %dma_wait3A_62] : memref<10000x128xf32, #tpu.memory_space<vmem_shared>> -> memref<10000x128xf32, #tpu.memory_space<vmem_shared>>
      tpu.wait_indirect_dma semaphore(%arg10 : memref<!tpu.dma_semaphore, #tpu.memory_space<semaphore_mem>>) src(%dma_wait3A_63 : memref<10000x128xf32, #tpu.memory_space<vmem_shared>>) dst(%arg7 : memref<128x128xf32, #tpu.memory_space<vmem>>)
      %add3A_64 = arith.constant 1 : i32
      %add3A_65 = arith.addi %mul3A_25, %add3A_64 : i32
      %mul3A_66 = arith.constant 128 : i32
      %mul3A_67 = arith.muli %add3A_65, %mul3A_66 : i32
      %add3A_68 = arith.addi %mul3A_2, %mul3A_67 : i32
      %dma_start3A_69 = arith.constant 0 : i32
      %dma_start3A_70 = tpu.memref_slice %arg4[%add3A_68, %dma_start3A_69] : memref<122880x128xf32, #tpu.memory_space<hbm>> -> memref<128x128xf32, #tpu.memory_space<hbm>>
      %dma_start3A_71 = arith.constant 0 : i32
      %dma_start3A_72 = tpu.memref_slice %arg4[%add3A_68, %dma_start3A_71] : memref<122880x128xf32, #tpu.memory_space<hbm>> -> memref<128x128xf32, #tpu.memory_space<hbm>>
      tpu.enqueue_dma source(%arg7 : memref<128x128xf32, #tpu.memory_space<vmem>>) target(%dma_start3A_72 : memref<128x128xf32, #tpu.memory_space<hbm>>) target_semaphore(%arg12 : memref<!tpu.dma_semaphore, #tpu.memory_space<semaphore_mem>>)
    }
    %scan3A_15 = arith.constant 15 : i32
    %dma_wait3A = arith.constant 0 : i32
    %dma_wait3A_16 = tpu.memref_slice %arg4[%mul3A_2, %dma_wait3A] : memref<122880x128xf32, #tpu.memory_space<hbm>> -> memref<128x128xf32, #tpu.memory_space<hbm>>
    %dma_wait3A_17 = arith.constant 0 : i32
    %dma_wait3A_18 = tpu.memref_slice %arg4[%mul3A_2, %dma_wait3A_17] : memref<122880x128xf32, #tpu.memory_space<hbm>> -> memref<128x128xf32, #tpu.memory_space<hbm>>
    tpu.wait_dma2 semaphore(%arg11 : memref<!tpu.dma_semaphore, #tpu.memory_space<semaphore_mem>>) src(%arg6 : memref<128x128xf32, #tpu.memory_space<vmem>>) dst(%dma_wait3A_18 : memref<128x128xf32, #tpu.memory_space<hbm>>)
    %dma_wait3A_19 = arith.constant 0 : i32
    %dma_wait3A_20 = tpu.memref_slice %arg4[%mul3A_2, %dma_wait3A_19] : memref<122880x128xf32, #tpu.memory_space<hbm>> -> memref<128x128xf32, #tpu.memory_space<hbm>>
    %dma_wait3A_21 = arith.constant 0 : i32
    %dma_wait3A_22 = tpu.memref_slice %arg4[%mul3A_2, %dma_wait3A_21] : memref<122880x128xf32, #tpu.memory_space<hbm>> -> memref<128x128xf32, #tpu.memory_space<hbm>>
    tpu.wait_dma2 semaphore(%arg12 : memref<!tpu.dma_semaphore, #tpu.memory_space<semaphore_mem>>) src(%arg7 : memref<128x128xf32, #tpu.memory_space<vmem>>) dst(%dma_wait3A_22 : memref<128x128xf32, #tpu.memory_space<hbm>>)
    return
  }
}

module attributes {stable_mosaic.version = 14 : i64} {
  func.func @body(%arg0: i32, %arg1: memref<2000x92xf32, #tpu.memory_space<vmem>>, %arg2: memref<64x92xf32, #tpu.memory_space<vmem>>, %arg3: memref<2000x64xf32, #tpu.memory_space<vmem>>) attributes {dimension_semantics = [#tpu.dimension_semantics<arbitrary>], iteration_bounds = array<i64: 5>, scalar_prefetch = 0 : i64, scratch_operands = 0 : i64, tpu.core_type = #tpu.core_type<tc>, window_params = [{transform_indices = @transform_0, window_bounds = array<i64: 2000, 92>}, {pipeline_mode = #tpu.pipeline_mode<synchronous>, transform_indices = @transform_1, window_bounds = array<i64: 64, 92>}, {transform_indices = @transform_2, window_bounds = array<i64: 2000, 64>}]} {
    %get3A = arith.constant 0 : index
    %get3A_0 = arith.constant 0 : index
    %get3A_1 = vector.load %arg1[%get3A, %get3A_0] : memref<2000x92xf32, #tpu.memory_space<vmem>>, vector<2000x92xf32>
    %get3A_2 = arith.constant 0 : index
    %get3A_3 = arith.constant 0 : index
    %get3A_4 = vector.load %arg2[%get3A_2, %get3A_3] : memref<64x92xf32, #tpu.memory_space<vmem>>, vector<64x92xf32>
    %dot_general3A = arith.constant dense<0.000000e+00> : vector<2000x64xf32>
    %dot_general3A_5 = tpu.matmul %get3A_1, %get3A_4, %dot_general3A {dimension_numbers = #tpu.dot_dimension_numbers<[1], [1], [0], [0], [0, 0, 1, 0], [], []>, transpose_lhs_hint = false} : vector<2000x92xf32>, vector<64x92xf32>, vector<2000x64xf32> -> vector<2000x64xf32>
    %swap3A = arith.constant 0 : index
    %swap3A_6 = arith.constant 0 : index
    %swap3A_7 = vector.load %arg3[%swap3A, %swap3A_6] : memref<2000x64xf32, #tpu.memory_space<vmem>>, vector<2000x64xf32>
    tpu.vector_store %arg3[%swap3A, %swap3A_6], %dot_general3A_5 {strides = array<i32>} : memref<2000x64xf32, #tpu.memory_space<vmem>>, vector<2000x64xf32>,
    return
  }
  func.func @transform_0(%arg0: i32) -> (i32, i32) {
    %c0_i32 = arith.constant 0 : i32
    %c0_i32_0 = arith.constant 0 : i32
    return %arg0, %c0_i32 : i32, i32
  }
  func.func @transform_1(%arg0: i32) -> (i32, i32) {
    %c0_i32 = arith.constant 0 : i32
    %c0_i32_0 = arith.constant 0 : i32
    %c0_i32_1 = arith.constant 0 : i32
    return %c0_i32, %c0_i32_0 : i32, i32
  }
  func.func @transform_2(%arg0: i32) -> (i32, i32) {
    %c0_i32 = arith.constant 0 : i32
    %c0_i32_0 = arith.constant 0 : i32
    return %arg0, %c0_i32 : i32, i32
  }
}

module attributes {stable_mosaic.version = 14 : i64} {
  func.func @body(%arg0: i32, %arg1: memref<2000x64xf32, #tpu.memory_space<vmem>>, %arg2: memref<128x64xf32, #tpu.memory_space<vmem>>, %arg3: memref<2000x128xf32, #tpu.memory_space<vmem>>) attributes {dimension_semantics = [#tpu.dimension_semantics<arbitrary>], iteration_bounds = array<i64: 5>, scalar_prefetch = 0 : i64, scratch_operands = 0 : i64, tpu.core_type = #tpu.core_type<tc>, window_params = [{transform_indices = @transform_0, window_bounds = array<i64: 2000, 64>}, {pipeline_mode = #tpu.pipeline_mode<synchronous>, transform_indices = @transform_1, window_bounds = array<i64: 128, 64>}, {transform_indices = @transform_2, window_bounds = array<i64: 2000, 128>}]} {
    %get3A = arith.constant 0 : index
    %get3A_0 = arith.constant 0 : index
    %get3A_1 = vector.load %arg1[%get3A, %get3A_0] : memref<2000x64xf32, #tpu.memory_space<vmem>>, vector<2000x64xf32>
    %get3A_2 = arith.constant 0 : index
    %get3A_3 = arith.constant 0 : index
    %get3A_4 = vector.load %arg2[%get3A_2, %get3A_3] : memref<128x64xf32, #tpu.memory_space<vmem>>, vector<128x64xf32>
    %dot_general3A = arith.constant dense<0.000000e+00> : vector<2000x128xf32>
    %dot_general3A_5 = tpu.matmul %get3A_1, %get3A_4, %dot_general3A {dimension_numbers = #tpu.dot_dimension_numbers<[1], [1], [0], [0], [0, 0, 1, 0], [], []>, transpose_lhs_hint = false} : vector<2000x64xf32>, vector<128x64xf32>, vector<2000x128xf32> -> vector<2000x128xf32>
    %swap3A = arith.constant 0 : index
    %swap3A_6 = arith.constant 0 : index
    %swap3A_7 = vector.load %arg3[%swap3A, %swap3A_6] : memref<2000x128xf32, #tpu.memory_space<vmem>>, vector<2000x128xf32>
    tpu.vector_store %arg3[%swap3A, %swap3A_6], %dot_general3A_5 {strides = array<i32>} : memref<2000x128xf32, #tpu.memory_space<vmem>>, vector<2000x128xf32>,
    return
  }
  func.func @transform_0(%arg0: i32) -> (i32, i32) {
    %c0_i32 = arith.constant 0 : i32
    %c0_i32_0 = arith.constant 0 : i32
    return %arg0, %c0_i32 : i32, i32
  }
  func.func @transform_1(%arg0: i32) -> (i32, i32) {
    %c0_i32 = arith.constant 0 : i32
    %c0_i32_0 = arith.constant 0 : i32
    %c0_i32_1 = arith.constant 0 : i32
    return %c0_i32, %c0_i32_0 : i32, i32
  }
  func.func @transform_2(%arg0: i32) -> (i32, i32) {
    %c0_i32 = arith.constant 0 : i32
    %c0_i32_0 = arith.constant 0 : i32
    return %arg0, %c0_i32 : i32, i32
  }
}

module attributes {stable_mosaic.version = 14 : i64} {
  func.func @body(%arg0: i32, %arg1: i32, %arg2: memref<1000x64xf32, #tpu.memory_space<vmem>>, %arg3: memref<12x1000x128xf32, #tpu.memory_space<vmem>>, %arg4: memref<1000x492xf32, #tpu.memory_space<vmem>>, %arg5: memref<128x64xf32, #tpu.memory_space<vmem>>, %arg6: memref<128x41xf32, #tpu.memory_space<vmem>>, %arg7: memref<1x128xf32, #tpu.memory_space<vmem>>, %arg8: memref<1x128xf32, #tpu.memory_space<vmem>>, %arg9: memref<1x128xf32, #tpu.memory_space<vmem>>, %arg10: memref<1000x64xf32, #tpu.memory_space<vmem>>, %arg11: memref<8x128xf32, #tpu.memory_space<vmem>>, %arg12: memref<8x128xf32, #tpu.memory_space<vmem>>) attributes {dimension_semantics = [#tpu.dimension_semantics<arbitrary>, #tpu.dimension_semantics<arbitrary>], iteration_bounds = array<i64: 2, 10>, scalar_prefetch = 0 : i64, scratch_operands = 1 : i64, tpu.core_type = #tpu.core_type<tc>, window_params = [{transform_indices = @transform_0, window_bounds = array<i64: 1000, 64>}, {transform_indices = @transform_1, window_bounds = array<i64: 12, 1000, 128>}, {transform_indices = @transform_2, window_bounds = array<i64: 1000, 492>}, {pipeline_mode = #tpu.pipeline_mode<synchronous>, transform_indices = @transform_3, window_bounds = array<i64: 128, 64>}, {pipeline_mode = #tpu.pipeline_mode<synchronous>, transform_indices = @transform_4, window_bounds = array<i64: 128, 41>}, {pipeline_mode = #tpu.pipeline_mode<synchronous>, transform_indices = @transform_5, window_bounds = array<i64: 1, 128>}, {pipeline_mode = #tpu.pipeline_mode<synchronous>, transform_indices = @transform_6, window_bounds = array<i64: 1, 128>}, {pipeline_mode = #tpu.pipeline_mode<synchronous>, transform_indices = @transform_7, window_bounds = array<i64: 1, 128>}, {transform_indices = @transform_8, window_bounds = array<i64: 1000, 64>}, {pipeline_mode = #tpu.pipeline_mode<synchronous>, transform_indices = @transform_9, window_bounds = array<i64: 8, 128>}]} {
    %eq3A = arith.constant 0 : i32
    %eq3A_0 = arith.cmpi eq, %arg0, %eq3A : i32
    %eq3A_1 = arith.constant 0 : i32
    %eq3A_2 = arith.cmpi eq, %arg1, %eq3A_1 : i32
    %and3A = arith.andi %eq3A_0, %eq3A_2 : i1
    %convert_element_type3A = arith.extui %and3A : i1 to i32
    %cond3A = arith.constant 0 : i32
    %cond3A_3 = arith.cmpi ne, %convert_element_type3A, %cond3A : i32
    scf.if %cond3A_3 {
      %broadcast_in_dim3A = arith.constant 0.000000e+00 : f32
      %broadcast_in_dim3A_40 = vector.broadcast %broadcast_in_dim3A : f32 to vector<8x128xf32>
      %swap3A = arith.constant 0 : index
      %swap3A_41 = arith.constant 0 : index
      %swap3A_42 = vector.load %arg12[%swap3A, %swap3A_41] : memref<8x128xf32, #tpu.memory_space<vmem>>, vector<8x128xf32>
      tpu.vector_store %arg12[%swap3A, %swap3A_41], %broadcast_in_dim3A_40 {strides = array<i32>} : memref<8x128xf32, #tpu.memory_space<vmem>>, vector<8x128xf32>,
    } else {
    }
    %eq3A_4 = arith.constant 1 : i32
    %eq3A_5 = arith.cmpi eq, %arg0, %eq3A_4 : i32
    %eq3A_6 = arith.constant 0 : i32
    %eq3A_7 = arith.cmpi eq, %arg1, %eq3A_6 : i32
    %and3A_8 = arith.andi %eq3A_5, %eq3A_7 : i1
    %convert_element_type3A_9 = arith.extui %and3A_8 : i1 to i32
    %cond3A_10 = arith.constant 0 : i32
    %cond3A_11 = arith.cmpi ne, %convert_element_type3A_9, %cond3A_10 : i32
    scf.if %cond3A_11 {
      %get3A_40 = arith.constant 0 : index
      %get3A_41 = arith.constant 0 : index
      %get3A_42 = vector.load %arg12[%get3A_40, %get3A_41] : memref<8x128xf32, #tpu.memory_space<vmem>>, vector<1x128xf32>
      %div3A = arith.constant 1.200000e+05 : f32
      %div3A_43 = vector.broadcast %div3A : f32 to vector<1x128xf32>
      %div3A_44 = arith.divf %get3A_42, %div3A_43 : vector<1x128xf32>
      %get3A_45 = arith.constant 1 : index
      %get3A_46 = arith.constant 0 : index
      %get3A_47 = vector.load %arg12[%get3A_45, %get3A_46] : memref<8x128xf32, #tpu.memory_space<vmem>>, vector<1x128xf32>
      %div3A_48 = arith.constant 1.200000e+05 : f32
      %div3A_49 = vector.broadcast %div3A_48 : f32 to vector<1x128xf32>
      %div3A_50 = arith.divf %get3A_47, %div3A_49 : vector<1x128xf32>
      %mul3A = arith.mulf %div3A_44, %div3A_44 : vector<1x128xf32>
      %sub3A = arith.subf %div3A_50, %mul3A : vector<1x128xf32>
      %swap3A = arith.constant 2 : index
      %swap3A_51 = arith.constant 0 : index
      %swap3A_52 = vector.load %arg12[%swap3A, %swap3A_51] : memref<8x128xf32, #tpu.memory_space<vmem>>, vector<1x128xf32>
      tpu.vector_store %arg12[%swap3A, %swap3A_51], %div3A_44 {strides = array<i32>} : memref<8x128xf32, #tpu.memory_space<vmem>>, vector<1x128xf32>,
      %add3A_53 = arith.constant 9.99999974E-6 : f32
      %add3A_54 = vector.broadcast %add3A_53 : f32 to vector<1x128xf32>
      %add3A_55 = arith.addf %sub3A, %add3A_54 : vector<1x128xf32>
      %rsqrt3A = math.rsqrt %add3A_55 : vector<1x128xf32>
      %swap3A_56 = arith.constant 3 : index
      %swap3A_57 = arith.constant 0 : index
      %swap3A_58 = vector.load %arg12[%swap3A_56, %swap3A_57] : memref<8x128xf32, #tpu.memory_space<vmem>>, vector<1x128xf32>
      tpu.vector_store %arg12[%swap3A_56, %swap3A_57], %rsqrt3A {strides = array<i32>} : memref<8x128xf32, #tpu.memory_space<vmem>>, vector<1x128xf32>,
    } else {
    }
    %get3A = arith.constant 0 : index
    %get3A_12 = arith.constant 0 : index
    %get3A_13 = vector.load %arg2[%get3A, %get3A_12] : memref<1000x64xf32, #tpu.memory_space<vmem>>, vector<1000x64xf32>
    %get3A_14 = arith.constant 0 : index
    %get3A_15 = arith.constant 0 : index
    %get3A_16 = vector.load %arg5[%get3A_14, %get3A_15] : memref<128x64xf32, #tpu.memory_space<vmem>>, vector<128x64xf32>
    %dot_general3A = arith.constant dense<0.000000e+00> : vector<1000x128xf32>
    %dot_general3A_17 = tpu.matmul %get3A_13, %get3A_16, %dot_general3A {dimension_numbers = #tpu.dot_dimension_numbers<[1], [1], [0], [0], [0, 0, 1, 0], [], []>, transpose_lhs_hint = false} : vector<1000x64xf32>, vector<128x64xf32>, vector<1000x128xf32> -> vector<1000x128xf32>
    %get3A_18 = arith.constant 0 : index
    %get3A_19 = arith.constant 0 : index
    %get3A_20 = vector.load %arg7[%get3A_18, %get3A_19] : memref<1x128xf32, #tpu.memory_space<vmem>>, vector<1x128xf32>
    %add3A = vector.broadcast %get3A_20 : vector<1x128xf32> to vector<1000x128xf32>
    %add3A_21 = arith.addf %dot_general3A_17, %add3A : vector<1000x128xf32>
    %eq3A_22 = arith.constant 0 : i32
    %eq3A_23 = arith.cmpi eq, %arg0, %eq3A_22 : i32
    %convert_element_type3A_24 = arith.extui %eq3A_23 : i1 to i32
    %cond3A_25 = arith.constant 0 : i32
    %cond3A_26 = arith.cmpi ne, %convert_element_type3A_24, %cond3A_25 : i32
    scf.if %cond3A_26 {
      %get3A_40 = arith.constant 0 : index
      %get3A_41 = arith.constant 0 : index
      %get3A_42 = vector.load %arg4[%get3A_40, %get3A_41] : memref<1000x492xf32, #tpu.memory_space<vmem>>, vector<1000x492xf32>
      %get3A_43 = arith.constant 0 : index
      %get3A_44 = arith.constant 0 : index
      %get3A_45 = arith.constant 0 : index
      %get3A_46 = vector.load %arg3[%get3A_43, %get3A_44, %get3A_45] : memref<12x1000x128xf32, #tpu.memory_space<vmem>>, vector<1x1000x128xf32>
      %get3A_47 = vector.shape_cast %get3A_46 : vector<1x1000x128xf32> to vector<1000x128xf32>
      %add3A_48 = arith.addf %add3A_21, %get3A_47 : vector<1000x128xf32>
      %slice3A = vector.extract_strided_slice %get3A_42 {offsets = [0, 0], sizes = [1000, 41], strides = [1, 1]} : vector<1000x492xf32> to vector<1000x41xf32>
      %get3A_49 = arith.constant 0 : index
      %get3A_50 = arith.constant 0 : index
      %get3A_51 = vector.load %arg6[%get3A_49, %get3A_50] : memref<128x41xf32, #tpu.memory_space<vmem>>, vector<128x41xf32>
      %dot_general3A_52 = arith.constant dense<0.000000e+00> : vector<1000x128xf32>
      %dot_general3A_53 = tpu.matmul %slice3A, %get3A_51, %dot_general3A_52 {dimension_numbers = #tpu.dot_dimension_numbers<[1], [1], [0], [0], [0, 0, 1, 0], [], []>, transpose_lhs_hint = false} : vector<1000x41xf32>, vector<128x41xf32>, vector<1000x128xf32> -> vector<1000x128xf32>
      %add3A_54 = arith.addf %add3A_48, %dot_general3A_53 : vector<1000x128xf32>
      %mul3A = arith.mulf %add3A_54, %add3A_54 : vector<1000x128xf32>
      %get3A_55 = arith.constant 1 : index
      %get3A_56 = arith.constant 0 : index
      %get3A_57 = arith.constant 0 : index
      %get3A_58 = vector.load %arg3[%get3A_55, %get3A_56, %get3A_57] : memref<12x1000x128xf32, #tpu.memory_space<vmem>>, vector<1x1000x128xf32>
      %get3A_59 = vector.shape_cast %get3A_58 : vector<1x1000x128xf32> to vector<1000x128xf32>
      %add3A_60 = arith.addf %add3A_21, %get3A_59 : vector<1000x128xf32>
      %slice3A_61 = vector.extract_strided_slice %get3A_42 {offsets = [0, 41], sizes = [1000, 41], strides = [1, 1]} : vector<1000x492xf32> to vector<1000x41xf32>
      %get3A_62 = arith.constant 0 : index
      %get3A_63 = arith.constant 0 : index
      %get3A_64 = vector.load %arg6[%get3A_62, %get3A_63] : memref<128x41xf32, #tpu.memory_space<vmem>>, vector<128x41xf32>
      %dot_general3A_65 = arith.constant dense<0.000000e+00> : vector<1000x128xf32>
      %dot_general3A_66 = tpu.matmul %slice3A_61, %get3A_64, %dot_general3A_65 {dimension_numbers = #tpu.dot_dimension_numbers<[1], [1], [0], [0], [0, 0, 1, 0], [], []>, transpose_lhs_hint = false} : vector<1000x41xf32>, vector<128x41xf32>, vector<1000x128xf32> -> vector<1000x128xf32>
      %add3A_67 = arith.addf %add3A_60, %dot_general3A_66 : vector<1000x128xf32>
      %add3A_68 = arith.addf %add3A_54, %add3A_67 : vector<1000x128xf32>
      %mul3A_69 = arith.mulf %add3A_67, %add3A_67 : vector<1000x128xf32>
      %add3A_70 = arith.addf %mul3A, %mul3A_69 : vector<1000x128xf32>
      %get3A_71 = arith.constant 2 : index
      %get3A_72 = arith.constant 0 : index
      %get3A_73 = arith.constant 0 : index
      %get3A_74 = vector.load %arg3[%get3A_71, %get3A_72, %get3A_73] : memref<12x1000x128xf32, #tpu.memory_space<vmem>>, vector<1x1000x128xf32>
      %get3A_75 = vector.shape_cast %get3A_74 : vector<1x1000x128xf32> to vector<1000x128xf32>
      %add3A_76 = arith.addf %add3A_21, %get3A_75 : vector<1000x128xf32>
      %slice3A_77 = vector.extract_strided_slice %get3A_42 {offsets = [0, 82], sizes = [1000, 41], strides = [1, 1]} : vector<1000x492xf32> to vector<1000x41xf32>
      %get3A_78 = arith.constant 0 : index
      %get3A_79 = arith.constant 0 : index
      %get3A_80 = vector.load %arg6[%get3A_78, %get3A_79] : memref<128x41xf32, #tpu.memory_space<vmem>>, vector<128x41xf32>
      %dot_general3A_81 = arith.constant dense<0.000000e+00> : vector<1000x128xf32>
      %dot_general3A_82 = tpu.matmul %slice3A_77, %get3A_80, %dot_general3A_81 {dimension_numbers = #tpu.dot_dimension_numbers<[1], [1], [0], [0], [0, 0, 1, 0], [], []>, transpose_lhs_hint = false} : vector<1000x41xf32>, vector<128x41xf32>, vector<1000x128xf32> -> vector<1000x128xf32>
      %add3A_83 = arith.addf %add3A_76, %dot_general3A_82 : vector<1000x128xf32>
      %add3A_84 = arith.addf %add3A_68, %add3A_83 : vector<1000x128xf32>
      %mul3A_85 = arith.mulf %add3A_83, %add3A_83 : vector<1000x128xf32>
      %add3A_86 = arith.addf %add3A_70, %mul3A_85 : vector<1000x128xf32>
      %get3A_87 = arith.constant 3 : index
      %get3A_88 = arith.constant 0 : index
      %get3A_89 = arith.constant 0 : index
      %get3A_90 = vector.load %arg3[%get3A_87, %get3A_88, %get3A_89] : memref<12x1000x128xf32, #tpu.memory_space<vmem>>, vector<1x1000x128xf32>
      %get3A_91 = vector.shape_cast %get3A_90 : vector<1x1000x128xf32> to vector<1000x128xf32>
      %add3A_92 = arith.addf %add3A_21, %get3A_91 : vector<1000x128xf32>
      %slice3A_93 = vector.extract_strided_slice %get3A_42 {offsets = [0, 123], sizes = [1000, 41], strides = [1, 1]} : vector<1000x492xf32> to vector<1000x41xf32>
      %get3A_94 = arith.constant 0 : index
      %get3A_95 = arith.constant 0 : index
      %get3A_96 = vector.load %arg6[%get3A_94, %get3A_95] : memref<128x41xf32, #tpu.memory_space<vmem>>, vector<128x41xf32>
      %dot_general3A_97 = arith.constant dense<0.000000e+00> : vector<1000x128xf32>
      %dot_general3A_98 = tpu.matmul %slice3A_93, %get3A_96, %dot_general3A_97 {dimension_numbers = #tpu.dot_dimension_numbers<[1], [1], [0], [0], [0, 0, 1, 0], [], []>, transpose_lhs_hint = false} : vector<1000x41xf32>, vector<128x41xf32>, vector<1000x128xf32> -> vector<1000x128xf32>
      %add3A_99 = arith.addf %add3A_92, %dot_general3A_98 : vector<1000x128xf32>
      %add3A_100 = arith.addf %add3A_84, %add3A_99 : vector<1000x128xf32>
      %mul3A_101 = arith.mulf %add3A_99, %add3A_99 : vector<1000x128xf32>
      %add3A_102 = arith.addf %add3A_86, %mul3A_101 : vector<1000x128xf32>
      %get3A_103 = arith.constant 4 : index
      %get3A_104 = arith.constant 0 : index
      %get3A_105 = arith.constant 0 : index
      %get3A_106 = vector.load %arg3[%get3A_103, %get3A_104, %get3A_105] : memref<12x1000x128xf32, #tpu.memory_space<vmem>>, vector<1x1000x128xf32>
      %get3A_107 = vector.shape_cast %get3A_106 : vector<1x1000x128xf32> to vector<1000x128xf32>
      %add3A_108 = arith.addf %add3A_21, %get3A_107 : vector<1000x128xf32>
      %slice3A_109 = vector.extract_strided_slice %get3A_42 {offsets = [0, 164], sizes = [1000, 41], strides = [1, 1]} : vector<1000x492xf32> to vector<1000x41xf32>
      %get3A_110 = arith.constant 0 : index
      %get3A_111 = arith.constant 0 : index
      %get3A_112 = vector.load %arg6[%get3A_110, %get3A_111] : memref<128x41xf32, #tpu.memory_space<vmem>>, vector<128x41xf32>
      %dot_general3A_113 = arith.constant dense<0.000000e+00> : vector<1000x128xf32>
      %dot_general3A_114 = tpu.matmul %slice3A_109, %get3A_112, %dot_general3A_113 {dimension_numbers = #tpu.dot_dimension_numbers<[1], [1], [0], [0], [0, 0, 1, 0], [], []>, transpose_lhs_hint = false} : vector<1000x41xf32>, vector<128x41xf32>, vector<1000x128xf32> -> vector<1000x128xf32>
      %add3A_115 = arith.addf %add3A_108, %dot_general3A_114 : vector<1000x128xf32>
      %add3A_116 = arith.addf %add3A_100, %add3A_115 : vector<1000x128xf32>
      %mul3A_117 = arith.mulf %add3A_115, %add3A_115 : vector<1000x128xf32>
      %add3A_118 = arith.addf %add3A_102, %mul3A_117 : vector<1000x128xf32>
      %get3A_119 = arith.constant 5 : index
      %get3A_120 = arith.constant 0 : index
      %get3A_121 = arith.constant 0 : index
      %get3A_122 = vector.load %arg3[%get3A_119, %get3A_120, %get3A_121] : memref<12x1000x128xf32, #tpu.memory_space<vmem>>, vector<1x1000x128xf32>
      %get3A_123 = vector.shape_cast %get3A_122 : vector<1x1000x128xf32> to vector<1000x128xf32>
      %add3A_124 = arith.addf %add3A_21, %get3A_123 : vector<1000x128xf32>
      %slice3A_125 = vector.extract_strided_slice %get3A_42 {offsets = [0, 205], sizes = [1000, 41], strides = [1, 1]} : vector<1000x492xf32> to vector<1000x41xf32>
      %get3A_126 = arith.constant 0 : index
      %get3A_127 = arith.constant 0 : index
      %get3A_128 = vector.load %arg6[%get3A_126, %get3A_127] : memref<128x41xf32, #tpu.memory_space<vmem>>, vector<128x41xf32>
      %dot_general3A_129 = arith.constant dense<0.000000e+00> : vector<1000x128xf32>
      %dot_general3A_130 = tpu.matmul %slice3A_125, %get3A_128, %dot_general3A_129 {dimension_numbers = #tpu.dot_dimension_numbers<[1], [1], [0], [0], [0, 0, 1, 0], [], []>, transpose_lhs_hint = false} : vector<1000x41xf32>, vector<128x41xf32>, vector<1000x128xf32> -> vector<1000x128xf32>
      %add3A_131 = arith.addf %add3A_124, %dot_general3A_130 : vector<1000x128xf32>
      %add3A_132 = arith.addf %add3A_116, %add3A_131 : vector<1000x128xf32>
      %mul3A_133 = arith.mulf %add3A_131, %add3A_131 : vector<1000x128xf32>
      %add3A_134 = arith.addf %add3A_118, %mul3A_133 : vector<1000x128xf32>
      %get3A_135 = arith.constant 6 : index
      %get3A_136 = arith.constant 0 : index
      %get3A_137 = arith.constant 0 : index
      %get3A_138 = vector.load %arg3[%get3A_135, %get3A_136, %get3A_137] : memref<12x1000x128xf32, #tpu.memory_space<vmem>>, vector<1x1000x128xf32>
      %get3A_139 = vector.shape_cast %get3A_138 : vector<1x1000x128xf32> to vector<1000x128xf32>
      %add3A_140 = arith.addf %add3A_21, %get3A_139 : vector<1000x128xf32>
      %slice3A_141 = vector.extract_strided_slice %get3A_42 {offsets = [0, 246], sizes = [1000, 41], strides = [1, 1]} : vector<1000x492xf32> to vector<1000x41xf32>
      %get3A_142 = arith.constant 0 : index
      %get3A_143 = arith.constant 0 : index
      %get3A_144 = vector.load %arg6[%get3A_142, %get3A_143] : memref<128x41xf32, #tpu.memory_space<vmem>>, vector<128x41xf32>
      %dot_general3A_145 = arith.constant dense<0.000000e+00> : vector<1000x128xf32>
      %dot_general3A_146 = tpu.matmul %slice3A_141, %get3A_144, %dot_general3A_145 {dimension_numbers = #tpu.dot_dimension_numbers<[1], [1], [0], [0], [0, 0, 1, 0], [], []>, transpose_lhs_hint = false} : vector<1000x41xf32>, vector<128x41xf32>, vector<1000x128xf32> -> vector<1000x128xf32>
      %add3A_147 = arith.addf %add3A_140, %dot_general3A_146 : vector<1000x128xf32>
      %add3A_148 = arith.addf %add3A_132, %add3A_147 : vector<1000x128xf32>
      %mul3A_149 = arith.mulf %add3A_147, %add3A_147 : vector<1000x128xf32>
      %add3A_150 = arith.addf %add3A_134, %mul3A_149 : vector<1000x128xf32>
      %get3A_151 = arith.constant 7 : index
      %get3A_152 = arith.constant 0 : index
      %get3A_153 = arith.constant 0 : index
      %get3A_154 = vector.load %arg3[%get3A_151, %get3A_152, %get3A_153] : memref<12x1000x128xf32, #tpu.memory_space<vmem>>, vector<1x1000x128xf32>
      %get3A_155 = vector.shape_cast %get3A_154 : vector<1x1000x128xf32> to vector<1000x128xf32>
      %add3A_156 = arith.addf %add3A_21, %get3A_155 : vector<1000x128xf32>
      %slice3A_157 = vector.extract_strided_slice %get3A_42 {offsets = [0, 287], sizes = [1000, 41], strides = [1, 1]} : vector<1000x492xf32> to vector<1000x41xf32>
      %get3A_158 = arith.constant 0 : index
      %get3A_159 = arith.constant 0 : index
      %get3A_160 = vector.load %arg6[%get3A_158, %get3A_159] : memref<128x41xf32, #tpu.memory_space<vmem>>, vector<128x41xf32>
      %dot_general3A_161 = arith.constant dense<0.000000e+00> : vector<1000x128xf32>
      %dot_general3A_162 = tpu.matmul %slice3A_157, %get3A_160, %dot_general3A_161 {dimension_numbers = #tpu.dot_dimension_numbers<[1], [1], [0], [0], [0, 0, 1, 0], [], []>, transpose_lhs_hint = false} : vector<1000x41xf32>, vector<128x41xf32>, vector<1000x128xf32> -> vector<1000x128xf32>
      %add3A_163 = arith.addf %add3A_156, %dot_general3A_162 : vector<1000x128xf32>
      %add3A_164 = arith.addf %add3A_148, %add3A_163 : vector<1000x128xf32>
      %mul3A_165 = arith.mulf %add3A_163, %add3A_163 : vector<1000x128xf32>
      %add3A_166 = arith.addf %add3A_150, %mul3A_165 : vector<1000x128xf32>
      %get3A_167 = arith.constant 8 : index
      %get3A_168 = arith.constant 0 : index
      %get3A_169 = arith.constant 0 : index
      %get3A_170 = vector.load %arg3[%get3A_167, %get3A_168, %get3A_169] : memref<12x1000x128xf32, #tpu.memory_space<vmem>>, vector<1x1000x128xf32>
      %get3A_171 = vector.shape_cast %get3A_170 : vector<1x1000x128xf32> to vector<1000x128xf32>
      %add3A_172 = arith.addf %add3A_21, %get3A_171 : vector<1000x128xf32>
      %slice3A_173 = vector.extract_strided_slice %get3A_42 {offsets = [0, 328], sizes = [1000, 41], strides = [1, 1]} : vector<1000x492xf32> to vector<1000x41xf32>
      %get3A_174 = arith.constant 0 : index
      %get3A_175 = arith.constant 0 : index
      %get3A_176 = vector.load %arg6[%get3A_174, %get3A_175] : memref<128x41xf32, #tpu.memory_space<vmem>>, vector<128x41xf32>
      %dot_general3A_177 = arith.constant dense<0.000000e+00> : vector<1000x128xf32>
      %dot_general3A_178 = tpu.matmul %slice3A_173, %get3A_176, %dot_general3A_177 {dimension_numbers = #tpu.dot_dimension_numbers<[1], [1], [0], [0], [0, 0, 1, 0], [], []>, transpose_lhs_hint = false} : vector<1000x41xf32>, vector<128x41xf32>, vector<1000x128xf32> -> vector<1000x128xf32>
      %add3A_179 = arith.addf %add3A_172, %dot_general3A_178 : vector<1000x128xf32>
      %add3A_180 = arith.addf %add3A_164, %add3A_179 : vector<1000x128xf32>
      %mul3A_181 = arith.mulf %add3A_179, %add3A_179 : vector<1000x128xf32>
      %add3A_182 = arith.addf %add3A_166, %mul3A_181 : vector<1000x128xf32>
      %get3A_183 = arith.constant 9 : index
      %get3A_184 = arith.constant 0 : index
      %get3A_185 = arith.constant 0 : index
      %get3A_186 = vector.load %arg3[%get3A_183, %get3A_184, %get3A_185] : memref<12x1000x128xf32, #tpu.memory_space<vmem>>, vector<1x1000x128xf32>
      %get3A_187 = vector.shape_cast %get3A_186 : vector<1x1000x128xf32> to vector<1000x128xf32>
      %add3A_188 = arith.addf %add3A_21, %get3A_187 : vector<1000x128xf32>
      %slice3A_189 = vector.extract_strided_slice %get3A_42 {offsets = [0, 369], sizes = [1000, 41], strides = [1, 1]} : vector<1000x492xf32> to vector<1000x41xf32>
      %get3A_190 = arith.constant 0 : index
      %get3A_191 = arith.constant 0 : index
      %get3A_192 = vector.load %arg6[%get3A_190, %get3A_191] : memref<128x41xf32, #tpu.memory_space<vmem>>, vector<128x41xf32>
      %dot_general3A_193 = arith.constant dense<0.000000e+00> : vector<1000x128xf32>
      %dot_general3A_194 = tpu.matmul %slice3A_189, %get3A_192, %dot_general3A_193 {dimension_numbers = #tpu.dot_dimension_numbers<[1], [1], [0], [0], [0, 0, 1, 0], [], []>, transpose_lhs_hint = false} : vector<1000x41xf32>, vector<128x41xf32>, vector<1000x128xf32> -> vector<1000x128xf32>
      %add3A_195 = arith.addf %add3A_188, %dot_general3A_194 : vector<1000x128xf32>
      %add3A_196 = arith.addf %add3A_180, %add3A_195 : vector<1000x128xf32>
      %mul3A_197 = arith.mulf %add3A_195, %add3A_195 : vector<1000x128xf32>
      %add3A_198 = arith.addf %add3A_182, %mul3A_197 : vector<1000x128xf32>
      %get3A_199 = arith.constant 10 : index
      %get3A_200 = arith.constant 0 : index
      %get3A_201 = arith.constant 0 : index
      %get3A_202 = vector.load %arg3[%get3A_199, %get3A_200, %get3A_201] : memref<12x1000x128xf32, #tpu.memory_space<vmem>>, vector<1x1000x128xf32>
      %get3A_203 = vector.shape_cast %get3A_202 : vector<1x1000x128xf32> to vector<1000x128xf32>
      %add3A_204 = arith.addf %add3A_21, %get3A_203 : vector<1000x128xf32>
      %slice3A_205 = vector.extract_strided_slice %get3A_42 {offsets = [0, 410], sizes = [1000, 41], strides = [1, 1]} : vector<1000x492xf32> to vector<1000x41xf32>
      %get3A_206 = arith.constant 0 : index
      %get3A_207 = arith.constant 0 : index
      %get3A_208 = vector.load %arg6[%get3A_206, %get3A_207] : memref<128x41xf32, #tpu.memory_space<vmem>>, vector<128x41xf32>
      %dot_general3A_209 = arith.constant dense<0.000000e+00> : vector<1000x128xf32>
      %dot_general3A_210 = tpu.matmul %slice3A_205, %get3A_208, %dot_general3A_209 {dimension_numbers = #tpu.dot_dimension_numbers<[1], [1], [0], [0], [0, 0, 1, 0], [], []>, transpose_lhs_hint = false} : vector<1000x41xf32>, vector<128x41xf32>, vector<1000x128xf32> -> vector<1000x128xf32>
      %add3A_211 = arith.addf %add3A_204, %dot_general3A_210 : vector<1000x128xf32>
      %add3A_212 = arith.addf %add3A_196, %add3A_211 : vector<1000x128xf32>
      %mul3A_213 = arith.mulf %add3A_211, %add3A_211 : vector<1000x128xf32>
      %add3A_214 = arith.addf %add3A_198, %mul3A_213 : vector<1000x128xf32>
      %get3A_215 = arith.constant 11 : index
      %get3A_216 = arith.constant 0 : index
      %get3A_217 = arith.constant 0 : index
      %get3A_218 = vector.load %arg3[%get3A_215, %get3A_216, %get3A_217] : memref<12x1000x128xf32, #tpu.memory_space<vmem>>, vector<1x1000x128xf32>
      %get3A_219 = vector.shape_cast %get3A_218 : vector<1x1000x128xf32> to vector<1000x128xf32>
      %add3A_220 = arith.addf %add3A_21, %get3A_219 : vector<1000x128xf32>
      %slice3A_221 = vector.extract_strided_slice %get3A_42 {offsets = [0, 451], sizes = [1000, 41], strides = [1, 1]} : vector<1000x492xf32> to vector<1000x41xf32>
      %get3A_222 = arith.constant 0 : index
      %get3A_223 = arith.constant 0 : index
      %get3A_224 = vector.load %arg6[%get3A_222, %get3A_223] : memref<128x41xf32, #tpu.memory_space<vmem>>, vector<128x41xf32>
      %dot_general3A_225 = arith.constant dense<0.000000e+00> : vector<1000x128xf32>
      %dot_general3A_226 = tpu.matmul %slice3A_221, %get3A_224, %dot_general3A_225 {dimension_numbers = #tpu.dot_dimension_numbers<[1], [1], [0], [0], [0, 0, 1, 0], [], []>, transpose_lhs_hint = false} : vector<1000x41xf32>, vector<128x41xf32>, vector<1000x128xf32> -> vector<1000x128xf32>
      %add3A_227 = arith.addf %add3A_220, %dot_general3A_226 : vector<1000x128xf32>
      %add3A_228 = arith.addf %add3A_212, %add3A_227 : vector<1000x128xf32>
      %mul3A_229 = arith.mulf %add3A_227, %add3A_227 : vector<1000x128xf32>
      %add3A_230 = arith.addf %add3A_214, %mul3A_229 : vector<1000x128xf32>
      %get3A_231 = arith.constant 0 : index
      %get3A_232 = arith.constant 0 : index
      %get3A_233 = vector.load %arg12[%get3A_231, %get3A_232] : memref<8x128xf32, #tpu.memory_space<vmem>>, vector<1x128xf32>
      %reduce_sum3A = arith.constant dense<0.000000e+00> : vector<128xf32>
      %reduce_sum3A_234 = vector.multi_reduction <add>, %add3A_228, %reduce_sum3A [0] : vector<1000x128xf32> to vector<128xf32>
      %broadcast_in_dim3A = vector.shape_cast %reduce_sum3A_234 : vector<128xf32> to vector<1x128xf32>
      %add3A_235 = arith.addf %get3A_233, %broadcast_in_dim3A : vector<1x128xf32>
      %swap3A = arith.constant 0 : index
      %swap3A_236 = arith.constant 0 : index
      %swap3A_237 = vector.load %arg12[%swap3A, %swap3A_236] : memref<8x128xf32, #tpu.memory_space<vmem>>, vector<1x128xf32>
      tpu.vector_store %arg12[%swap3A, %swap3A_236], %add3A_235 {strides = array<i32>} : memref<8x128xf32, #tpu.memory_space<vmem>>, vector<1x128xf32>,
      %get3A_238 = arith.constant 1 : index
      %get3A_239 = arith.constant 0 : index
      %get3A_240 = vector.load %arg12[%get3A_238, %get3A_239] : memref<8x128xf32, #tpu.memory_space<vmem>>, vector<1x128xf32>
      %reduce_sum3A_241 = arith.constant dense<0.000000e+00> : vector<128xf32>
      %reduce_sum3A_242 = vector.multi_reduction <add>, %add3A_230, %reduce_sum3A_241 [0] : vector<1000x128xf32> to vector<128xf32>
      %broadcast_in_dim3A_243 = vector.shape_cast %reduce_sum3A_242 : vector<128xf32> to vector<1x128xf32>
      %add3A_244 = arith.addf %get3A_240, %broadcast_in_dim3A_243 : vector<1x128xf32>
      %swap3A_245 = arith.constant 1 : index
      %swap3A_246 = arith.constant 0 : index
      %swap3A_247 = vector.load %arg12[%swap3A_245, %swap3A_246] : memref<8x128xf32, #tpu.memory_space<vmem>>, vector<1x128xf32>
      tpu.vector_store %arg12[%swap3A_245, %swap3A_246], %add3A_244 {strides = array<i32>} : memref<8x128xf32, #tpu.memory_space<vmem>>, vector<1x128xf32>,
    } else {
    }
    %eq3A_27 = arith.constant 1 : i32
    %eq3A_28 = arith.cmpi eq, %arg0, %eq3A_27 : i32
    %convert_element_type3A_29 = arith.extui %eq3A_28 : i1 to i32
    %cond3A_30 = arith.constant 0 : i32
    %cond3A_31 = arith.cmpi ne, %convert_element_type3A_29, %cond3A_30 : i32
    scf.if %cond3A_31 {
      %get3A_40 = arith.constant 0 : index
      %get3A_41 = arith.constant 0 : index
      %get3A_42 = vector.load %arg4[%get3A_40, %get3A_41] : memref<1000x492xf32, #tpu.memory_space<vmem>>, vector<1000x492xf32>
      %get3A_43 = arith.constant 2 : index
      %get3A_44 = arith.constant 0 : index
      %get3A_45 = vector.load %arg12[%get3A_43, %get3A_44] : memref<8x128xf32, #tpu.memory_space<vmem>>, vector<1x128xf32>
      %get3A_46 = arith.constant 3 : index
      %get3A_47 = arith.constant 0 : index
      %get3A_48 = vector.load %arg12[%get3A_46, %get3A_47] : memref<8x128xf32, #tpu.memory_space<vmem>>, vector<1x128xf32>
      %get3A_49 = arith.constant 0 : index
      %get3A_50 = arith.constant 0 : index
      %get3A_51 = vector.load %arg8[%get3A_49, %get3A_50] : memref<1x128xf32, #tpu.memory_space<vmem>>, vector<1x128xf32>
      %mul3A = arith.mulf %get3A_48, %get3A_51 : vector<1x128xf32>
      %get3A_52 = arith.constant 0 : index
      %get3A_53 = arith.constant 0 : index
      %get3A_54 = vector.load %arg9[%get3A_52, %get3A_53] : memref<1x128xf32, #tpu.memory_space<vmem>>, vector<1x128xf32>
      %broadcast_in_dim3A = arith.constant 0.000000e+00 : f32
      %broadcast_in_dim3A_55 = vector.broadcast %broadcast_in_dim3A : f32 to vector<1000x64xf32>
      %get3A_56 = arith.constant 0 : index
      %get3A_57 = arith.constant 0 : index
      %get3A_58 = arith.constant 0 : index
      %get3A_59 = vector.load %arg3[%get3A_56, %get3A_57, %get3A_58] : memref<12x1000x128xf32, #tpu.memory_space<vmem>>, vector<1x1000x128xf32>
      %get3A_60 = vector.shape_cast %get3A_59 : vector<1x1000x128xf32> to vector<1000x128xf32>
      %add3A_61 = arith.addf %add3A_21, %get3A_60 : vector<1000x128xf32>
      %slice3A = vector.extract_strided_slice %get3A_42 {offsets = [0, 0], sizes = [1000, 41], strides = [1, 1]} : vector<1000x492xf32> to vector<1000x41xf32>
      %get3A_62 = arith.constant 0 : index
      %get3A_63 = arith.constant 0 : index
      %get3A_64 = vector.load %arg6[%get3A_62, %get3A_63] : memref<128x41xf32, #tpu.memory_space<vmem>>, vector<128x41xf32>
      %dot_general3A_65 = arith.constant dense<0.000000e+00> : vector<1000x128xf32>
      %dot_general3A_66 = tpu.matmul %slice3A, %get3A_64, %dot_general3A_65 {dimension_numbers = #tpu.dot_dimension_numbers<[1], [1], [0], [0], [0, 0, 1, 0], [], []>, transpose_lhs_hint = false} : vector<1000x41xf32>, vector<128x41xf32>, vector<1000x128xf32> -> vector<1000x128xf32>
      %add3A_67 = arith.addf %add3A_61, %dot_general3A_66 : vector<1000x128xf32>
      %sub3A = vector.broadcast %get3A_45 : vector<1x128xf32> to vector<1000x128xf32>
      %sub3A_68 = arith.subf %add3A_67, %sub3A : vector<1000x128xf32>
      %mul3A_69 = vector.broadcast %mul3A : vector<1x128xf32> to vector<1000x128xf32>
      %mul3A_70 = arith.mulf %sub3A_68, %mul3A_69 : vector<1000x128xf32>
      %add3A_71 = vector.broadcast %get3A_54 : vector<1x128xf32> to vector<1000x128xf32>
      %add3A_72 = arith.addf %mul3A_70, %add3A_71 : vector<1000x128xf32>
      %slice3A_73 = vector.extract_strided_slice %add3A_72 {offsets = [0, 0], sizes = [1000, 64], strides = [1, 1]} : vector<1000x128xf32> to vector<1000x64xf32>
      %mul3A_74 = arith.constant 5.000000e-01 : f32
      %mul3A_75 = vector.broadcast %mul3A_74 : f32 to vector<1000x64xf32>
      %mul3A_76 = arith.mulf %mul3A_75, %slice3A_73 : vector<1000x64xf32>
      %tanh3A = math.tanh %mul3A_76 : vector<1000x64xf32>
      %mul3A_77 = arith.constant 5.000000e-01 : f32
      %mul3A_78 = vector.broadcast %mul3A_77 : f32 to vector<1000x64xf32>
      %mul3A_79 = arith.mulf %mul3A_78, %tanh3A : vector<1000x64xf32>
      %add3A_80 = arith.constant 5.000000e-01 : f32
      %add3A_81 = vector.broadcast %add3A_80 : f32 to vector<1000x64xf32>
      %add3A_82 = arith.addf %add3A_81, %mul3A_79 : vector<1000x64xf32>
      %slice3A_83 = vector.extract_strided_slice %add3A_72 {offsets = [0, 64], sizes = [1000, 64], strides = [1, 1]} : vector<1000x128xf32> to vector<1000x64xf32>
      %max3A = arith.constant 0.000000e+00 : f32
      %max3A_84 = vector.broadcast %max3A : f32 to vector<1000x64xf32>
      %max3A_85 = arith.maximumf %slice3A_83, %max3A_84 : vector<1000x64xf32>
      %abs3A = math.absf %slice3A_83 : vector<1000x64xf32>
      %neg3A = arith.constant 0.000000e+00 : f32
      %neg3A_86 = vector.broadcast %neg3A : f32 to vector<1000x64xf32>
      %neg3A_87 = arith.subf %neg3A_86, %abs3A : vector<1000x64xf32>
      %exp3A = math.exp %neg3A_87 : vector<1000x64xf32>
      %add3A_88 = arith.constant 1.000000e+00 : f32
      %add3A_89 = vector.broadcast %add3A_88 : f32 to vector<1000x64xf32>
      %add3A_90 = arith.addf %add3A_89, %exp3A : vector<1000x64xf32>
      %log3A = math.log %add3A_90 : vector<1000x64xf32>
      %add3A_91 = arith.addf %max3A_85, %log3A : vector<1000x64xf32>
      %mul3A_92 = arith.mulf %add3A_82, %add3A_91 : vector<1000x64xf32>
      %add3A_93 = arith.addf %broadcast_in_dim3A_55, %mul3A_92 : vector<1000x64xf32>
      %get3A_94 = arith.constant 1 : index
      %get3A_95 = arith.constant 0 : index
      %get3A_96 = arith.constant 0 : index
      %get3A_97 = vector.load %arg3[%get3A_94, %get3A_95, %get3A_96] : memref<12x1000x128xf32, #tpu.memory_space<vmem>>, vector<1x1000x128xf32>
      %get3A_98 = vector.shape_cast %get3A_97 : vector<1x1000x128xf32> to vector<1000x128xf32>
      %add3A_99 = arith.addf %add3A_21, %get3A_98 : vector<1000x128xf32>
      %slice3A_100 = vector.extract_strided_slice %get3A_42 {offsets = [0, 41], sizes = [1000, 41], strides = [1, 1]} : vector<1000x492xf32> to vector<1000x41xf32>
      %get3A_101 = arith.constant 0 : index
      %get3A_102 = arith.constant 0 : index
      %get3A_103 = vector.load %arg6[%get3A_101, %get3A_102] : memref<128x41xf32, #tpu.memory_space<vmem>>, vector<128x41xf32>
      %dot_general3A_104 = arith.constant dense<0.000000e+00> : vector<1000x128xf32>
      %dot_general3A_105 = tpu.matmul %slice3A_100, %get3A_103, %dot_general3A_104 {dimension_numbers = #tpu.dot_dimension_numbers<[1], [1], [0], [0], [0, 0, 1, 0], [], []>, transpose_lhs_hint = false} : vector<1000x41xf32>, vector<128x41xf32>, vector<1000x128xf32> -> vector<1000x128xf32>
      %add3A_106 = arith.addf %add3A_99, %dot_general3A_105 : vector<1000x128xf32>
      %sub3A_107 = vector.broadcast %get3A_45 : vector<1x128xf32> to vector<1000x128xf32>
      %sub3A_108 = arith.subf %add3A_106, %sub3A_107 : vector<1000x128xf32>
      %mul3A_109 = vector.broadcast %mul3A : vector<1x128xf32> to vector<1000x128xf32>
      %mul3A_110 = arith.mulf %sub3A_108, %mul3A_109 : vector<1000x128xf32>
      %add3A_111 = vector.broadcast %get3A_54 : vector<1x128xf32> to vector<1000x128xf32>
      %add3A_112 = arith.addf %mul3A_110, %add3A_111 : vector<1000x128xf32>
      %slice3A_113 = vector.extract_strided_slice %add3A_112 {offsets = [0, 0], sizes = [1000, 64], strides = [1, 1]} : vector<1000x128xf32> to vector<1000x64xf32>
      %mul3A_114 = arith.constant 5.000000e-01 : f32
      %mul3A_115 = vector.broadcast %mul3A_114 : f32 to vector<1000x64xf32>
      %mul3A_116 = arith.mulf %mul3A_115, %slice3A_113 : vector<1000x64xf32>
      %tanh3A_117 = math.tanh %mul3A_116 : vector<1000x64xf32>
      %mul3A_118 = arith.constant 5.000000e-01 : f32
      %mul3A_119 = vector.broadcast %mul3A_118 : f32 to vector<1000x64xf32>
      %mul3A_120 = arith.mulf %mul3A_119, %tanh3A_117 : vector<1000x64xf32>
      %add3A_121 = arith.constant 5.000000e-01 : f32
      %add3A_122 = vector.broadcast %add3A_121 : f32 to vector<1000x64xf32>
      %add3A_123 = arith.addf %add3A_122, %mul3A_120 : vector<1000x64xf32>
      %slice3A_124 = vector.extract_strided_slice %add3A_112 {offsets = [0, 64], sizes = [1000, 64], strides = [1, 1]} : vector<1000x128xf32> to vector<1000x64xf32>
      %max3A_125 = arith.constant 0.000000e+00 : f32
      %max3A_126 = vector.broadcast %max3A_125 : f32 to vector<1000x64xf32>
      %max3A_127 = arith.maximumf %slice3A_124, %max3A_126 : vector<1000x64xf32>
      %abs3A_128 = math.absf %slice3A_124 : vector<1000x64xf32>
      %neg3A_129 = arith.constant 0.000000e+00 : f32
      %neg3A_130 = vector.broadcast %neg3A_129 : f32 to vector<1000x64xf32>
      %neg3A_131 = arith.subf %neg3A_130, %abs3A_128 : vector<1000x64xf32>
      %exp3A_132 = math.exp %neg3A_131 : vector<1000x64xf32>
      %add3A_133 = arith.constant 1.000000e+00 : f32
      %add3A_134 = vector.broadcast %add3A_133 : f32 to vector<1000x64xf32>
      %add3A_135 = arith.addf %add3A_134, %exp3A_132 : vector<1000x64xf32>
      %log3A_136 = math.log %add3A_135 : vector<1000x64xf32>
      %add3A_137 = arith.addf %max3A_127, %log3A_136 : vector<1000x64xf32>
      %mul3A_138 = arith.mulf %add3A_123, %add3A_137 : vector<1000x64xf32>
      %add3A_139 = arith.addf %add3A_93, %mul3A_138 : vector<1000x64xf32>
      %get3A_140 = arith.constant 2 : index
      %get3A_141 = arith.constant 0 : index
      %get3A_142 = arith.constant 0 : index
      %get3A_143 = vector.load %arg3[%get3A_140, %get3A_141, %get3A_142] : memref<12x1000x128xf32, #tpu.memory_space<vmem>>, vector<1x1000x128xf32>
      %get3A_144 = vector.shape_cast %get3A_143 : vector<1x1000x128xf32> to vector<1000x128xf32>
      %add3A_145 = arith.addf %add3A_21, %get3A_144 : vector<1000x128xf32>
      %slice3A_146 = vector.extract_strided_slice %get3A_42 {offsets = [0, 82], sizes = [1000, 41], strides = [1, 1]} : vector<1000x492xf32> to vector<1000x41xf32>
      %get3A_147 = arith.constant 0 : index
      %get3A_148 = arith.constant 0 : index
      %get3A_149 = vector.load %arg6[%get3A_147, %get3A_148] : memref<128x41xf32, #tpu.memory_space<vmem>>, vector<128x41xf32>
      %dot_general3A_150 = arith.constant dense<0.000000e+00> : vector<1000x128xf32>
      %dot_general3A_151 = tpu.matmul %slice3A_146, %get3A_149, %dot_general3A_150 {dimension_numbers = #tpu.dot_dimension_numbers<[1], [1], [0], [0], [0, 0, 1, 0], [], []>, transpose_lhs_hint = false} : vector<1000x41xf32>, vector<128x41xf32>, vector<1000x128xf32> -> vector<1000x128xf32>
      %add3A_152 = arith.addf %add3A_145, %dot_general3A_151 : vector<1000x128xf32>
      %sub3A_153 = vector.broadcast %get3A_45 : vector<1x128xf32> to vector<1000x128xf32>
      %sub3A_154 = arith.subf %add3A_152, %sub3A_153 : vector<1000x128xf32>
      %mul3A_155 = vector.broadcast %mul3A : vector<1x128xf32> to vector<1000x128xf32>
      %mul3A_156 = arith.mulf %sub3A_154, %mul3A_155 : vector<1000x128xf32>
      %add3A_157 = vector.broadcast %get3A_54 : vector<1x128xf32> to vector<1000x128xf32>
      %add3A_158 = arith.addf %mul3A_156, %add3A_157 : vector<1000x128xf32>
      %slice3A_159 = vector.extract_strided_slice %add3A_158 {offsets = [0, 0], sizes = [1000, 64], strides = [1, 1]} : vector<1000x128xf32> to vector<1000x64xf32>
      %mul3A_160 = arith.constant 5.000000e-01 : f32
      %mul3A_161 = vector.broadcast %mul3A_160 : f32 to vector<1000x64xf32>
      %mul3A_162 = arith.mulf %mul3A_161, %slice3A_159 : vector<1000x64xf32>
      %tanh3A_163 = math.tanh %mul3A_162 : vector<1000x64xf32>
      %mul3A_164 = arith.constant 5.000000e-01 : f32
      %mul3A_165 = vector.broadcast %mul3A_164 : f32 to vector<1000x64xf32>
      %mul3A_166 = arith.mulf %mul3A_165, %tanh3A_163 : vector<1000x64xf32>
      %add3A_167 = arith.constant 5.000000e-01 : f32
      %add3A_168 = vector.broadcast %add3A_167 : f32 to vector<1000x64xf32>
      %add3A_169 = arith.addf %add3A_168, %mul3A_166 : vector<1000x64xf32>
      %slice3A_170 = vector.extract_strided_slice %add3A_158 {offsets = [0, 64], sizes = [1000, 64], strides = [1, 1]} : vector<1000x128xf32> to vector<1000x64xf32>
      %max3A_171 = arith.constant 0.000000e+00 : f32
      %max3A_172 = vector.broadcast %max3A_171 : f32 to vector<1000x64xf32>
      %max3A_173 = arith.maximumf %slice3A_170, %max3A_172 : vector<1000x64xf32>
      %abs3A_174 = math.absf %slice3A_170 : vector<1000x64xf32>
      %neg3A_175 = arith.constant 0.000000e+00 : f32
      %neg3A_176 = vector.broadcast %neg3A_175 : f32 to vector<1000x64xf32>
      %neg3A_177 = arith.subf %neg3A_176, %abs3A_174 : vector<1000x64xf32>
      %exp3A_178 = math.exp %neg3A_177 : vector<1000x64xf32>
      %add3A_179 = arith.constant 1.000000e+00 : f32
      %add3A_180 = vector.broadcast %add3A_179 : f32 to vector<1000x64xf32>
      %add3A_181 = arith.addf %add3A_180, %exp3A_178 : vector<1000x64xf32>
      %log3A_182 = math.log %add3A_181 : vector<1000x64xf32>
      %add3A_183 = arith.addf %max3A_173, %log3A_182 : vector<1000x64xf32>
      %mul3A_184 = arith.mulf %add3A_169, %add3A_183 : vector<1000x64xf32>
      %add3A_185 = arith.addf %add3A_139, %mul3A_184 : vector<1000x64xf32>
      %get3A_186 = arith.constant 3 : index
      %get3A_187 = arith.constant 0 : index
      %get3A_188 = arith.constant 0 : index
      %get3A_189 = vector.load %arg3[%get3A_186, %get3A_187, %get3A_188] : memref<12x1000x128xf32, #tpu.memory_space<vmem>>, vector<1x1000x128xf32>
      %get3A_190 = vector.shape_cast %get3A_189 : vector<1x1000x128xf32> to vector<1000x128xf32>
      %add3A_191 = arith.addf %add3A_21, %get3A_190 : vector<1000x128xf32>
      %slice3A_192 = vector.extract_strided_slice %get3A_42 {offsets = [0, 123], sizes = [1000, 41], strides = [1, 1]} : vector<1000x492xf32> to vector<1000x41xf32>
      %get3A_193 = arith.constant 0 : index
      %get3A_194 = arith.constant 0 : index
      %get3A_195 = vector.load %arg6[%get3A_193, %get3A_194] : memref<128x41xf32, #tpu.memory_space<vmem>>, vector<128x41xf32>
      %dot_general3A_196 = arith.constant dense<0.000000e+00> : vector<1000x128xf32>
      %dot_general3A_197 = tpu.matmul %slice3A_192, %get3A_195, %dot_general3A_196 {dimension_numbers = #tpu.dot_dimension_numbers<[1], [1], [0], [0], [0, 0, 1, 0], [], []>, transpose_lhs_hint = false} : vector<1000x41xf32>, vector<128x41xf32>, vector<1000x128xf32> -> vector<1000x128xf32>
      %add3A_198 = arith.addf %add3A_191, %dot_general3A_197 : vector<1000x128xf32>
      %sub3A_199 = vector.broadcast %get3A_45 : vector<1x128xf32> to vector<1000x128xf32>
      %sub3A_200 = arith.subf %add3A_198, %sub3A_199 : vector<1000x128xf32>
      %mul3A_201 = vector.broadcast %mul3A : vector<1x128xf32> to vector<1000x128xf32>
      %mul3A_202 = arith.mulf %sub3A_200, %mul3A_201 : vector<1000x128xf32>
      %add3A_203 = vector.broadcast %get3A_54 : vector<1x128xf32> to vector<1000x128xf32>
      %add3A_204 = arith.addf %mul3A_202, %add3A_203 : vector<1000x128xf32>
      %slice3A_205 = vector.extract_strided_slice %add3A_204 {offsets = [0, 0], sizes = [1000, 64], strides = [1, 1]} : vector<1000x128xf32> to vector<1000x64xf32>
      %mul3A_206 = arith.constant 5.000000e-01 : f32
      %mul3A_207 = vector.broadcast %mul3A_206 : f32 to vector<1000x64xf32>
      %mul3A_208 = arith.mulf %mul3A_207, %slice3A_205 : vector<1000x64xf32>
      %tanh3A_209 = math.tanh %mul3A_208 : vector<1000x64xf32>
      %mul3A_210 = arith.constant 5.000000e-01 : f32
      %mul3A_211 = vector.broadcast %mul3A_210 : f32 to vector<1000x64xf32>
      %mul3A_212 = arith.mulf %mul3A_211, %tanh3A_209 : vector<1000x64xf32>
      %add3A_213 = arith.constant 5.000000e-01 : f32
      %add3A_214 = vector.broadcast %add3A_213 : f32 to vector<1000x64xf32>
      %add3A_215 = arith.addf %add3A_214, %mul3A_212 : vector<1000x64xf32>
      %slice3A_216 = vector.extract_strided_slice %add3A_204 {offsets = [0, 64], sizes = [1000, 64], strides = [1, 1]} : vector<1000x128xf32> to vector<1000x64xf32>
      %max3A_217 = arith.constant 0.000000e+00 : f32
      %max3A_218 = vector.broadcast %max3A_217 : f32 to vector<1000x64xf32>
      %max3A_219 = arith.maximumf %slice3A_216, %max3A_218 : vector<1000x64xf32>
      %abs3A_220 = math.absf %slice3A_216 : vector<1000x64xf32>
      %neg3A_221 = arith.constant 0.000000e+00 : f32
      %neg3A_222 = vector.broadcast %neg3A_221 : f32 to vector<1000x64xf32>
      %neg3A_223 = arith.subf %neg3A_222, %abs3A_220 : vector<1000x64xf32>
      %exp3A_224 = math.exp %neg3A_223 : vector<1000x64xf32>
      %add3A_225 = arith.constant 1.000000e+00 : f32
      %add3A_226 = vector.broadcast %add3A_225 : f32 to vector<1000x64xf32>
      %add3A_227 = arith.addf %add3A_226, %exp3A_224 : vector<1000x64xf32>
      %log3A_228 = math.log %add3A_227 : vector<1000x64xf32>
      %add3A_229 = arith.addf %max3A_219, %log3A_228 : vector<1000x64xf32>
      %mul3A_230 = arith.mulf %add3A_215, %add3A_229 : vector<1000x64xf32>
      %add3A_231 = arith.addf %add3A_185, %mul3A_230 : vector<1000x64xf32>
      %get3A_232 = arith.constant 4 : index
      %get3A_233 = arith.constant 0 : index
      %get3A_234 = arith.constant 0 : index
      %get3A_235 = vector.load %arg3[%get3A_232, %get3A_233, %get3A_234] : memref<12x1000x128xf32, #tpu.memory_space<vmem>>, vector<1x1000x128xf32>
      %get3A_236 = vector.shape_cast %get3A_235 : vector<1x1000x128xf32> to vector<1000x128xf32>
      %add3A_237 = arith.addf %add3A_21, %get3A_236 : vector<1000x128xf32>
      %slice3A_238 = vector.extract_strided_slice %get3A_42 {offsets = [0, 164], sizes = [1000, 41], strides = [1, 1]} : vector<1000x492xf32> to vector<1000x41xf32>
      %get3A_239 = arith.constant 0 : index
      %get3A_240 = arith.constant 0 : index
      %get3A_241 = vector.load %arg6[%get3A_239, %get3A_240] : memref<128x41xf32, #tpu.memory_space<vmem>>, vector<128x41xf32>
      %dot_general3A_242 = arith.constant dense<0.000000e+00> : vector<1000x128xf32>
      %dot_general3A_243 = tpu.matmul %slice3A_238, %get3A_241, %dot_general3A_242 {dimension_numbers = #tpu.dot_dimension_numbers<[1], [1], [0], [0], [0, 0, 1, 0], [], []>, transpose_lhs_hint = false} : vector<1000x41xf32>, vector<128x41xf32>, vector<1000x128xf32> -> vector<1000x128xf32>
      %add3A_244 = arith.addf %add3A_237, %dot_general3A_243 : vector<1000x128xf32>
      %sub3A_245 = vector.broadcast %get3A_45 : vector<1x128xf32> to vector<1000x128xf32>
      %sub3A_246 = arith.subf %add3A_244, %sub3A_245 : vector<1000x128xf32>
      %mul3A_247 = vector.broadcast %mul3A : vector<1x128xf32> to vector<1000x128xf32>
      %mul3A_248 = arith.mulf %sub3A_246, %mul3A_247 : vector<1000x128xf32>
      %add3A_249 = vector.broadcast %get3A_54 : vector<1x128xf32> to vector<1000x128xf32>
      %add3A_250 = arith.addf %mul3A_248, %add3A_249 : vector<1000x128xf32>
      %slice3A_251 = vector.extract_strided_slice %add3A_250 {offsets = [0, 0], sizes = [1000, 64], strides = [1, 1]} : vector<1000x128xf32> to vector<1000x64xf32>
      %mul3A_252 = arith.constant 5.000000e-01 : f32
      %mul3A_253 = vector.broadcast %mul3A_252 : f32 to vector<1000x64xf32>
      %mul3A_254 = arith.mulf %mul3A_253, %slice3A_251 : vector<1000x64xf32>
      %tanh3A_255 = math.tanh %mul3A_254 : vector<1000x64xf32>
      %mul3A_256 = arith.constant 5.000000e-01 : f32
      %mul3A_257 = vector.broadcast %mul3A_256 : f32 to vector<1000x64xf32>
      %mul3A_258 = arith.mulf %mul3A_257, %tanh3A_255 : vector<1000x64xf32>
      %add3A_259 = arith.constant 5.000000e-01 : f32
      %add3A_260 = vector.broadcast %add3A_259 : f32 to vector<1000x64xf32>
      %add3A_261 = arith.addf %add3A_260, %mul3A_258 : vector<1000x64xf32>
      %slice3A_262 = vector.extract_strided_slice %add3A_250 {offsets = [0, 64], sizes = [1000, 64], strides = [1, 1]} : vector<1000x128xf32> to vector<1000x64xf32>
      %max3A_263 = arith.constant 0.000000e+00 : f32
      %max3A_264 = vector.broadcast %max3A_263 : f32 to vector<1000x64xf32>
      %max3A_265 = arith.maximumf %slice3A_262, %max3A_264 : vector<1000x64xf32>
      %abs3A_266 = math.absf %slice3A_262 : vector<1000x64xf32>
      %neg3A_267 = arith.constant 0.000000e+00 : f32
      %neg3A_268 = vector.broadcast %neg3A_267 : f32 to vector<1000x64xf32>
      %neg3A_269 = arith.subf %neg3A_268, %abs3A_266 : vector<1000x64xf32>
      %exp3A_270 = math.exp %neg3A_269 : vector<1000x64xf32>
      %add3A_271 = arith.constant 1.000000e+00 : f32
      %add3A_272 = vector.broadcast %add3A_271 : f32 to vector<1000x64xf32>
      %add3A_273 = arith.addf %add3A_272, %exp3A_270 : vector<1000x64xf32>
      %log3A_274 = math.log %add3A_273 : vector<1000x64xf32>
      %add3A_275 = arith.addf %max3A_265, %log3A_274 : vector<1000x64xf32>
      %mul3A_276 = arith.mulf %add3A_261, %add3A_275 : vector<1000x64xf32>
      %add3A_277 = arith.addf %add3A_231, %mul3A_276 : vector<1000x64xf32>
      %get3A_278 = arith.constant 5 : index
      %get3A_279 = arith.constant 0 : index
      %get3A_280 = arith.constant 0 : index
      %get3A_281 = vector.load %arg3[%get3A_278, %get3A_279, %get3A_280] : memref<12x1000x128xf32, #tpu.memory_space<vmem>>, vector<1x1000x128xf32>
      %get3A_282 = vector.shape_cast %get3A_281 : vector<1x1000x128xf32> to vector<1000x128xf32>
      %add3A_283 = arith.addf %add3A_21, %get3A_282 : vector<1000x128xf32>
      %slice3A_284 = vector.extract_strided_slice %get3A_42 {offsets = [0, 205], sizes = [1000, 41], strides = [1, 1]} : vector<1000x492xf32> to vector<1000x41xf32>
      %get3A_285 = arith.constant 0 : index
      %get3A_286 = arith.constant 0 : index
      %get3A_287 = vector.load %arg6[%get3A_285, %get3A_286] : memref<128x41xf32, #tpu.memory_space<vmem>>, vector<128x41xf32>
      %dot_general3A_288 = arith.constant dense<0.000000e+00> : vector<1000x128xf32>
      %dot_general3A_289 = tpu.matmul %slice3A_284, %get3A_287, %dot_general3A_288 {dimension_numbers = #tpu.dot_dimension_numbers<[1], [1], [0], [0], [0, 0, 1, 0], [], []>, transpose_lhs_hint = false} : vector<1000x41xf32>, vector<128x41xf32>, vector<1000x128xf32> -> vector<1000x128xf32>
      %add3A_290 = arith.addf %add3A_283, %dot_general3A_289 : vector<1000x128xf32>
      %sub3A_291 = vector.broadcast %get3A_45 : vector<1x128xf32> to vector<1000x128xf32>
      %sub3A_292 = arith.subf %add3A_290, %sub3A_291 : vector<1000x128xf32>
      %mul3A_293 = vector.broadcast %mul3A : vector<1x128xf32> to vector<1000x128xf32>
      %mul3A_294 = arith.mulf %sub3A_292, %mul3A_293 : vector<1000x128xf32>
      %add3A_295 = vector.broadcast %get3A_54 : vector<1x128xf32> to vector<1000x128xf32>
      %add3A_296 = arith.addf %mul3A_294, %add3A_295 : vector<1000x128xf32>
      %slice3A_297 = vector.extract_strided_slice %add3A_296 {offsets = [0, 0], sizes = [1000, 64], strides = [1, 1]} : vector<1000x128xf32> to vector<1000x64xf32>
      %mul3A_298 = arith.constant 5.000000e-01 : f32
      %mul3A_299 = vector.broadcast %mul3A_298 : f32 to vector<1000x64xf32>
      %mul3A_300 = arith.mulf %mul3A_299, %slice3A_297 : vector<1000x64xf32>
      %tanh3A_301 = math.tanh %mul3A_300 : vector<1000x64xf32>
      %mul3A_302 = arith.constant 5.000000e-01 : f32
      %mul3A_303 = vector.broadcast %mul3A_302 : f32 to vector<1000x64xf32>
      %mul3A_304 = arith.mulf %mul3A_303, %tanh3A_301 : vector<1000x64xf32>
      %add3A_305 = arith.constant 5.000000e-01 : f32
      %add3A_306 = vector.broadcast %add3A_305 : f32 to vector<1000x64xf32>
      %add3A_307 = arith.addf %add3A_306, %mul3A_304 : vector<1000x64xf32>
      %slice3A_308 = vector.extract_strided_slice %add3A_296 {offsets = [0, 64], sizes = [1000, 64], strides = [1, 1]} : vector<1000x128xf32> to vector<1000x64xf32>
      %max3A_309 = arith.constant 0.000000e+00 : f32
      %max3A_310 = vector.broadcast %max3A_309 : f32 to vector<1000x64xf32>
      %max3A_311 = arith.maximumf %slice3A_308, %max3A_310 : vector<1000x64xf32>
      %abs3A_312 = math.absf %slice3A_308 : vector<1000x64xf32>
      %neg3A_313 = arith.constant 0.000000e+00 : f32
      %neg3A_314 = vector.broadcast %neg3A_313 : f32 to vector<1000x64xf32>
      %neg3A_315 = arith.subf %neg3A_314, %abs3A_312 : vector<1000x64xf32>
      %exp3A_316 = math.exp %neg3A_315 : vector<1000x64xf32>
      %add3A_317 = arith.constant 1.000000e+00 : f32
      %add3A_318 = vector.broadcast %add3A_317 : f32 to vector<1000x64xf32>
      %add3A_319 = arith.addf %add3A_318, %exp3A_316 : vector<1000x64xf32>
      %log3A_320 = math.log %add3A_319 : vector<1000x64xf32>
      %add3A_321 = arith.addf %max3A_311, %log3A_320 : vector<1000x64xf32>
      %mul3A_322 = arith.mulf %add3A_307, %add3A_321 : vector<1000x64xf32>
      %add3A_323 = arith.addf %add3A_277, %mul3A_322 : vector<1000x64xf32>
      %get3A_324 = arith.constant 6 : index
      %get3A_325 = arith.constant 0 : index
      %get3A_326 = arith.constant 0 : index
      %get3A_327 = vector.load %arg3[%get3A_324, %get3A_325, %get3A_326] : memref<12x1000x128xf32, #tpu.memory_space<vmem>>, vector<1x1000x128xf32>
      %get3A_328 = vector.shape_cast %get3A_327 : vector<1x1000x128xf32> to vector<1000x128xf32>
      %add3A_329 = arith.addf %add3A_21, %get3A_328 : vector<1000x128xf32>
      %slice3A_330 = vector.extract_strided_slice %get3A_42 {offsets = [0, 246], sizes = [1000, 41], strides = [1, 1]} : vector<1000x492xf32> to vector<1000x41xf32>
      %get3A_331 = arith.constant 0 : index
      %get3A_332 = arith.constant 0 : index
      %get3A_333 = vector.load %arg6[%get3A_331, %get3A_332] : memref<128x41xf32, #tpu.memory_space<vmem>>, vector<128x41xf32>
      %dot_general3A_334 = arith.constant dense<0.000000e+00> : vector<1000x128xf32>
      %dot_general3A_335 = tpu.matmul %slice3A_330, %get3A_333, %dot_general3A_334 {dimension_numbers = #tpu.dot_dimension_numbers<[1], [1], [0], [0], [0, 0, 1, 0], [], []>, transpose_lhs_hint = false} : vector<1000x41xf32>, vector<128x41xf32>, vector<1000x128xf32> -> vector<1000x128xf32>
      %add3A_336 = arith.addf %add3A_329, %dot_general3A_335 : vector<1000x128xf32>
      %sub3A_337 = vector.broadcast %get3A_45 : vector<1x128xf32> to vector<1000x128xf32>
      %sub3A_338 = arith.subf %add3A_336, %sub3A_337 : vector<1000x128xf32>
      %mul3A_339 = vector.broadcast %mul3A : vector<1x128xf32> to vector<1000x128xf32>
      %mul3A_340 = arith.mulf %sub3A_338, %mul3A_339 : vector<1000x128xf32>
      %add3A_341 = vector.broadcast %get3A_54 : vector<1x128xf32> to vector<1000x128xf32>
      %add3A_342 = arith.addf %mul3A_340, %add3A_341 : vector<1000x128xf32>
      %slice3A_343 = vector.extract_strided_slice %add3A_342 {offsets = [0, 0], sizes = [1000, 64], strides = [1, 1]} : vector<1000x128xf32> to vector<1000x64xf32>
      %mul3A_344 = arith.constant 5.000000e-01 : f32
      %mul3A_345 = vector.broadcast %mul3A_344 : f32 to vector<1000x64xf32>
      %mul3A_346 = arith.mulf %mul3A_345, %slice3A_343 : vector<1000x64xf32>
      %tanh3A_347 = math.tanh %mul3A_346 : vector<1000x64xf32>
      %mul3A_348 = arith.constant 5.000000e-01 : f32
      %mul3A_349 = vector.broadcast %mul3A_348 : f32 to vector<1000x64xf32>
      %mul3A_350 = arith.mulf %mul3A_349, %tanh3A_347 : vector<1000x64xf32>
      %add3A_351 = arith.constant 5.000000e-01 : f32
      %add3A_352 = vector.broadcast %add3A_351 : f32 to vector<1000x64xf32>
      %add3A_353 = arith.addf %add3A_352, %mul3A_350 : vector<1000x64xf32>
      %slice3A_354 = vector.extract_strided_slice %add3A_342 {offsets = [0, 64], sizes = [1000, 64], strides = [1, 1]} : vector<1000x128xf32> to vector<1000x64xf32>
      %max3A_355 = arith.constant 0.000000e+00 : f32
      %max3A_356 = vector.broadcast %max3A_355 : f32 to vector<1000x64xf32>
      %max3A_357 = arith.maximumf %slice3A_354, %max3A_356 : vector<1000x64xf32>
      %abs3A_358 = math.absf %slice3A_354 : vector<1000x64xf32>
      %neg3A_359 = arith.constant 0.000000e+00 : f32
      %neg3A_360 = vector.broadcast %neg3A_359 : f32 to vector<1000x64xf32>
      %neg3A_361 = arith.subf %neg3A_360, %abs3A_358 : vector<1000x64xf32>
      %exp3A_362 = math.exp %neg3A_361 : vector<1000x64xf32>
      %add3A_363 = arith.constant 1.000000e+00 : f32
      %add3A_364 = vector.broadcast %add3A_363 : f32 to vector<1000x64xf32>
      %add3A_365 = arith.addf %add3A_364, %exp3A_362 : vector<1000x64xf32>
      %log3A_366 = math.log %add3A_365 : vector<1000x64xf32>
      %add3A_367 = arith.addf %max3A_357, %log3A_366 : vector<1000x64xf32>
      %mul3A_368 = arith.mulf %add3A_353, %add3A_367 : vector<1000x64xf32>
      %add3A_369 = arith.addf %add3A_323, %mul3A_368 : vector<1000x64xf32>
      %get3A_370 = arith.constant 7 : index
      %get3A_371 = arith.constant 0 : index
      %get3A_372 = arith.constant 0 : index
      %get3A_373 = vector.load %arg3[%get3A_370, %get3A_371, %get3A_372] : memref<12x1000x128xf32, #tpu.memory_space<vmem>>, vector<1x1000x128xf32>
      %get3A_374 = vector.shape_cast %get3A_373 : vector<1x1000x128xf32> to vector<1000x128xf32>
      %add3A_375 = arith.addf %add3A_21, %get3A_374 : vector<1000x128xf32>
      %slice3A_376 = vector.extract_strided_slice %get3A_42 {offsets = [0, 287], sizes = [1000, 41], strides = [1, 1]} : vector<1000x492xf32> to vector<1000x41xf32>
      %get3A_377 = arith.constant 0 : index
      %get3A_378 = arith.constant 0 : index
      %get3A_379 = vector.load %arg6[%get3A_377, %get3A_378] : memref<128x41xf32, #tpu.memory_space<vmem>>, vector<128x41xf32>
      %dot_general3A_380 = arith.constant dense<0.000000e+00> : vector<1000x128xf32>
      %dot_general3A_381 = tpu.matmul %slice3A_376, %get3A_379, %dot_general3A_380 {dimension_numbers = #tpu.dot_dimension_numbers<[1], [1], [0], [0], [0, 0, 1, 0], [], []>, transpose_lhs_hint = false} : vector<1000x41xf32>, vector<128x41xf32>, vector<1000x128xf32> -> vector<1000x128xf32>
      %add3A_382 = arith.addf %add3A_375, %dot_general3A_381 : vector<1000x128xf32>
      %sub3A_383 = vector.broadcast %get3A_45 : vector<1x128xf32> to vector<1000x128xf32>
      %sub3A_384 = arith.subf %add3A_382, %sub3A_383 : vector<1000x128xf32>
      %mul3A_385 = vector.broadcast %mul3A : vector<1x128xf32> to vector<1000x128xf32>
      %mul3A_386 = arith.mulf %sub3A_384, %mul3A_385 : vector<1000x128xf32>
      %add3A_387 = vector.broadcast %get3A_54 : vector<1x128xf32> to vector<1000x128xf32>
      %add3A_388 = arith.addf %mul3A_386, %add3A_387 : vector<1000x128xf32>
      %slice3A_389 = vector.extract_strided_slice %add3A_388 {offsets = [0, 0], sizes = [1000, 64], strides = [1, 1]} : vector<1000x128xf32> to vector<1000x64xf32>
      %mul3A_390 = arith.constant 5.000000e-01 : f32
      %mul3A_391 = vector.broadcast %mul3A_390 : f32 to vector<1000x64xf32>
      %mul3A_392 = arith.mulf %mul3A_391, %slice3A_389 : vector<1000x64xf32>
      %tanh3A_393 = math.tanh %mul3A_392 : vector<1000x64xf32>
      %mul3A_394 = arith.constant 5.000000e-01 : f32
      %mul3A_395 = vector.broadcast %mul3A_394 : f32 to vector<1000x64xf32>
      %mul3A_396 = arith.mulf %mul3A_395, %tanh3A_393 : vector<1000x64xf32>
      %add3A_397 = arith.constant 5.000000e-01 : f32
      %add3A_398 = vector.broadcast %add3A_397 : f32 to vector<1000x64xf32>
      %add3A_399 = arith.addf %add3A_398, %mul3A_396 : vector<1000x64xf32>
      %slice3A_400 = vector.extract_strided_slice %add3A_388 {offsets = [0, 64], sizes = [1000, 64], strides = [1, 1]} : vector<1000x128xf32> to vector<1000x64xf32>
      %max3A_401 = arith.constant 0.000000e+00 : f32
      %max3A_402 = vector.broadcast %max3A_401 : f32 to vector<1000x64xf32>
      %max3A_403 = arith.maximumf %slice3A_400, %max3A_402 : vector<1000x64xf32>
      %abs3A_404 = math.absf %slice3A_400 : vector<1000x64xf32>
      %neg3A_405 = arith.constant 0.000000e+00 : f32
      %neg3A_406 = vector.broadcast %neg3A_405 : f32 to vector<1000x64xf32>
      %neg3A_407 = arith.subf %neg3A_406, %abs3A_404 : vector<1000x64xf32>
      %exp3A_408 = math.exp %neg3A_407 : vector<1000x64xf32>
      %add3A_409 = arith.constant 1.000000e+00 : f32
      %add3A_410 = vector.broadcast %add3A_409 : f32 to vector<1000x64xf32>
      %add3A_411 = arith.addf %add3A_410, %exp3A_408 : vector<1000x64xf32>
      %log3A_412 = math.log %add3A_411 : vector<1000x64xf32>
      %add3A_413 = arith.addf %max3A_403, %log3A_412 : vector<1000x64xf32>
      %mul3A_414 = arith.mulf %add3A_399, %add3A_413 : vector<1000x64xf32>
      %add3A_415 = arith.addf %add3A_369, %mul3A_414 : vector<1000x64xf32>
      %get3A_416 = arith.constant 8 : index
      %get3A_417 = arith.constant 0 : index
      %get3A_418 = arith.constant 0 : index
      %get3A_419 = vector.load %arg3[%get3A_416, %get3A_417, %get3A_418] : memref<12x1000x128xf32, #tpu.memory_space<vmem>>, vector<1x1000x128xf32>
      %get3A_420 = vector.shape_cast %get3A_419 : vector<1x1000x128xf32> to vector<1000x128xf32>
      %add3A_421 = arith.addf %add3A_21, %get3A_420 : vector<1000x128xf32>
      %slice3A_422 = vector.extract_strided_slice %get3A_42 {offsets = [0, 328], sizes = [1000, 41], strides = [1, 1]} : vector<1000x492xf32> to vector<1000x41xf32>
      %get3A_423 = arith.constant 0 : index
      %get3A_424 = arith.constant 0 : index
      %get3A_425 = vector.load %arg6[%get3A_423, %get3A_424] : memref<128x41xf32, #tpu.memory_space<vmem>>, vector<128x41xf32>
      %dot_general3A_426 = arith.constant dense<0.000000e+00> : vector<1000x128xf32>
      %dot_general3A_427 = tpu.matmul %slice3A_422, %get3A_425, %dot_general3A_426 {dimension_numbers = #tpu.dot_dimension_numbers<[1], [1], [0], [0], [0, 0, 1, 0], [], []>, transpose_lhs_hint = false} : vector<1000x41xf32>, vector<128x41xf32>, vector<1000x128xf32> -> vector<1000x128xf32>
      %add3A_428 = arith.addf %add3A_421, %dot_general3A_427 : vector<1000x128xf32>
      %sub3A_429 = vector.broadcast %get3A_45 : vector<1x128xf32> to vector<1000x128xf32>
      %sub3A_430 = arith.subf %add3A_428, %sub3A_429 : vector<1000x128xf32>
      %mul3A_431 = vector.broadcast %mul3A : vector<1x128xf32> to vector<1000x128xf32>
      %mul3A_432 = arith.mulf %sub3A_430, %mul3A_431 : vector<1000x128xf32>
      %add3A_433 = vector.broadcast %get3A_54 : vector<1x128xf32> to vector<1000x128xf32>
      %add3A_434 = arith.addf %mul3A_432, %add3A_433 : vector<1000x128xf32>
      %slice3A_435 = vector.extract_strided_slice %add3A_434 {offsets = [0, 0], sizes = [1000, 64], strides = [1, 1]} : vector<1000x128xf32> to vector<1000x64xf32>
      %mul3A_436 = arith.constant 5.000000e-01 : f32
      %mul3A_437 = vector.broadcast %mul3A_436 : f32 to vector<1000x64xf32>
      %mul3A_438 = arith.mulf %mul3A_437, %slice3A_435 : vector<1000x64xf32>
      %tanh3A_439 = math.tanh %mul3A_438 : vector<1000x64xf32>
      %mul3A_440 = arith.constant 5.000000e-01 : f32
      %mul3A_441 = vector.broadcast %mul3A_440 : f32 to vector<1000x64xf32>
      %mul3A_442 = arith.mulf %mul3A_441, %tanh3A_439 : vector<1000x64xf32>
      %add3A_443 = arith.constant 5.000000e-01 : f32
      %add3A_444 = vector.broadcast %add3A_443 : f32 to vector<1000x64xf32>
      %add3A_445 = arith.addf %add3A_444, %mul3A_442 : vector<1000x64xf32>
      %slice3A_446 = vector.extract_strided_slice %add3A_434 {offsets = [0, 64], sizes = [1000, 64], strides = [1, 1]} : vector<1000x128xf32> to vector<1000x64xf32>
      %max3A_447 = arith.constant 0.000000e+00 : f32
      %max3A_448 = vector.broadcast %max3A_447 : f32 to vector<1000x64xf32>
      %max3A_449 = arith.maximumf %slice3A_446, %max3A_448 : vector<1000x64xf32>
      %abs3A_450 = math.absf %slice3A_446 : vector<1000x64xf32>
      %neg3A_451 = arith.constant 0.000000e+00 : f32
      %neg3A_452 = vector.broadcast %neg3A_451 : f32 to vector<1000x64xf32>
      %neg3A_453 = arith.subf %neg3A_452, %abs3A_450 : vector<1000x64xf32>
      %exp3A_454 = math.exp %neg3A_453 : vector<1000x64xf32>
      %add3A_455 = arith.constant 1.000000e+00 : f32
      %add3A_456 = vector.broadcast %add3A_455 : f32 to vector<1000x64xf32>
      %add3A_457 = arith.addf %add3A_456, %exp3A_454 : vector<1000x64xf32>
      %log3A_458 = math.log %add3A_457 : vector<1000x64xf32>
      %add3A_459 = arith.addf %max3A_449, %log3A_458 : vector<1000x64xf32>
      %mul3A_460 = arith.mulf %add3A_445, %add3A_459 : vector<1000x64xf32>
      %add3A_461 = arith.addf %add3A_415, %mul3A_460 : vector<1000x64xf32>
      %get3A_462 = arith.constant 9 : index
      %get3A_463 = arith.constant 0 : index
      %get3A_464 = arith.constant 0 : index
      %get3A_465 = vector.load %arg3[%get3A_462, %get3A_463, %get3A_464] : memref<12x1000x128xf32, #tpu.memory_space<vmem>>, vector<1x1000x128xf32>
      %get3A_466 = vector.shape_cast %get3A_465 : vector<1x1000x128xf32> to vector<1000x128xf32>
      %add3A_467 = arith.addf %add3A_21, %get3A_466 : vector<1000x128xf32>
      %slice3A_468 = vector.extract_strided_slice %get3A_42 {offsets = [0, 369], sizes = [1000, 41], strides = [1, 1]} : vector<1000x492xf32> to vector<1000x41xf32>
      %get3A_469 = arith.constant 0 : index
      %get3A_470 = arith.constant 0 : index
      %get3A_471 = vector.load %arg6[%get3A_469, %get3A_470] : memref<128x41xf32, #tpu.memory_space<vmem>>, vector<128x41xf32>
      %dot_general3A_472 = arith.constant dense<0.000000e+00> : vector<1000x128xf32>
      %dot_general3A_473 = tpu.matmul %slice3A_468, %get3A_471, %dot_general3A_472 {dimension_numbers = #tpu.dot_dimension_numbers<[1], [1], [0], [0], [0, 0, 1, 0], [], []>, transpose_lhs_hint = false} : vector<1000x41xf32>, vector<128x41xf32>, vector<1000x128xf32> -> vector<1000x128xf32>
      %add3A_474 = arith.addf %add3A_467, %dot_general3A_473 : vector<1000x128xf32>
      %sub3A_475 = vector.broadcast %get3A_45 : vector<1x128xf32> to vector<1000x128xf32>
      %sub3A_476 = arith.subf %add3A_474, %sub3A_475 : vector<1000x128xf32>
      %mul3A_477 = vector.broadcast %mul3A : vector<1x128xf32> to vector<1000x128xf32>
      %mul3A_478 = arith.mulf %sub3A_476, %mul3A_477 : vector<1000x128xf32>
      %add3A_479 = vector.broadcast %get3A_54 : vector<1x128xf32> to vector<1000x128xf32>
      %add3A_480 = arith.addf %mul3A_478, %add3A_479 : vector<1000x128xf32>
      %slice3A_481 = vector.extract_strided_slice %add3A_480 {offsets = [0, 0], sizes = [1000, 64], strides = [1, 1]} : vector<1000x128xf32> to vector<1000x64xf32>
      %mul3A_482 = arith.constant 5.000000e-01 : f32
      %mul3A_483 = vector.broadcast %mul3A_482 : f32 to vector<1000x64xf32>
      %mul3A_484 = arith.mulf %mul3A_483, %slice3A_481 : vector<1000x64xf32>
      %tanh3A_485 = math.tanh %mul3A_484 : vector<1000x64xf32>
      %mul3A_486 = arith.constant 5.000000e-01 : f32
      %mul3A_487 = vector.broadcast %mul3A_486 : f32 to vector<1000x64xf32>
      %mul3A_488 = arith.mulf %mul3A_487, %tanh3A_485 : vector<1000x64xf32>
      %add3A_489 = arith.constant 5.000000e-01 : f32
      %add3A_490 = vector.broadcast %add3A_489 : f32 to vector<1000x64xf32>
      %add3A_491 = arith.addf %add3A_490, %mul3A_488 : vector<1000x64xf32>
      %slice3A_492 = vector.extract_strided_slice %add3A_480 {offsets = [0, 64], sizes = [1000, 64], strides = [1, 1]} : vector<1000x128xf32> to vector<1000x64xf32>
      %max3A_493 = arith.constant 0.000000e+00 : f32
      %max3A_494 = vector.broadcast %max3A_493 : f32 to vector<1000x64xf32>
      %max3A_495 = arith.maximumf %slice3A_492, %max3A_494 : vector<1000x64xf32>
      %abs3A_496 = math.absf %slice3A_492 : vector<1000x64xf32>
      %neg3A_497 = arith.constant 0.000000e+00 : f32
      %neg3A_498 = vector.broadcast %neg3A_497 : f32 to vector<1000x64xf32>
      %neg3A_499 = arith.subf %neg3A_498, %abs3A_496 : vector<1000x64xf32>
      %exp3A_500 = math.exp %neg3A_499 : vector<1000x64xf32>
      %add3A_501 = arith.constant 1.000000e+00 : f32
      %add3A_502 = vector.broadcast %add3A_501 : f32 to vector<1000x64xf32>
      %add3A_503 = arith.addf %add3A_502, %exp3A_500 : vector<1000x64xf32>
      %log3A_504 = math.log %add3A_503 : vector<1000x64xf32>
      %add3A_505 = arith.addf %max3A_495, %log3A_504 : vector<1000x64xf32>
      %mul3A_506 = arith.mulf %add3A_491, %add3A_505 : vector<1000x64xf32>
      %add3A_507 = arith.addf %add3A_461, %mul3A_506 : vector<1000x64xf32>
      %get3A_508 = arith.constant 10 : index
      %get3A_509 = arith.constant 0 : index
      %get3A_510 = arith.constant 0 : index
      %get3A_511 = vector.load %arg3[%get3A_508, %get3A_509, %get3A_510] : memref<12x1000x128xf32, #tpu.memory_space<vmem>>, vector<1x1000x128xf32>
      %get3A_512 = vector.shape_cast %get3A_511 : vector<1x1000x128xf32> to vector<1000x128xf32>
      %add3A_513 = arith.addf %add3A_21, %get3A_512 : vector<1000x128xf32>
      %slice3A_514 = vector.extract_strided_slice %get3A_42 {offsets = [0, 410], sizes = [1000, 41], strides = [1, 1]} : vector<1000x492xf32> to vector<1000x41xf32>
      %get3A_515 = arith.constant 0 : index
      %get3A_516 = arith.constant 0 : index
      %get3A_517 = vector.load %arg6[%get3A_515, %get3A_516] : memref<128x41xf32, #tpu.memory_space<vmem>>, vector<128x41xf32>
      %dot_general3A_518 = arith.constant dense<0.000000e+00> : vector<1000x128xf32>
      %dot_general3A_519 = tpu.matmul %slice3A_514, %get3A_517, %dot_general3A_518 {dimension_numbers = #tpu.dot_dimension_numbers<[1], [1], [0], [0], [0, 0, 1, 0], [], []>, transpose_lhs_hint = false} : vector<1000x41xf32>, vector<128x41xf32>, vector<1000x128xf32> -> vector<1000x128xf32>
      %add3A_520 = arith.addf %add3A_513, %dot_general3A_519 : vector<1000x128xf32>
      %sub3A_521 = vector.broadcast %get3A_45 : vector<1x128xf32> to vector<1000x128xf32>
      %sub3A_522 = arith.subf %add3A_520, %sub3A_521 : vector<1000x128xf32>
      %mul3A_523 = vector.broadcast %mul3A : vector<1x128xf32> to vector<1000x128xf32>
      %mul3A_524 = arith.mulf %sub3A_522, %mul3A_523 : vector<1000x128xf32>
      %add3A_525 = vector.broadcast %get3A_54 : vector<1x128xf32> to vector<1000x128xf32>
      %add3A_526 = arith.addf %mul3A_524, %add3A_525 : vector<1000x128xf32>
      %slice3A_527 = vector.extract_strided_slice %add3A_526 {offsets = [0, 0], sizes = [1000, 64], strides = [1, 1]} : vector<1000x128xf32> to vector<1000x64xf32>
      %mul3A_528 = arith.constant 5.000000e-01 : f32
      %mul3A_529 = vector.broadcast %mul3A_528 : f32 to vector<1000x64xf32>
      %mul3A_530 = arith.mulf %mul3A_529, %slice3A_527 : vector<1000x64xf32>
      %tanh3A_531 = math.tanh %mul3A_530 : vector<1000x64xf32>
      %mul3A_532 = arith.constant 5.000000e-01 : f32
      %mul3A_533 = vector.broadcast %mul3A_532 : f32 to vector<1000x64xf32>
      %mul3A_534 = arith.mulf %mul3A_533, %tanh3A_531 : vector<1000x64xf32>
      %add3A_535 = arith.constant 5.000000e-01 : f32
      %add3A_536 = vector.broadcast %add3A_535 : f32 to vector<1000x64xf32>
      %add3A_537 = arith.addf %add3A_536, %mul3A_534 : vector<1000x64xf32>
      %slice3A_538 = vector.extract_strided_slice %add3A_526 {offsets = [0, 64], sizes = [1000, 64], strides = [1, 1]} : vector<1000x128xf32> to vector<1000x64xf32>
      %max3A_539 = arith.constant 0.000000e+00 : f32
      %max3A_540 = vector.broadcast %max3A_539 : f32 to vector<1000x64xf32>
      %max3A_541 = arith.maximumf %slice3A_538, %max3A_540 : vector<1000x64xf32>
      %abs3A_542 = math.absf %slice3A_538 : vector<1000x64xf32>
      %neg3A_543 = arith.constant 0.000000e+00 : f32
      %neg3A_544 = vector.broadcast %neg3A_543 : f32 to vector<1000x64xf32>
      %neg3A_545 = arith.subf %neg3A_544, %abs3A_542 : vector<1000x64xf32>
      %exp3A_546 = math.exp %neg3A_545 : vector<1000x64xf32>
      %add3A_547 = arith.constant 1.000000e+00 : f32
      %add3A_548 = vector.broadcast %add3A_547 : f32 to vector<1000x64xf32>
      %add3A_549 = arith.addf %add3A_548, %exp3A_546 : vector<1000x64xf32>
      %log3A_550 = math.log %add3A_549 : vector<1000x64xf32>
      %add3A_551 = arith.addf %max3A_541, %log3A_550 : vector<1000x64xf32>
      %mul3A_552 = arith.mulf %add3A_537, %add3A_551 : vector<1000x64xf32>
      %add3A_553 = arith.addf %add3A_507, %mul3A_552 : vector<1000x64xf32>
      %get3A_554 = arith.constant 11 : index
      %get3A_555 = arith.constant 0 : index
      %get3A_556 = arith.constant 0 : index
      %get3A_557 = vector.load %arg3[%get3A_554, %get3A_555, %get3A_556] : memref<12x1000x128xf32, #tpu.memory_space<vmem>>, vector<1x1000x128xf32>
      %get3A_558 = vector.shape_cast %get3A_557 : vector<1x1000x128xf32> to vector<1000x128xf32>
      %add3A_559 = arith.addf %add3A_21, %get3A_558 : vector<1000x128xf32>
      %slice3A_560 = vector.extract_strided_slice %get3A_42 {offsets = [0, 451], sizes = [1000, 41], strides = [1, 1]} : vector<1000x492xf32> to vector<1000x41xf32>
      %get3A_561 = arith.constant 0 : index
      %get3A_562 = arith.constant 0 : index
      %get3A_563 = vector.load %arg6[%get3A_561, %get3A_562] : memref<128x41xf32, #tpu.memory_space<vmem>>, vector<128x41xf32>
      %dot_general3A_564 = arith.constant dense<0.000000e+00> : vector<1000x128xf32>
      %dot_general3A_565 = tpu.matmul %slice3A_560, %get3A_563, %dot_general3A_564 {dimension_numbers = #tpu.dot_dimension_numbers<[1], [1], [0], [0], [0, 0, 1, 0], [], []>, transpose_lhs_hint = false} : vector<1000x41xf32>, vector<128x41xf32>, vector<1000x128xf32> -> vector<1000x128xf32>
      %add3A_566 = arith.addf %add3A_559, %dot_general3A_565 : vector<1000x128xf32>
      %sub3A_567 = vector.broadcast %get3A_45 : vector<1x128xf32> to vector<1000x128xf32>
      %sub3A_568 = arith.subf %add3A_566, %sub3A_567 : vector<1000x128xf32>
      %mul3A_569 = vector.broadcast %mul3A : vector<1x128xf32> to vector<1000x128xf32>
      %mul3A_570 = arith.mulf %sub3A_568, %mul3A_569 : vector<1000x128xf32>
      %add3A_571 = vector.broadcast %get3A_54 : vector<1x128xf32> to vector<1000x128xf32>
      %add3A_572 = arith.addf %mul3A_570, %add3A_571 : vector<1000x128xf32>
      %slice3A_573 = vector.extract_strided_slice %add3A_572 {offsets = [0, 0], sizes = [1000, 64], strides = [1, 1]} : vector<1000x128xf32> to vector<1000x64xf32>
      %mul3A_574 = arith.constant 5.000000e-01 : f32
      %mul3A_575 = vector.broadcast %mul3A_574 : f32 to vector<1000x64xf32>
      %mul3A_576 = arith.mulf %mul3A_575, %slice3A_573 : vector<1000x64xf32>
      %tanh3A_577 = math.tanh %mul3A_576 : vector<1000x64xf32>
      %mul3A_578 = arith.constant 5.000000e-01 : f32
      %mul3A_579 = vector.broadcast %mul3A_578 : f32 to vector<1000x64xf32>
      %mul3A_580 = arith.mulf %mul3A_579, %tanh3A_577 : vector<1000x64xf32>
      %add3A_581 = arith.constant 5.000000e-01 : f32
      %add3A_582 = vector.broadcast %add3A_581 : f32 to vector<1000x64xf32>
      %add3A_583 = arith.addf %add3A_582, %mul3A_580 : vector<1000x64xf32>
      %slice3A_584 = vector.extract_strided_slice %add3A_572 {offsets = [0, 64], sizes = [1000, 64], strides = [1, 1]} : vector<1000x128xf32> to vector<1000x64xf32>
      %max3A_585 = arith.constant 0.000000e+00 : f32
      %max3A_586 = vector.broadcast %max3A_585 : f32 to vector<1000x64xf32>
      %max3A_587 = arith.maximumf %slice3A_584, %max3A_586 : vector<1000x64xf32>
      %abs3A_588 = math.absf %slice3A_584 : vector<1000x64xf32>
      %neg3A_589 = arith.constant 0.000000e+00 : f32
      %neg3A_590 = vector.broadcast %neg3A_589 : f32 to vector<1000x64xf32>
      %neg3A_591 = arith.subf %neg3A_590, %abs3A_588 : vector<1000x64xf32>
      %exp3A_592 = math.exp %neg3A_591 : vector<1000x64xf32>
      %add3A_593 = arith.constant 1.000000e+00 : f32
      %add3A_594 = vector.broadcast %add3A_593 : f32 to vector<1000x64xf32>
      %add3A_595 = arith.addf %add3A_594, %exp3A_592 : vector<1000x64xf32>
      %log3A_596 = math.log %add3A_595 : vector<1000x64xf32>
      %add3A_597 = arith.addf %max3A_587, %log3A_596 : vector<1000x64xf32>
      %mul3A_598 = arith.mulf %add3A_583, %add3A_597 : vector<1000x64xf32>
      %add3A_599 = arith.addf %add3A_553, %mul3A_598 : vector<1000x64xf32>
      %swap3A = arith.constant 0 : index
      %swap3A_600 = arith.constant 0 : index
      %swap3A_601 = vector.load %arg10[%swap3A, %swap3A_600] : memref<1000x64xf32, #tpu.memory_space<vmem>>, vector<1000x64xf32>
      tpu.vector_store %arg10[%swap3A, %swap3A_600], %add3A_599 {strides = array<i32>} : memref<1000x64xf32, #tpu.memory_space<vmem>>, vector<1000x64xf32>,
      %get3A_602 = arith.constant 4 : index
      %get3A_603 = arith.constant 0 : index
      %get3A_604 = vector.load %arg12[%get3A_602, %get3A_603] : memref<8x128xf32, #tpu.memory_space<vmem>>, vector<1x64xf32>
      %reduce_sum3A = arith.constant dense<0.000000e+00> : vector<64xf32>
      %reduce_sum3A_605 = vector.multi_reduction <add>, %add3A_599, %reduce_sum3A [0] : vector<1000x64xf32> to vector<64xf32>
      %broadcast_in_dim3A_606 = vector.shape_cast %reduce_sum3A_605 : vector<64xf32> to vector<1x64xf32>
      %add3A_607 = arith.addf %get3A_604, %broadcast_in_dim3A_606 : vector<1x64xf32>
      %swap3A_608 = arith.constant 4 : index
      %swap3A_609 = arith.constant 0 : index
      %swap3A_610 = vector.load %arg12[%swap3A_608, %swap3A_609] : memref<8x128xf32, #tpu.memory_space<vmem>>, vector<1x64xf32>
      tpu.vector_store %arg12[%swap3A_608, %swap3A_609], %add3A_607 {strides = array<i32>} : memref<8x128xf32, #tpu.memory_space<vmem>>, vector<1x64xf32>,
      %get3A_611 = arith.constant 5 : index
      %get3A_612 = arith.constant 0 : index
      %get3A_613 = vector.load %arg12[%get3A_611, %get3A_612] : memref<8x128xf32, #tpu.memory_space<vmem>>, vector<1x64xf32>
      %mul3A_614 = arith.mulf %add3A_599, %add3A_599 : vector<1000x64xf32>
      %reduce_sum3A_615 = arith.constant dense<0.000000e+00> : vector<64xf32>
      %reduce_sum3A_616 = vector.multi_reduction <add>, %mul3A_614, %reduce_sum3A_615 [0] : vector<1000x64xf32> to vector<64xf32>
      %broadcast_in_dim3A_617 = vector.shape_cast %reduce_sum3A_616 : vector<64xf32> to vector<1x64xf32>
      %add3A_618 = arith.addf %get3A_613, %broadcast_in_dim3A_617 : vector<1x64xf32>
      %swap3A_619 = arith.constant 5 : index
      %swap3A_620 = arith.constant 0 : index
      %swap3A_621 = vector.load %arg12[%swap3A_619, %swap3A_620] : memref<8x128xf32, #tpu.memory_space<vmem>>, vector<1x64xf32>
      tpu.vector_store %arg12[%swap3A_619, %swap3A_620], %add3A_618 {strides = array<i32>} : memref<8x128xf32, #tpu.memory_space<vmem>>, vector<1x64xf32>,
    } else {
    }
    %eq3A_32 = arith.constant 1 : i32
    %eq3A_33 = arith.cmpi eq, %arg0, %eq3A_32 : i32
    %eq3A_34 = arith.constant 9 : i32
    %eq3A_35 = arith.cmpi eq, %arg1, %eq3A_34 : i32
    %and3A_36 = arith.andi %eq3A_33, %eq3A_35 : i1
    %convert_element_type3A_37 = arith.extui %and3A_36 : i1 to i32
    %cond3A_38 = arith.constant 0 : i32
    %cond3A_39 = arith.cmpi ne, %convert_element_type3A_37, %cond3A_38 : i32
    scf.if %cond3A_39 {
      %get3A_40 = arith.constant 0 : index
      %get3A_41 = arith.constant 0 : index
      %get3A_42 = vector.load %arg12[%get3A_40, %get3A_41] : memref<8x128xf32, #tpu.memory_space<vmem>>, vector<8x128xf32>
      %swap3A = arith.constant 0 : index
      %swap3A_43 = arith.constant 0 : index
      %swap3A_44 = vector.load %arg11[%swap3A, %swap3A_43] : memref<8x128xf32, #tpu.memory_space<vmem>>, vector<8x128xf32>
      tpu.vector_store %arg11[%swap3A, %swap3A_43], %get3A_42 {strides = array<i32>} : memref<8x128xf32, #tpu.memory_space<vmem>>, vector<8x128xf32>,
    } else {
    }
    return
  }
  func.func @transform_0(%arg0: i32, %arg1: i32) -> (i32, i32) {
    %c0_i32 = arith.constant 0 : i32
    %c0_i32_0 = arith.constant 0 : i32
    return %arg1, %c0_i32 : i32, i32
  }
  func.func @transform_1(%arg0: i32, %arg1: i32) -> (i32, i32, i32) {
    %c0_i32 = arith.constant 0 : i32
    %c0_i32_0 = arith.constant 0 : i32
    %c0_i32_1 = arith.constant 0 : i32
    return %c0_i32, %arg1, %c0_i32_0 : i32, i32, i32
  }
  func.func @transform_2(%arg0: i32, %arg1: i32) -> (i32, i32) {
    %c0_i32 = arith.constant 0 : i32
    %c0_i32_0 = arith.constant 0 : i32
    return %arg1, %c0_i32 : i32, i32
  }
  func.func @transform_3(%arg0: i32, %arg1: i32) -> (i32, i32) {
    %c0_i32 = arith.constant 0 : i32
    %c0_i32_0 = arith.constant 0 : i32
    %c0_i32_1 = arith.constant 0 : i32
    return %c0_i32, %c0_i32_0 : i32, i32
  }
  func.func @transform_4(%arg0: i32, %arg1: i32) -> (i32, i32) {
    %c0_i32 = arith.constant 0 : i32
    %c0_i32_0 = arith.constant 0 : i32
    %c0_i32_1 = arith.constant 0 : i32
    return %c0_i32, %c0_i32_0 : i32, i32
  }
  func.func @transform_5(%arg0: i32, %arg1: i32) -> (i32, i32) {
    %c0_i32 = arith.constant 0 : i32
    %c0_i32_0 = arith.constant 0 : i32
    %c0_i32_1 = arith.constant 0 : i32
    return %c0_i32, %c0_i32_0 : i32, i32
  }
  func.func @transform_6(%arg0: i32, %arg1: i32) -> (i32, i32) {
    %c0_i32 = arith.constant 0 : i32
    %c0_i32_0 = arith.constant 0 : i32
    %c0_i32_1 = arith.constant 0 : i32
    return %c0_i32, %c0_i32_0 : i32, i32
  }
  func.func @transform_7(%arg0: i32, %arg1: i32) -> (i32, i32) {
    %c0_i32 = arith.constant 0 : i32
    %c0_i32_0 = arith.constant 0 : i32
    %c0_i32_1 = arith.constant 0 : i32
    return %c0_i32, %c0_i32_0 : i32, i32
  }
  func.func @transform_8(%arg0: i32, %arg1: i32) -> (i32, i32) {
    %c0_i32 = arith.constant 0 : i32
    %c0_i32_0 = arith.constant 0 : i32
    return %arg1, %c0_i32 : i32, i32
  }
  func.func @transform_9(%arg0: i32, %arg1: i32) -> (i32, i32) {
    %c0_i32 = arith.constant 0 : i32
    %c0_i32_0 = arith.constant 0 : i32
    %c0_i32_1 = arith.constant 0 : i32
    return %c0_i32, %c0_i32_0 : i32, i32
  }
}

module attributes {stable_mosaic.version = 14 : i64} {
  func.func @body(%arg0: i32, %arg1: memref<2000x64xf32, #tpu.memory_space<vmem>>, %arg2: memref<2000x64xf32, #tpu.memory_space<vmem>>, %arg3: memref<8x128xf32, #tpu.memory_space<vmem>>, %arg4: memref<1x64xf32, #tpu.memory_space<vmem>>, %arg5: memref<1x64xf32, #tpu.memory_space<vmem>>, %arg6: memref<2000x64xf32, #tpu.memory_space<vmem>>) attributes {dimension_semantics = [#tpu.dimension_semantics<arbitrary>], iteration_bounds = array<i64: 5>, scalar_prefetch = 0 : i64, scratch_operands = 0 : i64, tpu.core_type = #tpu.core_type<tc>, window_params = [{transform_indices = @transform_0, window_bounds = array<i64: 2000, 64>}, {transform_indices = @transform_1, window_bounds = array<i64: 2000, 64>}, {pipeline_mode = #tpu.pipeline_mode<synchronous>, transform_indices = @transform_2, window_bounds = array<i64: 8, 128>}, {pipeline_mode = #tpu.pipeline_mode<synchronous>, transform_indices = @transform_3, window_bounds = array<i64: 1, 64>}, {pipeline_mode = #tpu.pipeline_mode<synchronous>, transform_indices = @transform_4, window_bounds = array<i64: 1, 64>}, {transform_indices = @transform_5, window_bounds = array<i64: 2000, 64>}]} {
    %get3A = arith.constant 4 : index
    %get3A_0 = arith.constant 0 : index
    %get3A_1 = vector.load %arg3[%get3A, %get3A_0] : memref<8x128xf32, #tpu.memory_space<vmem>>, vector<1x64xf32>
    %div3A = arith.constant 1.000000e+04 : f32
    %div3A_2 = vector.broadcast %div3A : f32 to vector<1x64xf32>
    %div3A_3 = arith.divf %get3A_1, %div3A_2 : vector<1x64xf32>
    %get3A_4 = arith.constant 5 : index
    %get3A_5 = arith.constant 0 : index
    %get3A_6 = vector.load %arg3[%get3A_4, %get3A_5] : memref<8x128xf32, #tpu.memory_space<vmem>>, vector<1x64xf32>
    %div3A_7 = arith.constant 1.000000e+04 : f32
    %div3A_8 = vector.broadcast %div3A_7 : f32 to vector<1x64xf32>
    %div3A_9 = arith.divf %get3A_6, %div3A_8 : vector<1x64xf32>
    %mul3A = arith.mulf %div3A_3, %div3A_3 : vector<1x64xf32>
    %sub3A = arith.subf %div3A_9, %mul3A : vector<1x64xf32>
    %add3A = arith.constant 9.99999974E-6 : f32
    %add3A_10 = vector.broadcast %add3A : f32 to vector<1x64xf32>
    %add3A_11 = arith.addf %sub3A, %add3A_10 : vector<1x64xf32>
    %rsqrt3A = math.rsqrt %add3A_11 : vector<1x64xf32>
    %get3A_12 = arith.constant 0 : index
    %get3A_13 = arith.constant 0 : index
    %get3A_14 = vector.load %arg4[%get3A_12, %get3A_13] : memref<1x64xf32, #tpu.memory_space<vmem>>, vector<1x64xf32>
    %mul3A_15 = arith.mulf %rsqrt3A, %get3A_14 : vector<1x64xf32>
    %get3A_16 = arith.constant 0 : index
    %get3A_17 = arith.constant 0 : index
    %get3A_18 = vector.load %arg1[%get3A_16, %get3A_17] : memref<2000x64xf32, #tpu.memory_space<vmem>>, vector<2000x64xf32>
    %get3A_19 = arith.constant 0 : index
    %get3A_20 = arith.constant 0 : index
    %get3A_21 = vector.load %arg2[%get3A_19, %get3A_20] : memref<2000x64xf32, #tpu.memory_space<vmem>>, vector<2000x64xf32>
    %sub3A_22 = vector.broadcast %div3A_3 : vector<1x64xf32> to vector<2000x64xf32>
    %sub3A_23 = arith.subf %get3A_21, %sub3A_22 : vector<2000x64xf32>
    %mul3A_24 = vector.broadcast %mul3A_15 : vector<1x64xf32> to vector<2000x64xf32>
    %mul3A_25 = arith.mulf %sub3A_23, %mul3A_24 : vector<2000x64xf32>
    %add3A_26 = arith.addf %get3A_18, %mul3A_25 : vector<2000x64xf32>
    %get3A_27 = arith.constant 0 : index
    %get3A_28 = arith.constant 0 : index
    %get3A_29 = vector.load %arg5[%get3A_27, %get3A_28] : memref<1x64xf32, #tpu.memory_space<vmem>>, vector<1x64xf32>
    %add3A_30 = vector.broadcast %get3A_29 : vector<1x64xf32> to vector<2000x64xf32>
    %add3A_31 = arith.addf %add3A_26, %add3A_30 : vector<2000x64xf32>
    %max3A = arith.constant 0.000000e+00 : f32
    %max3A_32 = vector.broadcast %max3A : f32 to vector<2000x64xf32>
    %max3A_33 = arith.maximumf %add3A_31, %max3A_32 : vector<2000x64xf32>
    %abs3A = math.absf %add3A_31 : vector<2000x64xf32>
    %neg3A = arith.constant 0.000000e+00 : f32
    %neg3A_34 = vector.broadcast %neg3A : f32 to vector<2000x64xf32>
    %neg3A_35 = arith.subf %neg3A_34, %abs3A : vector<2000x64xf32>
    %exp3A = math.exp %neg3A_35 : vector<2000x64xf32>
    %add3A_36 = arith.constant 1.000000e+00 : f32
    %add3A_37 = vector.broadcast %add3A_36 : f32 to vector<2000x64xf32>
    %add3A_38 = arith.addf %add3A_37, %exp3A : vector<2000x64xf32>
    %log3A = math.log %add3A_38 : vector<2000x64xf32>
    %add3A_39 = arith.addf %max3A_33, %log3A : vector<2000x64xf32>
    %swap3A = arith.constant 0 : index
    %swap3A_40 = arith.constant 0 : index
    %swap3A_41 = vector.load %arg6[%swap3A, %swap3A_40] : memref<2000x64xf32, #tpu.memory_space<vmem>>, vector<2000x64xf32>
    tpu.vector_store %arg6[%swap3A, %swap3A_40], %add3A_39 {strides = array<i32>} : memref<2000x64xf32, #tpu.memory_space<vmem>>, vector<2000x64xf32>,
    return
  }
  func.func @transform_0(%arg0: i32) -> (i32, i32) {
    %c0_i32 = arith.constant 0 : i32
    %c0_i32_0 = arith.constant 0 : i32
    return %arg0, %c0_i32 : i32, i32
  }
  func.func @transform_1(%arg0: i32) -> (i32, i32) {
    %c0_i32 = arith.constant 0 : i32
    %c0_i32_0 = arith.constant 0 : i32
    return %arg0, %c0_i32 : i32, i32
  }
  func.func @transform_2(%arg0: i32) -> (i32, i32) {
    %c0_i32 = arith.constant 0 : i32
    %c0_i32_0 = arith.constant 0 : i32
    %c0_i32_1 = arith.constant 0 : i32
    return %c0_i32, %c0_i32_0 : i32, i32
  }
  func.func @transform_3(%arg0: i32) -> (i32, i32) {
    %c0_i32 = arith.constant 0 : i32
    %c0_i32_0 = arith.constant 0 : i32
    %c0_i32_1 = arith.constant 0 : i32
    return %c0_i32, %c0_i32_0 : i32, i32
  }
  func.func @transform_4(%arg0: i32) -> (i32, i32) {
    %c0_i32 = arith.constant 0 : i32
    %c0_i32_0 = arith.constant 0 : i32
    %c0_i32_1 = arith.constant 0 : i32
    return %c0_i32, %c0_i32_0 : i32, i32
  }
  func.func @transform_5(%arg0: i32) -> (i32, i32) {
    %c0_i32 = arith.constant 0 : i32
    %c0_i32_0 = arith.constant 0 : i32
    return %arg0, %c0_i32 : i32, i32
  }
}

module attributes {stable_mosaic.version = 14 : i64} {
  func.func @body(%arg0: i32, %arg1: memref<4x50x64xf32, #tpu.memory_space<vmem>>, %arg2: memref<6x64x64xf32, #tpu.memory_space<vmem>>, %arg3: memref<5x64x64xf32, #tpu.memory_space<vmem>>, %arg4: memref<92x64xf32, #tpu.memory_space<vmem>>, %arg5: memref<1x92xf32, #tpu.memory_space<vmem>>, %arg6: memref<6x6xf32, #tpu.memory_space<smem>>, %arg7: memref<6xf32, #tpu.memory_space<smem>>, %arg8: memref<6xf32, #tpu.memory_space<smem>>, %arg9: memref<5x5xf32, #tpu.memory_space<smem>>, %arg10: memref<5xf32, #tpu.memory_space<smem>>, %arg11: memref<5xf32, #tpu.memory_space<smem>>, %arg12: memref<6x4x50x50xf32, #tpu.memory_space<vmem>>, %arg13: memref<5x4x50x50xf32, #tpu.memory_space<vmem>>, %arg14: memref<4x50x92xf32, #tpu.memory_space<vmem>>) attributes {dimension_semantics = [#tpu.dimension_semantics<arbitrary>], iteration_bounds = array<i64: 50>, scalar_prefetch = 0 : i64, scratch_operands = 0 : i64, tpu.core_type = #tpu.core_type<tc>, window_params = [{transform_indices = @transform_0, window_bounds = array<i64: 4, 50, 64>}, {pipeline_mode = #tpu.pipeline_mode<synchronous>, transform_indices = @transform_1, window_bounds = array<i64: 6, 64, 64>}, {pipeline_mode = #tpu.pipeline_mode<synchronous>, transform_indices = @transform_2, window_bounds = array<i64: 5, 64, 64>}, {pipeline_mode = #tpu.pipeline_mode<synchronous>, transform_indices = @transform_3, window_bounds = array<i64: 92, 64>}, {pipeline_mode = #tpu.pipeline_mode<synchronous>, transform_indices = @transform_4, window_bounds = array<i64: 1, 92>}, {transform_indices = @transform_5, window_bounds = array<i64: 6, 6>}, {transform_indices = @transform_6, window_bounds = array<i64: 6>}, {transform_indices = @transform_7, window_bounds = array<i64: 6>}, {transform_indices = @transform_8, window_bounds = array<i64: 5, 5>}, {transform_indices = @transform_9, window_bounds = array<i64: 5>}, {transform_indices = @transform_10, window_bounds = array<i64: 5>}, {transform_indices = @transform_11, window_bounds = array<i64: 6, 4, 50, 50>}, {transform_indices = @transform_12, window_bounds = array<i64: 5, 4, 50, 50>}, {transform_indices = @transform_13, window_bounds = array<i64: 4, 50, 92>}]} {
    %get3A = arith.constant 0 : index
    %get3A_0 = arith.constant 0 : index
    %get3A_1 = memref.load %arg6[%get3A, %get3A_0] : memref<6x6xf32, #tpu.memory_space<smem>>
    %get3A_2 = arith.constant 0 : index
    %get3A_3 = arith.constant 0 : index
    %get3A_4 = arith.constant 0 : index
    %get3A_5 = vector.load %arg2[%get3A_2, %get3A_3, %get3A_4] : memref<6x64x64xf32, #tpu.memory_space<vmem>>, vector<1x64x64xf32>
    %get3A_6 = vector.shape_cast %get3A_5 : vector<1x64x64xf32> to vector<64x64xf32>
    %mul3A = vector.broadcast %get3A_1 : f32 to vector<64x64xf32>
    %mul3A_7 = arith.mulf %mul3A, %get3A_6 : vector<64x64xf32>
    %get3A_8 = arith.constant 0 : index
    %get3A_9 = arith.constant 0 : index
    %get3A_10 = memref.load %arg6[%get3A_8, %get3A_9] : memref<6x6xf32, #tpu.memory_space<smem>>
    %get3A_11 = arith.constant 0 : index
    %get3A_12 = memref.load %arg8[%get3A_11] : memref<6xf32, #tpu.memory_space<smem>>
    %mul3A_13 = arith.mulf %get3A_10, %get3A_12 : f32
    %get3A_14 = arith.constant 0 : index
    %get3A_15 = arith.constant 1 : index
    %get3A_16 = memref.load %arg6[%get3A_14, %get3A_15] : memref<6x6xf32, #tpu.memory_space<smem>>
    %get3A_17 = arith.constant 1 : index
    %get3A_18 = arith.constant 0 : index
    %get3A_19 = arith.constant 0 : index
    %get3A_20 = vector.load %arg2[%get3A_17, %get3A_18, %get3A_19] : memref<6x64x64xf32, #tpu.memory_space<vmem>>, vector<1x64x64xf32>
    %get3A_21 = vector.shape_cast %get3A_20 : vector<1x64x64xf32> to vector<64x64xf32>
    %mul3A_22 = vector.broadcast %get3A_16 : f32 to vector<64x64xf32>
    %mul3A_23 = arith.mulf %mul3A_22, %get3A_21 : vector<64x64xf32>
    %add3A = arith.addf %mul3A_7, %mul3A_23 : vector<64x64xf32>
    %get3A_24 = arith.constant 0 : index
    %get3A_25 = arith.constant 1 : index
    %get3A_26 = memref.load %arg6[%get3A_24, %get3A_25] : memref<6x6xf32, #tpu.memory_space<smem>>
    %get3A_27 = arith.constant 1 : index
    %get3A_28 = memref.load %arg8[%get3A_27] : memref<6xf32, #tpu.memory_space<smem>>
    %mul3A_29 = arith.mulf %get3A_26, %get3A_28 : f32
    %add3A_30 = arith.addf %mul3A_13, %mul3A_29 : f32
    %get3A_31 = arith.constant 0 : index
    %get3A_32 = arith.constant 2 : index
    %get3A_33 = memref.load %arg6[%get3A_31, %get3A_32] : memref<6x6xf32, #tpu.memory_space<smem>>
    %get3A_34 = arith.constant 2 : index
    %get3A_35 = arith.constant 0 : index
    %get3A_36 = arith.constant 0 : index
    %get3A_37 = vector.load %arg2[%get3A_34, %get3A_35, %get3A_36] : memref<6x64x64xf32, #tpu.memory_space<vmem>>, vector<1x64x64xf32>
    %get3A_38 = vector.shape_cast %get3A_37 : vector<1x64x64xf32> to vector<64x64xf32>
    %mul3A_39 = vector.broadcast %get3A_33 : f32 to vector<64x64xf32>
    %mul3A_40 = arith.mulf %mul3A_39, %get3A_38 : vector<64x64xf32>
    %add3A_41 = arith.addf %add3A, %mul3A_40 : vector<64x64xf32>
    %get3A_42 = arith.constant 0 : index
    %get3A_43 = arith.constant 2 : index
    %get3A_44 = memref.load %arg6[%get3A_42, %get3A_43] : memref<6x6xf32, #tpu.memory_space<smem>>
    %get3A_45 = arith.constant 2 : index
    %get3A_46 = memref.load %arg8[%get3A_45] : memref<6xf32, #tpu.memory_space<smem>>
    %mul3A_47 = arith.mulf %get3A_44, %get3A_46 : f32
    %add3A_48 = arith.addf %add3A_30, %mul3A_47 : f32
    %get3A_49 = arith.constant 0 : index
    %get3A_50 = arith.constant 3 : index
    %get3A_51 = memref.load %arg6[%get3A_49, %get3A_50] : memref<6x6xf32, #tpu.memory_space<smem>>
    %get3A_52 = arith.constant 3 : index
    %get3A_53 = arith.constant 0 : index
    %get3A_54 = arith.constant 0 : index
    %get3A_55 = vector.load %arg2[%get3A_52, %get3A_53, %get3A_54] : memref<6x64x64xf32, #tpu.memory_space<vmem>>, vector<1x64x64xf32>
    %get3A_56 = vector.shape_cast %get3A_55 : vector<1x64x64xf32> to vector<64x64xf32>
    %mul3A_57 = vector.broadcast %get3A_51 : f32 to vector<64x64xf32>
    %mul3A_58 = arith.mulf %mul3A_57, %get3A_56 : vector<64x64xf32>
    %add3A_59 = arith.addf %add3A_41, %mul3A_58 : vector<64x64xf32>
    %get3A_60 = arith.constant 0 : index
    %get3A_61 = arith.constant 3 : index
    %get3A_62 = memref.load %arg6[%get3A_60, %get3A_61] : memref<6x6xf32, #tpu.memory_space<smem>>
    %get3A_63 = arith.constant 3 : index
    %get3A_64 = memref.load %arg8[%get3A_63] : memref<6xf32, #tpu.memory_space<smem>>
    %mul3A_65 = arith.mulf %get3A_62, %get3A_64 : f32
    %add3A_66 = arith.addf %add3A_48, %mul3A_65 : f32
    %get3A_67 = arith.constant 0 : index
    %get3A_68 = arith.constant 4 : index
    %get3A_69 = memref.load %arg6[%get3A_67, %get3A_68] : memref<6x6xf32, #tpu.memory_space<smem>>
    %get3A_70 = arith.constant 4 : index
    %get3A_71 = arith.constant 0 : index
    %get3A_72 = arith.constant 0 : index
    %get3A_73 = vector.load %arg2[%get3A_70, %get3A_71, %get3A_72] : memref<6x64x64xf32, #tpu.memory_space<vmem>>, vector<1x64x64xf32>
    %get3A_74 = vector.shape_cast %get3A_73 : vector<1x64x64xf32> to vector<64x64xf32>
    %mul3A_75 = vector.broadcast %get3A_69 : f32 to vector<64x64xf32>
    %mul3A_76 = arith.mulf %mul3A_75, %get3A_74 : vector<64x64xf32>
    %add3A_77 = arith.addf %add3A_59, %mul3A_76 : vector<64x64xf32>
    %get3A_78 = arith.constant 0 : index
    %get3A_79 = arith.constant 4 : index
    %get3A_80 = memref.load %arg6[%get3A_78, %get3A_79] : memref<6x6xf32, #tpu.memory_space<smem>>
    %get3A_81 = arith.constant 4 : index
    %get3A_82 = memref.load %arg8[%get3A_81] : memref<6xf32, #tpu.memory_space<smem>>
    %mul3A_83 = arith.mulf %get3A_80, %get3A_82 : f32
    %add3A_84 = arith.addf %add3A_66, %mul3A_83 : f32
    %get3A_85 = arith.constant 0 : index
    %get3A_86 = arith.constant 5 : index
    %get3A_87 = memref.load %arg6[%get3A_85, %get3A_86] : memref<6x6xf32, #tpu.memory_space<smem>>
    %get3A_88 = arith.constant 5 : index
    %get3A_89 = arith.constant 0 : index
    %get3A_90 = arith.constant 0 : index
    %get3A_91 = vector.load %arg2[%get3A_88, %get3A_89, %get3A_90] : memref<6x64x64xf32, #tpu.memory_space<vmem>>, vector<1x64x64xf32>
    %get3A_92 = vector.shape_cast %get3A_91 : vector<1x64x64xf32> to vector<64x64xf32>
    %mul3A_93 = vector.broadcast %get3A_87 : f32 to vector<64x64xf32>
    %mul3A_94 = arith.mulf %mul3A_93, %get3A_92 : vector<64x64xf32>
    %add3A_95 = arith.addf %add3A_77, %mul3A_94 : vector<64x64xf32>
    %get3A_96 = arith.constant 0 : index
    %get3A_97 = arith.constant 5 : index
    %get3A_98 = memref.load %arg6[%get3A_96, %get3A_97] : memref<6x6xf32, #tpu.memory_space<smem>>
    %get3A_99 = arith.constant 5 : index
    %get3A_100 = memref.load %arg8[%get3A_99] : memref<6xf32, #tpu.memory_space<smem>>
    %mul3A_101 = arith.mulf %get3A_98, %get3A_100 : f32
    %add3A_102 = arith.addf %add3A_84, %mul3A_101 : f32
    %get3A_103 = arith.constant 0 : index
    %get3A_104 = memref.load %arg7[%get3A_103] : memref<6xf32, #tpu.memory_space<smem>>
    %add3A_105 = arith.addf %add3A_102, %get3A_104 : f32
    %get3A_106 = arith.constant 1 : index
    %get3A_107 = arith.constant 0 : index
    %get3A_108 = memref.load %arg6[%get3A_106, %get3A_107] : memref<6x6xf32, #tpu.memory_space<smem>>
    %get3A_109 = arith.constant 0 : index
    %get3A_110 = arith.constant 0 : index
    %get3A_111 = arith.constant 0 : index
    %get3A_112 = vector.load %arg2[%get3A_109, %get3A_110, %get3A_111] : memref<6x64x64xf32, #tpu.memory_space<vmem>>, vector<1x64x64xf32>
    %get3A_113 = vector.shape_cast %get3A_112 : vector<1x64x64xf32> to vector<64x64xf32>
    %mul3A_114 = vector.broadcast %get3A_108 : f32 to vector<64x64xf32>
    %mul3A_115 = arith.mulf %mul3A_114, %get3A_113 : vector<64x64xf32>
    %get3A_116 = arith.constant 1 : index
    %get3A_117 = arith.constant 0 : index
    %get3A_118 = memref.load %arg6[%get3A_116, %get3A_117] : memref<6x6xf32, #tpu.memory_space<smem>>
    %get3A_119 = arith.constant 0 : index
    %get3A_120 = memref.load %arg8[%get3A_119] : memref<6xf32, #tpu.memory_space<smem>>
    %mul3A_121 = arith.mulf %get3A_118, %get3A_120 : f32
    %get3A_122 = arith.constant 1 : index
    %get3A_123 = arith.constant 1 : index
    %get3A_124 = memref.load %arg6[%get3A_122, %get3A_123] : memref<6x6xf32, #tpu.memory_space<smem>>
    %get3A_125 = arith.constant 1 : index
    %get3A_126 = arith.constant 0 : index
    %get3A_127 = arith.constant 0 : index
    %get3A_128 = vector.load %arg2[%get3A_125, %get3A_126, %get3A_127] : memref<6x64x64xf32, #tpu.memory_space<vmem>>, vector<1x64x64xf32>
    %get3A_129 = vector.shape_cast %get3A_128 : vector<1x64x64xf32> to vector<64x64xf32>
    %mul3A_130 = vector.broadcast %get3A_124 : f32 to vector<64x64xf32>
    %mul3A_131 = arith.mulf %mul3A_130, %get3A_129 : vector<64x64xf32>
    %add3A_132 = arith.addf %mul3A_115, %mul3A_131 : vector<64x64xf32>
    %get3A_133 = arith.constant 1 : index
    %get3A_134 = arith.constant 1 : index
    %get3A_135 = memref.load %arg6[%get3A_133, %get3A_134] : memref<6x6xf32, #tpu.memory_space<smem>>
    %get3A_136 = arith.constant 1 : index
    %get3A_137 = memref.load %arg8[%get3A_136] : memref<6xf32, #tpu.memory_space<smem>>
    %mul3A_138 = arith.mulf %get3A_135, %get3A_137 : f32
    %add3A_139 = arith.addf %mul3A_121, %mul3A_138 : f32
    %get3A_140 = arith.constant 1 : index
    %get3A_141 = arith.constant 2 : index
    %get3A_142 = memref.load %arg6[%get3A_140, %get3A_141] : memref<6x6xf32, #tpu.memory_space<smem>>
    %get3A_143 = arith.constant 2 : index
    %get3A_144 = arith.constant 0 : index
    %get3A_145 = arith.constant 0 : index
    %get3A_146 = vector.load %arg2[%get3A_143, %get3A_144, %get3A_145] : memref<6x64x64xf32, #tpu.memory_space<vmem>>, vector<1x64x64xf32>
    %get3A_147 = vector.shape_cast %get3A_146 : vector<1x64x64xf32> to vector<64x64xf32>
    %mul3A_148 = vector.broadcast %get3A_142 : f32 to vector<64x64xf32>
    %mul3A_149 = arith.mulf %mul3A_148, %get3A_147 : vector<64x64xf32>
    %add3A_150 = arith.addf %add3A_132, %mul3A_149 : vector<64x64xf32>
    %get3A_151 = arith.constant 1 : index
    %get3A_152 = arith.constant 2 : index
    %get3A_153 = memref.load %arg6[%get3A_151, %get3A_152] : memref<6x6xf32, #tpu.memory_space<smem>>
    %get3A_154 = arith.constant 2 : index
    %get3A_155 = memref.load %arg8[%get3A_154] : memref<6xf32, #tpu.memory_space<smem>>
    %mul3A_156 = arith.mulf %get3A_153, %get3A_155 : f32
    %add3A_157 = arith.addf %add3A_139, %mul3A_156 : f32
    %get3A_158 = arith.constant 1 : index
    %get3A_159 = arith.constant 3 : index
    %get3A_160 = memref.load %arg6[%get3A_158, %get3A_159] : memref<6x6xf32, #tpu.memory_space<smem>>
    %get3A_161 = arith.constant 3 : index
    %get3A_162 = arith.constant 0 : index
    %get3A_163 = arith.constant 0 : index
    %get3A_164 = vector.load %arg2[%get3A_161, %get3A_162, %get3A_163] : memref<6x64x64xf32, #tpu.memory_space<vmem>>, vector<1x64x64xf32>
    %get3A_165 = vector.shape_cast %get3A_164 : vector<1x64x64xf32> to vector<64x64xf32>
    %mul3A_166 = vector.broadcast %get3A_160 : f32 to vector<64x64xf32>
    %mul3A_167 = arith.mulf %mul3A_166, %get3A_165 : vector<64x64xf32>
    %add3A_168 = arith.addf %add3A_150, %mul3A_167 : vector<64x64xf32>
    %get3A_169 = arith.constant 1 : index
    %get3A_170 = arith.constant 3 : index
    %get3A_171 = memref.load %arg6[%get3A_169, %get3A_170] : memref<6x6xf32, #tpu.memory_space<smem>>
    %get3A_172 = arith.constant 3 : index
    %get3A_173 = memref.load %arg8[%get3A_172] : memref<6xf32, #tpu.memory_space<smem>>
    %mul3A_174 = arith.mulf %get3A_171, %get3A_173 : f32
    %add3A_175 = arith.addf %add3A_157, %mul3A_174 : f32
    %get3A_176 = arith.constant 1 : index
    %get3A_177 = arith.constant 4 : index
    %get3A_178 = memref.load %arg6[%get3A_176, %get3A_177] : memref<6x6xf32, #tpu.memory_space<smem>>
    %get3A_179 = arith.constant 4 : index
    %get3A_180 = arith.constant 0 : index
    %get3A_181 = arith.constant 0 : index
    %get3A_182 = vector.load %arg2[%get3A_179, %get3A_180, %get3A_181] : memref<6x64x64xf32, #tpu.memory_space<vmem>>, vector<1x64x64xf32>
    %get3A_183 = vector.shape_cast %get3A_182 : vector<1x64x64xf32> to vector<64x64xf32>
    %mul3A_184 = vector.broadcast %get3A_178 : f32 to vector<64x64xf32>
    %mul3A_185 = arith.mulf %mul3A_184, %get3A_183 : vector<64x64xf32>
    %add3A_186 = arith.addf %add3A_168, %mul3A_185 : vector<64x64xf32>
    %get3A_187 = arith.constant 1 : index
    %get3A_188 = arith.constant 4 : index
    %get3A_189 = memref.load %arg6[%get3A_187, %get3A_188] : memref<6x6xf32, #tpu.memory_space<smem>>
    %get3A_190 = arith.constant 4 : index
    %get3A_191 = memref.load %arg8[%get3A_190] : memref<6xf32, #tpu.memory_space<smem>>
    %mul3A_192 = arith.mulf %get3A_189, %get3A_191 : f32
    %add3A_193 = arith.addf %add3A_175, %mul3A_192 : f32
    %get3A_194 = arith.constant 1 : index
    %get3A_195 = arith.constant 5 : index
    %get3A_196 = memref.load %arg6[%get3A_194, %get3A_195] : memref<6x6xf32, #tpu.memory_space<smem>>
    %get3A_197 = arith.constant 5 : index
    %get3A_198 = arith.constant 0 : index
    %get3A_199 = arith.constant 0 : index
    %get3A_200 = vector.load %arg2[%get3A_197, %get3A_198, %get3A_199] : memref<6x64x64xf32, #tpu.memory_space<vmem>>, vector<1x64x64xf32>
    %get3A_201 = vector.shape_cast %get3A_200 : vector<1x64x64xf32> to vector<64x64xf32>
    %mul3A_202 = vector.broadcast %get3A_196 : f32 to vector<64x64xf32>
    %mul3A_203 = arith.mulf %mul3A_202, %get3A_201 : vector<64x64xf32>
    %add3A_204 = arith.addf %add3A_186, %mul3A_203 : vector<64x64xf32>
    %get3A_205 = arith.constant 1 : index
    %get3A_206 = arith.constant 5 : index
    %get3A_207 = memref.load %arg6[%get3A_205, %get3A_206] : memref<6x6xf32, #tpu.memory_space<smem>>
    %get3A_208 = arith.constant 5 : index
    %get3A_209 = memref.load %arg8[%get3A_208] : memref<6xf32, #tpu.memory_space<smem>>
    %mul3A_210 = arith.mulf %get3A_207, %get3A_209 : f32
    %add3A_211 = arith.addf %add3A_193, %mul3A_210 : f32
    %get3A_212 = arith.constant 1 : index
    %get3A_213 = memref.load %arg7[%get3A_212] : memref<6xf32, #tpu.memory_space<smem>>
    %add3A_214 = arith.addf %add3A_211, %get3A_213 : f32
    %get3A_215 = arith.constant 2 : index
    %get3A_216 = arith.constant 0 : index
    %get3A_217 = memref.load %arg6[%get3A_215, %get3A_216] : memref<6x6xf32, #tpu.memory_space<smem>>
    %get3A_218 = arith.constant 0 : index
    %get3A_219 = arith.constant 0 : index
    %get3A_220 = arith.constant 0 : index
    %get3A_221 = vector.load %arg2[%get3A_218, %get3A_219, %get3A_220] : memref<6x64x64xf32, #tpu.memory_space<vmem>>, vector<1x64x64xf32>
    %get3A_222 = vector.shape_cast %get3A_221 : vector<1x64x64xf32> to vector<64x64xf32>
    %mul3A_223 = vector.broadcast %get3A_217 : f32 to vector<64x64xf32>
    %mul3A_224 = arith.mulf %mul3A_223, %get3A_222 : vector<64x64xf32>
    %get3A_225 = arith.constant 2 : index
    %get3A_226 = arith.constant 0 : index
    %get3A_227 = memref.load %arg6[%get3A_225, %get3A_226] : memref<6x6xf32, #tpu.memory_space<smem>>
    %get3A_228 = arith.constant 0 : index
    %get3A_229 = memref.load %arg8[%get3A_228] : memref<6xf32, #tpu.memory_space<smem>>
    %mul3A_230 = arith.mulf %get3A_227, %get3A_229 : f32
    %get3A_231 = arith.constant 2 : index
    %get3A_232 = arith.constant 1 : index
    %get3A_233 = memref.load %arg6[%get3A_231, %get3A_232] : memref<6x6xf32, #tpu.memory_space<smem>>
    %get3A_234 = arith.constant 1 : index
    %get3A_235 = arith.constant 0 : index
    %get3A_236 = arith.constant 0 : index
    %get3A_237 = vector.load %arg2[%get3A_234, %get3A_235, %get3A_236] : memref<6x64x64xf32, #tpu.memory_space<vmem>>, vector<1x64x64xf32>
    %get3A_238 = vector.shape_cast %get3A_237 : vector<1x64x64xf32> to vector<64x64xf32>
    %mul3A_239 = vector.broadcast %get3A_233 : f32 to vector<64x64xf32>
    %mul3A_240 = arith.mulf %mul3A_239, %get3A_238 : vector<64x64xf32>
    %add3A_241 = arith.addf %mul3A_224, %mul3A_240 : vector<64x64xf32>
    %get3A_242 = arith.constant 2 : index
    %get3A_243 = arith.constant 1 : index
    %get3A_244 = memref.load %arg6[%get3A_242, %get3A_243] : memref<6x6xf32, #tpu.memory_space<smem>>
    %get3A_245 = arith.constant 1 : index
    %get3A_246 = memref.load %arg8[%get3A_245] : memref<6xf32, #tpu.memory_space<smem>>
    %mul3A_247 = arith.mulf %get3A_244, %get3A_246 : f32
    %add3A_248 = arith.addf %mul3A_230, %mul3A_247 : f32
    %get3A_249 = arith.constant 2 : index
    %get3A_250 = arith.constant 2 : index
    %get3A_251 = memref.load %arg6[%get3A_249, %get3A_250] : memref<6x6xf32, #tpu.memory_space<smem>>
    %get3A_252 = arith.constant 2 : index
    %get3A_253 = arith.constant 0 : index
    %get3A_254 = arith.constant 0 : index
    %get3A_255 = vector.load %arg2[%get3A_252, %get3A_253, %get3A_254] : memref<6x64x64xf32, #tpu.memory_space<vmem>>, vector<1x64x64xf32>
    %get3A_256 = vector.shape_cast %get3A_255 : vector<1x64x64xf32> to vector<64x64xf32>
    %mul3A_257 = vector.broadcast %get3A_251 : f32 to vector<64x64xf32>
    %mul3A_258 = arith.mulf %mul3A_257, %get3A_256 : vector<64x64xf32>
    %add3A_259 = arith.addf %add3A_241, %mul3A_258 : vector<64x64xf32>
    %get3A_260 = arith.constant 2 : index
    %get3A_261 = arith.constant 2 : index
    %get3A_262 = memref.load %arg6[%get3A_260, %get3A_261] : memref<6x6xf32, #tpu.memory_space<smem>>
    %get3A_263 = arith.constant 2 : index
    %get3A_264 = memref.load %arg8[%get3A_263] : memref<6xf32, #tpu.memory_space<smem>>
    %mul3A_265 = arith.mulf %get3A_262, %get3A_264 : f32
    %add3A_266 = arith.addf %add3A_248, %mul3A_265 : f32
    %get3A_267 = arith.constant 2 : index
    %get3A_268 = arith.constant 3 : index
    %get3A_269 = memref.load %arg6[%get3A_267, %get3A_268] : memref<6x6xf32, #tpu.memory_space<smem>>
    %get3A_270 = arith.constant 3 : index
    %get3A_271 = arith.constant 0 : index
    %get3A_272 = arith.constant 0 : index
    %get3A_273 = vector.load %arg2[%get3A_270, %get3A_271, %get3A_272] : memref<6x64x64xf32, #tpu.memory_space<vmem>>, vector<1x64x64xf32>
    %get3A_274 = vector.shape_cast %get3A_273 : vector<1x64x64xf32> to vector<64x64xf32>
    %mul3A_275 = vector.broadcast %get3A_269 : f32 to vector<64x64xf32>
    %mul3A_276 = arith.mulf %mul3A_275, %get3A_274 : vector<64x64xf32>
    %add3A_277 = arith.addf %add3A_259, %mul3A_276 : vector<64x64xf32>
    %get3A_278 = arith.constant 2 : index
    %get3A_279 = arith.constant 3 : index
    %get3A_280 = memref.load %arg6[%get3A_278, %get3A_279] : memref<6x6xf32, #tpu.memory_space<smem>>
    %get3A_281 = arith.constant 3 : index
    %get3A_282 = memref.load %arg8[%get3A_281] : memref<6xf32, #tpu.memory_space<smem>>
    %mul3A_283 = arith.mulf %get3A_280, %get3A_282 : f32
    %add3A_284 = arith.addf %add3A_266, %mul3A_283 : f32
    %get3A_285 = arith.constant 2 : index
    %get3A_286 = arith.constant 4 : index
    %get3A_287 = memref.load %arg6[%get3A_285, %get3A_286] : memref<6x6xf32, #tpu.memory_space<smem>>
    %get3A_288 = arith.constant 4 : index
    %get3A_289 = arith.constant 0 : index
    %get3A_290 = arith.constant 0 : index
    %get3A_291 = vector.load %arg2[%get3A_288, %get3A_289, %get3A_290] : memref<6x64x64xf32, #tpu.memory_space<vmem>>, vector<1x64x64xf32>
    %get3A_292 = vector.shape_cast %get3A_291 : vector<1x64x64xf32> to vector<64x64xf32>
    %mul3A_293 = vector.broadcast %get3A_287 : f32 to vector<64x64xf32>
    %mul3A_294 = arith.mulf %mul3A_293, %get3A_292 : vector<64x64xf32>
    %add3A_295 = arith.addf %add3A_277, %mul3A_294 : vector<64x64xf32>
    %get3A_296 = arith.constant 2 : index
    %get3A_297 = arith.constant 4 : index
    %get3A_298 = memref.load %arg6[%get3A_296, %get3A_297] : memref<6x6xf32, #tpu.memory_space<smem>>
    %get3A_299 = arith.constant 4 : index
    %get3A_300 = memref.load %arg8[%get3A_299] : memref<6xf32, #tpu.memory_space<smem>>
    %mul3A_301 = arith.mulf %get3A_298, %get3A_300 : f32
    %add3A_302 = arith.addf %add3A_284, %mul3A_301 : f32
    %get3A_303 = arith.constant 2 : index
    %get3A_304 = arith.constant 5 : index
    %get3A_305 = memref.load %arg6[%get3A_303, %get3A_304] : memref<6x6xf32, #tpu.memory_space<smem>>
    %get3A_306 = arith.constant 5 : index
    %get3A_307 = arith.constant 0 : index
    %get3A_308 = arith.constant 0 : index
    %get3A_309 = vector.load %arg2[%get3A_306, %get3A_307, %get3A_308] : memref<6x64x64xf32, #tpu.memory_space<vmem>>, vector<1x64x64xf32>
    %get3A_310 = vector.shape_cast %get3A_309 : vector<1x64x64xf32> to vector<64x64xf32>
    %mul3A_311 = vector.broadcast %get3A_305 : f32 to vector<64x64xf32>
    %mul3A_312 = arith.mulf %mul3A_311, %get3A_310 : vector<64x64xf32>
    %add3A_313 = arith.addf %add3A_295, %mul3A_312 : vector<64x64xf32>
    %get3A_314 = arith.constant 2 : index
    %get3A_315 = arith.constant 5 : index
    %get3A_316 = memref.load %arg6[%get3A_314, %get3A_315] : memref<6x6xf32, #tpu.memory_space<smem>>
    %get3A_317 = arith.constant 5 : index
    %get3A_318 = memref.load %arg8[%get3A_317] : memref<6xf32, #tpu.memory_space<smem>>
    %mul3A_319 = arith.mulf %get3A_316, %get3A_318 : f32
    %add3A_320 = arith.addf %add3A_302, %mul3A_319 : f32
    %get3A_321 = arith.constant 2 : index
    %get3A_322 = memref.load %arg7[%get3A_321] : memref<6xf32, #tpu.memory_space<smem>>
    %add3A_323 = arith.addf %add3A_320, %get3A_322 : f32
    %get3A_324 = arith.constant 3 : index
    %get3A_325 = arith.constant 0 : index
    %get3A_326 = memref.load %arg6[%get3A_324, %get3A_325] : memref<6x6xf32, #tpu.memory_space<smem>>
    %get3A_327 = arith.constant 0 : index
    %get3A_328 = arith.constant 0 : index
    %get3A_329 = arith.constant 0 : index
    %get3A_330 = vector.load %arg2[%get3A_327, %get3A_328, %get3A_329] : memref<6x64x64xf32, #tpu.memory_space<vmem>>, vector<1x64x64xf32>
    %get3A_331 = vector.shape_cast %get3A_330 : vector<1x64x64xf32> to vector<64x64xf32>
    %mul3A_332 = vector.broadcast %get3A_326 : f32 to vector<64x64xf32>
    %mul3A_333 = arith.mulf %mul3A_332, %get3A_331 : vector<64x64xf32>
    %get3A_334 = arith.constant 3 : index
    %get3A_335 = arith.constant 0 : index
    %get3A_336 = memref.load %arg6[%get3A_334, %get3A_335] : memref<6x6xf32, #tpu.memory_space<smem>>
    %get3A_337 = arith.constant 0 : index
    %get3A_338 = memref.load %arg8[%get3A_337] : memref<6xf32, #tpu.memory_space<smem>>
    %mul3A_339 = arith.mulf %get3A_336, %get3A_338 : f32
    %get3A_340 = arith.constant 3 : index
    %get3A_341 = arith.constant 1 : index
    %get3A_342 = memref.load %arg6[%get3A_340, %get3A_341] : memref<6x6xf32, #tpu.memory_space<smem>>
    %get3A_343 = arith.constant 1 : index
    %get3A_344 = arith.constant 0 : index
    %get3A_345 = arith.constant 0 : index
    %get3A_346 = vector.load %arg2[%get3A_343, %get3A_344, %get3A_345] : memref<6x64x64xf32, #tpu.memory_space<vmem>>, vector<1x64x64xf32>
    %get3A_347 = vector.shape_cast %get3A_346 : vector<1x64x64xf32> to vector<64x64xf32>
    %mul3A_348 = vector.broadcast %get3A_342 : f32 to vector<64x64xf32>
    %mul3A_349 = arith.mulf %mul3A_348, %get3A_347 : vector<64x64xf32>
    %add3A_350 = arith.addf %mul3A_333, %mul3A_349 : vector<64x64xf32>
    %get3A_351 = arith.constant 3 : index
    %get3A_352 = arith.constant 1 : index
    %get3A_353 = memref.load %arg6[%get3A_351, %get3A_352] : memref<6x6xf32, #tpu.memory_space<smem>>
    %get3A_354 = arith.constant 1 : index
    %get3A_355 = memref.load %arg8[%get3A_354] : memref<6xf32, #tpu.memory_space<smem>>
    %mul3A_356 = arith.mulf %get3A_353, %get3A_355 : f32
    %add3A_357 = arith.addf %mul3A_339, %mul3A_356 : f32
    %get3A_358 = arith.constant 3 : index
    %get3A_359 = arith.constant 2 : index
    %get3A_360 = memref.load %arg6[%get3A_358, %get3A_359] : memref<6x6xf32, #tpu.memory_space<smem>>
    %get3A_361 = arith.constant 2 : index
    %get3A_362 = arith.constant 0 : index
    %get3A_363 = arith.constant 0 : index
    %get3A_364 = vector.load %arg2[%get3A_361, %get3A_362, %get3A_363] : memref<6x64x64xf32, #tpu.memory_space<vmem>>, vector<1x64x64xf32>
    %get3A_365 = vector.shape_cast %get3A_364 : vector<1x64x64xf32> to vector<64x64xf32>
    %mul3A_366 = vector.broadcast %get3A_360 : f32 to vector<64x64xf32>
    %mul3A_367 = arith.mulf %mul3A_366, %get3A_365 : vector<64x64xf32>
    %add3A_368 = arith.addf %add3A_350, %mul3A_367 : vector<64x64xf32>
    %get3A_369 = arith.constant 3 : index
    %get3A_370 = arith.constant 2 : index
    %get3A_371 = memref.load %arg6[%get3A_369, %get3A_370] : memref<6x6xf32, #tpu.memory_space<smem>>
    %get3A_372 = arith.constant 2 : index
    %get3A_373 = memref.load %arg8[%get3A_372] : memref<6xf32, #tpu.memory_space<smem>>
    %mul3A_374 = arith.mulf %get3A_371, %get3A_373 : f32
    %add3A_375 = arith.addf %add3A_357, %mul3A_374 : f32
    %get3A_376 = arith.constant 3 : index
    %get3A_377 = arith.constant 3 : index
    %get3A_378 = memref.load %arg6[%get3A_376, %get3A_377] : memref<6x6xf32, #tpu.memory_space<smem>>
    %get3A_379 = arith.constant 3 : index
    %get3A_380 = arith.constant 0 : index
    %get3A_381 = arith.constant 0 : index
    %get3A_382 = vector.load %arg2[%get3A_379, %get3A_380, %get3A_381] : memref<6x64x64xf32, #tpu.memory_space<vmem>>, vector<1x64x64xf32>
    %get3A_383 = vector.shape_cast %get3A_382 : vector<1x64x64xf32> to vector<64x64xf32>
    %mul3A_384 = vector.broadcast %get3A_378 : f32 to vector<64x64xf32>
    %mul3A_385 = arith.mulf %mul3A_384, %get3A_383 : vector<64x64xf32>
    %add3A_386 = arith.addf %add3A_368, %mul3A_385 : vector<64x64xf32>
    %get3A_387 = arith.constant 3 : index
    %get3A_388 = arith.constant 3 : index
    %get3A_389 = memref.load %arg6[%get3A_387, %get3A_388] : memref<6x6xf32, #tpu.memory_space<smem>>
    %get3A_390 = arith.constant 3 : index
    %get3A_391 = memref.load %arg8[%get3A_390] : memref<6xf32, #tpu.memory_space<smem>>
    %mul3A_392 = arith.mulf %get3A_389, %get3A_391 : f32
    %add3A_393 = arith.addf %add3A_375, %mul3A_392 : f32
    %get3A_394 = arith.constant 3 : index
    %get3A_395 = arith.constant 4 : index
    %get3A_396 = memref.load %arg6[%get3A_394, %get3A_395] : memref<6x6xf32, #tpu.memory_space<smem>>
    %get3A_397 = arith.constant 4 : index
    %get3A_398 = arith.constant 0 : index
    %get3A_399 = arith.constant 0 : index
    %get3A_400 = vector.load %arg2[%get3A_397, %get3A_398, %get3A_399] : memref<6x64x64xf32, #tpu.memory_space<vmem>>, vector<1x64x64xf32>
    %get3A_401 = vector.shape_cast %get3A_400 : vector<1x64x64xf32> to vector<64x64xf32>
    %mul3A_402 = vector.broadcast %get3A_396 : f32 to vector<64x64xf32>
    %mul3A_403 = arith.mulf %mul3A_402, %get3A_401 : vector<64x64xf32>
    %add3A_404 = arith.addf %add3A_386, %mul3A_403 : vector<64x64xf32>
    %get3A_405 = arith.constant 3 : index
    %get3A_406 = arith.constant 4 : index
    %get3A_407 = memref.load %arg6[%get3A_405, %get3A_406] : memref<6x6xf32, #tpu.memory_space<smem>>
    %get3A_408 = arith.constant 4 : index
    %get3A_409 = memref.load %arg8[%get3A_408] : memref<6xf32, #tpu.memory_space<smem>>
    %mul3A_410 = arith.mulf %get3A_407, %get3A_409 : f32
    %add3A_411 = arith.addf %add3A_393, %mul3A_410 : f32
    %get3A_412 = arith.constant 3 : index
    %get3A_413 = arith.constant 5 : index
    %get3A_414 = memref.load %arg6[%get3A_412, %get3A_413] : memref<6x6xf32, #tpu.memory_space<smem>>
    %get3A_415 = arith.constant 5 : index
    %get3A_416 = arith.constant 0 : index
    %get3A_417 = arith.constant 0 : index
    %get3A_418 = vector.load %arg2[%get3A_415, %get3A_416, %get3A_417] : memref<6x64x64xf32, #tpu.memory_space<vmem>>, vector<1x64x64xf32>
    %get3A_419 = vector.shape_cast %get3A_418 : vector<1x64x64xf32> to vector<64x64xf32>
    %mul3A_420 = vector.broadcast %get3A_414 : f32 to vector<64x64xf32>
    %mul3A_421 = arith.mulf %mul3A_420, %get3A_419 : vector<64x64xf32>
    %add3A_422 = arith.addf %add3A_404, %mul3A_421 : vector<64x64xf32>
    %get3A_423 = arith.constant 3 : index
    %get3A_424 = arith.constant 5 : index
    %get3A_425 = memref.load %arg6[%get3A_423, %get3A_424] : memref<6x6xf32, #tpu.memory_space<smem>>
    %get3A_426 = arith.constant 5 : index
    %get3A_427 = memref.load %arg8[%get3A_426] : memref<6xf32, #tpu.memory_space<smem>>
    %mul3A_428 = arith.mulf %get3A_425, %get3A_427 : f32
    %add3A_429 = arith.addf %add3A_411, %mul3A_428 : f32
    %get3A_430 = arith.constant 3 : index
    %get3A_431 = memref.load %arg7[%get3A_430] : memref<6xf32, #tpu.memory_space<smem>>
    %add3A_432 = arith.addf %add3A_429, %get3A_431 : f32
    %get3A_433 = arith.constant 4 : index
    %get3A_434 = arith.constant 0 : index
    %get3A_435 = memref.load %arg6[%get3A_433, %get3A_434] : memref<6x6xf32, #tpu.memory_space<smem>>
    %get3A_436 = arith.constant 0 : index
    %get3A_437 = arith.constant 0 : index
    %get3A_438 = arith.constant 0 : index
    %get3A_439 = vector.load %arg2[%get3A_436, %get3A_437, %get3A_438] : memref<6x64x64xf32, #tpu.memory_space<vmem>>, vector<1x64x64xf32>
    %get3A_440 = vector.shape_cast %get3A_439 : vector<1x64x64xf32> to vector<64x64xf32>
    %mul3A_441 = vector.broadcast %get3A_435 : f32 to vector<64x64xf32>
    %mul3A_442 = arith.mulf %mul3A_441, %get3A_440 : vector<64x64xf32>
    %get3A_443 = arith.constant 4 : index
    %get3A_444 = arith.constant 0 : index
    %get3A_445 = memref.load %arg6[%get3A_443, %get3A_444] : memref<6x6xf32, #tpu.memory_space<smem>>
    %get3A_446 = arith.constant 0 : index
    %get3A_447 = memref.load %arg8[%get3A_446] : memref<6xf32, #tpu.memory_space<smem>>
    %mul3A_448 = arith.mulf %get3A_445, %get3A_447 : f32
    %get3A_449 = arith.constant 4 : index
    %get3A_450 = arith.constant 1 : index
    %get3A_451 = memref.load %arg6[%get3A_449, %get3A_450] : memref<6x6xf32, #tpu.memory_space<smem>>
    %get3A_452 = arith.constant 1 : index
    %get3A_453 = arith.constant 0 : index
    %get3A_454 = arith.constant 0 : index
    %get3A_455 = vector.load %arg2[%get3A_452, %get3A_453, %get3A_454] : memref<6x64x64xf32, #tpu.memory_space<vmem>>, vector<1x64x64xf32>
    %get3A_456 = vector.shape_cast %get3A_455 : vector<1x64x64xf32> to vector<64x64xf32>
    %mul3A_457 = vector.broadcast %get3A_451 : f32 to vector<64x64xf32>
    %mul3A_458 = arith.mulf %mul3A_457, %get3A_456 : vector<64x64xf32>
    %add3A_459 = arith.addf %mul3A_442, %mul3A_458 : vector<64x64xf32>
    %get3A_460 = arith.constant 4 : index
    %get3A_461 = arith.constant 1 : index
    %get3A_462 = memref.load %arg6[%get3A_460, %get3A_461] : memref<6x6xf32, #tpu.memory_space<smem>>
    %get3A_463 = arith.constant 1 : index
    %get3A_464 = memref.load %arg8[%get3A_463] : memref<6xf32, #tpu.memory_space<smem>>
    %mul3A_465 = arith.mulf %get3A_462, %get3A_464 : f32
    %add3A_466 = arith.addf %mul3A_448, %mul3A_465 : f32
    %get3A_467 = arith.constant 4 : index
    %get3A_468 = arith.constant 2 : index
    %get3A_469 = memref.load %arg6[%get3A_467, %get3A_468] : memref<6x6xf32, #tpu.memory_space<smem>>
    %get3A_470 = arith.constant 2 : index
    %get3A_471 = arith.constant 0 : index
    %get3A_472 = arith.constant 0 : index
    %get3A_473 = vector.load %arg2[%get3A_470, %get3A_471, %get3A_472] : memref<6x64x64xf32, #tpu.memory_space<vmem>>, vector<1x64x64xf32>
    %get3A_474 = vector.shape_cast %get3A_473 : vector<1x64x64xf32> to vector<64x64xf32>
    %mul3A_475 = vector.broadcast %get3A_469 : f32 to vector<64x64xf32>
    %mul3A_476 = arith.mulf %mul3A_475, %get3A_474 : vector<64x64xf32>
    %add3A_477 = arith.addf %add3A_459, %mul3A_476 : vector<64x64xf32>
    %get3A_478 = arith.constant 4 : index
    %get3A_479 = arith.constant 2 : index
    %get3A_480 = memref.load %arg6[%get3A_478, %get3A_479] : memref<6x6xf32, #tpu.memory_space<smem>>
    %get3A_481 = arith.constant 2 : index
    %get3A_482 = memref.load %arg8[%get3A_481] : memref<6xf32, #tpu.memory_space<smem>>
    %mul3A_483 = arith.mulf %get3A_480, %get3A_482 : f32
    %add3A_484 = arith.addf %add3A_466, %mul3A_483 : f32
    %get3A_485 = arith.constant 4 : index
    %get3A_486 = arith.constant 3 : index
    %get3A_487 = memref.load %arg6[%get3A_485, %get3A_486] : memref<6x6xf32, #tpu.memory_space<smem>>
    %get3A_488 = arith.constant 3 : index
    %get3A_489 = arith.constant 0 : index
    %get3A_490 = arith.constant 0 : index
    %get3A_491 = vector.load %arg2[%get3A_488, %get3A_489, %get3A_490] : memref<6x64x64xf32, #tpu.memory_space<vmem>>, vector<1x64x64xf32>
    %get3A_492 = vector.shape_cast %get3A_491 : vector<1x64x64xf32> to vector<64x64xf32>
    %mul3A_493 = vector.broadcast %get3A_487 : f32 to vector<64x64xf32>
    %mul3A_494 = arith.mulf %mul3A_493, %get3A_492 : vector<64x64xf32>
    %add3A_495 = arith.addf %add3A_477, %mul3A_494 : vector<64x64xf32>
    %get3A_496 = arith.constant 4 : index
    %get3A_497 = arith.constant 3 : index
    %get3A_498 = memref.load %arg6[%get3A_496, %get3A_497] : memref<6x6xf32, #tpu.memory_space<smem>>
    %get3A_499 = arith.constant 3 : index
    %get3A_500 = memref.load %arg8[%get3A_499] : memref<6xf32, #tpu.memory_space<smem>>
    %mul3A_501 = arith.mulf %get3A_498, %get3A_500 : f32
    %add3A_502 = arith.addf %add3A_484, %mul3A_501 : f32
    %get3A_503 = arith.constant 4 : index
    %get3A_504 = arith.constant 4 : index
    %get3A_505 = memref.load %arg6[%get3A_503, %get3A_504] : memref<6x6xf32, #tpu.memory_space<smem>>
    %get3A_506 = arith.constant 4 : index
    %get3A_507 = arith.constant 0 : index
    %get3A_508 = arith.constant 0 : index
    %get3A_509 = vector.load %arg2[%get3A_506, %get3A_507, %get3A_508] : memref<6x64x64xf32, #tpu.memory_space<vmem>>, vector<1x64x64xf32>
    %get3A_510 = vector.shape_cast %get3A_509 : vector<1x64x64xf32> to vector<64x64xf32>
    %mul3A_511 = vector.broadcast %get3A_505 : f32 to vector<64x64xf32>
    %mul3A_512 = arith.mulf %mul3A_511, %get3A_510 : vector<64x64xf32>
    %add3A_513 = arith.addf %add3A_495, %mul3A_512 : vector<64x64xf32>
    %get3A_514 = arith.constant 4 : index
    %get3A_515 = arith.constant 4 : index
    %get3A_516 = memref.load %arg6[%get3A_514, %get3A_515] : memref<6x6xf32, #tpu.memory_space<smem>>
    %get3A_517 = arith.constant 4 : index
    %get3A_518 = memref.load %arg8[%get3A_517] : memref<6xf32, #tpu.memory_space<smem>>
    %mul3A_519 = arith.mulf %get3A_516, %get3A_518 : f32
    %add3A_520 = arith.addf %add3A_502, %mul3A_519 : f32
    %get3A_521 = arith.constant 4 : index
    %get3A_522 = arith.constant 5 : index
    %get3A_523 = memref.load %arg6[%get3A_521, %get3A_522] : memref<6x6xf32, #tpu.memory_space<smem>>
    %get3A_524 = arith.constant 5 : index
    %get3A_525 = arith.constant 0 : index
    %get3A_526 = arith.constant 0 : index
    %get3A_527 = vector.load %arg2[%get3A_524, %get3A_525, %get3A_526] : memref<6x64x64xf32, #tpu.memory_space<vmem>>, vector<1x64x64xf32>
    %get3A_528 = vector.shape_cast %get3A_527 : vector<1x64x64xf32> to vector<64x64xf32>
    %mul3A_529 = vector.broadcast %get3A_523 : f32 to vector<64x64xf32>
    %mul3A_530 = arith.mulf %mul3A_529, %get3A_528 : vector<64x64xf32>
    %add3A_531 = arith.addf %add3A_513, %mul3A_530 : vector<64x64xf32>
    %get3A_532 = arith.constant 4 : index
    %get3A_533 = arith.constant 5 : index
    %get3A_534 = memref.load %arg6[%get3A_532, %get3A_533] : memref<6x6xf32, #tpu.memory_space<smem>>
    %get3A_535 = arith.constant 5 : index
    %get3A_536 = memref.load %arg8[%get3A_535] : memref<6xf32, #tpu.memory_space<smem>>
    %mul3A_537 = arith.mulf %get3A_534, %get3A_536 : f32
    %add3A_538 = arith.addf %add3A_520, %mul3A_537 : f32
    %get3A_539 = arith.constant 4 : index
    %get3A_540 = memref.load %arg7[%get3A_539] : memref<6xf32, #tpu.memory_space<smem>>
    %add3A_541 = arith.addf %add3A_538, %get3A_540 : f32
    %get3A_542 = arith.constant 5 : index
    %get3A_543 = arith.constant 0 : index
    %get3A_544 = memref.load %arg6[%get3A_542, %get3A_543] : memref<6x6xf32, #tpu.memory_space<smem>>
    %get3A_545 = arith.constant 0 : index
    %get3A_546 = arith.constant 0 : index
    %get3A_547 = arith.constant 0 : index
    %get3A_548 = vector.load %arg2[%get3A_545, %get3A_546, %get3A_547] : memref<6x64x64xf32, #tpu.memory_space<vmem>>, vector<1x64x64xf32>
    %get3A_549 = vector.shape_cast %get3A_548 : vector<1x64x64xf32> to vector<64x64xf32>
    %mul3A_550 = vector.broadcast %get3A_544 : f32 to vector<64x64xf32>
    %mul3A_551 = arith.mulf %mul3A_550, %get3A_549 : vector<64x64xf32>
    %get3A_552 = arith.constant 5 : index
    %get3A_553 = arith.constant 0 : index
    %get3A_554 = memref.load %arg6[%get3A_552, %get3A_553] : memref<6x6xf32, #tpu.memory_space<smem>>
    %get3A_555 = arith.constant 0 : index
    %get3A_556 = memref.load %arg8[%get3A_555] : memref<6xf32, #tpu.memory_space<smem>>
    %mul3A_557 = arith.mulf %get3A_554, %get3A_556 : f32
    %get3A_558 = arith.constant 5 : index
    %get3A_559 = arith.constant 1 : index
    %get3A_560 = memref.load %arg6[%get3A_558, %get3A_559] : memref<6x6xf32, #tpu.memory_space<smem>>
    %get3A_561 = arith.constant 1 : index
    %get3A_562 = arith.constant 0 : index
    %get3A_563 = arith.constant 0 : index
    %get3A_564 = vector.load %arg2[%get3A_561, %get3A_562, %get3A_563] : memref<6x64x64xf32, #tpu.memory_space<vmem>>, vector<1x64x64xf32>
    %get3A_565 = vector.shape_cast %get3A_564 : vector<1x64x64xf32> to vector<64x64xf32>
    %mul3A_566 = vector.broadcast %get3A_560 : f32 to vector<64x64xf32>
    %mul3A_567 = arith.mulf %mul3A_566, %get3A_565 : vector<64x64xf32>
    %add3A_568 = arith.addf %mul3A_551, %mul3A_567 : vector<64x64xf32>
    %get3A_569 = arith.constant 5 : index
    %get3A_570 = arith.constant 1 : index
    %get3A_571 = memref.load %arg6[%get3A_569, %get3A_570] : memref<6x6xf32, #tpu.memory_space<smem>>
    %get3A_572 = arith.constant 1 : index
    %get3A_573 = memref.load %arg8[%get3A_572] : memref<6xf32, #tpu.memory_space<smem>>
    %mul3A_574 = arith.mulf %get3A_571, %get3A_573 : f32
    %add3A_575 = arith.addf %mul3A_557, %mul3A_574 : f32
    %get3A_576 = arith.constant 5 : index
    %get3A_577 = arith.constant 2 : index
    %get3A_578 = memref.load %arg6[%get3A_576, %get3A_577] : memref<6x6xf32, #tpu.memory_space<smem>>
    %get3A_579 = arith.constant 2 : index
    %get3A_580 = arith.constant 0 : index
    %get3A_581 = arith.constant 0 : index
    %get3A_582 = vector.load %arg2[%get3A_579, %get3A_580, %get3A_581] : memref<6x64x64xf32, #tpu.memory_space<vmem>>, vector<1x64x64xf32>
    %get3A_583 = vector.shape_cast %get3A_582 : vector<1x64x64xf32> to vector<64x64xf32>
    %mul3A_584 = vector.broadcast %get3A_578 : f32 to vector<64x64xf32>
    %mul3A_585 = arith.mulf %mul3A_584, %get3A_583 : vector<64x64xf32>
    %add3A_586 = arith.addf %add3A_568, %mul3A_585 : vector<64x64xf32>
    %get3A_587 = arith.constant 5 : index
    %get3A_588 = arith.constant 2 : index
    %get3A_589 = memref.load %arg6[%get3A_587, %get3A_588] : memref<6x6xf32, #tpu.memory_space<smem>>
    %get3A_590 = arith.constant 2 : index
    %get3A_591 = memref.load %arg8[%get3A_590] : memref<6xf32, #tpu.memory_space<smem>>
    %mul3A_592 = arith.mulf %get3A_589, %get3A_591 : f32
    %add3A_593 = arith.addf %add3A_575, %mul3A_592 : f32
    %get3A_594 = arith.constant 5 : index
    %get3A_595 = arith.constant 3 : index
    %get3A_596 = memref.load %arg6[%get3A_594, %get3A_595] : memref<6x6xf32, #tpu.memory_space<smem>>
    %get3A_597 = arith.constant 3 : index
    %get3A_598 = arith.constant 0 : index
    %get3A_599 = arith.constant 0 : index
    %get3A_600 = vector.load %arg2[%get3A_597, %get3A_598, %get3A_599] : memref<6x64x64xf32, #tpu.memory_space<vmem>>, vector<1x64x64xf32>
    %get3A_601 = vector.shape_cast %get3A_600 : vector<1x64x64xf32> to vector<64x64xf32>
    %mul3A_602 = vector.broadcast %get3A_596 : f32 to vector<64x64xf32>
    %mul3A_603 = arith.mulf %mul3A_602, %get3A_601 : vector<64x64xf32>
    %add3A_604 = arith.addf %add3A_586, %mul3A_603 : vector<64x64xf32>
    %get3A_605 = arith.constant 5 : index
    %get3A_606 = arith.constant 3 : index
    %get3A_607 = memref.load %arg6[%get3A_605, %get3A_606] : memref<6x6xf32, #tpu.memory_space<smem>>
    %get3A_608 = arith.constant 3 : index
    %get3A_609 = memref.load %arg8[%get3A_608] : memref<6xf32, #tpu.memory_space<smem>>
    %mul3A_610 = arith.mulf %get3A_607, %get3A_609 : f32
    %add3A_611 = arith.addf %add3A_593, %mul3A_610 : f32
    %get3A_612 = arith.constant 5 : index
    %get3A_613 = arith.constant 4 : index
    %get3A_614 = memref.load %arg6[%get3A_612, %get3A_613] : memref<6x6xf32, #tpu.memory_space<smem>>
    %get3A_615 = arith.constant 4 : index
    %get3A_616 = arith.constant 0 : index
    %get3A_617 = arith.constant 0 : index
    %get3A_618 = vector.load %arg2[%get3A_615, %get3A_616, %get3A_617] : memref<6x64x64xf32, #tpu.memory_space<vmem>>, vector<1x64x64xf32>
    %get3A_619 = vector.shape_cast %get3A_618 : vector<1x64x64xf32> to vector<64x64xf32>
    %mul3A_620 = vector.broadcast %get3A_614 : f32 to vector<64x64xf32>
    %mul3A_621 = arith.mulf %mul3A_620, %get3A_619 : vector<64x64xf32>
    %add3A_622 = arith.addf %add3A_604, %mul3A_621 : vector<64x64xf32>
    %get3A_623 = arith.constant 5 : index
    %get3A_624 = arith.constant 4 : index
    %get3A_625 = memref.load %arg6[%get3A_623, %get3A_624] : memref<6x6xf32, #tpu.memory_space<smem>>
    %get3A_626 = arith.constant 4 : index
    %get3A_627 = memref.load %arg8[%get3A_626] : memref<6xf32, #tpu.memory_space<smem>>
    %mul3A_628 = arith.mulf %get3A_625, %get3A_627 : f32
    %add3A_629 = arith.addf %add3A_611, %mul3A_628 : f32
    %get3A_630 = arith.constant 5 : index
    %get3A_631 = arith.constant 5 : index
    %get3A_632 = memref.load %arg6[%get3A_630, %get3A_631] : memref<6x6xf32, #tpu.memory_space<smem>>
    %get3A_633 = arith.constant 5 : index
    %get3A_634 = arith.constant 0 : index
    %get3A_635 = arith.constant 0 : index
    %get3A_636 = vector.load %arg2[%get3A_633, %get3A_634, %get3A_635] : memref<6x64x64xf32, #tpu.memory_space<vmem>>, vector<1x64x64xf32>
    %get3A_637 = vector.shape_cast %get3A_636 : vector<1x64x64xf32> to vector<64x64xf32>
    %mul3A_638 = vector.broadcast %get3A_632 : f32 to vector<64x64xf32>
    %mul3A_639 = arith.mulf %mul3A_638, %get3A_637 : vector<64x64xf32>
    %add3A_640 = arith.addf %add3A_622, %mul3A_639 : vector<64x64xf32>
    %get3A_641 = arith.constant 5 : index
    %get3A_642 = arith.constant 5 : index
    %get3A_643 = memref.load %arg6[%get3A_641, %get3A_642] : memref<6x6xf32, #tpu.memory_space<smem>>
    %get3A_644 = arith.constant 5 : index
    %get3A_645 = memref.load %arg8[%get3A_644] : memref<6xf32, #tpu.memory_space<smem>>
    %mul3A_646 = arith.mulf %get3A_643, %get3A_645 : f32
    %add3A_647 = arith.addf %add3A_629, %mul3A_646 : f32
    %get3A_648 = arith.constant 5 : index
    %get3A_649 = memref.load %arg7[%get3A_648] : memref<6xf32, #tpu.memory_space<smem>>
    %add3A_650 = arith.addf %add3A_647, %get3A_649 : f32
    %get3A_651 = arith.constant 0 : index
    %get3A_652 = arith.constant 0 : index
    %get3A_653 = memref.load %arg9[%get3A_651, %get3A_652] : memref<5x5xf32, #tpu.memory_space<smem>>
    %get3A_654 = arith.constant 0 : index
    %get3A_655 = arith.constant 0 : index
    %get3A_656 = arith.constant 0 : index
    %get3A_657 = vector.load %arg3[%get3A_654, %get3A_655, %get3A_656] : memref<5x64x64xf32, #tpu.memory_space<vmem>>, vector<1x64x64xf32>
    %get3A_658 = vector.shape_cast %get3A_657 : vector<1x64x64xf32> to vector<64x64xf32>
    %mul3A_659 = vector.broadcast %get3A_653 : f32 to vector<64x64xf32>
    %mul3A_660 = arith.mulf %mul3A_659, %get3A_658 : vector<64x64xf32>
    %get3A_661 = arith.constant 0 : index
    %get3A_662 = arith.constant 0 : index
    %get3A_663 = memref.load %arg9[%get3A_661, %get3A_662] : memref<5x5xf32, #tpu.memory_space<smem>>
    %get3A_664 = arith.constant 0 : index
    %get3A_665 = memref.load %arg11[%get3A_664] : memref<5xf32, #tpu.memory_space<smem>>
    %mul3A_666 = arith.mulf %get3A_663, %get3A_665 : f32
    %get3A_667 = arith.constant 0 : index
    %get3A_668 = arith.constant 1 : index
    %get3A_669 = memref.load %arg9[%get3A_667, %get3A_668] : memref<5x5xf32, #tpu.memory_space<smem>>
    %get3A_670 = arith.constant 1 : index
    %get3A_671 = arith.constant 0 : index
    %get3A_672 = arith.constant 0 : index
    %get3A_673 = vector.load %arg3[%get3A_670, %get3A_671, %get3A_672] : memref<5x64x64xf32, #tpu.memory_space<vmem>>, vector<1x64x64xf32>
    %get3A_674 = vector.shape_cast %get3A_673 : vector<1x64x64xf32> to vector<64x64xf32>
    %mul3A_675 = vector.broadcast %get3A_669 : f32 to vector<64x64xf32>
    %mul3A_676 = arith.mulf %mul3A_675, %get3A_674 : vector<64x64xf32>
    %add3A_677 = arith.addf %mul3A_660, %mul3A_676 : vector<64x64xf32>
    %get3A_678 = arith.constant 0 : index
    %get3A_679 = arith.constant 1 : index
    %get3A_680 = memref.load %arg9[%get3A_678, %get3A_679] : memref<5x5xf32, #tpu.memory_space<smem>>
    %get3A_681 = arith.constant 1 : index
    %get3A_682 = memref.load %arg11[%get3A_681] : memref<5xf32, #tpu.memory_space<smem>>
    %mul3A_683 = arith.mulf %get3A_680, %get3A_682 : f32
    %add3A_684 = arith.addf %mul3A_666, %mul3A_683 : f32
    %get3A_685 = arith.constant 0 : index
    %get3A_686 = arith.constant 2 : index
    %get3A_687 = memref.load %arg9[%get3A_685, %get3A_686] : memref<5x5xf32, #tpu.memory_space<smem>>
    %get3A_688 = arith.constant 2 : index
    %get3A_689 = arith.constant 0 : index
    %get3A_690 = arith.constant 0 : index
    %get3A_691 = vector.load %arg3[%get3A_688, %get3A_689, %get3A_690] : memref<5x64x64xf32, #tpu.memory_space<vmem>>, vector<1x64x64xf32>
    %get3A_692 = vector.shape_cast %get3A_691 : vector<1x64x64xf32> to vector<64x64xf32>
    %mul3A_693 = vector.broadcast %get3A_687 : f32 to vector<64x64xf32>
    %mul3A_694 = arith.mulf %mul3A_693, %get3A_692 : vector<64x64xf32>
    %add3A_695 = arith.addf %add3A_677, %mul3A_694 : vector<64x64xf32>
    %get3A_696 = arith.constant 0 : index
    %get3A_697 = arith.constant 2 : index
    %get3A_698 = memref.load %arg9[%get3A_696, %get3A_697] : memref<5x5xf32, #tpu.memory_space<smem>>
    %get3A_699 = arith.constant 2 : index
    %get3A_700 = memref.load %arg11[%get3A_699] : memref<5xf32, #tpu.memory_space<smem>>
    %mul3A_701 = arith.mulf %get3A_698, %get3A_700 : f32
    %add3A_702 = arith.addf %add3A_684, %mul3A_701 : f32
    %get3A_703 = arith.constant 0 : index
    %get3A_704 = arith.constant 3 : index
    %get3A_705 = memref.load %arg9[%get3A_703, %get3A_704] : memref<5x5xf32, #tpu.memory_space<smem>>
    %get3A_706 = arith.constant 3 : index
    %get3A_707 = arith.constant 0 : index
    %get3A_708 = arith.constant 0 : index
    %get3A_709 = vector.load %arg3[%get3A_706, %get3A_707, %get3A_708] : memref<5x64x64xf32, #tpu.memory_space<vmem>>, vector<1x64x64xf32>
    %get3A_710 = vector.shape_cast %get3A_709 : vector<1x64x64xf32> to vector<64x64xf32>
    %mul3A_711 = vector.broadcast %get3A_705 : f32 to vector<64x64xf32>
    %mul3A_712 = arith.mulf %mul3A_711, %get3A_710 : vector<64x64xf32>
    %add3A_713 = arith.addf %add3A_695, %mul3A_712 : vector<64x64xf32>
    %get3A_714 = arith.constant 0 : index
    %get3A_715 = arith.constant 3 : index
    %get3A_716 = memref.load %arg9[%get3A_714, %get3A_715] : memref<5x5xf32, #tpu.memory_space<smem>>
    %get3A_717 = arith.constant 3 : index
    %get3A_718 = memref.load %arg11[%get3A_717] : memref<5xf32, #tpu.memory_space<smem>>
    %mul3A_719 = arith.mulf %get3A_716, %get3A_718 : f32
    %add3A_720 = arith.addf %add3A_702, %mul3A_719 : f32
    %get3A_721 = arith.constant 0 : index
    %get3A_722 = arith.constant 4 : index
    %get3A_723 = memref.load %arg9[%get3A_721, %get3A_722] : memref<5x5xf32, #tpu.memory_space<smem>>
    %get3A_724 = arith.constant 4 : index
    %get3A_725 = arith.constant 0 : index
    %get3A_726 = arith.constant 0 : index
    %get3A_727 = vector.load %arg3[%get3A_724, %get3A_725, %get3A_726] : memref<5x64x64xf32, #tpu.memory_space<vmem>>, vector<1x64x64xf32>
    %get3A_728 = vector.shape_cast %get3A_727 : vector<1x64x64xf32> to vector<64x64xf32>
    %mul3A_729 = vector.broadcast %get3A_723 : f32 to vector<64x64xf32>
    %mul3A_730 = arith.mulf %mul3A_729, %get3A_728 : vector<64x64xf32>
    %add3A_731 = arith.addf %add3A_713, %mul3A_730 : vector<64x64xf32>
    %get3A_732 = arith.constant 0 : index
    %get3A_733 = arith.constant 4 : index
    %get3A_734 = memref.load %arg9[%get3A_732, %get3A_733] : memref<5x5xf32, #tpu.memory_space<smem>>
    %get3A_735 = arith.constant 4 : index
    %get3A_736 = memref.load %arg11[%get3A_735] : memref<5xf32, #tpu.memory_space<smem>>
    %mul3A_737 = arith.mulf %get3A_734, %get3A_736 : f32
    %add3A_738 = arith.addf %add3A_720, %mul3A_737 : f32
    %get3A_739 = arith.constant 0 : index
    %get3A_740 = memref.load %arg10[%get3A_739] : memref<5xf32, #tpu.memory_space<smem>>
    %add3A_741 = arith.addf %add3A_738, %get3A_740 : f32
    %get3A_742 = arith.constant 1 : index
    %get3A_743 = arith.constant 0 : index
    %get3A_744 = memref.load %arg9[%get3A_742, %get3A_743] : memref<5x5xf32, #tpu.memory_space<smem>>
    %get3A_745 = arith.constant 0 : index
    %get3A_746 = arith.constant 0 : index
    %get3A_747 = arith.constant 0 : index
    %get3A_748 = vector.load %arg3[%get3A_745, %get3A_746, %get3A_747] : memref<5x64x64xf32, #tpu.memory_space<vmem>>, vector<1x64x64xf32>
    %get3A_749 = vector.shape_cast %get3A_748 : vector<1x64x64xf32> to vector<64x64xf32>
    %mul3A_750 = vector.broadcast %get3A_744 : f32 to vector<64x64xf32>
    %mul3A_751 = arith.mulf %mul3A_750, %get3A_749 : vector<64x64xf32>
    %get3A_752 = arith.constant 1 : index
    %get3A_753 = arith.constant 0 : index
    %get3A_754 = memref.load %arg9[%get3A_752, %get3A_753] : memref<5x5xf32, #tpu.memory_space<smem>>
    %get3A_755 = arith.constant 0 : index
    %get3A_756 = memref.load %arg11[%get3A_755] : memref<5xf32, #tpu.memory_space<smem>>
    %mul3A_757 = arith.mulf %get3A_754, %get3A_756 : f32
    %get3A_758 = arith.constant 1 : index
    %get3A_759 = arith.constant 1 : index
    %get3A_760 = memref.load %arg9[%get3A_758, %get3A_759] : memref<5x5xf32, #tpu.memory_space<smem>>
    %get3A_761 = arith.constant 1 : index
    %get3A_762 = arith.constant 0 : index
    %get3A_763 = arith.constant 0 : index
    %get3A_764 = vector.load %arg3[%get3A_761, %get3A_762, %get3A_763] : memref<5x64x64xf32, #tpu.memory_space<vmem>>, vector<1x64x64xf32>
    %get3A_765 = vector.shape_cast %get3A_764 : vector<1x64x64xf32> to vector<64x64xf32>
    %mul3A_766 = vector.broadcast %get3A_760 : f32 to vector<64x64xf32>
    %mul3A_767 = arith.mulf %mul3A_766, %get3A_765 : vector<64x64xf32>
    %add3A_768 = arith.addf %mul3A_751, %mul3A_767 : vector<64x64xf32>
    %get3A_769 = arith.constant 1 : index
    %get3A_770 = arith.constant 1 : index
    %get3A_771 = memref.load %arg9[%get3A_769, %get3A_770] : memref<5x5xf32, #tpu.memory_space<smem>>
    %get3A_772 = arith.constant 1 : index
    %get3A_773 = memref.load %arg11[%get3A_772] : memref<5xf32, #tpu.memory_space<smem>>
    %mul3A_774 = arith.mulf %get3A_771, %get3A_773 : f32
    %add3A_775 = arith.addf %mul3A_757, %mul3A_774 : f32
    %get3A_776 = arith.constant 1 : index
    %get3A_777 = arith.constant 2 : index
    %get3A_778 = memref.load %arg9[%get3A_776, %get3A_777] : memref<5x5xf32, #tpu.memory_space<smem>>
    %get3A_779 = arith.constant 2 : index
    %get3A_780 = arith.constant 0 : index
    %get3A_781 = arith.constant 0 : index
    %get3A_782 = vector.load %arg3[%get3A_779, %get3A_780, %get3A_781] : memref<5x64x64xf32, #tpu.memory_space<vmem>>, vector<1x64x64xf32>
    %get3A_783 = vector.shape_cast %get3A_782 : vector<1x64x64xf32> to vector<64x64xf32>
    %mul3A_784 = vector.broadcast %get3A_778 : f32 to vector<64x64xf32>
    %mul3A_785 = arith.mulf %mul3A_784, %get3A_783 : vector<64x64xf32>
    %add3A_786 = arith.addf %add3A_768, %mul3A_785 : vector<64x64xf32>
    %get3A_787 = arith.constant 1 : index
    %get3A_788 = arith.constant 2 : index
    %get3A_789 = memref.load %arg9[%get3A_787, %get3A_788] : memref<5x5xf32, #tpu.memory_space<smem>>
    %get3A_790 = arith.constant 2 : index
    %get3A_791 = memref.load %arg11[%get3A_790] : memref<5xf32, #tpu.memory_space<smem>>
    %mul3A_792 = arith.mulf %get3A_789, %get3A_791 : f32
    %add3A_793 = arith.addf %add3A_775, %mul3A_792 : f32
    %get3A_794 = arith.constant 1 : index
    %get3A_795 = arith.constant 3 : index
    %get3A_796 = memref.load %arg9[%get3A_794, %get3A_795] : memref<5x5xf32, #tpu.memory_space<smem>>
    %get3A_797 = arith.constant 3 : index
    %get3A_798 = arith.constant 0 : index
    %get3A_799 = arith.constant 0 : index
    %get3A_800 = vector.load %arg3[%get3A_797, %get3A_798, %get3A_799] : memref<5x64x64xf32, #tpu.memory_space<vmem>>, vector<1x64x64xf32>
    %get3A_801 = vector.shape_cast %get3A_800 : vector<1x64x64xf32> to vector<64x64xf32>
    %mul3A_802 = vector.broadcast %get3A_796 : f32 to vector<64x64xf32>
    %mul3A_803 = arith.mulf %mul3A_802, %get3A_801 : vector<64x64xf32>
    %add3A_804 = arith.addf %add3A_786, %mul3A_803 : vector<64x64xf32>
    %get3A_805 = arith.constant 1 : index
    %get3A_806 = arith.constant 3 : index
    %get3A_807 = memref.load %arg9[%get3A_805, %get3A_806] : memref<5x5xf32, #tpu.memory_space<smem>>
    %get3A_808 = arith.constant 3 : index
    %get3A_809 = memref.load %arg11[%get3A_808] : memref<5xf32, #tpu.memory_space<smem>>
    %mul3A_810 = arith.mulf %get3A_807, %get3A_809 : f32
    %add3A_811 = arith.addf %add3A_793, %mul3A_810 : f32
    %get3A_812 = arith.constant 1 : index
    %get3A_813 = arith.constant 4 : index
    %get3A_814 = memref.load %arg9[%get3A_812, %get3A_813] : memref<5x5xf32, #tpu.memory_space<smem>>
    %get3A_815 = arith.constant 4 : index
    %get3A_816 = arith.constant 0 : index
    %get3A_817 = arith.constant 0 : index
    %get3A_818 = vector.load %arg3[%get3A_815, %get3A_816, %get3A_817] : memref<5x64x64xf32, #tpu.memory_space<vmem>>, vector<1x64x64xf32>
    %get3A_819 = vector.shape_cast %get3A_818 : vector<1x64x64xf32> to vector<64x64xf32>
    %mul3A_820 = vector.broadcast %get3A_814 : f32 to vector<64x64xf32>
    %mul3A_821 = arith.mulf %mul3A_820, %get3A_819 : vector<64x64xf32>
    %add3A_822 = arith.addf %add3A_804, %mul3A_821 : vector<64x64xf32>
    %get3A_823 = arith.constant 1 : index
    %get3A_824 = arith.constant 4 : index
    %get3A_825 = memref.load %arg9[%get3A_823, %get3A_824] : memref<5x5xf32, #tpu.memory_space<smem>>
    %get3A_826 = arith.constant 4 : index
    %get3A_827 = memref.load %arg11[%get3A_826] : memref<5xf32, #tpu.memory_space<smem>>
    %mul3A_828 = arith.mulf %get3A_825, %get3A_827 : f32
    %add3A_829 = arith.addf %add3A_811, %mul3A_828 : f32
    %get3A_830 = arith.constant 1 : index
    %get3A_831 = memref.load %arg10[%get3A_830] : memref<5xf32, #tpu.memory_space<smem>>
    %add3A_832 = arith.addf %add3A_829, %get3A_831 : f32
    %get3A_833 = arith.constant 2 : index
    %get3A_834 = arith.constant 0 : index
    %get3A_835 = memref.load %arg9[%get3A_833, %get3A_834] : memref<5x5xf32, #tpu.memory_space<smem>>
    %get3A_836 = arith.constant 0 : index
    %get3A_837 = arith.constant 0 : index
    %get3A_838 = arith.constant 0 : index
    %get3A_839 = vector.load %arg3[%get3A_836, %get3A_837, %get3A_838] : memref<5x64x64xf32, #tpu.memory_space<vmem>>, vector<1x64x64xf32>
    %get3A_840 = vector.shape_cast %get3A_839 : vector<1x64x64xf32> to vector<64x64xf32>
    %mul3A_841 = vector.broadcast %get3A_835 : f32 to vector<64x64xf32>
    %mul3A_842 = arith.mulf %mul3A_841, %get3A_840 : vector<64x64xf32>
    %get3A_843 = arith.constant 2 : index
    %get3A_844 = arith.constant 0 : index
    %get3A_845 = memref.load %arg9[%get3A_843, %get3A_844] : memref<5x5xf32, #tpu.memory_space<smem>>
    %get3A_846 = arith.constant 0 : index
    %get3A_847 = memref.load %arg11[%get3A_846] : memref<5xf32, #tpu.memory_space<smem>>
    %mul3A_848 = arith.mulf %get3A_845, %get3A_847 : f32
    %get3A_849 = arith.constant 2 : index
    %get3A_850 = arith.constant 1 : index
    %get3A_851 = memref.load %arg9[%get3A_849, %get3A_850] : memref<5x5xf32, #tpu.memory_space<smem>>
    %get3A_852 = arith.constant 1 : index
    %get3A_853 = arith.constant 0 : index
    %get3A_854 = arith.constant 0 : index
    %get3A_855 = vector.load %arg3[%get3A_852, %get3A_853, %get3A_854] : memref<5x64x64xf32, #tpu.memory_space<vmem>>, vector<1x64x64xf32>
    %get3A_856 = vector.shape_cast %get3A_855 : vector<1x64x64xf32> to vector<64x64xf32>
    %mul3A_857 = vector.broadcast %get3A_851 : f32 to vector<64x64xf32>
    %mul3A_858 = arith.mulf %mul3A_857, %get3A_856 : vector<64x64xf32>
    %add3A_859 = arith.addf %mul3A_842, %mul3A_858 : vector<64x64xf32>
    %get3A_860 = arith.constant 2 : index
    %get3A_861 = arith.constant 1 : index
    %get3A_862 = memref.load %arg9[%get3A_860, %get3A_861] : memref<5x5xf32, #tpu.memory_space<smem>>
    %get3A_863 = arith.constant 1 : index
    %get3A_864 = memref.load %arg11[%get3A_863] : memref<5xf32, #tpu.memory_space<smem>>
    %mul3A_865 = arith.mulf %get3A_862, %get3A_864 : f32
    %add3A_866 = arith.addf %mul3A_848, %mul3A_865 : f32
    %get3A_867 = arith.constant 2 : index
    %get3A_868 = arith.constant 2 : index
    %get3A_869 = memref.load %arg9[%get3A_867, %get3A_868] : memref<5x5xf32, #tpu.memory_space<smem>>
    %get3A_870 = arith.constant 2 : index
    %get3A_871 = arith.constant 0 : index
    %get3A_872 = arith.constant 0 : index
    %get3A_873 = vector.load %arg3[%get3A_870, %get3A_871, %get3A_872] : memref<5x64x64xf32, #tpu.memory_space<vmem>>, vector<1x64x64xf32>
    %get3A_874 = vector.shape_cast %get3A_873 : vector<1x64x64xf32> to vector<64x64xf32>
    %mul3A_875 = vector.broadcast %get3A_869 : f32 to vector<64x64xf32>
    %mul3A_876 = arith.mulf %mul3A_875, %get3A_874 : vector<64x64xf32>
    %add3A_877 = arith.addf %add3A_859, %mul3A_876 : vector<64x64xf32>
    %get3A_878 = arith.constant 2 : index
    %get3A_879 = arith.constant 2 : index
    %get3A_880 = memref.load %arg9[%get3A_878, %get3A_879] : memref<5x5xf32, #tpu.memory_space<smem>>
    %get3A_881 = arith.constant 2 : index
    %get3A_882 = memref.load %arg11[%get3A_881] : memref<5xf32, #tpu.memory_space<smem>>
    %mul3A_883 = arith.mulf %get3A_880, %get3A_882 : f32
    %add3A_884 = arith.addf %add3A_866, %mul3A_883 : f32
    %get3A_885 = arith.constant 2 : index
    %get3A_886 = arith.constant 3 : index
    %get3A_887 = memref.load %arg9[%get3A_885, %get3A_886] : memref<5x5xf32, #tpu.memory_space<smem>>
    %get3A_888 = arith.constant 3 : index
    %get3A_889 = arith.constant 0 : index
    %get3A_890 = arith.constant 0 : index
    %get3A_891 = vector.load %arg3[%get3A_888, %get3A_889, %get3A_890] : memref<5x64x64xf32, #tpu.memory_space<vmem>>, vector<1x64x64xf32>
    %get3A_892 = vector.shape_cast %get3A_891 : vector<1x64x64xf32> to vector<64x64xf32>
    %mul3A_893 = vector.broadcast %get3A_887 : f32 to vector<64x64xf32>
    %mul3A_894 = arith.mulf %mul3A_893, %get3A_892 : vector<64x64xf32>
    %add3A_895 = arith.addf %add3A_877, %mul3A_894 : vector<64x64xf32>
    %get3A_896 = arith.constant 2 : index
    %get3A_897 = arith.constant 3 : index
    %get3A_898 = memref.load %arg9[%get3A_896, %get3A_897] : memref<5x5xf32, #tpu.memory_space<smem>>
    %get3A_899 = arith.constant 3 : index
    %get3A_900 = memref.load %arg11[%get3A_899] : memref<5xf32, #tpu.memory_space<smem>>
    %mul3A_901 = arith.mulf %get3A_898, %get3A_900 : f32
    %add3A_902 = arith.addf %add3A_884, %mul3A_901 : f32
    %get3A_903 = arith.constant 2 : index
    %get3A_904 = arith.constant 4 : index
    %get3A_905 = memref.load %arg9[%get3A_903, %get3A_904] : memref<5x5xf32, #tpu.memory_space<smem>>
    %get3A_906 = arith.constant 4 : index
    %get3A_907 = arith.constant 0 : index
    %get3A_908 = arith.constant 0 : index
    %get3A_909 = vector.load %arg3[%get3A_906, %get3A_907, %get3A_908] : memref<5x64x64xf32, #tpu.memory_space<vmem>>, vector<1x64x64xf32>
    %get3A_910 = vector.shape_cast %get3A_909 : vector<1x64x64xf32> to vector<64x64xf32>
    %mul3A_911 = vector.broadcast %get3A_905 : f32 to vector<64x64xf32>
    %mul3A_912 = arith.mulf %mul3A_911, %get3A_910 : vector<64x64xf32>
    %add3A_913 = arith.addf %add3A_895, %mul3A_912 : vector<64x64xf32>
    %get3A_914 = arith.constant 2 : index
    %get3A_915 = arith.constant 4 : index
    %get3A_916 = memref.load %arg9[%get3A_914, %get3A_915] : memref<5x5xf32, #tpu.memory_space<smem>>
    %get3A_917 = arith.constant 4 : index
    %get3A_918 = memref.load %arg11[%get3A_917] : memref<5xf32, #tpu.memory_space<smem>>
    %mul3A_919 = arith.mulf %get3A_916, %get3A_918 : f32
    %add3A_920 = arith.addf %add3A_902, %mul3A_919 : f32
    %get3A_921 = arith.constant 2 : index
    %get3A_922 = memref.load %arg10[%get3A_921] : memref<5xf32, #tpu.memory_space<smem>>
    %add3A_923 = arith.addf %add3A_920, %get3A_922 : f32
    %get3A_924 = arith.constant 3 : index
    %get3A_925 = arith.constant 0 : index
    %get3A_926 = memref.load %arg9[%get3A_924, %get3A_925] : memref<5x5xf32, #tpu.memory_space<smem>>
    %get3A_927 = arith.constant 0 : index
    %get3A_928 = arith.constant 0 : index
    %get3A_929 = arith.constant 0 : index
    %get3A_930 = vector.load %arg3[%get3A_927, %get3A_928, %get3A_929] : memref<5x64x64xf32, #tpu.memory_space<vmem>>, vector<1x64x64xf32>
    %get3A_931 = vector.shape_cast %get3A_930 : vector<1x64x64xf32> to vector<64x64xf32>
    %mul3A_932 = vector.broadcast %get3A_926 : f32 to vector<64x64xf32>
    %mul3A_933 = arith.mulf %mul3A_932, %get3A_931 : vector<64x64xf32>
    %get3A_934 = arith.constant 3 : index
    %get3A_935 = arith.constant 0 : index
    %get3A_936 = memref.load %arg9[%get3A_934, %get3A_935] : memref<5x5xf32, #tpu.memory_space<smem>>
    %get3A_937 = arith.constant 0 : index
    %get3A_938 = memref.load %arg11[%get3A_937] : memref<5xf32, #tpu.memory_space<smem>>
    %mul3A_939 = arith.mulf %get3A_936, %get3A_938 : f32
    %get3A_940 = arith.constant 3 : index
    %get3A_941 = arith.constant 1 : index
    %get3A_942 = memref.load %arg9[%get3A_940, %get3A_941] : memref<5x5xf32, #tpu.memory_space<smem>>
    %get3A_943 = arith.constant 1 : index
    %get3A_944 = arith.constant 0 : index
    %get3A_945 = arith.constant 0 : index
    %get3A_946 = vector.load %arg3[%get3A_943, %get3A_944, %get3A_945] : memref<5x64x64xf32, #tpu.memory_space<vmem>>, vector<1x64x64xf32>
    %get3A_947 = vector.shape_cast %get3A_946 : vector<1x64x64xf32> to vector<64x64xf32>
    %mul3A_948 = vector.broadcast %get3A_942 : f32 to vector<64x64xf32>
    %mul3A_949 = arith.mulf %mul3A_948, %get3A_947 : vector<64x64xf32>
    %add3A_950 = arith.addf %mul3A_933, %mul3A_949 : vector<64x64xf32>
    %get3A_951 = arith.constant 3 : index
    %get3A_952 = arith.constant 1 : index
    %get3A_953 = memref.load %arg9[%get3A_951, %get3A_952] : memref<5x5xf32, #tpu.memory_space<smem>>
    %get3A_954 = arith.constant 1 : index
    %get3A_955 = memref.load %arg11[%get3A_954] : memref<5xf32, #tpu.memory_space<smem>>
    %mul3A_956 = arith.mulf %get3A_953, %get3A_955 : f32
    %add3A_957 = arith.addf %mul3A_939, %mul3A_956 : f32
    %get3A_958 = arith.constant 3 : index
    %get3A_959 = arith.constant 2 : index
    %get3A_960 = memref.load %arg9[%get3A_958, %get3A_959] : memref<5x5xf32, #tpu.memory_space<smem>>
    %get3A_961 = arith.constant 2 : index
    %get3A_962 = arith.constant 0 : index
    %get3A_963 = arith.constant 0 : index
    %get3A_964 = vector.load %arg3[%get3A_961, %get3A_962, %get3A_963] : memref<5x64x64xf32, #tpu.memory_space<vmem>>, vector<1x64x64xf32>
    %get3A_965 = vector.shape_cast %get3A_964 : vector<1x64x64xf32> to vector<64x64xf32>
    %mul3A_966 = vector.broadcast %get3A_960 : f32 to vector<64x64xf32>
    %mul3A_967 = arith.mulf %mul3A_966, %get3A_965 : vector<64x64xf32>
    %add3A_968 = arith.addf %add3A_950, %mul3A_967 : vector<64x64xf32>
    %get3A_969 = arith.constant 3 : index
    %get3A_970 = arith.constant 2 : index
    %get3A_971 = memref.load %arg9[%get3A_969, %get3A_970] : memref<5x5xf32, #tpu.memory_space<smem>>
    %get3A_972 = arith.constant 2 : index
    %get3A_973 = memref.load %arg11[%get3A_972] : memref<5xf32, #tpu.memory_space<smem>>
    %mul3A_974 = arith.mulf %get3A_971, %get3A_973 : f32
    %add3A_975 = arith.addf %add3A_957, %mul3A_974 : f32
    %get3A_976 = arith.constant 3 : index
    %get3A_977 = arith.constant 3 : index
    %get3A_978 = memref.load %arg9[%get3A_976, %get3A_977] : memref<5x5xf32, #tpu.memory_space<smem>>
    %get3A_979 = arith.constant 3 : index
    %get3A_980 = arith.constant 0 : index
    %get3A_981 = arith.constant 0 : index
    %get3A_982 = vector.load %arg3[%get3A_979, %get3A_980, %get3A_981] : memref<5x64x64xf32, #tpu.memory_space<vmem>>, vector<1x64x64xf32>
    %get3A_983 = vector.shape_cast %get3A_982 : vector<1x64x64xf32> to vector<64x64xf32>
    %mul3A_984 = vector.broadcast %get3A_978 : f32 to vector<64x64xf32>
    %mul3A_985 = arith.mulf %mul3A_984, %get3A_983 : vector<64x64xf32>
    %add3A_986 = arith.addf %add3A_968, %mul3A_985 : vector<64x64xf32>
    %get3A_987 = arith.constant 3 : index
    %get3A_988 = arith.constant 3 : index
    %get3A_989 = memref.load %arg9[%get3A_987, %get3A_988] : memref<5x5xf32, #tpu.memory_space<smem>>
    %get3A_990 = arith.constant 3 : index
    %get3A_991 = memref.load %arg11[%get3A_990] : memref<5xf32, #tpu.memory_space<smem>>
    %mul3A_992 = arith.mulf %get3A_989, %get3A_991 : f32
    %add3A_993 = arith.addf %add3A_975, %mul3A_992 : f32
    %get3A_994 = arith.constant 3 : index
    %get3A_995 = arith.constant 4 : index
    %get3A_996 = memref.load %arg9[%get3A_994, %get3A_995] : memref<5x5xf32, #tpu.memory_space<smem>>
    %get3A_997 = arith.constant 4 : index
    %get3A_998 = arith.constant 0 : index
    %get3A_999 = arith.constant 0 : index
    %get3A_1000 = vector.load %arg3[%get3A_997, %get3A_998, %get3A_999] : memref<5x64x64xf32, #tpu.memory_space<vmem>>, vector<1x64x64xf32>
    %get3A_1001 = vector.shape_cast %get3A_1000 : vector<1x64x64xf32> to vector<64x64xf32>
    %mul3A_1002 = vector.broadcast %get3A_996 : f32 to vector<64x64xf32>
    %mul3A_1003 = arith.mulf %mul3A_1002, %get3A_1001 : vector<64x64xf32>
    %add3A_1004 = arith.addf %add3A_986, %mul3A_1003 : vector<64x64xf32>
    %get3A_1005 = arith.constant 3 : index
    %get3A_1006 = arith.constant 4 : index
    %get3A_1007 = memref.load %arg9[%get3A_1005, %get3A_1006] : memref<5x5xf32, #tpu.memory_space<smem>>
    %get3A_1008 = arith.constant 4 : index
    %get3A_1009 = memref.load %arg11[%get3A_1008] : memref<5xf32, #tpu.memory_space<smem>>
    %mul3A_1010 = arith.mulf %get3A_1007, %get3A_1009 : f32
    %add3A_1011 = arith.addf %add3A_993, %mul3A_1010 : f32
    %get3A_1012 = arith.constant 3 : index
    %get3A_1013 = memref.load %arg10[%get3A_1012] : memref<5xf32, #tpu.memory_space<smem>>
    %add3A_1014 = arith.addf %add3A_1011, %get3A_1013 : f32
    %get3A_1015 = arith.constant 4 : index
    %get3A_1016 = arith.constant 0 : index
    %get3A_1017 = memref.load %arg9[%get3A_1015, %get3A_1016] : memref<5x5xf32, #tpu.memory_space<smem>>
    %get3A_1018 = arith.constant 0 : index
    %get3A_1019 = arith.constant 0 : index
    %get3A_1020 = arith.constant 0 : index
    %get3A_1021 = vector.load %arg3[%get3A_1018, %get3A_1019, %get3A_1020] : memref<5x64x64xf32, #tpu.memory_space<vmem>>, vector<1x64x64xf32>
    %get3A_1022 = vector.shape_cast %get3A_1021 : vector<1x64x64xf32> to vector<64x64xf32>
    %mul3A_1023 = vector.broadcast %get3A_1017 : f32 to vector<64x64xf32>
    %mul3A_1024 = arith.mulf %mul3A_1023, %get3A_1022 : vector<64x64xf32>
    %get3A_1025 = arith.constant 4 : index
    %get3A_1026 = arith.constant 0 : index
    %get3A_1027 = memref.load %arg9[%get3A_1025, %get3A_1026] : memref<5x5xf32, #tpu.memory_space<smem>>
    %get3A_1028 = arith.constant 0 : index
    %get3A_1029 = memref.load %arg11[%get3A_1028] : memref<5xf32, #tpu.memory_space<smem>>
    %mul3A_1030 = arith.mulf %get3A_1027, %get3A_1029 : f32
    %get3A_1031 = arith.constant 4 : index
    %get3A_1032 = arith.constant 1 : index
    %get3A_1033 = memref.load %arg9[%get3A_1031, %get3A_1032] : memref<5x5xf32, #tpu.memory_space<smem>>
    %get3A_1034 = arith.constant 1 : index
    %get3A_1035 = arith.constant 0 : index
    %get3A_1036 = arith.constant 0 : index
    %get3A_1037 = vector.load %arg3[%get3A_1034, %get3A_1035, %get3A_1036] : memref<5x64x64xf32, #tpu.memory_space<vmem>>, vector<1x64x64xf32>
    %get3A_1038 = vector.shape_cast %get3A_1037 : vector<1x64x64xf32> to vector<64x64xf32>
    %mul3A_1039 = vector.broadcast %get3A_1033 : f32 to vector<64x64xf32>
    %mul3A_1040 = arith.mulf %mul3A_1039, %get3A_1038 : vector<64x64xf32>
    %add3A_1041 = arith.addf %mul3A_1024, %mul3A_1040 : vector<64x64xf32>
    %get3A_1042 = arith.constant 4 : index
    %get3A_1043 = arith.constant 1 : index
    %get3A_1044 = memref.load %arg9[%get3A_1042, %get3A_1043] : memref<5x5xf32, #tpu.memory_space<smem>>
    %get3A_1045 = arith.constant 1 : index
    %get3A_1046 = memref.load %arg11[%get3A_1045] : memref<5xf32, #tpu.memory_space<smem>>
    %mul3A_1047 = arith.mulf %get3A_1044, %get3A_1046 : f32
    %add3A_1048 = arith.addf %mul3A_1030, %mul3A_1047 : f32
    %get3A_1049 = arith.constant 4 : index
    %get3A_1050 = arith.constant 2 : index
    %get3A_1051 = memref.load %arg9[%get3A_1049, %get3A_1050] : memref<5x5xf32, #tpu.memory_space<smem>>
    %get3A_1052 = arith.constant 2 : index
    %get3A_1053 = arith.constant 0 : index
    %get3A_1054 = arith.constant 0 : index
    %get3A_1055 = vector.load %arg3[%get3A_1052, %get3A_1053, %get3A_1054] : memref<5x64x64xf32, #tpu.memory_space<vmem>>, vector<1x64x64xf32>
    %get3A_1056 = vector.shape_cast %get3A_1055 : vector<1x64x64xf32> to vector<64x64xf32>
    %mul3A_1057 = vector.broadcast %get3A_1051 : f32 to vector<64x64xf32>
    %mul3A_1058 = arith.mulf %mul3A_1057, %get3A_1056 : vector<64x64xf32>
    %add3A_1059 = arith.addf %add3A_1041, %mul3A_1058 : vector<64x64xf32>
    %get3A_1060 = arith.constant 4 : index
    %get3A_1061 = arith.constant 2 : index
    %get3A_1062 = memref.load %arg9[%get3A_1060, %get3A_1061] : memref<5x5xf32, #tpu.memory_space<smem>>
    %get3A_1063 = arith.constant 2 : index
    %get3A_1064 = memref.load %arg11[%get3A_1063] : memref<5xf32, #tpu.memory_space<smem>>
    %mul3A_1065 = arith.mulf %get3A_1062, %get3A_1064 : f32
    %add3A_1066 = arith.addf %add3A_1048, %mul3A_1065 : f32
    %get3A_1067 = arith.constant 4 : index
    %get3A_1068 = arith.constant 3 : index
    %get3A_1069 = memref.load %arg9[%get3A_1067, %get3A_1068] : memref<5x5xf32, #tpu.memory_space<smem>>
    %get3A_1070 = arith.constant 3 : index
    %get3A_1071 = arith.constant 0 : index
    %get3A_1072 = arith.constant 0 : index
    %get3A_1073 = vector.load %arg3[%get3A_1070, %get3A_1071, %get3A_1072] : memref<5x64x64xf32, #tpu.memory_space<vmem>>, vector<1x64x64xf32>
    %get3A_1074 = vector.shape_cast %get3A_1073 : vector<1x64x64xf32> to vector<64x64xf32>
    %mul3A_1075 = vector.broadcast %get3A_1069 : f32 to vector<64x64xf32>
    %mul3A_1076 = arith.mulf %mul3A_1075, %get3A_1074 : vector<64x64xf32>
    %add3A_1077 = arith.addf %add3A_1059, %mul3A_1076 : vector<64x64xf32>
    %get3A_1078 = arith.constant 4 : index
    %get3A_1079 = arith.constant 3 : index
    %get3A_1080 = memref.load %arg9[%get3A_1078, %get3A_1079] : memref<5x5xf32, #tpu.memory_space<smem>>
    %get3A_1081 = arith.constant 3 : index
    %get3A_1082 = memref.load %arg11[%get3A_1081] : memref<5xf32, #tpu.memory_space<smem>>
    %mul3A_1083 = arith.mulf %get3A_1080, %get3A_1082 : f32
    %add3A_1084 = arith.addf %add3A_1066, %mul3A_1083 : f32
    %get3A_1085 = arith.constant 4 : index
    %get3A_1086 = arith.constant 4 : index
    %get3A_1087 = memref.load %arg9[%get3A_1085, %get3A_1086] : memref<5x5xf32, #tpu.memory_space<smem>>
    %get3A_1088 = arith.constant 4 : index
    %get3A_1089 = arith.constant 0 : index
    %get3A_1090 = arith.constant 0 : index
    %get3A_1091 = vector.load %arg3[%get3A_1088, %get3A_1089, %get3A_1090] : memref<5x64x64xf32, #tpu.memory_space<vmem>>, vector<1x64x64xf32>
    %get3A_1092 = vector.shape_cast %get3A_1091 : vector<1x64x64xf32> to vector<64x64xf32>
    %mul3A_1093 = vector.broadcast %get3A_1087 : f32 to vector<64x64xf32>
    %mul3A_1094 = arith.mulf %mul3A_1093, %get3A_1092 : vector<64x64xf32>
    %add3A_1095 = arith.addf %add3A_1077, %mul3A_1094 : vector<64x64xf32>
    %get3A_1096 = arith.constant 4 : index
    %get3A_1097 = arith.constant 4 : index
    %get3A_1098 = memref.load %arg9[%get3A_1096, %get3A_1097] : memref<5x5xf32, #tpu.memory_space<smem>>
    %get3A_1099 = arith.constant 4 : index
    %get3A_1100 = memref.load %arg11[%get3A_1099] : memref<5xf32, #tpu.memory_space<smem>>
    %mul3A_1101 = arith.mulf %get3A_1098, %get3A_1100 : f32
    %add3A_1102 = arith.addf %add3A_1084, %mul3A_1101 : f32
    %get3A_1103 = arith.constant 4 : index
    %get3A_1104 = memref.load %arg10[%get3A_1103] : memref<5xf32, #tpu.memory_space<smem>>
    %add3A_1105 = arith.addf %add3A_1102, %get3A_1104 : f32
    %get3A_1106 = arith.constant 0 : index
    %get3A_1107 = arith.constant 0 : index
    %get3A_1108 = arith.constant 0 : index
    %get3A_1109 = vector.load %arg1[%get3A_1106, %get3A_1107, %get3A_1108] : memref<4x50x64xf32, #tpu.memory_space<vmem>>, vector<1x50x64xf32>
    %get3A_1110 = vector.shape_cast %get3A_1109 : vector<1x50x64xf32> to vector<50x64xf32>
    %dot_general3A = arith.constant dense<0.000000e+00> : vector<50x64xf32>
    %dot_general3A_1111 = tpu.matmul %get3A_1110, %add3A_95, %dot_general3A {dimension_numbers = #tpu.dot_dimension_numbers<[1], [0], [0], [1], [0, 0, 1, 1], [], []>, transpose_lhs_hint = false} : vector<50x64xf32>, vector<64x64xf32>, vector<50x64xf32> -> vector<50x64xf32>
    %dot_general3A_1112 = arith.constant dense<0.000000e+00> : vector<50x50xf32>
    %dot_general3A_1113 = tpu.matmul %dot_general3A_1111, %get3A_1110, %dot_general3A_1112 {dimension_numbers = #tpu.dot_dimension_numbers<[1], [1], [0], [0], [0, 0, 1, 0], [], []>, transpose_lhs_hint = false} : vector<50x64xf32>, vector<50x64xf32>, vector<50x50xf32> -> vector<50x50xf32>
    %add3A_1114 = vector.broadcast %add3A_105 : f32 to vector<50x50xf32>
    %add3A_1115 = arith.addf %dot_general3A_1113, %add3A_1114 : vector<50x50xf32>
    %dot_general3A_1116 = arith.constant dense<0.000000e+00> : vector<50x64xf32>
    %dot_general3A_1117 = tpu.matmul %get3A_1110, %add3A_204, %dot_general3A_1116 {dimension_numbers = #tpu.dot_dimension_numbers<[1], [0], [0], [1], [0, 0, 1, 1], [], []>, transpose_lhs_hint = false} : vector<50x64xf32>, vector<64x64xf32>, vector<50x64xf32> -> vector<50x64xf32>
    %dot_general3A_1118 = arith.constant dense<0.000000e+00> : vector<50x50xf32>
    %dot_general3A_1119 = tpu.matmul %dot_general3A_1117, %get3A_1110, %dot_general3A_1118 {dimension_numbers = #tpu.dot_dimension_numbers<[1], [1], [0], [0], [0, 0, 1, 0], [], []>, transpose_lhs_hint = false} : vector<50x64xf32>, vector<50x64xf32>, vector<50x50xf32> -> vector<50x50xf32>
    %add3A_1120 = vector.broadcast %add3A_214 : f32 to vector<50x50xf32>
    %add3A_1121 = arith.addf %dot_general3A_1119, %add3A_1120 : vector<50x50xf32>
    %dot_general3A_1122 = arith.constant dense<0.000000e+00> : vector<50x64xf32>
    %dot_general3A_1123 = tpu.matmul %get3A_1110, %add3A_313, %dot_general3A_1122 {dimension_numbers = #tpu.dot_dimension_numbers<[1], [0], [0], [1], [0, 0, 1, 1], [], []>, transpose_lhs_hint = false} : vector<50x64xf32>, vector<64x64xf32>, vector<50x64xf32> -> vector<50x64xf32>
    %dot_general3A_1124 = arith.constant dense<0.000000e+00> : vector<50x50xf32>
    %dot_general3A_1125 = tpu.matmul %dot_general3A_1123, %get3A_1110, %dot_general3A_1124 {dimension_numbers = #tpu.dot_dimension_numbers<[1], [1], [0], [0], [0, 0, 1, 0], [], []>, transpose_lhs_hint = false} : vector<50x64xf32>, vector<50x64xf32>, vector<50x50xf32> -> vector<50x50xf32>
    %add3A_1126 = vector.broadcast %add3A_323 : f32 to vector<50x50xf32>
    %add3A_1127 = arith.addf %dot_general3A_1125, %add3A_1126 : vector<50x50xf32>
    %dot_general3A_1128 = arith.constant dense<0.000000e+00> : vector<50x64xf32>
    %dot_general3A_1129 = tpu.matmul %get3A_1110, %add3A_422, %dot_general3A_1128 {dimension_numbers = #tpu.dot_dimension_numbers<[1], [0], [0], [1], [0, 0, 1, 1], [], []>, transpose_lhs_hint = false} : vector<50x64xf32>, vector<64x64xf32>, vector<50x64xf32> -> vector<50x64xf32>
    %dot_general3A_1130 = arith.constant dense<0.000000e+00> : vector<50x50xf32>
    %dot_general3A_1131 = tpu.matmul %dot_general3A_1129, %get3A_1110, %dot_general3A_1130 {dimension_numbers = #tpu.dot_dimension_numbers<[1], [1], [0], [0], [0, 0, 1, 0], [], []>, transpose_lhs_hint = false} : vector<50x64xf32>, vector<50x64xf32>, vector<50x50xf32> -> vector<50x50xf32>
    %add3A_1132 = vector.broadcast %add3A_432 : f32 to vector<50x50xf32>
    %add3A_1133 = arith.addf %dot_general3A_1131, %add3A_1132 : vector<50x50xf32>
    %dot_general3A_1134 = arith.constant dense<0.000000e+00> : vector<50x64xf32>
    %dot_general3A_1135 = tpu.matmul %get3A_1110, %add3A_531, %dot_general3A_1134 {dimension_numbers = #tpu.dot_dimension_numbers<[1], [0], [0], [1], [0, 0, 1, 1], [], []>, transpose_lhs_hint = false} : vector<50x64xf32>, vector<64x64xf32>, vector<50x64xf32> -> vector<50x64xf32>
    %dot_general3A_1136 = arith.constant dense<0.000000e+00> : vector<50x50xf32>
    %dot_general3A_1137 = tpu.matmul %dot_general3A_1135, %get3A_1110, %dot_general3A_1136 {dimension_numbers = #tpu.dot_dimension_numbers<[1], [1], [0], [0], [0, 0, 1, 0], [], []>, transpose_lhs_hint = false} : vector<50x64xf32>, vector<50x64xf32>, vector<50x50xf32> -> vector<50x50xf32>
    %add3A_1138 = vector.broadcast %add3A_541 : f32 to vector<50x50xf32>
    %add3A_1139 = arith.addf %dot_general3A_1137, %add3A_1138 : vector<50x50xf32>
    %dot_general3A_1140 = arith.constant dense<0.000000e+00> : vector<50x64xf32>
    %dot_general3A_1141 = tpu.matmul %get3A_1110, %add3A_640, %dot_general3A_1140 {dimension_numbers = #tpu.dot_dimension_numbers<[1], [0], [0], [1], [0, 0, 1, 1], [], []>, transpose_lhs_hint = false} : vector<50x64xf32>, vector<64x64xf32>, vector<50x64xf32> -> vector<50x64xf32>
    %dot_general3A_1142 = arith.constant dense<0.000000e+00> : vector<50x50xf32>
    %dot_general3A_1143 = tpu.matmul %dot_general3A_1141, %get3A_1110, %dot_general3A_1142 {dimension_numbers = #tpu.dot_dimension_numbers<[1], [1], [0], [0], [0, 0, 1, 0], [], []>, transpose_lhs_hint = false} : vector<50x64xf32>, vector<50x64xf32>, vector<50x50xf32> -> vector<50x50xf32>
    %add3A_1144 = vector.broadcast %add3A_650 : f32 to vector<50x50xf32>
    %add3A_1145 = arith.addf %dot_general3A_1143, %add3A_1144 : vector<50x50xf32>
    %max3A = arith.maximumf %add3A_1115, %add3A_1121 : vector<50x50xf32>
    %max3A_1146 = arith.maximumf %max3A, %add3A_1127 : vector<50x50xf32>
    %max3A_1147 = arith.maximumf %max3A_1146, %add3A_1133 : vector<50x50xf32>
    %max3A_1148 = arith.maximumf %max3A_1147, %add3A_1139 : vector<50x50xf32>
    %max3A_1149 = arith.maximumf %max3A_1148, %add3A_1145 : vector<50x50xf32>
    %sub3A = arith.subf %add3A_1115, %max3A_1149 : vector<50x50xf32>
    %exp3A = math.exp %sub3A : vector<50x50xf32>
    %sub3A_1150 = arith.subf %add3A_1121, %max3A_1149 : vector<50x50xf32>
    %exp3A_1151 = math.exp %sub3A_1150 : vector<50x50xf32>
    %add3A_1152 = arith.addf %exp3A, %exp3A_1151 : vector<50x50xf32>
    %sub3A_1153 = arith.subf %add3A_1127, %max3A_1149 : vector<50x50xf32>
    %exp3A_1154 = math.exp %sub3A_1153 : vector<50x50xf32>
    %add3A_1155 = arith.addf %add3A_1152, %exp3A_1154 : vector<50x50xf32>
    %sub3A_1156 = arith.subf %add3A_1133, %max3A_1149 : vector<50x50xf32>
    %exp3A_1157 = math.exp %sub3A_1156 : vector<50x50xf32>
    %add3A_1158 = arith.addf %add3A_1155, %exp3A_1157 : vector<50x50xf32>
    %sub3A_1159 = arith.subf %add3A_1139, %max3A_1149 : vector<50x50xf32>
    %exp3A_1160 = math.exp %sub3A_1159 : vector<50x50xf32>
    %add3A_1161 = arith.addf %add3A_1158, %exp3A_1160 : vector<50x50xf32>
    %sub3A_1162 = arith.subf %add3A_1145, %max3A_1149 : vector<50x50xf32>
    %exp3A_1163 = math.exp %sub3A_1162 : vector<50x50xf32>
    %add3A_1164 = arith.addf %add3A_1161, %exp3A_1163 : vector<50x50xf32>
    %log3A = math.log %add3A_1164 : vector<50x50xf32>
    %add3A_1165 = arith.addf %max3A_1149, %log3A : vector<50x50xf32>
    %sub3A_1166 = arith.subf %add3A_1115, %add3A_1165 : vector<50x50xf32>
    %swap3A = arith.constant 0 : index
    %swap3A_1167 = arith.constant 0 : index
    %swap3A_1168 = arith.constant 0 : index
    %swap3A_1169 = arith.constant 0 : index
    %swap3A_1170 = vector.load %arg12[%swap3A, %swap3A_1167, %swap3A_1168, %swap3A_1169] : memref<6x4x50x50xf32, #tpu.memory_space<vmem>>, vector<1x1x50x50xf32>
    %swap3A_1171 = vector.shape_cast %swap3A_1170 : vector<1x1x50x50xf32> to vector<50x50xf32>
    %swap3A_1172 = vector.shape_cast %sub3A_1166 : vector<50x50xf32> to vector<1x1x50x50xf32>
    tpu.vector_store %arg12[%swap3A, %swap3A_1167, %swap3A_1168, %swap3A_1169], %swap3A_1172 {strides = array<i32>} : memref<6x4x50x50xf32, #tpu.memory_space<vmem>>, vector<1x1x50x50xf32>,
    %sub3A_1173 = arith.subf %add3A_1121, %add3A_1165 : vector<50x50xf32>
    %swap3A_1174 = arith.constant 1 : index
    %swap3A_1175 = arith.constant 0 : index
    %swap3A_1176 = arith.constant 0 : index
    %swap3A_1177 = arith.constant 0 : index
    %swap3A_1178 = vector.load %arg12[%swap3A_1174, %swap3A_1175, %swap3A_1176, %swap3A_1177] : memref<6x4x50x50xf32, #tpu.memory_space<vmem>>, vector<1x1x50x50xf32>
    %swap3A_1179 = vector.shape_cast %swap3A_1178 : vector<1x1x50x50xf32> to vector<50x50xf32>
    %swap3A_1180 = vector.shape_cast %sub3A_1173 : vector<50x50xf32> to vector<1x1x50x50xf32>
    tpu.vector_store %arg12[%swap3A_1174, %swap3A_1175, %swap3A_1176, %swap3A_1177], %swap3A_1180 {strides = array<i32>} : memref<6x4x50x50xf32, #tpu.memory_space<vmem>>, vector<1x1x50x50xf32>,
    %sub3A_1181 = arith.subf %add3A_1127, %add3A_1165 : vector<50x50xf32>
    %swap3A_1182 = arith.constant 2 : index
    %swap3A_1183 = arith.constant 0 : index
    %swap3A_1184 = arith.constant 0 : index
    %swap3A_1185 = arith.constant 0 : index
    %swap3A_1186 = vector.load %arg12[%swap3A_1182, %swap3A_1183, %swap3A_1184, %swap3A_1185] : memref<6x4x50x50xf32, #tpu.memory_space<vmem>>, vector<1x1x50x50xf32>
    %swap3A_1187 = vector.shape_cast %swap3A_1186 : vector<1x1x50x50xf32> to vector<50x50xf32>
    %swap3A_1188 = vector.shape_cast %sub3A_1181 : vector<50x50xf32> to vector<1x1x50x50xf32>
    tpu.vector_store %arg12[%swap3A_1182, %swap3A_1183, %swap3A_1184, %swap3A_1185], %swap3A_1188 {strides = array<i32>} : memref<6x4x50x50xf32, #tpu.memory_space<vmem>>, vector<1x1x50x50xf32>,
    %sub3A_1189 = arith.subf %add3A_1133, %add3A_1165 : vector<50x50xf32>
    %swap3A_1190 = arith.constant 3 : index
    %swap3A_1191 = arith.constant 0 : index
    %swap3A_1192 = arith.constant 0 : index
    %swap3A_1193 = arith.constant 0 : index
    %swap3A_1194 = vector.load %arg12[%swap3A_1190, %swap3A_1191, %swap3A_1192, %swap3A_1193] : memref<6x4x50x50xf32, #tpu.memory_space<vmem>>, vector<1x1x50x50xf32>
    %swap3A_1195 = vector.shape_cast %swap3A_1194 : vector<1x1x50x50xf32> to vector<50x50xf32>
    %swap3A_1196 = vector.shape_cast %sub3A_1189 : vector<50x50xf32> to vector<1x1x50x50xf32>
    tpu.vector_store %arg12[%swap3A_1190, %swap3A_1191, %swap3A_1192, %swap3A_1193], %swap3A_1196 {strides = array<i32>} : memref<6x4x50x50xf32, #tpu.memory_space<vmem>>, vector<1x1x50x50xf32>,
    %sub3A_1197 = arith.subf %add3A_1139, %add3A_1165 : vector<50x50xf32>
    %swap3A_1198 = arith.constant 4 : index
    %swap3A_1199 = arith.constant 0 : index
    %swap3A_1200 = arith.constant 0 : index
    %swap3A_1201 = arith.constant 0 : index
    %swap3A_1202 = vector.load %arg12[%swap3A_1198, %swap3A_1199, %swap3A_1200, %swap3A_1201] : memref<6x4x50x50xf32, #tpu.memory_space<vmem>>, vector<1x1x50x50xf32>
    %swap3A_1203 = vector.shape_cast %swap3A_1202 : vector<1x1x50x50xf32> to vector<50x50xf32>
    %swap3A_1204 = vector.shape_cast %sub3A_1197 : vector<50x50xf32> to vector<1x1x50x50xf32>
    tpu.vector_store %arg12[%swap3A_1198, %swap3A_1199, %swap3A_1200, %swap3A_1201], %swap3A_1204 {strides = array<i32>} : memref<6x4x50x50xf32, #tpu.memory_space<vmem>>, vector<1x1x50x50xf32>,
    %sub3A_1205 = arith.subf %add3A_1145, %add3A_1165 : vector<50x50xf32>
    %swap3A_1206 = arith.constant 5 : index
    %swap3A_1207 = arith.constant 0 : index
    %swap3A_1208 = arith.constant 0 : index
    %swap3A_1209 = arith.constant 0 : index
    %swap3A_1210 = vector.load %arg12[%swap3A_1206, %swap3A_1207, %swap3A_1208, %swap3A_1209] : memref<6x4x50x50xf32, #tpu.memory_space<vmem>>, vector<1x1x50x50xf32>
    %swap3A_1211 = vector.shape_cast %swap3A_1210 : vector<1x1x50x50xf32> to vector<50x50xf32>
    %swap3A_1212 = vector.shape_cast %sub3A_1205 : vector<50x50xf32> to vector<1x1x50x50xf32>
    tpu.vector_store %arg12[%swap3A_1206, %swap3A_1207, %swap3A_1208, %swap3A_1209], %swap3A_1212 {strides = array<i32>} : memref<6x4x50x50xf32, #tpu.memory_space<vmem>>, vector<1x1x50x50xf32>,
    %dot_general3A_1213 = arith.constant dense<0.000000e+00> : vector<50x64xf32>
    %dot_general3A_1214 = tpu.matmul %get3A_1110, %add3A_731, %dot_general3A_1213 {dimension_numbers = #tpu.dot_dimension_numbers<[1], [0], [0], [1], [0, 0, 1, 1], [], []>, transpose_lhs_hint = false} : vector<50x64xf32>, vector<64x64xf32>, vector<50x64xf32> -> vector<50x64xf32>
    %dot_general3A_1215 = arith.constant dense<0.000000e+00> : vector<50x50xf32>
    %dot_general3A_1216 = tpu.matmul %dot_general3A_1214, %get3A_1110, %dot_general3A_1215 {dimension_numbers = #tpu.dot_dimension_numbers<[1], [1], [0], [0], [0, 0, 1, 0], [], []>, transpose_lhs_hint = false} : vector<50x64xf32>, vector<50x64xf32>, vector<50x50xf32> -> vector<50x50xf32>
    %add3A_1217 = vector.broadcast %add3A_741 : f32 to vector<50x50xf32>
    %add3A_1218 = arith.addf %dot_general3A_1216, %add3A_1217 : vector<50x50xf32>
    %swap3A_1219 = arith.constant 0 : index
    %swap3A_1220 = arith.constant 0 : index
    %swap3A_1221 = arith.constant 0 : index
    %swap3A_1222 = arith.constant 0 : index
    %swap3A_1223 = vector.load %arg13[%swap3A_1219, %swap3A_1220, %swap3A_1221, %swap3A_1222] : memref<5x4x50x50xf32, #tpu.memory_space<vmem>>, vector<1x1x50x50xf32>
    %swap3A_1224 = vector.shape_cast %swap3A_1223 : vector<1x1x50x50xf32> to vector<50x50xf32>
    %swap3A_1225 = vector.shape_cast %add3A_1218 : vector<50x50xf32> to vector<1x1x50x50xf32>
    tpu.vector_store %arg13[%swap3A_1219, %swap3A_1220, %swap3A_1221, %swap3A_1222], %swap3A_1225 {strides = array<i32>} : memref<5x4x50x50xf32, #tpu.memory_space<vmem>>, vector<1x1x50x50xf32>,
    %dot_general3A_1226 = arith.constant dense<0.000000e+00> : vector<50x64xf32>
    %dot_general3A_1227 = tpu.matmul %get3A_1110, %add3A_822, %dot_general3A_1226 {dimension_numbers = #tpu.dot_dimension_numbers<[1], [0], [0], [1], [0, 0, 1, 1], [], []>, transpose_lhs_hint = false} : vector<50x64xf32>, vector<64x64xf32>, vector<50x64xf32> -> vector<50x64xf32>
    %dot_general3A_1228 = arith.constant dense<0.000000e+00> : vector<50x50xf32>
    %dot_general3A_1229 = tpu.matmul %dot_general3A_1227, %get3A_1110, %dot_general3A_1228 {dimension_numbers = #tpu.dot_dimension_numbers<[1], [1], [0], [0], [0, 0, 1, 0], [], []>, transpose_lhs_hint = false} : vector<50x64xf32>, vector<50x64xf32>, vector<50x50xf32> -> vector<50x50xf32>
    %add3A_1230 = vector.broadcast %add3A_832 : f32 to vector<50x50xf32>
    %add3A_1231 = arith.addf %dot_general3A_1229, %add3A_1230 : vector<50x50xf32>
    %swap3A_1232 = arith.constant 1 : index
    %swap3A_1233 = arith.constant 0 : index
    %swap3A_1234 = arith.constant 0 : index
    %swap3A_1235 = arith.constant 0 : index
    %swap3A_1236 = vector.load %arg13[%swap3A_1232, %swap3A_1233, %swap3A_1234, %swap3A_1235] : memref<5x4x50x50xf32, #tpu.memory_space<vmem>>, vector<1x1x50x50xf32>
    %swap3A_1237 = vector.shape_cast %swap3A_1236 : vector<1x1x50x50xf32> to vector<50x50xf32>
    %swap3A_1238 = vector.shape_cast %add3A_1231 : vector<50x50xf32> to vector<1x1x50x50xf32>
    tpu.vector_store %arg13[%swap3A_1232, %swap3A_1233, %swap3A_1234, %swap3A_1235], %swap3A_1238 {strides = array<i32>} : memref<5x4x50x50xf32, #tpu.memory_space<vmem>>, vector<1x1x50x50xf32>,
    %dot_general3A_1239 = arith.constant dense<0.000000e+00> : vector<50x64xf32>
    %dot_general3A_1240 = tpu.matmul %get3A_1110, %add3A_913, %dot_general3A_1239 {dimension_numbers = #tpu.dot_dimension_numbers<[1], [0], [0], [1], [0, 0, 1, 1], [], []>, transpose_lhs_hint = false} : vector<50x64xf32>, vector<64x64xf32>, vector<50x64xf32> -> vector<50x64xf32>
    %dot_general3A_1241 = arith.constant dense<0.000000e+00> : vector<50x50xf32>
    %dot_general3A_1242 = tpu.matmul %dot_general3A_1240, %get3A_1110, %dot_general3A_1241 {dimension_numbers = #tpu.dot_dimension_numbers<[1], [1], [0], [0], [0, 0, 1, 0], [], []>, transpose_lhs_hint = false} : vector<50x64xf32>, vector<50x64xf32>, vector<50x50xf32> -> vector<50x50xf32>
    %add3A_1243 = vector.broadcast %add3A_923 : f32 to vector<50x50xf32>
    %add3A_1244 = arith.addf %dot_general3A_1242, %add3A_1243 : vector<50x50xf32>
    %swap3A_1245 = arith.constant 2 : index
    %swap3A_1246 = arith.constant 0 : index
    %swap3A_1247 = arith.constant 0 : index
    %swap3A_1248 = arith.constant 0 : index
    %swap3A_1249 = vector.load %arg13[%swap3A_1245, %swap3A_1246, %swap3A_1247, %swap3A_1248] : memref<5x4x50x50xf32, #tpu.memory_space<vmem>>, vector<1x1x50x50xf32>
    %swap3A_1250 = vector.shape_cast %swap3A_1249 : vector<1x1x50x50xf32> to vector<50x50xf32>
    %swap3A_1251 = vector.shape_cast %add3A_1244 : vector<50x50xf32> to vector<1x1x50x50xf32>
    tpu.vector_store %arg13[%swap3A_1245, %swap3A_1246, %swap3A_1247, %swap3A_1248], %swap3A_1251 {strides = array<i32>} : memref<5x4x50x50xf32, #tpu.memory_space<vmem>>, vector<1x1x50x50xf32>,
    %dot_general3A_1252 = arith.constant dense<0.000000e+00> : vector<50x64xf32>
    %dot_general3A_1253 = tpu.matmul %get3A_1110, %add3A_1004, %dot_general3A_1252 {dimension_numbers = #tpu.dot_dimension_numbers<[1], [0], [0], [1], [0, 0, 1, 1], [], []>, transpose_lhs_hint = false} : vector<50x64xf32>, vector<64x64xf32>, vector<50x64xf32> -> vector<50x64xf32>
    %dot_general3A_1254 = arith.constant dense<0.000000e+00> : vector<50x50xf32>
    %dot_general3A_1255 = tpu.matmul %dot_general3A_1253, %get3A_1110, %dot_general3A_1254 {dimension_numbers = #tpu.dot_dimension_numbers<[1], [1], [0], [0], [0, 0, 1, 0], [], []>, transpose_lhs_hint = false} : vector<50x64xf32>, vector<50x64xf32>, vector<50x50xf32> -> vector<50x50xf32>
    %add3A_1256 = vector.broadcast %add3A_1014 : f32 to vector<50x50xf32>
    %add3A_1257 = arith.addf %dot_general3A_1255, %add3A_1256 : vector<50x50xf32>
    %swap3A_1258 = arith.constant 3 : index
    %swap3A_1259 = arith.constant 0 : index
    %swap3A_1260 = arith.constant 0 : index
    %swap3A_1261 = arith.constant 0 : index
    %swap3A_1262 = vector.load %arg13[%swap3A_1258, %swap3A_1259, %swap3A_1260, %swap3A_1261] : memref<5x4x50x50xf32, #tpu.memory_space<vmem>>, vector<1x1x50x50xf32>
    %swap3A_1263 = vector.shape_cast %swap3A_1262 : vector<1x1x50x50xf32> to vector<50x50xf32>
    %swap3A_1264 = vector.shape_cast %add3A_1257 : vector<50x50xf32> to vector<1x1x50x50xf32>
    tpu.vector_store %arg13[%swap3A_1258, %swap3A_1259, %swap3A_1260, %swap3A_1261], %swap3A_1264 {strides = array<i32>} : memref<5x4x50x50xf32, #tpu.memory_space<vmem>>, vector<1x1x50x50xf32>,
    %dot_general3A_1265 = arith.constant dense<0.000000e+00> : vector<50x64xf32>
    %dot_general3A_1266 = tpu.matmul %get3A_1110, %add3A_1095, %dot_general3A_1265 {dimension_numbers = #tpu.dot_dimension_numbers<[1], [0], [0], [1], [0, 0, 1, 1], [], []>, transpose_lhs_hint = false} : vector<50x64xf32>, vector<64x64xf32>, vector<50x64xf32> -> vector<50x64xf32>
    %dot_general3A_1267 = arith.constant dense<0.000000e+00> : vector<50x50xf32>
    %dot_general3A_1268 = tpu.matmul %dot_general3A_1266, %get3A_1110, %dot_general3A_1267 {dimension_numbers = #tpu.dot_dimension_numbers<[1], [1], [0], [0], [0, 0, 1, 0], [], []>, transpose_lhs_hint = false} : vector<50x64xf32>, vector<50x64xf32>, vector<50x50xf32> -> vector<50x50xf32>
    %add3A_1269 = vector.broadcast %add3A_1105 : f32 to vector<50x50xf32>
    %add3A_1270 = arith.addf %dot_general3A_1268, %add3A_1269 : vector<50x50xf32>
    %swap3A_1271 = arith.constant 4 : index
    %swap3A_1272 = arith.constant 0 : index
    %swap3A_1273 = arith.constant 0 : index
    %swap3A_1274 = arith.constant 0 : index
    %swap3A_1275 = vector.load %arg13[%swap3A_1271, %swap3A_1272, %swap3A_1273, %swap3A_1274] : memref<5x4x50x50xf32, #tpu.memory_space<vmem>>, vector<1x1x50x50xf32>
    %swap3A_1276 = vector.shape_cast %swap3A_1275 : vector<1x1x50x50xf32> to vector<50x50xf32>
    %swap3A_1277 = vector.shape_cast %add3A_1270 : vector<50x50xf32> to vector<1x1x50x50xf32>
    tpu.vector_store %arg13[%swap3A_1271, %swap3A_1272, %swap3A_1273, %swap3A_1274], %swap3A_1277 {strides = array<i32>} : memref<5x4x50x50xf32, #tpu.memory_space<vmem>>, vector<1x1x50x50xf32>,
    %get3A_1278 = arith.constant 0 : index
    %get3A_1279 = arith.constant 0 : index
    %get3A_1280 = vector.load %arg4[%get3A_1278, %get3A_1279] : memref<92x64xf32, #tpu.memory_space<vmem>>, vector<92x64xf32>
    %dot_general3A_1281 = arith.constant dense<0.000000e+00> : vector<50x92xf32>
    %dot_general3A_1282 = tpu.matmul %get3A_1110, %get3A_1280, %dot_general3A_1281 {dimension_numbers = #tpu.dot_dimension_numbers<[1], [1], [0], [0], [0, 0, 1, 0], [], []>, transpose_lhs_hint = false} : vector<50x64xf32>, vector<92x64xf32>, vector<50x92xf32> -> vector<50x92xf32>
    %get3A_1283 = arith.constant 0 : index
    %get3A_1284 = arith.constant 0 : index
    %get3A_1285 = vector.load %arg5[%get3A_1283, %get3A_1284] : memref<1x92xf32, #tpu.memory_space<vmem>>, vector<1x92xf32>
    %add3A_1286 = vector.broadcast %get3A_1285 : vector<1x92xf32> to vector<50x92xf32>
    %add3A_1287 = arith.addf %dot_general3A_1282, %add3A_1286 : vector<50x92xf32>
    %swap3A_1288 = arith.constant 0 : index
    %swap3A_1289 = arith.constant 0 : index
    %swap3A_1290 = arith.constant 0 : index
    %swap3A_1291 = vector.load %arg14[%swap3A_1288, %swap3A_1289, %swap3A_1290] : memref<4x50x92xf32, #tpu.memory_space<vmem>>, vector<1x50x92xf32>
    %swap3A_1292 = vector.shape_cast %swap3A_1291 : vector<1x50x92xf32> to vector<50x92xf32>
    %swap3A_1293 = vector.shape_cast %add3A_1287 : vector<50x92xf32> to vector<1x50x92xf32>
    tpu.vector_store %arg14[%swap3A_1288, %swap3A_1289, %swap3A_1290], %swap3A_1293 {strides = array<i32>} : memref<4x50x92xf32, #tpu.memory_space<vmem>>, vector<1x50x92xf32>,
    %get3A_1294 = arith.constant 1 : index
    %get3A_1295 = arith.constant 0 : index
    %get3A_1296 = arith.constant 0 : index
    %get3A_1297 = vector.load %arg1[%get3A_1294, %get3A_1295, %get3A_1296] : memref<4x50x64xf32, #tpu.memory_space<vmem>>, vector<1x50x64xf32>
    %get3A_1298 = vector.shape_cast %get3A_1297 : vector<1x50x64xf32> to vector<50x64xf32>
    %dot_general3A_1299 = arith.constant dense<0.000000e+00> : vector<50x64xf32>
    %dot_general3A_1300 = tpu.matmul %get3A_1298, %add3A_95, %dot_general3A_1299 {dimension_numbers = #tpu.dot_dimension_numbers<[1], [0], [0], [1], [0, 0, 1, 1], [], []>, transpose_lhs_hint = false} : vector<50x64xf32>, vector<64x64xf32>, vector<50x64xf32> -> vector<50x64xf32>
    %dot_general3A_1301 = arith.constant dense<0.000000e+00> : vector<50x50xf32>
    %dot_general3A_1302 = tpu.matmul %dot_general3A_1300, %get3A_1298, %dot_general3A_1301 {dimension_numbers = #tpu.dot_dimension_numbers<[1], [1], [0], [0], [0, 0, 1, 0], [], []>, transpose_lhs_hint = false} : vector<50x64xf32>, vector<50x64xf32>, vector<50x50xf32> -> vector<50x50xf32>
    %add3A_1303 = vector.broadcast %add3A_105 : f32 to vector<50x50xf32>
    %add3A_1304 = arith.addf %dot_general3A_1302, %add3A_1303 : vector<50x50xf32>
    %dot_general3A_1305 = arith.constant dense<0.000000e+00> : vector<50x64xf32>
    %dot_general3A_1306 = tpu.matmul %get3A_1298, %add3A_204, %dot_general3A_1305 {dimension_numbers = #tpu.dot_dimension_numbers<[1], [0], [0], [1], [0, 0, 1, 1], [], []>, transpose_lhs_hint = false} : vector<50x64xf32>, vector<64x64xf32>, vector<50x64xf32> -> vector<50x64xf32>
    %dot_general3A_1307 = arith.constant dense<0.000000e+00> : vector<50x50xf32>
    %dot_general3A_1308 = tpu.matmul %dot_general3A_1306, %get3A_1298, %dot_general3A_1307 {dimension_numbers = #tpu.dot_dimension_numbers<[1], [1], [0], [0], [0, 0, 1, 0], [], []>, transpose_lhs_hint = false} : vector<50x64xf32>, vector<50x64xf32>, vector<50x50xf32> -> vector<50x50xf32>
    %add3A_1309 = vector.broadcast %add3A_214 : f32 to vector<50x50xf32>
    %add3A_1310 = arith.addf %dot_general3A_1308, %add3A_1309 : vector<50x50xf32>
    %dot_general3A_1311 = arith.constant dense<0.000000e+00> : vector<50x64xf32>
    %dot_general3A_1312 = tpu.matmul %get3A_1298, %add3A_313, %dot_general3A_1311 {dimension_numbers = #tpu.dot_dimension_numbers<[1], [0], [0], [1], [0, 0, 1, 1], [], []>, transpose_lhs_hint = false} : vector<50x64xf32>, vector<64x64xf32>, vector<50x64xf32> -> vector<50x64xf32>
    %dot_general3A_1313 = arith.constant dense<0.000000e+00> : vector<50x50xf32>
    %dot_general3A_1314 = tpu.matmul %dot_general3A_1312, %get3A_1298, %dot_general3A_1313 {dimension_numbers = #tpu.dot_dimension_numbers<[1], [1], [0], [0], [0, 0, 1, 0], [], []>, transpose_lhs_hint = false} : vector<50x64xf32>, vector<50x64xf32>, vector<50x50xf32> -> vector<50x50xf32>
    %add3A_1315 = vector.broadcast %add3A_323 : f32 to vector<50x50xf32>
    %add3A_1316 = arith.addf %dot_general3A_1314, %add3A_1315 : vector<50x50xf32>
    %dot_general3A_1317 = arith.constant dense<0.000000e+00> : vector<50x64xf32>
    %dot_general3A_1318 = tpu.matmul %get3A_1298, %add3A_422, %dot_general3A_1317 {dimension_numbers = #tpu.dot_dimension_numbers<[1], [0], [0], [1], [0, 0, 1, 1], [], []>, transpose_lhs_hint = false} : vector<50x64xf32>, vector<64x64xf32>, vector<50x64xf32> -> vector<50x64xf32>
    %dot_general3A_1319 = arith.constant dense<0.000000e+00> : vector<50x50xf32>
    %dot_general3A_1320 = tpu.matmul %dot_general3A_1318, %get3A_1298, %dot_general3A_1319 {dimension_numbers = #tpu.dot_dimension_numbers<[1], [1], [0], [0], [0, 0, 1, 0], [], []>, transpose_lhs_hint = false} : vector<50x64xf32>, vector<50x64xf32>, vector<50x50xf32> -> vector<50x50xf32>
    %add3A_1321 = vector.broadcast %add3A_432 : f32 to vector<50x50xf32>
    %add3A_1322 = arith.addf %dot_general3A_1320, %add3A_1321 : vector<50x50xf32>
    %dot_general3A_1323 = arith.constant dense<0.000000e+00> : vector<50x64xf32>
    %dot_general3A_1324 = tpu.matmul %get3A_1298, %add3A_531, %dot_general3A_1323 {dimension_numbers = #tpu.dot_dimension_numbers<[1], [0], [0], [1], [0, 0, 1, 1], [], []>, transpose_lhs_hint = false} : vector<50x64xf32>, vector<64x64xf32>, vector<50x64xf32> -> vector<50x64xf32>
    %dot_general3A_1325 = arith.constant dense<0.000000e+00> : vector<50x50xf32>
    %dot_general3A_1326 = tpu.matmul %dot_general3A_1324, %get3A_1298, %dot_general3A_1325 {dimension_numbers = #tpu.dot_dimension_numbers<[1], [1], [0], [0], [0, 0, 1, 0], [], []>, transpose_lhs_hint = false} : vector<50x64xf32>, vector<50x64xf32>, vector<50x50xf32> -> vector<50x50xf32>
    %add3A_1327 = vector.broadcast %add3A_541 : f32 to vector<50x50xf32>
    %add3A_1328 = arith.addf %dot_general3A_1326, %add3A_1327 : vector<50x50xf32>
    %dot_general3A_1329 = arith.constant dense<0.000000e+00> : vector<50x64xf32>
    %dot_general3A_1330 = tpu.matmul %get3A_1298, %add3A_640, %dot_general3A_1329 {dimension_numbers = #tpu.dot_dimension_numbers<[1], [0], [0], [1], [0, 0, 1, 1], [], []>, transpose_lhs_hint = false} : vector<50x64xf32>, vector<64x64xf32>, vector<50x64xf32> -> vector<50x64xf32>
    %dot_general3A_1331 = arith.constant dense<0.000000e+00> : vector<50x50xf32>
    %dot_general3A_1332 = tpu.matmul %dot_general3A_1330, %get3A_1298, %dot_general3A_1331 {dimension_numbers = #tpu.dot_dimension_numbers<[1], [1], [0], [0], [0, 0, 1, 0], [], []>, transpose_lhs_hint = false} : vector<50x64xf32>, vector<50x64xf32>, vector<50x50xf32> -> vector<50x50xf32>
    %add3A_1333 = vector.broadcast %add3A_650 : f32 to vector<50x50xf32>
    %add3A_1334 = arith.addf %dot_general3A_1332, %add3A_1333 : vector<50x50xf32>
    %max3A_1335 = arith.maximumf %add3A_1304, %add3A_1310 : vector<50x50xf32>
    %max3A_1336 = arith.maximumf %max3A_1335, %add3A_1316 : vector<50x50xf32>
    %max3A_1337 = arith.maximumf %max3A_1336, %add3A_1322 : vector<50x50xf32>
    %max3A_1338 = arith.maximumf %max3A_1337, %add3A_1328 : vector<50x50xf32>
    %max3A_1339 = arith.maximumf %max3A_1338, %add3A_1334 : vector<50x50xf32>
    %sub3A_1340 = arith.subf %add3A_1304, %max3A_1339 : vector<50x50xf32>
    %exp3A_1341 = math.exp %sub3A_1340 : vector<50x50xf32>
    %sub3A_1342 = arith.subf %add3A_1310, %max3A_1339 : vector<50x50xf32>
    %exp3A_1343 = math.exp %sub3A_1342 : vector<50x50xf32>
    %add3A_1344 = arith.addf %exp3A_1341, %exp3A_1343 : vector<50x50xf32>
    %sub3A_1345 = arith.subf %add3A_1316, %max3A_1339 : vector<50x50xf32>
    %exp3A_1346 = math.exp %sub3A_1345 : vector<50x50xf32>
    %add3A_1347 = arith.addf %add3A_1344, %exp3A_1346 : vector<50x50xf32>
    %sub3A_1348 = arith.subf %add3A_1322, %max3A_1339 : vector<50x50xf32>
    %exp3A_1349 = math.exp %sub3A_1348 : vector<50x50xf32>
    %add3A_1350 = arith.addf %add3A_1347, %exp3A_1349 : vector<50x50xf32>
    %sub3A_1351 = arith.subf %add3A_1328, %max3A_1339 : vector<50x50xf32>
    %exp3A_1352 = math.exp %sub3A_1351 : vector<50x50xf32>
    %add3A_1353 = arith.addf %add3A_1350, %exp3A_1352 : vector<50x50xf32>
    %sub3A_1354 = arith.subf %add3A_1334, %max3A_1339 : vector<50x50xf32>
    %exp3A_1355 = math.exp %sub3A_1354 : vector<50x50xf32>
    %add3A_1356 = arith.addf %add3A_1353, %exp3A_1355 : vector<50x50xf32>
    %log3A_1357 = math.log %add3A_1356 : vector<50x50xf32>
    %add3A_1358 = arith.addf %max3A_1339, %log3A_1357 : vector<50x50xf32>
    %sub3A_1359 = arith.subf %add3A_1304, %add3A_1358 : vector<50x50xf32>
    %swap3A_1360 = arith.constant 0 : index
    %swap3A_1361 = arith.constant 1 : index
    %swap3A_1362 = arith.constant 0 : index
    %swap3A_1363 = arith.constant 0 : index
    %swap3A_1364 = vector.load %arg12[%swap3A_1360, %swap3A_1361, %swap3A_1362, %swap3A_1363] : memref<6x4x50x50xf32, #tpu.memory_space<vmem>>, vector<1x1x50x50xf32>
    %swap3A_1365 = vector.shape_cast %swap3A_1364 : vector<1x1x50x50xf32> to vector<50x50xf32>
    %swap3A_1366 = vector.shape_cast %sub3A_1359 : vector<50x50xf32> to vector<1x1x50x50xf32>
    tpu.vector_store %arg12[%swap3A_1360, %swap3A_1361, %swap3A_1362, %swap3A_1363], %swap3A_1366 {strides = array<i32>} : memref<6x4x50x50xf32, #tpu.memory_space<vmem>>, vector<1x1x50x50xf32>,
    %sub3A_1367 = arith.subf %add3A_1310, %add3A_1358 : vector<50x50xf32>
    %swap3A_1368 = arith.constant 1 : index
    %swap3A_1369 = arith.constant 1 : index
    %swap3A_1370 = arith.constant 0 : index
    %swap3A_1371 = arith.constant 0 : index
    %swap3A_1372 = vector.load %arg12[%swap3A_1368, %swap3A_1369, %swap3A_1370, %swap3A_1371] : memref<6x4x50x50xf32, #tpu.memory_space<vmem>>, vector<1x1x50x50xf32>
    %swap3A_1373 = vector.shape_cast %swap3A_1372 : vector<1x1x50x50xf32> to vector<50x50xf32>
    %swap3A_1374 = vector.shape_cast %sub3A_1367 : vector<50x50xf32> to vector<1x1x50x50xf32>
    tpu.vector_store %arg12[%swap3A_1368, %swap3A_1369, %swap3A_1370, %swap3A_1371], %swap3A_1374 {strides = array<i32>} : memref<6x4x50x50xf32, #tpu.memory_space<vmem>>, vector<1x1x50x50xf32>,
    %sub3A_1375 = arith.subf %add3A_1316, %add3A_1358 : vector<50x50xf32>
    %swap3A_1376 = arith.constant 2 : index
    %swap3A_1377 = arith.constant 1 : index
    %swap3A_1378 = arith.constant 0 : index
    %swap3A_1379 = arith.constant 0 : index
    %swap3A_1380 = vector.load %arg12[%swap3A_1376, %swap3A_1377, %swap3A_1378, %swap3A_1379] : memref<6x4x50x50xf32, #tpu.memory_space<vmem>>, vector<1x1x50x50xf32>
    %swap3A_1381 = vector.shape_cast %swap3A_1380 : vector<1x1x50x50xf32> to vector<50x50xf32>
    %swap3A_1382 = vector.shape_cast %sub3A_1375 : vector<50x50xf32> to vector<1x1x50x50xf32>
    tpu.vector_store %arg12[%swap3A_1376, %swap3A_1377, %swap3A_1378, %swap3A_1379], %swap3A_1382 {strides = array<i32>} : memref<6x4x50x50xf32, #tpu.memory_space<vmem>>, vector<1x1x50x50xf32>,
    %sub3A_1383 = arith.subf %add3A_1322, %add3A_1358 : vector<50x50xf32>
    %swap3A_1384 = arith.constant 3 : index
    %swap3A_1385 = arith.constant 1 : index
    %swap3A_1386 = arith.constant 0 : index
    %swap3A_1387 = arith.constant 0 : index
    %swap3A_1388 = vector.load %arg12[%swap3A_1384, %swap3A_1385, %swap3A_1386, %swap3A_1387] : memref<6x4x50x50xf32, #tpu.memory_space<vmem>>, vector<1x1x50x50xf32>
    %swap3A_1389 = vector.shape_cast %swap3A_1388 : vector<1x1x50x50xf32> to vector<50x50xf32>
    %swap3A_1390 = vector.shape_cast %sub3A_1383 : vector<50x50xf32> to vector<1x1x50x50xf32>
    tpu.vector_store %arg12[%swap3A_1384, %swap3A_1385, %swap3A_1386, %swap3A_1387], %swap3A_1390 {strides = array<i32>} : memref<6x4x50x50xf32, #tpu.memory_space<vmem>>, vector<1x1x50x50xf32>,
    %sub3A_1391 = arith.subf %add3A_1328, %add3A_1358 : vector<50x50xf32>
    %swap3A_1392 = arith.constant 4 : index
    %swap3A_1393 = arith.constant 1 : index
    %swap3A_1394 = arith.constant 0 : index
    %swap3A_1395 = arith.constant 0 : index
    %swap3A_1396 = vector.load %arg12[%swap3A_1392, %swap3A_1393, %swap3A_1394, %swap3A_1395] : memref<6x4x50x50xf32, #tpu.memory_space<vmem>>, vector<1x1x50x50xf32>
    %swap3A_1397 = vector.shape_cast %swap3A_1396 : vector<1x1x50x50xf32> to vector<50x50xf32>
    %swap3A_1398 = vector.shape_cast %sub3A_1391 : vector<50x50xf32> to vector<1x1x50x50xf32>
    tpu.vector_store %arg12[%swap3A_1392, %swap3A_1393, %swap3A_1394, %swap3A_1395], %swap3A_1398 {strides = array<i32>} : memref<6x4x50x50xf32, #tpu.memory_space<vmem>>, vector<1x1x50x50xf32>,
    %sub3A_1399 = arith.subf %add3A_1334, %add3A_1358 : vector<50x50xf32>
    %swap3A_1400 = arith.constant 5 : index
    %swap3A_1401 = arith.constant 1 : index
    %swap3A_1402 = arith.constant 0 : index
    %swap3A_1403 = arith.constant 0 : index
    %swap3A_1404 = vector.load %arg12[%swap3A_1400, %swap3A_1401, %swap3A_1402, %swap3A_1403] : memref<6x4x50x50xf32, #tpu.memory_space<vmem>>, vector<1x1x50x50xf32>
    %swap3A_1405 = vector.shape_cast %swap3A_1404 : vector<1x1x50x50xf32> to vector<50x50xf32>
    %swap3A_1406 = vector.shape_cast %sub3A_1399 : vector<50x50xf32> to vector<1x1x50x50xf32>
    tpu.vector_store %arg12[%swap3A_1400, %swap3A_1401, %swap3A_1402, %swap3A_1403], %swap3A_1406 {strides = array<i32>} : memref<6x4x50x50xf32, #tpu.memory_space<vmem>>, vector<1x1x50x50xf32>,
    %dot_general3A_1407 = arith.constant dense<0.000000e+00> : vector<50x64xf32>
    %dot_general3A_1408 = tpu.matmul %get3A_1298, %add3A_731, %dot_general3A_1407 {dimension_numbers = #tpu.dot_dimension_numbers<[1], [0], [0], [1], [0, 0, 1, 1], [], []>, transpose_lhs_hint = false} : vector<50x64xf32>, vector<64x64xf32>, vector<50x64xf32> -> vector<50x64xf32>
    %dot_general3A_1409 = arith.constant dense<0.000000e+00> : vector<50x50xf32>
    %dot_general3A_1410 = tpu.matmul %dot_general3A_1408, %get3A_1298, %dot_general3A_1409 {dimension_numbers = #tpu.dot_dimension_numbers<[1], [1], [0], [0], [0, 0, 1, 0], [], []>, transpose_lhs_hint = false} : vector<50x64xf32>, vector<50x64xf32>, vector<50x50xf32> -> vector<50x50xf32>
    %add3A_1411 = vector.broadcast %add3A_741 : f32 to vector<50x50xf32>
    %add3A_1412 = arith.addf %dot_general3A_1410, %add3A_1411 : vector<50x50xf32>
    %swap3A_1413 = arith.constant 0 : index
    %swap3A_1414 = arith.constant 1 : index
    %swap3A_1415 = arith.constant 0 : index
    %swap3A_1416 = arith.constant 0 : index
    %swap3A_1417 = vector.load %arg13[%swap3A_1413, %swap3A_1414, %swap3A_1415, %swap3A_1416] : memref<5x4x50x50xf32, #tpu.memory_space<vmem>>, vector<1x1x50x50xf32>
    %swap3A_1418 = vector.shape_cast %swap3A_1417 : vector<1x1x50x50xf32> to vector<50x50xf32>
    %swap3A_1419 = vector.shape_cast %add3A_1412 : vector<50x50xf32> to vector<1x1x50x50xf32>
    tpu.vector_store %arg13[%swap3A_1413, %swap3A_1414, %swap3A_1415, %swap3A_1416], %swap3A_1419 {strides = array<i32>} : memref<5x4x50x50xf32, #tpu.memory_space<vmem>>, vector<1x1x50x50xf32>,
    %dot_general3A_1420 = arith.constant dense<0.000000e+00> : vector<50x64xf32>
    %dot_general3A_1421 = tpu.matmul %get3A_1298, %add3A_822, %dot_general3A_1420 {dimension_numbers = #tpu.dot_dimension_numbers<[1], [0], [0], [1], [0, 0, 1, 1], [], []>, transpose_lhs_hint = false} : vector<50x64xf32>, vector<64x64xf32>, vector<50x64xf32> -> vector<50x64xf32>
    %dot_general3A_1422 = arith.constant dense<0.000000e+00> : vector<50x50xf32>
    %dot_general3A_1423 = tpu.matmul %dot_general3A_1421, %get3A_1298, %dot_general3A_1422 {dimension_numbers = #tpu.dot_dimension_numbers<[1], [1], [0], [0], [0, 0, 1, 0], [], []>, transpose_lhs_hint = false} : vector<50x64xf32>, vector<50x64xf32>, vector<50x50xf32> -> vector<50x50xf32>
    %add3A_1424 = vector.broadcast %add3A_832 : f32 to vector<50x50xf32>
    %add3A_1425 = arith.addf %dot_general3A_1423, %add3A_1424 : vector<50x50xf32>
    %swap3A_1426 = arith.constant 1 : index
    %swap3A_1427 = arith.constant 1 : index
    %swap3A_1428 = arith.constant 0 : index
    %swap3A_1429 = arith.constant 0 : index
    %swap3A_1430 = vector.load %arg13[%swap3A_1426, %swap3A_1427, %swap3A_1428, %swap3A_1429] : memref<5x4x50x50xf32, #tpu.memory_space<vmem>>, vector<1x1x50x50xf32>
    %swap3A_1431 = vector.shape_cast %swap3A_1430 : vector<1x1x50x50xf32> to vector<50x50xf32>
    %swap3A_1432 = vector.shape_cast %add3A_1425 : vector<50x50xf32> to vector<1x1x50x50xf32>
    tpu.vector_store %arg13[%swap3A_1426, %swap3A_1427, %swap3A_1428, %swap3A_1429], %swap3A_1432 {strides = array<i32>} : memref<5x4x50x50xf32, #tpu.memory_space<vmem>>, vector<1x1x50x50xf32>,
    %dot_general3A_1433 = arith.constant dense<0.000000e+00> : vector<50x64xf32>
    %dot_general3A_1434 = tpu.matmul %get3A_1298, %add3A_913, %dot_general3A_1433 {dimension_numbers = #tpu.dot_dimension_numbers<[1], [0], [0], [1], [0, 0, 1, 1], [], []>, transpose_lhs_hint = false} : vector<50x64xf32>, vector<64x64xf32>, vector<50x64xf32> -> vector<50x64xf32>
    %dot_general3A_1435 = arith.constant dense<0.000000e+00> : vector<50x50xf32>
    %dot_general3A_1436 = tpu.matmul %dot_general3A_1434, %get3A_1298, %dot_general3A_1435 {dimension_numbers = #tpu.dot_dimension_numbers<[1], [1], [0], [0], [0, 0, 1, 0], [], []>, transpose_lhs_hint = false} : vector<50x64xf32>, vector<50x64xf32>, vector<50x50xf32> -> vector<50x50xf32>
    %add3A_1437 = vector.broadcast %add3A_923 : f32 to vector<50x50xf32>
    %add3A_1438 = arith.addf %dot_general3A_1436, %add3A_1437 : vector<50x50xf32>
    %swap3A_1439 = arith.constant 2 : index
    %swap3A_1440 = arith.constant 1 : index
    %swap3A_1441 = arith.constant 0 : index
    %swap3A_1442 = arith.constant 0 : index
    %swap3A_1443 = vector.load %arg13[%swap3A_1439, %swap3A_1440, %swap3A_1441, %swap3A_1442] : memref<5x4x50x50xf32, #tpu.memory_space<vmem>>, vector<1x1x50x50xf32>
    %swap3A_1444 = vector.shape_cast %swap3A_1443 : vector<1x1x50x50xf32> to vector<50x50xf32>
    %swap3A_1445 = vector.shape_cast %add3A_1438 : vector<50x50xf32> to vector<1x1x50x50xf32>
    tpu.vector_store %arg13[%swap3A_1439, %swap3A_1440, %swap3A_1441, %swap3A_1442], %swap3A_1445 {strides = array<i32>} : memref<5x4x50x50xf32, #tpu.memory_space<vmem>>, vector<1x1x50x50xf32>,
    %dot_general3A_1446 = arith.constant dense<0.000000e+00> : vector<50x64xf32>
    %dot_general3A_1447 = tpu.matmul %get3A_1298, %add3A_1004, %dot_general3A_1446 {dimension_numbers = #tpu.dot_dimension_numbers<[1], [0], [0], [1], [0, 0, 1, 1], [], []>, transpose_lhs_hint = false} : vector<50x64xf32>, vector<64x64xf32>, vector<50x64xf32> -> vector<50x64xf32>
    %dot_general3A_1448 = arith.constant dense<0.000000e+00> : vector<50x50xf32>
    %dot_general3A_1449 = tpu.matmul %dot_general3A_1447, %get3A_1298, %dot_general3A_1448 {dimension_numbers = #tpu.dot_dimension_numbers<[1], [1], [0], [0], [0, 0, 1, 0], [], []>, transpose_lhs_hint = false} : vector<50x64xf32>, vector<50x64xf32>, vector<50x50xf32> -> vector<50x50xf32>
    %add3A_1450 = vector.broadcast %add3A_1014 : f32 to vector<50x50xf32>
    %add3A_1451 = arith.addf %dot_general3A_1449, %add3A_1450 : vector<50x50xf32>
    %swap3A_1452 = arith.constant 3 : index
    %swap3A_1453 = arith.constant 1 : index
    %swap3A_1454 = arith.constant 0 : index
    %swap3A_1455 = arith.constant 0 : index
    %swap3A_1456 = vector.load %arg13[%swap3A_1452, %swap3A_1453, %swap3A_1454, %swap3A_1455] : memref<5x4x50x50xf32, #tpu.memory_space<vmem>>, vector<1x1x50x50xf32>
    %swap3A_1457 = vector.shape_cast %swap3A_1456 : vector<1x1x50x50xf32> to vector<50x50xf32>
    %swap3A_1458 = vector.shape_cast %add3A_1451 : vector<50x50xf32> to vector<1x1x50x50xf32>
    tpu.vector_store %arg13[%swap3A_1452, %swap3A_1453, %swap3A_1454, %swap3A_1455], %swap3A_1458 {strides = array<i32>} : memref<5x4x50x50xf32, #tpu.memory_space<vmem>>, vector<1x1x50x50xf32>,
    %dot_general3A_1459 = arith.constant dense<0.000000e+00> : vector<50x64xf32>
    %dot_general3A_1460 = tpu.matmul %get3A_1298, %add3A_1095, %dot_general3A_1459 {dimension_numbers = #tpu.dot_dimension_numbers<[1], [0], [0], [1], [0, 0, 1, 1], [], []>, transpose_lhs_hint = false} : vector<50x64xf32>, vector<64x64xf32>, vector<50x64xf32> -> vector<50x64xf32>
    %dot_general3A_1461 = arith.constant dense<0.000000e+00> : vector<50x50xf32>
    %dot_general3A_1462 = tpu.matmul %dot_general3A_1460, %get3A_1298, %dot_general3A_1461 {dimension_numbers = #tpu.dot_dimension_numbers<[1], [1], [0], [0], [0, 0, 1, 0], [], []>, transpose_lhs_hint = false} : vector<50x64xf32>, vector<50x64xf32>, vector<50x50xf32> -> vector<50x50xf32>
    %add3A_1463 = vector.broadcast %add3A_1105 : f32 to vector<50x50xf32>
    %add3A_1464 = arith.addf %dot_general3A_1462, %add3A_1463 : vector<50x50xf32>
    %swap3A_1465 = arith.constant 4 : index
    %swap3A_1466 = arith.constant 1 : index
    %swap3A_1467 = arith.constant 0 : index
    %swap3A_1468 = arith.constant 0 : index
    %swap3A_1469 = vector.load %arg13[%swap3A_1465, %swap3A_1466, %swap3A_1467, %swap3A_1468] : memref<5x4x50x50xf32, #tpu.memory_space<vmem>>, vector<1x1x50x50xf32>
    %swap3A_1470 = vector.shape_cast %swap3A_1469 : vector<1x1x50x50xf32> to vector<50x50xf32>
    %swap3A_1471 = vector.shape_cast %add3A_1464 : vector<50x50xf32> to vector<1x1x50x50xf32>
    tpu.vector_store %arg13[%swap3A_1465, %swap3A_1466, %swap3A_1467, %swap3A_1468], %swap3A_1471 {strides = array<i32>} : memref<5x4x50x50xf32, #tpu.memory_space<vmem>>, vector<1x1x50x50xf32>,
    %get3A_1472 = arith.constant 0 : index
    %get3A_1473 = arith.constant 0 : index
    %get3A_1474 = vector.load %arg4[%get3A_1472, %get3A_1473] : memref<92x64xf32, #tpu.memory_space<vmem>>, vector<92x64xf32>
    %dot_general3A_1475 = arith.constant dense<0.000000e+00> : vector<50x92xf32>
    %dot_general3A_1476 = tpu.matmul %get3A_1298, %get3A_1474, %dot_general3A_1475 {dimension_numbers = #tpu.dot_dimension_numbers<[1], [1], [0], [0], [0, 0, 1, 0], [], []>, transpose_lhs_hint = false} : vector<50x64xf32>, vector<92x64xf32>, vector<50x92xf32> -> vector<50x92xf32>
    %get3A_1477 = arith.constant 0 : index
    %get3A_1478 = arith.constant 0 : index
    %get3A_1479 = vector.load %arg5[%get3A_1477, %get3A_1478] : memref<1x92xf32, #tpu.memory_space<vmem>>, vector<1x92xf32>
    %add3A_1480 = vector.broadcast %get3A_1479 : vector<1x92xf32> to vector<50x92xf32>
    %add3A_1481 = arith.addf %dot_general3A_1476, %add3A_1480 : vector<50x92xf32>
    %swap3A_1482 = arith.constant 1 : index
    %swap3A_1483 = arith.constant 0 : index
    %swap3A_1484 = arith.constant 0 : index
    %swap3A_1485 = vector.load %arg14[%swap3A_1482, %swap3A_1483, %swap3A_1484] : memref<4x50x92xf32, #tpu.memory_space<vmem>>, vector<1x50x92xf32>
    %swap3A_1486 = vector.shape_cast %swap3A_1485 : vector<1x50x92xf32> to vector<50x92xf32>
    %swap3A_1487 = vector.shape_cast %add3A_1481 : vector<50x92xf32> to vector<1x50x92xf32>
    tpu.vector_store %arg14[%swap3A_1482, %swap3A_1483, %swap3A_1484], %swap3A_1487 {strides = array<i32>} : memref<4x50x92xf32, #tpu.memory_space<vmem>>, vector<1x50x92xf32>,
    %get3A_1488 = arith.constant 2 : index
    %get3A_1489 = arith.constant 0 : index
    %get3A_1490 = arith.constant 0 : index
    %get3A_1491 = vector.load %arg1[%get3A_1488, %get3A_1489, %get3A_1490] : memref<4x50x64xf32, #tpu.memory_space<vmem>>, vector<1x50x64xf32>
    %get3A_1492 = vector.shape_cast %get3A_1491 : vector<1x50x64xf32> to vector<50x64xf32>
    %dot_general3A_1493 = arith.constant dense<0.000000e+00> : vector<50x64xf32>
    %dot_general3A_1494 = tpu.matmul %get3A_1492, %add3A_95, %dot_general3A_1493 {dimension_numbers = #tpu.dot_dimension_numbers<[1], [0], [0], [1], [0, 0, 1, 1], [], []>, transpose_lhs_hint = false} : vector<50x64xf32>, vector<64x64xf32>, vector<50x64xf32> -> vector<50x64xf32>
    %dot_general3A_1495 = arith.constant dense<0.000000e+00> : vector<50x50xf32>
    %dot_general3A_1496 = tpu.matmul %dot_general3A_1494, %get3A_1492, %dot_general3A_1495 {dimension_numbers = #tpu.dot_dimension_numbers<[1], [1], [0], [0], [0, 0, 1, 0], [], []>, transpose_lhs_hint = false} : vector<50x64xf32>, vector<50x64xf32>, vector<50x50xf32> -> vector<50x50xf32>
    %add3A_1497 = vector.broadcast %add3A_105 : f32 to vector<50x50xf32>
    %add3A_1498 = arith.addf %dot_general3A_1496, %add3A_1497 : vector<50x50xf32>
    %dot_general3A_1499 = arith.constant dense<0.000000e+00> : vector<50x64xf32>
    %dot_general3A_1500 = tpu.matmul %get3A_1492, %add3A_204, %dot_general3A_1499 {dimension_numbers = #tpu.dot_dimension_numbers<[1], [0], [0], [1], [0, 0, 1, 1], [], []>, transpose_lhs_hint = false} : vector<50x64xf32>, vector<64x64xf32>, vector<50x64xf32> -> vector<50x64xf32>
    %dot_general3A_1501 = arith.constant dense<0.000000e+00> : vector<50x50xf32>
    %dot_general3A_1502 = tpu.matmul %dot_general3A_1500, %get3A_1492, %dot_general3A_1501 {dimension_numbers = #tpu.dot_dimension_numbers<[1], [1], [0], [0], [0, 0, 1, 0], [], []>, transpose_lhs_hint = false} : vector<50x64xf32>, vector<50x64xf32>, vector<50x50xf32> -> vector<50x50xf32>
    %add3A_1503 = vector.broadcast %add3A_214 : f32 to vector<50x50xf32>
    %add3A_1504 = arith.addf %dot_general3A_1502, %add3A_1503 : vector<50x50xf32>
    %dot_general3A_1505 = arith.constant dense<0.000000e+00> : vector<50x64xf32>
    %dot_general3A_1506 = tpu.matmul %get3A_1492, %add3A_313, %dot_general3A_1505 {dimension_numbers = #tpu.dot_dimension_numbers<[1], [0], [0], [1], [0, 0, 1, 1], [], []>, transpose_lhs_hint = false} : vector<50x64xf32>, vector<64x64xf32>, vector<50x64xf32> -> vector<50x64xf32>
    %dot_general3A_1507 = arith.constant dense<0.000000e+00> : vector<50x50xf32>
    %dot_general3A_1508 = tpu.matmul %dot_general3A_1506, %get3A_1492, %dot_general3A_1507 {dimension_numbers = #tpu.dot_dimension_numbers<[1], [1], [0], [0], [0, 0, 1, 0], [], []>, transpose_lhs_hint = false} : vector<50x64xf32>, vector<50x64xf32>, vector<50x50xf32> -> vector<50x50xf32>
    %add3A_1509 = vector.broadcast %add3A_323 : f32 to vector<50x50xf32>
    %add3A_1510 = arith.addf %dot_general3A_1508, %add3A_1509 : vector<50x50xf32>
    %dot_general3A_1511 = arith.constant dense<0.000000e+00> : vector<50x64xf32>
    %dot_general3A_1512 = tpu.matmul %get3A_1492, %add3A_422, %dot_general3A_1511 {dimension_numbers = #tpu.dot_dimension_numbers<[1], [0], [0], [1], [0, 0, 1, 1], [], []>, transpose_lhs_hint = false} : vector<50x64xf32>, vector<64x64xf32>, vector<50x64xf32> -> vector<50x64xf32>
    %dot_general3A_1513 = arith.constant dense<0.000000e+00> : vector<50x50xf32>
    %dot_general3A_1514 = tpu.matmul %dot_general3A_1512, %get3A_1492, %dot_general3A_1513 {dimension_numbers = #tpu.dot_dimension_numbers<[1], [1], [0], [0], [0, 0, 1, 0], [], []>, transpose_lhs_hint = false} : vector<50x64xf32>, vector<50x64xf32>, vector<50x50xf32> -> vector<50x50xf32>
    %add3A_1515 = vector.broadcast %add3A_432 : f32 to vector<50x50xf32>
    %add3A_1516 = arith.addf %dot_general3A_1514, %add3A_1515 : vector<50x50xf32>
    %dot_general3A_1517 = arith.constant dense<0.000000e+00> : vector<50x64xf32>
    %dot_general3A_1518 = tpu.matmul %get3A_1492, %add3A_531, %dot_general3A_1517 {dimension_numbers = #tpu.dot_dimension_numbers<[1], [0], [0], [1], [0, 0, 1, 1], [], []>, transpose_lhs_hint = false} : vector<50x64xf32>, vector<64x64xf32>, vector<50x64xf32> -> vector<50x64xf32>
    %dot_general3A_1519 = arith.constant dense<0.000000e+00> : vector<50x50xf32>
    %dot_general3A_1520 = tpu.matmul %dot_general3A_1518, %get3A_1492, %dot_general3A_1519 {dimension_numbers = #tpu.dot_dimension_numbers<[1], [1], [0], [0], [0, 0, 1, 0], [], []>, transpose_lhs_hint = false} : vector<50x64xf32>, vector<50x64xf32>, vector<50x50xf32> -> vector<50x50xf32>
    %add3A_1521 = vector.broadcast %add3A_541 : f32 to vector<50x50xf32>
    %add3A_1522 = arith.addf %dot_general3A_1520, %add3A_1521 : vector<50x50xf32>
    %dot_general3A_1523 = arith.constant dense<0.000000e+00> : vector<50x64xf32>
    %dot_general3A_1524 = tpu.matmul %get3A_1492, %add3A_640, %dot_general3A_1523 {dimension_numbers = #tpu.dot_dimension_numbers<[1], [0], [0], [1], [0, 0, 1, 1], [], []>, transpose_lhs_hint = false} : vector<50x64xf32>, vector<64x64xf32>, vector<50x64xf32> -> vector<50x64xf32>
    %dot_general3A_1525 = arith.constant dense<0.000000e+00> : vector<50x50xf32>
    %dot_general3A_1526 = tpu.matmul %dot_general3A_1524, %get3A_1492, %dot_general3A_1525 {dimension_numbers = #tpu.dot_dimension_numbers<[1], [1], [0], [0], [0, 0, 1, 0], [], []>, transpose_lhs_hint = false} : vector<50x64xf32>, vector<50x64xf32>, vector<50x50xf32> -> vector<50x50xf32>
    %add3A_1527 = vector.broadcast %add3A_650 : f32 to vector<50x50xf32>
    %add3A_1528 = arith.addf %dot_general3A_1526, %add3A_1527 : vector<50x50xf32>
    %max3A_1529 = arith.maximumf %add3A_1498, %add3A_1504 : vector<50x50xf32>
    %max3A_1530 = arith.maximumf %max3A_1529, %add3A_1510 : vector<50x50xf32>
    %max3A_1531 = arith.maximumf %max3A_1530, %add3A_1516 : vector<50x50xf32>
    %max3A_1532 = arith.maximumf %max3A_1531, %add3A_1522 : vector<50x50xf32>
    %max3A_1533 = arith.maximumf %max3A_1532, %add3A_1528 : vector<50x50xf32>
    %sub3A_1534 = arith.subf %add3A_1498, %max3A_1533 : vector<50x50xf32>
    %exp3A_1535 = math.exp %sub3A_1534 : vector<50x50xf32>
    %sub3A_1536 = arith.subf %add3A_1504, %max3A_1533 : vector<50x50xf32>
    %exp3A_1537 = math.exp %sub3A_1536 : vector<50x50xf32>
    %add3A_1538 = arith.addf %exp3A_1535, %exp3A_1537 : vector<50x50xf32>
    %sub3A_1539 = arith.subf %add3A_1510, %max3A_1533 : vector<50x50xf32>
    %exp3A_1540 = math.exp %sub3A_1539 : vector<50x50xf32>
    %add3A_1541 = arith.addf %add3A_1538, %exp3A_1540 : vector<50x50xf32>
    %sub3A_1542 = arith.subf %add3A_1516, %max3A_1533 : vector<50x50xf32>
    %exp3A_1543 = math.exp %sub3A_1542 : vector<50x50xf32>
    %add3A_1544 = arith.addf %add3A_1541, %exp3A_1543 : vector<50x50xf32>
    %sub3A_1545 = arith.subf %add3A_1522, %max3A_1533 : vector<50x50xf32>
    %exp3A_1546 = math.exp %sub3A_1545 : vector<50x50xf32>
    %add3A_1547 = arith.addf %add3A_1544, %exp3A_1546 : vector<50x50xf32>
    %sub3A_1548 = arith.subf %add3A_1528, %max3A_1533 : vector<50x50xf32>
    %exp3A_1549 = math.exp %sub3A_1548 : vector<50x50xf32>
    %add3A_1550 = arith.addf %add3A_1547, %exp3A_1549 : vector<50x50xf32>
    %log3A_1551 = math.log %add3A_1550 : vector<50x50xf32>
    %add3A_1552 = arith.addf %max3A_1533, %log3A_1551 : vector<50x50xf32>
    %sub3A_1553 = arith.subf %add3A_1498, %add3A_1552 : vector<50x50xf32>
    %swap3A_1554 = arith.constant 0 : index
    %swap3A_1555 = arith.constant 2 : index
    %swap3A_1556 = arith.constant 0 : index
    %swap3A_1557 = arith.constant 0 : index
    %swap3A_1558 = vector.load %arg12[%swap3A_1554, %swap3A_1555, %swap3A_1556, %swap3A_1557] : memref<6x4x50x50xf32, #tpu.memory_space<vmem>>, vector<1x1x50x50xf32>
    %swap3A_1559 = vector.shape_cast %swap3A_1558 : vector<1x1x50x50xf32> to vector<50x50xf32>
    %swap3A_1560 = vector.shape_cast %sub3A_1553 : vector<50x50xf32> to vector<1x1x50x50xf32>
    tpu.vector_store %arg12[%swap3A_1554, %swap3A_1555, %swap3A_1556, %swap3A_1557], %swap3A_1560 {strides = array<i32>} : memref<6x4x50x50xf32, #tpu.memory_space<vmem>>, vector<1x1x50x50xf32>,
    %sub3A_1561 = arith.subf %add3A_1504, %add3A_1552 : vector<50x50xf32>
    %swap3A_1562 = arith.constant 1 : index
    %swap3A_1563 = arith.constant 2 : index
    %swap3A_1564 = arith.constant 0 : index
    %swap3A_1565 = arith.constant 0 : index
    %swap3A_1566 = vector.load %arg12[%swap3A_1562, %swap3A_1563, %swap3A_1564, %swap3A_1565] : memref<6x4x50x50xf32, #tpu.memory_space<vmem>>, vector<1x1x50x50xf32>
    %swap3A_1567 = vector.shape_cast %swap3A_1566 : vector<1x1x50x50xf32> to vector<50x50xf32>
    %swap3A_1568 = vector.shape_cast %sub3A_1561 : vector<50x50xf32> to vector<1x1x50x50xf32>
    tpu.vector_store %arg12[%swap3A_1562, %swap3A_1563, %swap3A_1564, %swap3A_1565], %swap3A_1568 {strides = array<i32>} : memref<6x4x50x50xf32, #tpu.memory_space<vmem>>, vector<1x1x50x50xf32>,
    %sub3A_1569 = arith.subf %add3A_1510, %add3A_1552 : vector<50x50xf32>
    %swap3A_1570 = arith.constant 2 : index
    %swap3A_1571 = arith.constant 2 : index
    %swap3A_1572 = arith.constant 0 : index
    %swap3A_1573 = arith.constant 0 : index
    %swap3A_1574 = vector.load %arg12[%swap3A_1570, %swap3A_1571, %swap3A_1572, %swap3A_1573] : memref<6x4x50x50xf32, #tpu.memory_space<vmem>>, vector<1x1x50x50xf32>
    %swap3A_1575 = vector.shape_cast %swap3A_1574 : vector<1x1x50x50xf32> to vector<50x50xf32>
    %swap3A_1576 = vector.shape_cast %sub3A_1569 : vector<50x50xf32> to vector<1x1x50x50xf32>
    tpu.vector_store %arg12[%swap3A_1570, %swap3A_1571, %swap3A_1572, %swap3A_1573], %swap3A_1576 {strides = array<i32>} : memref<6x4x50x50xf32, #tpu.memory_space<vmem>>, vector<1x1x50x50xf32>,
    %sub3A_1577 = arith.subf %add3A_1516, %add3A_1552 : vector<50x50xf32>
    %swap3A_1578 = arith.constant 3 : index
    %swap3A_1579 = arith.constant 2 : index
    %swap3A_1580 = arith.constant 0 : index
    %swap3A_1581 = arith.constant 0 : index
    %swap3A_1582 = vector.load %arg12[%swap3A_1578, %swap3A_1579, %swap3A_1580, %swap3A_1581] : memref<6x4x50x50xf32, #tpu.memory_space<vmem>>, vector<1x1x50x50xf32>
    %swap3A_1583 = vector.shape_cast %swap3A_1582 : vector<1x1x50x50xf32> to vector<50x50xf32>
    %swap3A_1584 = vector.shape_cast %sub3A_1577 : vector<50x50xf32> to vector<1x1x50x50xf32>
    tpu.vector_store %arg12[%swap3A_1578, %swap3A_1579, %swap3A_1580, %swap3A_1581], %swap3A_1584 {strides = array<i32>} : memref<6x4x50x50xf32, #tpu.memory_space<vmem>>, vector<1x1x50x50xf32>,
    %sub3A_1585 = arith.subf %add3A_1522, %add3A_1552 : vector<50x50xf32>
    %swap3A_1586 = arith.constant 4 : index
    %swap3A_1587 = arith.constant 2 : index
    %swap3A_1588 = arith.constant 0 : index
    %swap3A_1589 = arith.constant 0 : index
    %swap3A_1590 = vector.load %arg12[%swap3A_1586, %swap3A_1587, %swap3A_1588, %swap3A_1589] : memref<6x4x50x50xf32, #tpu.memory_space<vmem>>, vector<1x1x50x50xf32>
    %swap3A_1591 = vector.shape_cast %swap3A_1590 : vector<1x1x50x50xf32> to vector<50x50xf32>
    %swap3A_1592 = vector.shape_cast %sub3A_1585 : vector<50x50xf32> to vector<1x1x50x50xf32>
    tpu.vector_store %arg12[%swap3A_1586, %swap3A_1587, %swap3A_1588, %swap3A_1589], %swap3A_1592 {strides = array<i32>} : memref<6x4x50x50xf32, #tpu.memory_space<vmem>>, vector<1x1x50x50xf32>,
    %sub3A_1593 = arith.subf %add3A_1528, %add3A_1552 : vector<50x50xf32>
    %swap3A_1594 = arith.constant 5 : index
    %swap3A_1595 = arith.constant 2 : index
    %swap3A_1596 = arith.constant 0 : index
    %swap3A_1597 = arith.constant 0 : index
    %swap3A_1598 = vector.load %arg12[%swap3A_1594, %swap3A_1595, %swap3A_1596, %swap3A_1597] : memref<6x4x50x50xf32, #tpu.memory_space<vmem>>, vector<1x1x50x50xf32>
    %swap3A_1599 = vector.shape_cast %swap3A_1598 : vector<1x1x50x50xf32> to vector<50x50xf32>
    %swap3A_1600 = vector.shape_cast %sub3A_1593 : vector<50x50xf32> to vector<1x1x50x50xf32>
    tpu.vector_store %arg12[%swap3A_1594, %swap3A_1595, %swap3A_1596, %swap3A_1597], %swap3A_1600 {strides = array<i32>} : memref<6x4x50x50xf32, #tpu.memory_space<vmem>>, vector<1x1x50x50xf32>,
    %dot_general3A_1601 = arith.constant dense<0.000000e+00> : vector<50x64xf32>
    %dot_general3A_1602 = tpu.matmul %get3A_1492, %add3A_731, %dot_general3A_1601 {dimension_numbers = #tpu.dot_dimension_numbers<[1], [0], [0], [1], [0, 0, 1, 1], [], []>, transpose_lhs_hint = false} : vector<50x64xf32>, vector<64x64xf32>, vector<50x64xf32> -> vector<50x64xf32>
    %dot_general3A_1603 = arith.constant dense<0.000000e+00> : vector<50x50xf32>
    %dot_general3A_1604 = tpu.matmul %dot_general3A_1602, %get3A_1492, %dot_general3A_1603 {dimension_numbers = #tpu.dot_dimension_numbers<[1], [1], [0], [0], [0, 0, 1, 0], [], []>, transpose_lhs_hint = false} : vector<50x64xf32>, vector<50x64xf32>, vector<50x50xf32> -> vector<50x50xf32>
    %add3A_1605 = vector.broadcast %add3A_741 : f32 to vector<50x50xf32>
    %add3A_1606 = arith.addf %dot_general3A_1604, %add3A_1605 : vector<50x50xf32>
    %swap3A_1607 = arith.constant 0 : index
    %swap3A_1608 = arith.constant 2 : index
    %swap3A_1609 = arith.constant 0 : index
    %swap3A_1610 = arith.constant 0 : index
    %swap3A_1611 = vector.load %arg13[%swap3A_1607, %swap3A_1608, %swap3A_1609, %swap3A_1610] : memref<5x4x50x50xf32, #tpu.memory_space<vmem>>, vector<1x1x50x50xf32>
    %swap3A_1612 = vector.shape_cast %swap3A_1611 : vector<1x1x50x50xf32> to vector<50x50xf32>
    %swap3A_1613 = vector.shape_cast %add3A_1606 : vector<50x50xf32> to vector<1x1x50x50xf32>
    tpu.vector_store %arg13[%swap3A_1607, %swap3A_1608, %swap3A_1609, %swap3A_1610], %swap3A_1613 {strides = array<i32>} : memref<5x4x50x50xf32, #tpu.memory_space<vmem>>, vector<1x1x50x50xf32>,
    %dot_general3A_1614 = arith.constant dense<0.000000e+00> : vector<50x64xf32>
    %dot_general3A_1615 = tpu.matmul %get3A_1492, %add3A_822, %dot_general3A_1614 {dimension_numbers = #tpu.dot_dimension_numbers<[1], [0], [0], [1], [0, 0, 1, 1], [], []>, transpose_lhs_hint = false} : vector<50x64xf32>, vector<64x64xf32>, vector<50x64xf32> -> vector<50x64xf32>
    %dot_general3A_1616 = arith.constant dense<0.000000e+00> : vector<50x50xf32>
    %dot_general3A_1617 = tpu.matmul %dot_general3A_1615, %get3A_1492, %dot_general3A_1616 {dimension_numbers = #tpu.dot_dimension_numbers<[1], [1], [0], [0], [0, 0, 1, 0], [], []>, transpose_lhs_hint = false} : vector<50x64xf32>, vector<50x64xf32>, vector<50x50xf32> -> vector<50x50xf32>
    %add3A_1618 = vector.broadcast %add3A_832 : f32 to vector<50x50xf32>
    %add3A_1619 = arith.addf %dot_general3A_1617, %add3A_1618 : vector<50x50xf32>
    %swap3A_1620 = arith.constant 1 : index
    %swap3A_1621 = arith.constant 2 : index
    %swap3A_1622 = arith.constant 0 : index
    %swap3A_1623 = arith.constant 0 : index
    %swap3A_1624 = vector.load %arg13[%swap3A_1620, %swap3A_1621, %swap3A_1622, %swap3A_1623] : memref<5x4x50x50xf32, #tpu.memory_space<vmem>>, vector<1x1x50x50xf32>
    %swap3A_1625 = vector.shape_cast %swap3A_1624 : vector<1x1x50x50xf32> to vector<50x50xf32>
    %swap3A_1626 = vector.shape_cast %add3A_1619 : vector<50x50xf32> to vector<1x1x50x50xf32>
    tpu.vector_store %arg13[%swap3A_1620, %swap3A_1621, %swap3A_1622, %swap3A_1623], %swap3A_1626 {strides = array<i32>} : memref<5x4x50x50xf32, #tpu.memory_space<vmem>>, vector<1x1x50x50xf32>,
    %dot_general3A_1627 = arith.constant dense<0.000000e+00> : vector<50x64xf32>
    %dot_general3A_1628 = tpu.matmul %get3A_1492, %add3A_913, %dot_general3A_1627 {dimension_numbers = #tpu.dot_dimension_numbers<[1], [0], [0], [1], [0, 0, 1, 1], [], []>, transpose_lhs_hint = false} : vector<50x64xf32>, vector<64x64xf32>, vector<50x64xf32> -> vector<50x64xf32>
    %dot_general3A_1629 = arith.constant dense<0.000000e+00> : vector<50x50xf32>
    %dot_general3A_1630 = tpu.matmul %dot_general3A_1628, %get3A_1492, %dot_general3A_1629 {dimension_numbers = #tpu.dot_dimension_numbers<[1], [1], [0], [0], [0, 0, 1, 0], [], []>, transpose_lhs_hint = false} : vector<50x64xf32>, vector<50x64xf32>, vector<50x50xf32> -> vector<50x50xf32>
    %add3A_1631 = vector.broadcast %add3A_923 : f32 to vector<50x50xf32>
    %add3A_1632 = arith.addf %dot_general3A_1630, %add3A_1631 : vector<50x50xf32>
    %swap3A_1633 = arith.constant 2 : index
    %swap3A_1634 = arith.constant 2 : index
    %swap3A_1635 = arith.constant 0 : index
    %swap3A_1636 = arith.constant 0 : index
    %swap3A_1637 = vector.load %arg13[%swap3A_1633, %swap3A_1634, %swap3A_1635, %swap3A_1636] : memref<5x4x50x50xf32, #tpu.memory_space<vmem>>, vector<1x1x50x50xf32>
    %swap3A_1638 = vector.shape_cast %swap3A_1637 : vector<1x1x50x50xf32> to vector<50x50xf32>
    %swap3A_1639 = vector.shape_cast %add3A_1632 : vector<50x50xf32> to vector<1x1x50x50xf32>
    tpu.vector_store %arg13[%swap3A_1633, %swap3A_1634, %swap3A_1635, %swap3A_1636], %swap3A_1639 {strides = array<i32>} : memref<5x4x50x50xf32, #tpu.memory_space<vmem>>, vector<1x1x50x50xf32>,
    %dot_general3A_1640 = arith.constant dense<0.000000e+00> : vector<50x64xf32>
    %dot_general3A_1641 = tpu.matmul %get3A_1492, %add3A_1004, %dot_general3A_1640 {dimension_numbers = #tpu.dot_dimension_numbers<[1], [0], [0], [1], [0, 0, 1, 1], [], []>, transpose_lhs_hint = false} : vector<50x64xf32>, vector<64x64xf32>, vector<50x64xf32> -> vector<50x64xf32>
    %dot_general3A_1642 = arith.constant dense<0.000000e+00> : vector<50x50xf32>
    %dot_general3A_1643 = tpu.matmul %dot_general3A_1641, %get3A_1492, %dot_general3A_1642 {dimension_numbers = #tpu.dot_dimension_numbers<[1], [1], [0], [0], [0, 0, 1, 0], [], []>, transpose_lhs_hint = false} : vector<50x64xf32>, vector<50x64xf32>, vector<50x50xf32> -> vector<50x50xf32>
    %add3A_1644 = vector.broadcast %add3A_1014 : f32 to vector<50x50xf32>
    %add3A_1645 = arith.addf %dot_general3A_1643, %add3A_1644 : vector<50x50xf32>
    %swap3A_1646 = arith.constant 3 : index
    %swap3A_1647 = arith.constant 2 : index
    %swap3A_1648 = arith.constant 0 : index
    %swap3A_1649 = arith.constant 0 : index
    %swap3A_1650 = vector.load %arg13[%swap3A_1646, %swap3A_1647, %swap3A_1648, %swap3A_1649] : memref<5x4x50x50xf32, #tpu.memory_space<vmem>>, vector<1x1x50x50xf32>
    %swap3A_1651 = vector.shape_cast %swap3A_1650 : vector<1x1x50x50xf32> to vector<50x50xf32>
    %swap3A_1652 = vector.shape_cast %add3A_1645 : vector<50x50xf32> to vector<1x1x50x50xf32>
    tpu.vector_store %arg13[%swap3A_1646, %swap3A_1647, %swap3A_1648, %swap3A_1649], %swap3A_1652 {strides = array<i32>} : memref<5x4x50x50xf32, #tpu.memory_space<vmem>>, vector<1x1x50x50xf32>,
    %dot_general3A_1653 = arith.constant dense<0.000000e+00> : vector<50x64xf32>
    %dot_general3A_1654 = tpu.matmul %get3A_1492, %add3A_1095, %dot_general3A_1653 {dimension_numbers = #tpu.dot_dimension_numbers<[1], [0], [0], [1], [0, 0, 1, 1], [], []>, transpose_lhs_hint = false} : vector<50x64xf32>, vector<64x64xf32>, vector<50x64xf32> -> vector<50x64xf32>
    %dot_general3A_1655 = arith.constant dense<0.000000e+00> : vector<50x50xf32>
    %dot_general3A_1656 = tpu.matmul %dot_general3A_1654, %get3A_1492, %dot_general3A_1655 {dimension_numbers = #tpu.dot_dimension_numbers<[1], [1], [0], [0], [0, 0, 1, 0], [], []>, transpose_lhs_hint = false} : vector<50x64xf32>, vector<50x64xf32>, vector<50x50xf32> -> vector<50x50xf32>
    %add3A_1657 = vector.broadcast %add3A_1105 : f32 to vector<50x50xf32>
    %add3A_1658 = arith.addf %dot_general3A_1656, %add3A_1657 : vector<50x50xf32>
    %swap3A_1659 = arith.constant 4 : index
    %swap3A_1660 = arith.constant 2 : index
    %swap3A_1661 = arith.constant 0 : index
    %swap3A_1662 = arith.constant 0 : index
    %swap3A_1663 = vector.load %arg13[%swap3A_1659, %swap3A_1660, %swap3A_1661, %swap3A_1662] : memref<5x4x50x50xf32, #tpu.memory_space<vmem>>, vector<1x1x50x50xf32>
    %swap3A_1664 = vector.shape_cast %swap3A_1663 : vector<1x1x50x50xf32> to vector<50x50xf32>
    %swap3A_1665 = vector.shape_cast %add3A_1658 : vector<50x50xf32> to vector<1x1x50x50xf32>
    tpu.vector_store %arg13[%swap3A_1659, %swap3A_1660, %swap3A_1661, %swap3A_1662], %swap3A_1665 {strides = array<i32>} : memref<5x4x50x50xf32, #tpu.memory_space<vmem>>, vector<1x1x50x50xf32>,
    %get3A_1666 = arith.constant 0 : index
    %get3A_1667 = arith.constant 0 : index
    %get3A_1668 = vector.load %arg4[%get3A_1666, %get3A_1667] : memref<92x64xf32, #tpu.memory_space<vmem>>, vector<92x64xf32>
    %dot_general3A_1669 = arith.constant dense<0.000000e+00> : vector<50x92xf32>
    %dot_general3A_1670 = tpu.matmul %get3A_1492, %get3A_1668, %dot_general3A_1669 {dimension_numbers = #tpu.dot_dimension_numbers<[1], [1], [0], [0], [0, 0, 1, 0], [], []>, transpose_lhs_hint = false} : vector<50x64xf32>, vector<92x64xf32>, vector<50x92xf32> -> vector<50x92xf32>
    %get3A_1671 = arith.constant 0 : index
    %get3A_1672 = arith.constant 0 : index
    %get3A_1673 = vector.load %arg5[%get3A_1671, %get3A_1672] : memref<1x92xf32, #tpu.memory_space<vmem>>, vector<1x92xf32>
    %add3A_1674 = vector.broadcast %get3A_1673 : vector<1x92xf32> to vector<50x92xf32>
    %add3A_1675 = arith.addf %dot_general3A_1670, %add3A_1674 : vector<50x92xf32>
    %swap3A_1676 = arith.constant 2 : index
    %swap3A_1677 = arith.constant 0 : index
    %swap3A_1678 = arith.constant 0 : index
    %swap3A_1679 = vector.load %arg14[%swap3A_1676, %swap3A_1677, %swap3A_1678] : memref<4x50x92xf32, #tpu.memory_space<vmem>>, vector<1x50x92xf32>
    %swap3A_1680 = vector.shape_cast %swap3A_1679 : vector<1x50x92xf32> to vector<50x92xf32>
    %swap3A_1681 = vector.shape_cast %add3A_1675 : vector<50x92xf32> to vector<1x50x92xf32>
    tpu.vector_store %arg14[%swap3A_1676, %swap3A_1677, %swap3A_1678], %swap3A_1681 {strides = array<i32>} : memref<4x50x92xf32, #tpu.memory_space<vmem>>, vector<1x50x92xf32>,
    %get3A_1682 = arith.constant 3 : index
    %get3A_1683 = arith.constant 0 : index
    %get3A_1684 = arith.constant 0 : index
    %get3A_1685 = vector.load %arg1[%get3A_1682, %get3A_1683, %get3A_1684] : memref<4x50x64xf32, #tpu.memory_space<vmem>>, vector<1x50x64xf32>
    %get3A_1686 = vector.shape_cast %get3A_1685 : vector<1x50x64xf32> to vector<50x64xf32>
    %dot_general3A_1687 = arith.constant dense<0.000000e+00> : vector<50x64xf32>
    %dot_general3A_1688 = tpu.matmul %get3A_1686, %add3A_95, %dot_general3A_1687 {dimension_numbers = #tpu.dot_dimension_numbers<[1], [0], [0], [1], [0, 0, 1, 1], [], []>, transpose_lhs_hint = false} : vector<50x64xf32>, vector<64x64xf32>, vector<50x64xf32> -> vector<50x64xf32>
    %dot_general3A_1689 = arith.constant dense<0.000000e+00> : vector<50x50xf32>
    %dot_general3A_1690 = tpu.matmul %dot_general3A_1688, %get3A_1686, %dot_general3A_1689 {dimension_numbers = #tpu.dot_dimension_numbers<[1], [1], [0], [0], [0, 0, 1, 0], [], []>, transpose_lhs_hint = false} : vector<50x64xf32>, vector<50x64xf32>, vector<50x50xf32> -> vector<50x50xf32>
    %add3A_1691 = vector.broadcast %add3A_105 : f32 to vector<50x50xf32>
    %add3A_1692 = arith.addf %dot_general3A_1690, %add3A_1691 : vector<50x50xf32>
    %dot_general3A_1693 = arith.constant dense<0.000000e+00> : vector<50x64xf32>
    %dot_general3A_1694 = tpu.matmul %get3A_1686, %add3A_204, %dot_general3A_1693 {dimension_numbers = #tpu.dot_dimension_numbers<[1], [0], [0], [1], [0, 0, 1, 1], [], []>, transpose_lhs_hint = false} : vector<50x64xf32>, vector<64x64xf32>, vector<50x64xf32> -> vector<50x64xf32>
    %dot_general3A_1695 = arith.constant dense<0.000000e+00> : vector<50x50xf32>
    %dot_general3A_1696 = tpu.matmul %dot_general3A_1694, %get3A_1686, %dot_general3A_1695 {dimension_numbers = #tpu.dot_dimension_numbers<[1], [1], [0], [0], [0, 0, 1, 0], [], []>, transpose_lhs_hint = false} : vector<50x64xf32>, vector<50x64xf32>, vector<50x50xf32> -> vector<50x50xf32>
    %add3A_1697 = vector.broadcast %add3A_214 : f32 to vector<50x50xf32>
    %add3A_1698 = arith.addf %dot_general3A_1696, %add3A_1697 : vector<50x50xf32>
    %dot_general3A_1699 = arith.constant dense<0.000000e+00> : vector<50x64xf32>
    %dot_general3A_1700 = tpu.matmul %get3A_1686, %add3A_313, %dot_general3A_1699 {dimension_numbers = #tpu.dot_dimension_numbers<[1], [0], [0], [1], [0, 0, 1, 1], [], []>, transpose_lhs_hint = false} : vector<50x64xf32>, vector<64x64xf32>, vector<50x64xf32> -> vector<50x64xf32>
    %dot_general3A_1701 = arith.constant dense<0.000000e+00> : vector<50x50xf32>
    %dot_general3A_1702 = tpu.matmul %dot_general3A_1700, %get3A_1686, %dot_general3A_1701 {dimension_numbers = #tpu.dot_dimension_numbers<[1], [1], [0], [0], [0, 0, 1, 0], [], []>, transpose_lhs_hint = false} : vector<50x64xf32>, vector<50x64xf32>, vector<50x50xf32> -> vector<50x50xf32>
    %add3A_1703 = vector.broadcast %add3A_323 : f32 to vector<50x50xf32>
    %add3A_1704 = arith.addf %dot_general3A_1702, %add3A_1703 : vector<50x50xf32>
    %dot_general3A_1705 = arith.constant dense<0.000000e+00> : vector<50x64xf32>
    %dot_general3A_1706 = tpu.matmul %get3A_1686, %add3A_422, %dot_general3A_1705 {dimension_numbers = #tpu.dot_dimension_numbers<[1], [0], [0], [1], [0, 0, 1, 1], [], []>, transpose_lhs_hint = false} : vector<50x64xf32>, vector<64x64xf32>, vector<50x64xf32> -> vector<50x64xf32>
    %dot_general3A_1707 = arith.constant dense<0.000000e+00> : vector<50x50xf32>
    %dot_general3A_1708 = tpu.matmul %dot_general3A_1706, %get3A_1686, %dot_general3A_1707 {dimension_numbers = #tpu.dot_dimension_numbers<[1], [1], [0], [0], [0, 0, 1, 0], [], []>, transpose_lhs_hint = false} : vector<50x64xf32>, vector<50x64xf32>, vector<50x50xf32> -> vector<50x50xf32>
    %add3A_1709 = vector.broadcast %add3A_432 : f32 to vector<50x50xf32>
    %add3A_1710 = arith.addf %dot_general3A_1708, %add3A_1709 : vector<50x50xf32>
    %dot_general3A_1711 = arith.constant dense<0.000000e+00> : vector<50x64xf32>
    %dot_general3A_1712 = tpu.matmul %get3A_1686, %add3A_531, %dot_general3A_1711 {dimension_numbers = #tpu.dot_dimension_numbers<[1], [0], [0], [1], [0, 0, 1, 1], [], []>, transpose_lhs_hint = false} : vector<50x64xf32>, vector<64x64xf32>, vector<50x64xf32> -> vector<50x64xf32>
    %dot_general3A_1713 = arith.constant dense<0.000000e+00> : vector<50x50xf32>
    %dot_general3A_1714 = tpu.matmul %dot_general3A_1712, %get3A_1686, %dot_general3A_1713 {dimension_numbers = #tpu.dot_dimension_numbers<[1], [1], [0], [0], [0, 0, 1, 0], [], []>, transpose_lhs_hint = false} : vector<50x64xf32>, vector<50x64xf32>, vector<50x50xf32> -> vector<50x50xf32>
    %add3A_1715 = vector.broadcast %add3A_541 : f32 to vector<50x50xf32>
    %add3A_1716 = arith.addf %dot_general3A_1714, %add3A_1715 : vector<50x50xf32>
    %dot_general3A_1717 = arith.constant dense<0.000000e+00> : vector<50x64xf32>
    %dot_general3A_1718 = tpu.matmul %get3A_1686, %add3A_640, %dot_general3A_1717 {dimension_numbers = #tpu.dot_dimension_numbers<[1], [0], [0], [1], [0, 0, 1, 1], [], []>, transpose_lhs_hint = false} : vector<50x64xf32>, vector<64x64xf32>, vector<50x64xf32> -> vector<50x64xf32>
    %dot_general3A_1719 = arith.constant dense<0.000000e+00> : vector<50x50xf32>
    %dot_general3A_1720 = tpu.matmul %dot_general3A_1718, %get3A_1686, %dot_general3A_1719 {dimension_numbers = #tpu.dot_dimension_numbers<[1], [1], [0], [0], [0, 0, 1, 0], [], []>, transpose_lhs_hint = false} : vector<50x64xf32>, vector<50x64xf32>, vector<50x50xf32> -> vector<50x50xf32>
    %add3A_1721 = vector.broadcast %add3A_650 : f32 to vector<50x50xf32>
    %add3A_1722 = arith.addf %dot_general3A_1720, %add3A_1721 : vector<50x50xf32>
    %max3A_1723 = arith.maximumf %add3A_1692, %add3A_1698 : vector<50x50xf32>
    %max3A_1724 = arith.maximumf %max3A_1723, %add3A_1704 : vector<50x50xf32>
    %max3A_1725 = arith.maximumf %max3A_1724, %add3A_1710 : vector<50x50xf32>
    %max3A_1726 = arith.maximumf %max3A_1725, %add3A_1716 : vector<50x50xf32>
    %max3A_1727 = arith.maximumf %max3A_1726, %add3A_1722 : vector<50x50xf32>
    %sub3A_1728 = arith.subf %add3A_1692, %max3A_1727 : vector<50x50xf32>
    %exp3A_1729 = math.exp %sub3A_1728 : vector<50x50xf32>
    %sub3A_1730 = arith.subf %add3A_1698, %max3A_1727 : vector<50x50xf32>
    %exp3A_1731 = math.exp %sub3A_1730 : vector<50x50xf32>
    %add3A_1732 = arith.addf %exp3A_1729, %exp3A_1731 : vector<50x50xf32>
    %sub3A_1733 = arith.subf %add3A_1704, %max3A_1727 : vector<50x50xf32>
    %exp3A_1734 = math.exp %sub3A_1733 : vector<50x50xf32>
    %add3A_1735 = arith.addf %add3A_1732, %exp3A_1734 : vector<50x50xf32>
    %sub3A_1736 = arith.subf %add3A_1710, %max3A_1727 : vector<50x50xf32>
    %exp3A_1737 = math.exp %sub3A_1736 : vector<50x50xf32>
    %add3A_1738 = arith.addf %add3A_1735, %exp3A_1737 : vector<50x50xf32>
    %sub3A_1739 = arith.subf %add3A_1716, %max3A_1727 : vector<50x50xf32>
    %exp3A_1740 = math.exp %sub3A_1739 : vector<50x50xf32>
    %add3A_1741 = arith.addf %add3A_1738, %exp3A_1740 : vector<50x50xf32>
    %sub3A_1742 = arith.subf %add3A_1722, %max3A_1727 : vector<50x50xf32>
    %exp3A_1743 = math.exp %sub3A_1742 : vector<50x50xf32>
    %add3A_1744 = arith.addf %add3A_1741, %exp3A_1743 : vector<50x50xf32>
    %log3A_1745 = math.log %add3A_1744 : vector<50x50xf32>
    %add3A_1746 = arith.addf %max3A_1727, %log3A_1745 : vector<50x50xf32>
    %sub3A_1747 = arith.subf %add3A_1692, %add3A_1746 : vector<50x50xf32>
    %swap3A_1748 = arith.constant 0 : index
    %swap3A_1749 = arith.constant 3 : index
    %swap3A_1750 = arith.constant 0 : index
    %swap3A_1751 = arith.constant 0 : index
    %swap3A_1752 = vector.load %arg12[%swap3A_1748, %swap3A_1749, %swap3A_1750, %swap3A_1751] : memref<6x4x50x50xf32, #tpu.memory_space<vmem>>, vector<1x1x50x50xf32>
    %swap3A_1753 = vector.shape_cast %swap3A_1752 : vector<1x1x50x50xf32> to vector<50x50xf32>
    %swap3A_1754 = vector.shape_cast %sub3A_1747 : vector<50x50xf32> to vector<1x1x50x50xf32>
    tpu.vector_store %arg12[%swap3A_1748, %swap3A_1749, %swap3A_1750, %swap3A_1751], %swap3A_1754 {strides = array<i32>} : memref<6x4x50x50xf32, #tpu.memory_space<vmem>>, vector<1x1x50x50xf32>,
    %sub3A_1755 = arith.subf %add3A_1698, %add3A_1746 : vector<50x50xf32>
    %swap3A_1756 = arith.constant 1 : index
    %swap3A_1757 = arith.constant 3 : index
    %swap3A_1758 = arith.constant 0 : index
    %swap3A_1759 = arith.constant 0 : index
    %swap3A_1760 = vector.load %arg12[%swap3A_1756, %swap3A_1757, %swap3A_1758, %swap3A_1759] : memref<6x4x50x50xf32, #tpu.memory_space<vmem>>, vector<1x1x50x50xf32>
    %swap3A_1761 = vector.shape_cast %swap3A_1760 : vector<1x1x50x50xf32> to vector<50x50xf32>
    %swap3A_1762 = vector.shape_cast %sub3A_1755 : vector<50x50xf32> to vector<1x1x50x50xf32>
    tpu.vector_store %arg12[%swap3A_1756, %swap3A_1757, %swap3A_1758, %swap3A_1759], %swap3A_1762 {strides = array<i32>} : memref<6x4x50x50xf32, #tpu.memory_space<vmem>>, vector<1x1x50x50xf32>,
    %sub3A_1763 = arith.subf %add3A_1704, %add3A_1746 : vector<50x50xf32>
    %swap3A_1764 = arith.constant 2 : index
    %swap3A_1765 = arith.constant 3 : index
    %swap3A_1766 = arith.constant 0 : index
    %swap3A_1767 = arith.constant 0 : index
    %swap3A_1768 = vector.load %arg12[%swap3A_1764, %swap3A_1765, %swap3A_1766, %swap3A_1767] : memref<6x4x50x50xf32, #tpu.memory_space<vmem>>, vector<1x1x50x50xf32>
    %swap3A_1769 = vector.shape_cast %swap3A_1768 : vector<1x1x50x50xf32> to vector<50x50xf32>
    %swap3A_1770 = vector.shape_cast %sub3A_1763 : vector<50x50xf32> to vector<1x1x50x50xf32>
    tpu.vector_store %arg12[%swap3A_1764, %swap3A_1765, %swap3A_1766, %swap3A_1767], %swap3A_1770 {strides = array<i32>} : memref<6x4x50x50xf32, #tpu.memory_space<vmem>>, vector<1x1x50x50xf32>,
    %sub3A_1771 = arith.subf %add3A_1710, %add3A_1746 : vector<50x50xf32>
    %swap3A_1772 = arith.constant 3 : index
    %swap3A_1773 = arith.constant 3 : index
    %swap3A_1774 = arith.constant 0 : index
    %swap3A_1775 = arith.constant 0 : index
    %swap3A_1776 = vector.load %arg12[%swap3A_1772, %swap3A_1773, %swap3A_1774, %swap3A_1775] : memref<6x4x50x50xf32, #tpu.memory_space<vmem>>, vector<1x1x50x50xf32>
    %swap3A_1777 = vector.shape_cast %swap3A_1776 : vector<1x1x50x50xf32> to vector<50x50xf32>
    %swap3A_1778 = vector.shape_cast %sub3A_1771 : vector<50x50xf32> to vector<1x1x50x50xf32>
    tpu.vector_store %arg12[%swap3A_1772, %swap3A_1773, %swap3A_1774, %swap3A_1775], %swap3A_1778 {strides = array<i32>} : memref<6x4x50x50xf32, #tpu.memory_space<vmem>>, vector<1x1x50x50xf32>,
    %sub3A_1779 = arith.subf %add3A_1716, %add3A_1746 : vector<50x50xf32>
    %swap3A_1780 = arith.constant 4 : index
    %swap3A_1781 = arith.constant 3 : index
    %swap3A_1782 = arith.constant 0 : index
    %swap3A_1783 = arith.constant 0 : index
    %swap3A_1784 = vector.load %arg12[%swap3A_1780, %swap3A_1781, %swap3A_1782, %swap3A_1783] : memref<6x4x50x50xf32, #tpu.memory_space<vmem>>, vector<1x1x50x50xf32>
    %swap3A_1785 = vector.shape_cast %swap3A_1784 : vector<1x1x50x50xf32> to vector<50x50xf32>
    %swap3A_1786 = vector.shape_cast %sub3A_1779 : vector<50x50xf32> to vector<1x1x50x50xf32>
    tpu.vector_store %arg12[%swap3A_1780, %swap3A_1781, %swap3A_1782, %swap3A_1783], %swap3A_1786 {strides = array<i32>} : memref<6x4x50x50xf32, #tpu.memory_space<vmem>>, vector<1x1x50x50xf32>,
    %sub3A_1787 = arith.subf %add3A_1722, %add3A_1746 : vector<50x50xf32>
    %swap3A_1788 = arith.constant 5 : index
    %swap3A_1789 = arith.constant 3 : index
    %swap3A_1790 = arith.constant 0 : index
    %swap3A_1791 = arith.constant 0 : index
    %swap3A_1792 = vector.load %arg12[%swap3A_1788, %swap3A_1789, %swap3A_1790, %swap3A_1791] : memref<6x4x50x50xf32, #tpu.memory_space<vmem>>, vector<1x1x50x50xf32>
    %swap3A_1793 = vector.shape_cast %swap3A_1792 : vector<1x1x50x50xf32> to vector<50x50xf32>
    %swap3A_1794 = vector.shape_cast %sub3A_1787 : vector<50x50xf32> to vector<1x1x50x50xf32>
    tpu.vector_store %arg12[%swap3A_1788, %swap3A_1789, %swap3A_1790, %swap3A_1791], %swap3A_1794 {strides = array<i32>} : memref<6x4x50x50xf32, #tpu.memory_space<vmem>>, vector<1x1x50x50xf32>,
    %dot_general3A_1795 = arith.constant dense<0.000000e+00> : vector<50x64xf32>
    %dot_general3A_1796 = tpu.matmul %get3A_1686, %add3A_731, %dot_general3A_1795 {dimension_numbers = #tpu.dot_dimension_numbers<[1], [0], [0], [1], [0, 0, 1, 1], [], []>, transpose_lhs_hint = false} : vector<50x64xf32>, vector<64x64xf32>, vector<50x64xf32> -> vector<50x64xf32>
    %dot_general3A_1797 = arith.constant dense<0.000000e+00> : vector<50x50xf32>
    %dot_general3A_1798 = tpu.matmul %dot_general3A_1796, %get3A_1686, %dot_general3A_1797 {dimension_numbers = #tpu.dot_dimension_numbers<[1], [1], [0], [0], [0, 0, 1, 0], [], []>, transpose_lhs_hint = false} : vector<50x64xf32>, vector<50x64xf32>, vector<50x50xf32> -> vector<50x50xf32>
    %add3A_1799 = vector.broadcast %add3A_741 : f32 to vector<50x50xf32>
    %add3A_1800 = arith.addf %dot_general3A_1798, %add3A_1799 : vector<50x50xf32>
    %swap3A_1801 = arith.constant 0 : index
    %swap3A_1802 = arith.constant 3 : index
    %swap3A_1803 = arith.constant 0 : index
    %swap3A_1804 = arith.constant 0 : index
    %swap3A_1805 = vector.load %arg13[%swap3A_1801, %swap3A_1802, %swap3A_1803, %swap3A_1804] : memref<5x4x50x50xf32, #tpu.memory_space<vmem>>, vector<1x1x50x50xf32>
    %swap3A_1806 = vector.shape_cast %swap3A_1805 : vector<1x1x50x50xf32> to vector<50x50xf32>
    %swap3A_1807 = vector.shape_cast %add3A_1800 : vector<50x50xf32> to vector<1x1x50x50xf32>
    tpu.vector_store %arg13[%swap3A_1801, %swap3A_1802, %swap3A_1803, %swap3A_1804], %swap3A_1807 {strides = array<i32>} : memref<5x4x50x50xf32, #tpu.memory_space<vmem>>, vector<1x1x50x50xf32>,
    %dot_general3A_1808 = arith.constant dense<0.000000e+00> : vector<50x64xf32>
    %dot_general3A_1809 = tpu.matmul %get3A_1686, %add3A_822, %dot_general3A_1808 {dimension_numbers = #tpu.dot_dimension_numbers<[1], [0], [0], [1], [0, 0, 1, 1], [], []>, transpose_lhs_hint = false} : vector<50x64xf32>, vector<64x64xf32>, vector<50x64xf32> -> vector<50x64xf32>
    %dot_general3A_1810 = arith.constant dense<0.000000e+00> : vector<50x50xf32>
    %dot_general3A_1811 = tpu.matmul %dot_general3A_1809, %get3A_1686, %dot_general3A_1810 {dimension_numbers = #tpu.dot_dimension_numbers<[1], [1], [0], [0], [0, 0, 1, 0], [], []>, transpose_lhs_hint = false} : vector<50x64xf32>, vector<50x64xf32>, vector<50x50xf32> -> vector<50x50xf32>
    %add3A_1812 = vector.broadcast %add3A_832 : f32 to vector<50x50xf32>
    %add3A_1813 = arith.addf %dot_general3A_1811, %add3A_1812 : vector<50x50xf32>
    %swap3A_1814 = arith.constant 1 : index
    %swap3A_1815 = arith.constant 3 : index
    %swap3A_1816 = arith.constant 0 : index
    %swap3A_1817 = arith.constant 0 : index
    %swap3A_1818 = vector.load %arg13[%swap3A_1814, %swap3A_1815, %swap3A_1816, %swap3A_1817] : memref<5x4x50x50xf32, #tpu.memory_space<vmem>>, vector<1x1x50x50xf32>
    %swap3A_1819 = vector.shape_cast %swap3A_1818 : vector<1x1x50x50xf32> to vector<50x50xf32>
    %swap3A_1820 = vector.shape_cast %add3A_1813 : vector<50x50xf32> to vector<1x1x50x50xf32>
    tpu.vector_store %arg13[%swap3A_1814, %swap3A_1815, %swap3A_1816, %swap3A_1817], %swap3A_1820 {strides = array<i32>} : memref<5x4x50x50xf32, #tpu.memory_space<vmem>>, vector<1x1x50x50xf32>,
    %dot_general3A_1821 = arith.constant dense<0.000000e+00> : vector<50x64xf32>
    %dot_general3A_1822 = tpu.matmul %get3A_1686, %add3A_913, %dot_general3A_1821 {dimension_numbers = #tpu.dot_dimension_numbers<[1], [0], [0], [1], [0, 0, 1, 1], [], []>, transpose_lhs_hint = false} : vector<50x64xf32>, vector<64x64xf32>, vector<50x64xf32> -> vector<50x64xf32>
    %dot_general3A_1823 = arith.constant dense<0.000000e+00> : vector<50x50xf32>
    %dot_general3A_1824 = tpu.matmul %dot_general3A_1822, %get3A_1686, %dot_general3A_1823 {dimension_numbers = #tpu.dot_dimension_numbers<[1], [1], [0], [0], [0, 0, 1, 0], [], []>, transpose_lhs_hint = false} : vector<50x64xf32>, vector<50x64xf32>, vector<50x50xf32> -> vector<50x50xf32>
    %add3A_1825 = vector.broadcast %add3A_923 : f32 to vector<50x50xf32>
    %add3A_1826 = arith.addf %dot_general3A_1824, %add3A_1825 : vector<50x50xf32>
    %swap3A_1827 = arith.constant 2 : index
    %swap3A_1828 = arith.constant 3 : index
    %swap3A_1829 = arith.constant 0 : index
    %swap3A_1830 = arith.constant 0 : index
    %swap3A_1831 = vector.load %arg13[%swap3A_1827, %swap3A_1828, %swap3A_1829, %swap3A_1830] : memref<5x4x50x50xf32, #tpu.memory_space<vmem>>, vector<1x1x50x50xf32>
    %swap3A_1832 = vector.shape_cast %swap3A_1831 : vector<1x1x50x50xf32> to vector<50x50xf32>
    %swap3A_1833 = vector.shape_cast %add3A_1826 : vector<50x50xf32> to vector<1x1x50x50xf32>
    tpu.vector_store %arg13[%swap3A_1827, %swap3A_1828, %swap3A_1829, %swap3A_1830], %swap3A_1833 {strides = array<i32>} : memref<5x4x50x50xf32, #tpu.memory_space<vmem>>, vector<1x1x50x50xf32>,
    %dot_general3A_1834 = arith.constant dense<0.000000e+00> : vector<50x64xf32>
    %dot_general3A_1835 = tpu.matmul %get3A_1686, %add3A_1004, %dot_general3A_1834 {dimension_numbers = #tpu.dot_dimension_numbers<[1], [0], [0], [1], [0, 0, 1, 1], [], []>, transpose_lhs_hint = false} : vector<50x64xf32>, vector<64x64xf32>, vector<50x64xf32> -> vector<50x64xf32>
    %dot_general3A_1836 = arith.constant dense<0.000000e+00> : vector<50x50xf32>
    %dot_general3A_1837 = tpu.matmul %dot_general3A_1835, %get3A_1686, %dot_general3A_1836 {dimension_numbers = #tpu.dot_dimension_numbers<[1], [1], [0], [0], [0, 0, 1, 0], [], []>, transpose_lhs_hint = false} : vector<50x64xf32>, vector<50x64xf32>, vector<50x50xf32> -> vector<50x50xf32>
    %add3A_1838 = vector.broadcast %add3A_1014 : f32 to vector<50x50xf32>
    %add3A_1839 = arith.addf %dot_general3A_1837, %add3A_1838 : vector<50x50xf32>
    %swap3A_1840 = arith.constant 3 : index
    %swap3A_1841 = arith.constant 3 : index
    %swap3A_1842 = arith.constant 0 : index
    %swap3A_1843 = arith.constant 0 : index
    %swap3A_1844 = vector.load %arg13[%swap3A_1840, %swap3A_1841, %swap3A_1842, %swap3A_1843] : memref<5x4x50x50xf32, #tpu.memory_space<vmem>>, vector<1x1x50x50xf32>
    %swap3A_1845 = vector.shape_cast %swap3A_1844 : vector<1x1x50x50xf32> to vector<50x50xf32>
    %swap3A_1846 = vector.shape_cast %add3A_1839 : vector<50x50xf32> to vector<1x1x50x50xf32>
    tpu.vector_store %arg13[%swap3A_1840, %swap3A_1841, %swap3A_1842, %swap3A_1843], %swap3A_1846 {strides = array<i32>} : memref<5x4x50x50xf32, #tpu.memory_space<vmem>>, vector<1x1x50x50xf32>,
    %dot_general3A_1847 = arith.constant dense<0.000000e+00> : vector<50x64xf32>
    %dot_general3A_1848 = tpu.matmul %get3A_1686, %add3A_1095, %dot_general3A_1847 {dimension_numbers = #tpu.dot_dimension_numbers<[1], [0], [0], [1], [0, 0, 1, 1], [], []>, transpose_lhs_hint = false} : vector<50x64xf32>, vector<64x64xf32>, vector<50x64xf32> -> vector<50x64xf32>
    %dot_general3A_1849 = arith.constant dense<0.000000e+00> : vector<50x50xf32>
    %dot_general3A_1850 = tpu.matmul %dot_general3A_1848, %get3A_1686, %dot_general3A_1849 {dimension_numbers = #tpu.dot_dimension_numbers<[1], [1], [0], [0], [0, 0, 1, 0], [], []>, transpose_lhs_hint = false} : vector<50x64xf32>, vector<50x64xf32>, vector<50x50xf32> -> vector<50x50xf32>
    %add3A_1851 = vector.broadcast %add3A_1105 : f32 to vector<50x50xf32>
    %add3A_1852 = arith.addf %dot_general3A_1850, %add3A_1851 : vector<50x50xf32>
    %swap3A_1853 = arith.constant 4 : index
    %swap3A_1854 = arith.constant 3 : index
    %swap3A_1855 = arith.constant 0 : index
    %swap3A_1856 = arith.constant 0 : index
    %swap3A_1857 = vector.load %arg13[%swap3A_1853, %swap3A_1854, %swap3A_1855, %swap3A_1856] : memref<5x4x50x50xf32, #tpu.memory_space<vmem>>, vector<1x1x50x50xf32>
    %swap3A_1858 = vector.shape_cast %swap3A_1857 : vector<1x1x50x50xf32> to vector<50x50xf32>
    %swap3A_1859 = vector.shape_cast %add3A_1852 : vector<50x50xf32> to vector<1x1x50x50xf32>
    tpu.vector_store %arg13[%swap3A_1853, %swap3A_1854, %swap3A_1855, %swap3A_1856], %swap3A_1859 {strides = array<i32>} : memref<5x4x50x50xf32, #tpu.memory_space<vmem>>, vector<1x1x50x50xf32>,
    %get3A_1860 = arith.constant 0 : index
    %get3A_1861 = arith.constant 0 : index
    %get3A_1862 = vector.load %arg4[%get3A_1860, %get3A_1861] : memref<92x64xf32, #tpu.memory_space<vmem>>, vector<92x64xf32>
    %dot_general3A_1863 = arith.constant dense<0.000000e+00> : vector<50x92xf32>
    %dot_general3A_1864 = tpu.matmul %get3A_1686, %get3A_1862, %dot_general3A_1863 {dimension_numbers = #tpu.dot_dimension_numbers<[1], [1], [0], [0], [0, 0, 1, 0], [], []>, transpose_lhs_hint = false} : vector<50x64xf32>, vector<92x64xf32>, vector<50x92xf32> -> vector<50x92xf32>
    %get3A_1865 = arith.constant 0 : index
    %get3A_1866 = arith.constant 0 : index
    %get3A_1867 = vector.load %arg5[%get3A_1865, %get3A_1866] : memref<1x92xf32, #tpu.memory_space<vmem>>, vector<1x92xf32>
    %add3A_1868 = vector.broadcast %get3A_1867 : vector<1x92xf32> to vector<50x92xf32>
    %add3A_1869 = arith.addf %dot_general3A_1864, %add3A_1868 : vector<50x92xf32>
    %swap3A_1870 = arith.constant 3 : index
    %swap3A_1871 = arith.constant 0 : index
    %swap3A_1872 = arith.constant 0 : index
    %swap3A_1873 = vector.load %arg14[%swap3A_1870, %swap3A_1871, %swap3A_1872] : memref<4x50x92xf32, #tpu.memory_space<vmem>>, vector<1x50x92xf32>
    %swap3A_1874 = vector.shape_cast %swap3A_1873 : vector<1x50x92xf32> to vector<50x92xf32>
    %swap3A_1875 = vector.shape_cast %add3A_1869 : vector<50x92xf32> to vector<1x50x92xf32>
    tpu.vector_store %arg14[%swap3A_1870, %swap3A_1871, %swap3A_1872], %swap3A_1875 {strides = array<i32>} : memref<4x50x92xf32, #tpu.memory_space<vmem>>, vector<1x50x92xf32>,
    return
  }
  func.func @transform_0(%arg0: i32) -> (i32, i32, i32) {
    %c0_i32 = arith.constant 0 : i32
    %c0_i32_0 = arith.constant 0 : i32
    %c0_i32_1 = arith.constant 0 : i32
    return %arg0, %c0_i32, %c0_i32_0 : i32, i32, i32
  }
  func.func @transform_1(%arg0: i32) -> (i32, i32, i32) {
    %c0_i32 = arith.constant 0 : i32
    %c0_i32_0 = arith.constant 0 : i32
    %c0_i32_1 = arith.constant 0 : i32
    %c0_i32_2 = arith.constant 0 : i32
    return %c0_i32, %c0_i32_0, %c0_i32_1 : i32, i32, i32
  }
  func.func @transform_2(%arg0: i32) -> (i32, i32, i32) {
    %c0_i32 = arith.constant 0 : i32
    %c0_i32_0 = arith.constant 0 : i32
    %c0_i32_1 = arith.constant 0 : i32
    %c0_i32_2 = arith.constant 0 : i32
    return %c0_i32, %c0_i32_0, %c0_i32_1 : i32, i32, i32
  }
  func.func @transform_3(%arg0: i32) -> (i32, i32) {
    %c0_i32 = arith.constant 0 : i32
    %c0_i32_0 = arith.constant 0 : i32
    %c0_i32_1 = arith.constant 0 : i32
    return %c0_i32, %c0_i32_0 : i32, i32
  }
  func.func @transform_4(%arg0: i32) -> (i32, i32) {
    %c0_i32 = arith.constant 0 : i32
    %c0_i32_0 = arith.constant 0 : i32
    %c0_i32_1 = arith.constant 0 : i32
    return %c0_i32, %c0_i32_0 : i32, i32
  }
  func.func @transform_5(%arg0: i32) -> (i32, i32) {
    %c0_i32 = arith.constant 0 : i32
    %c0_i32_0 = arith.constant 0 : i32
    %c0_i32_1 = arith.constant 0 : i32
    return %c0_i32, %c0_i32_0 : i32, i32
  }
  func.func @transform_6(%arg0: i32) -> i32 {
    %c0_i32 = arith.constant 0 : i32
    %c0_i32_0 = arith.constant 0 : i32
    return %c0_i32 : i32
  }
  func.func @transform_7(%arg0: i32) -> i32 {
    %c0_i32 = arith.constant 0 : i32
    %c0_i32_0 = arith.constant 0 : i32
    return %c0_i32 : i32
  }
  func.func @transform_8(%arg0: i32) -> (i32, i32) {
    %c0_i32 = arith.constant 0 : i32
    %c0_i32_0 = arith.constant 0 : i32
    %c0_i32_1 = arith.constant 0 : i32
    return %c0_i32, %c0_i32_0 : i32, i32
  }
  func.func @transform_9(%arg0: i32) -> i32 {
    %c0_i32 = arith.constant 0 : i32
    %c0_i32_0 = arith.constant 0 : i32
    return %c0_i32 : i32
  }
  func.func @transform_10(%arg0: i32) -> i32 {
    %c0_i32 = arith.constant 0 : i32
    %c0_i32_0 = arith.constant 0 : i32
    return %c0_i32 : i32
  }
  func.func @transform_11(%arg0: i32) -> (i32, i32, i32, i32) {
    %c0_i32 = arith.constant 0 : i32
    %c0_i32_0 = arith.constant 0 : i32
    %c0_i32_1 = arith.constant 0 : i32
    %c0_i32_2 = arith.constant 0 : i32
    return %c0_i32, %arg0, %c0_i32_0, %c0_i32_1 : i32, i32, i32, i32
  }
  func.func @transform_12(%arg0: i32) -> (i32, i32, i32, i32) {
    %c0_i32 = arith.constant 0 : i32
    %c0_i32_0 = arith.constant 0 : i32
    %c0_i32_1 = arith.constant 0 : i32
    %c0_i32_2 = arith.constant 0 : i32
    return %c0_i32, %arg0, %c0_i32_0, %c0_i32_1 : i32, i32, i32, i32
  }
  func.func @transform_13(%arg0: i32) -> (i32, i32, i32) {
    %c0_i32 = arith.constant 0 : i32
    %c0_i32_0 = arith.constant 0 : i32
    %c0_i32_1 = arith.constant 0 : i32
    return %arg0, %c0_i32, %c0_i32_0 : i32, i32, i32
  }
}

</mosaic_0001>

<sc_bundles>
// kernel: kernel.16.cloned.1.call-start
scs
__scs_entry_jumppad:
0x0: {  	(pc) =	sbr.rel $0x88, $3  }
0x1: {  	(tag) =	ssettag $0x0;
	lr =	simm.s32 $0x1  }
0x2: {  	[smem:$0x3F8D] =	sst lr;
	_ =	strace $0xD0000000  }
0x3: {  	_ = 	snop  }
0x4: {  	_ = 	snop  }
0x5: {  	_ = 	snop  }
0x6: {  	_ = 	snop  }
0x7: {  	_ = 	snop  }
__scs_overlays_trampoline_lowered:
0x8: {  	[smem:$0x3F9C] =	sst s0  }
0x9: {  	[smem:$0x3F9D] =	sst s1  }
0xa: {  	[smem:$0x3F9E] =	sst s2  }
0xb: {  	[smem:$0x3F9F] =	sst s3  }
0xc: {  	[smem:$0x3FA0] =	sst s4  }
0xd: {  	[smem:$0x3FA1] =	sst s5  }
0xe: {  	[smem:$0x3FA2] =	sst s6  }
0xf: {  	[smem:$0x3FA3] =	sst s7  }
0x10: {  	[smem:$0x3FA4] =	sst s8  }
0x11: {  	[smem:$0x3FA5] =	sst s9;
	s0 =	simm.s32 @!p0 $0x0  }
0x12: {  	s1 =	sld [smem:$0x3F8B];
	s0 =	simm.s32 @p0 $0x1  }
0x13: {  	[smem:$0x3FA6] =	sst s0;
	s0 =	simm.s32 @!p1 $0x0  }
0x14: {  	s2 =	sld [smem:$0x3F8A];
	s0 =	simm.s32 @p1 $0x1  }
0x15: {  	[smem:$0x3FA7] =	sst s0;
	s0 =	simm.s32 @!p2 $0x0  }
0x16: {  	s3 =	sld [smem:$0x3FDB];
	s0 =	simm.s32 @p2 $0x1  }
0x17: {  	s4 =	simm.s32 $0x1BF5;
	[smem:$0x3FA9] =	sst s0  }
0x18: {  	s0 =	sld [smem:$0x3F8C];
	_ =	swait.ge [sflag:s4], $0x0  }
0x19: {  	s7 =	sld [smem:$0x3F8D]  }
0x1a: {  	s8 =	sadd.s32 $0xFFFFE003, lr  }
0x1b: {  	s9 =	sadd.s32 $0xFFFFFEF7, lr;
	s5 =	simm.s32 $0xFFFFFFFF;
	p2 =	slt.u32 s8, $0xFFFFF086  }
0x1c: {  	p1 =	slt.u32 s9, $0xF7A;
	s5 =	simm.s32 @!p2 $0x0  }
0x1d: {  	s5 =	simm.s32 @p1 $0x1;
	p0 =	seq.s32 s7, s2  }
0x1e: {  	s7 =	smul.u32 @!p0 $0xF7A, s2;
	p2 =	seq.s32 @!p0 s5, $0x0  }
0x1f: {  	s9 =	smul.u32 $0xF7A, s1;
	s8 =	simm.s32 @!p0 $0x1BF5;
	p2 =	por !p2, p0  }
0x20: {  	[sflag:s8] =	ssyncset.s32 @!p0 $0xFFFFF086;
	s6 =	sadd.s32 @!p0 s3, s7;
	s7 =	simm.s32 @!p0 $0x108  }
0x21: {  	s3 =	sadd.s32 s3, s9;
	s6 =	sadd.s32 @!p0 $0x88, s6;
	s7 =	simm.s32 @p2 $0x1082  }
0x22: {  	[simem:s7], [sflag:s8] =	dma.local @!p0 [hbm:s6], $0xF7A  }
0x23: {  	s9 =	sor.u32 $0xD0000000, s2;
	s6 =	simm.s32 $0x108;
	_ =	swait.ge @!p0 [sflag:s8], $0x0  }
0x24: {  	s3 =	sadd.s32 $0x88, s3;
	s6 =	simm.s32 @!p1 $0x1082;
	[sflag:s4] =	ssyncset.s32 $0xFFFFF086  }
0x25: {  	[simem:s6], [sflag:s4] =	dma.local [hbm:s3], $0xF7A  }
0x26: {  	[smem:$0x3F8D] =	sst s1;
	(tag) =	ssettag s2;
	_ =	strace s9  }
0x27: {  	s1 =	sld [smem:$0x3F9D]  }
0x28: {  	s2 =	sld [smem:$0x3F9E]  }
0x29: {  	s4 =	sld [smem:$0x3FA0]  }
0x2a: {  	p0 =	seq.s32 s5, $0x0;
	s5 =	sld [smem:$0x3FA1]  }
0x2b: {  	s6 =	sld [smem:$0x3FA2]  }
0x2c: {  	s7 =	sld [smem:$0x3FA3]  }
0x2d: {  	s3 =	simm.s32 $0x108;
	s8 =	sld [smem:$0x3FA4]  }
0x2e: {  	s3 =	simm.s32 @!p0 $0x1082;
	s9 =	sld [smem:$0x3FA5]  }
0x2f: {  	lr =	sadd.s32 s0, s3;
	s0 =	sld [smem:$0x3F9C]  }
0x30: {  	s3 =	sld [smem:$0x3F9F]  }
0x31: {  	[smem:$0x3FA8] =	sst s10  }
0x32: {  	s10 =	sld [smem:$0x3FA6];
	_ =	sdelay $0x3  }
0x33: {  	p0 =	seq.s32 s10, $0x1;
	s10 =	sld [smem:$0x3FA8];
	_ =	sdelay $0x3  }
0x34: {  	[smem:$0x3FA8] =	sst s10  }
0x35: {  	s10 =	sld [smem:$0x3FA7];
	_ =	sdelay $0x3  }
0x36: {  	p1 =	seq.s32 s10, $0x1;
	s10 =	sld [smem:$0x3FA8];
	_ =	sdelay $0x3  }
0x37: {  	[smem:$0x3FA8] =	sst s10  }
0x38: {  	s10 =	sld [smem:$0x3FA9]  }
0x39: {  	_ = 	snop;
	(pc) =	sbr.ind lr, $3  }
0x3a: {  	_ = 	snop  }
0x3b: {  	_ = 	snop  }
0x3c: {  	p2 =	seq.s32 s10, $0x1;
	s10 =	sld [smem:$0x3FA8]  }
0x3d: {  	_ =	shalt  }
0x3e: {  	_ =	shalt  }
0x3f: {  	_ =	shalt  }
0x40: {  	_ =	shalt  }
0x41: {  	_ =	shalt  }
0x42: {  	_ =	shalt  }
0x43: {  	_ =	shalt  }
0x44: {  	_ =	shalt  }
0x45: {  	_ =	shalt  }
0x46: {  	_ =	shalt  }
0x47: {  	_ =	shalt  }
0x48: {  	_ =	shalt  }
0x49: {  	_ =	shalt  }
0x4a: {  	_ =	shalt  }
0x4b: {  	_ =	shalt  }
0x4c: {  	_ =	shalt  }
0x4d: {  	_ =	shalt  }
0x4e: {  	_ =	shalt  }
0x4f: {  	_ =	shalt  }
0x50: {  	_ =	shalt  }
0x51: {  	_ =	shalt  }
0x52: {  	_ =	shalt  }
0x53: {  	_ =	shalt  }
0x54: {  	_ =	shalt  }
0x55: {  	_ =	shalt  }
0x56: {  	_ =	shalt  }
0x57: {  	_ =	shalt  }
0x58: {  	_ =	shalt  }
0x59: {  	_ =	shalt  }
0x5a: {  	_ =	shalt  }
0x5b: {  	_ =	shalt  }
0x5c: {  	_ =	shalt  }
0x5d: {  	_ =	shalt  }
0x5e: {  	_ =	shalt  }
0x5f: {  	_ =	shalt  }
0x60: {  	_ =	shalt  }
0x61: {  	_ =	shalt  }
0x62: {  	_ =	shalt  }
0x63: {  	_ =	shalt  }
0x64: {  	_ =	shalt  }
0x65: {  	_ =	shalt  }
0x66: {  	_ =	shalt  }
0x67: {  	_ =	shalt  }
0x68: {  	_ =	shalt  }
0x69: {  	_ =	shalt  }
0x6a: {  	_ =	shalt  }
0x6b: {  	_ =	shalt  }
0x6c: {  	_ =	shalt  }
0x6d: {  	_ =	shalt  }
0x6e: {  	_ =	shalt  }
0x6f: {  	_ =	shalt  }
0x70: {  	_ =	shalt  }
0x71: {  	_ =	shalt  }
0x72: {  	_ =	shalt  }
0x73: {  	_ =	shalt  }
0x74: {  	_ =	shalt  }
0x75: {  	_ =	shalt  }
0x76: {  	_ =	shalt  }
0x77: {  	_ =	shalt  }
0x78: {  	_ =	shalt  }
0x79: {  	_ =	shalt  }
0x7a: {  	_ =	shalt  }
0x7b: {  	_ =	shalt  }
0x7c: {  	_ =	shalt  }
0x7d: {  	_ =	shalt  }
0x7e: {  	_ =	shalt  }
0x7f: {  	_ =	shalt  }
0x80: {  	_ =	shalt  }
0x81: {  	_ =	shalt  }
0x82: {  	_ =	shalt  }
0x83: {  	_ =	shalt  }
0x84: {  	_ =	shalt  }
0x85: {  	_ =	shalt  }
0x86: {  	_ =	shalt  }
0x87: {  	_ =	shalt  }
.Lfunc_end0:
.L_simem_size_0:
called_computation_lowered:
.L_overlay_start_0:
0x88: {  	s2 =	sld [smem:$0x3FD9]  }
0x89: {  	s3 =	sld [smem:$0x3FFE];
	_ =	sdelay $0x1  }
0x8a: {  	s1 =	srdreg.scid  }
0x8b: {  	s0 =	sand.u32 $0x1, s1  }
0x8c: {  	s14 =	sshll.u32 s0, $0xA;
	s2 =	sadd.s32 s3, s2  }
0x8d: {  	s2 =	sadd.s32 s2, s14  }
0x8e: {  	[smem:$0x3FB4] =	sst s2  }
0x8f: {  	_ = 	snop  }
0x90: {  	s2 =	sld [smem:$0x3FD0];
	_ =	sdelay $0x2  }
0x91: {  	s15 =	simm.s32 $0xA;
	s4 =	simm.s32 $0x10  }
0x92: {  	[smem:s4], [sflag:s15] =	dma.local [hbm:s2], $0x1  }
0x93: {  	_ =	swait.eq [sflag:s15], $0x1  }
0x94: {  	[sflag:s15] =	ssyncset.done $0x0  }
0x95: {  	s16 =	sld [smem:$0x10];
	[sflag:s15] =	ssyncadd.s32 $0xFFFFFFFF  }
0x96: {  	s17 =	sld [smem:$0x11];
	(tm) =	ssettm $0x1  }
0x97: {  	s18 =	sld [smem:$0x3FFB];
	_ =	sdelay $0x3  }
0x98: {  	_ =	strace s18  }
0x99: {  	s4 =	sld [smem:$0x3FFC];
	_ =	sdelay $0x3  }
0x9a: {  	_ =	strace s4  }
0x9b: {  	s4 =	sld [smem:$0x3FFD];
	_ =	sdelay $0x3  }
0x9c: {  	_ =	strace s4  }
0x9d: {  	_ =	strace $0x8FFFFFFF  }
0x9e: {  	s19 =	sld [smem:$0x3FDB];
	_ =	sdelay $0x1  }
0x9f: {  	s5 =	simm.s32 $_scs_section_size  }
0xa0: {  	s6 =	simm.s32 $_size__tile_overlayer_lowered;
	s7 =	simm.s32 $_tile_overlayer_lowered  }
0xa1: {  	s22 =	simm.s32 $0x1BFF;
	s21 =	sshll.u32 s7, $0x1;
	s4 =	sadd.s32 s5, s19  }
0xa2: {  	s8 =	simm.s32 $0x0;
	s20 =	sshll.u32 s6, $0x1;
	s6 =	sadd.s32 s21, s4  }
0xa3: {  	[timem:s8], [sflag:s22] =	dma.local [hbm:s6], s20  }
0xa4: {  	_ =	swait.ge [sflag:s22], s20  }
0xa5: {  	s5 =	ssub.s32 $0x0, s20;
	[sflag:s22] =	ssyncset.done $0x0  }
0xa6: {  	[sflag:s22] =	ssyncadd.s32 s5;
	_ =	sdelay $0x1  }
0xa7: {  	s23 =	simm.s32 $0x1B8B  }
0xa8: {  	_ =	swait.ge [sflag:s23], $0x1  }
0xa9: {  	[sflag:s23] =	ssyncset.done $0x0  }
0xaa: {  	s25 =	simm.s32 $0x1B8E;
	s24 =	sld [smem:$0x3FFE];
	[sflag:s23] =	ssyncadd.s32 $0xFFFFFFFF  }
0xab: {  	s26 =	simm.s32 $execute0_lowered;
	[smem:$0x3FD2] =	sst s25  }
0xac: {  	s6 =	sshll.u32 s26, $0x1;
	_ =	strace $0x80000046;
	[dreg:$0x1] =	wrdreg $0xFFFFFFFF  }
0xad: {  	s28 =	simm.s32 $_size_execute0_lowered;
	s4 =	sadd.s32 s4, s6;
	[dreg:$0x0] =	wrdreg $0x0  }
0xae: {  	s6 =	sshll.u32 s28, $0x1;
	[dreg:$0x2] =	wrdreg s4  }
0xaf: {  	[dreg:$0x3] =	wrdreg s6  }
0xb0: {  	[dreg:$0x4] =	wrdreg $0xC0  }
0xb1: {  	_ =	task [dreg:s8], $0x5FFFF  }
0xb2: {  	[dreg:$0x1] =	wrdreg $0xFFFFFFFF  }
0xb3: {  	[dreg:$0x0] =	wrdreg $0x60  }
0xb4: {  	[dreg:$0x2] =	wrdreg s16  }
0xb5: {  	[dreg:$0x3] =	wrdreg s17  }
0xb6: {  	[dreg:$0x4] =	wrdreg s24  }
0xb7: {  	[dreg:$0x5] =	wrdreg $0x90000  }
0xb8: {  	[dreg:$0x6] =	wrdreg $0x9  }
0xb9: {  	_ =	task.clear_ibuf [dreg:s8], $0x7FFFF;
	_ =	strace $0x90000046  }
0xba: {  	s29 =	simm.s32 $0x9;
	_ =	strace $0x80000048  }
0xbb: {  	_ =	swait.ge [sflag:s29], $0x1  }
0xbc: {  	[sflag:s29] =	ssyncadd.s32 $0xFFFFFFFF  }
0xbd: {  	_ =	strace $0x90000048  }
0xbe: {  	_ =	sfence  }
0xbf: {  	s30 =	sld [smem:$0x0];
	_ =	sdelay $0x2  }
0xc0: {  	s31 =	sshll.u32 s1, $0xD;
	s1 =	sshrl.u32 s1, $0x2  }
0xc1: {  	s3 =	sand.u32 $0x4000, s31;
	s1 =	sadd.s32 s1, s30  }
0xc2: {  	s0 =	sor.u32 s3, s0;
	s1 =	sshll.u32 s1, $0x11  }
0xc3: {  	s0 =	sor.u32 s1, s0  }
0xc4: {  	s0 =	sadd.s32 $0x8F2B, s0  }
0xc5: {  	[sflag:s0] =	ssyncadd.remote.s32 $0x1  }
0xc6: {  	_ =	sfence.sel $0xFFFF  }
0xc7: {  	[dreg:$0x0] =	wrdreg $0xFFFFFFFF;
	(pc) =	sbr.abs _section_cstart, $3  }
0xc8: {  	[dreg:$0x1] =	wrdreg $0xFFFFFFFF  }
0xc9: {  	_ =	task.clear_ibuf [dreg:s8], $0x2FFFF;
	_ =	strace $0x9FFFFFFF  }
0xca: {  	(tm) =	ssettm $0x7FFFFFFF  }
0xcb: {  	_ =	shalt  }
tec
execute0_lowered:
.L_overlay_start_1:
0x0: {  	(tag) =	ssettag $0x1  }
0x1: {  	s5 =	rddreg [dreg:$0x0]  }
0x2: {  	s6 =	rddreg [dreg:$0x1]  }
0x3: {  	s4 =	rddreg [dreg:$0x2]  }
0x4: {  	s1 =	rddreg [dreg:$0x3]  }
0x5: {  	s2 =	srdreg.scid;
	s3 =	simm.s32 $0x0;
	s18 =	simm.s32 $0x1000  }
0x6: {  	s19 =	simm.s32 $0x5000;
	s12 =	sand.u32 $0x1, s2;
	s2 =	stileid.u32  }
0x7: {  	s20 =	simm.s32 $0x1;
	s21 =	simm.s32 $0x3;
	s9 =	smul.u32 $0x7D000, s2  }
0x8: {  	s22 =	simm.s32 $0x100;
	s23 =	simm.s32 $0x2;
	s10 =	smul.u32 $0x3E80, s2  }
0x9: {  	[smem:$0x7FF] =	sst s3;
	s4 =	sadd.s32 $0x5400, s4;
	s13 =	smul.u32 $0xF0000, s2  }
0xa: {  	s7 =	ssub.s32 $0x2, s12;
	_ =	strace $0x80000047;
	s14 =	smul.u32 $0x78000, s12  }
0xb: {  	s24 =	sshll.u32 s2, $0x1;
	s16 =	smul.u32 $0x1E000, s2;
	s8 =	sshrl.u32 s7, $0x1  }
0xc: {  	s17 =	smul.u32 $0xF000, s12;
	p0 =	sgt.u32 s2, $0x9;
	s7 =	ssub.s32 s7, s8  }
0xd: {  	s8 =	sor.u32 s12, s24;
	s9 =	sshrl.u32 s9, $0x2;
	s5 =	sadd.s32 s5, s10  }
0xe: {  	s30 =	sadd.s32 s14, s13;
	s31 =	sadd.s32 s16, s4;
	s14 =	sshll.u32 @!p0 s2, $0x6  }
0xf: {  	s16 =	simm.s32 $0x5;
	s24 =	simm.s32 $0x4;
	s11 =	smul.u32 $0x78000, s8  }
0x10: {  	s15 =	sadd.s32 s9, s1;
	s25 =	sshll.u32 s8, $0x9;
	s26 =	smul.u32 $0xF000, s8  }
0x11: {  	s7 =	smax.u32 s7, $0x1;
	s12 =	sadd.s32 $0x8000, s30;
	s13 =	sadd.s32 s17, s31  }
0x12: {  	s14 =	sor.u32 @!p0 $0x1C05, s14;
	s17 =	simm.s32 $0x80;
	s6 =	sadd.s32 s6, s25  }
0x13: {  	s15 =	sshrl.u32 @!p0 s15, $0x3;
	s25 =	simm.s32 $0xE80;
	s28 =	sshrl.u32 s11, $0x3  }
0x14: {  	s29 =	sadd.s32 s4, s26;
	s26 =	simm.s32 $0x0;
	s8 =	sadd.s32 s4, s28  }
0x15: {  	s9 =	sadd.s32 $0x800, s29;
	s11 =	sadd.s32 $0xE800, s29;
	s10 =	sadd.s32 $0xE000, s8  }
.LBB2_1:
0x16: {  	[spmem:s15], [sflag:s14] =	dma.local @!p0 [hbm:s5], $0x3E80  }
0x17: {  	s28 =	simm.s32 @!p0 $0x5  }
0x18: {  	_ =	swait.ge @!p0 [sflag:s28], $0x3E80  }
0x19: {  	[sflag:s28] =	ssyncset.done @!p0 $0x0  }
0x1a: {  	[sflag:s28] =	ssyncadd.s32 @!p0 $0xFFFFC180  }
0x1b: {  	[tilespmem:s3], [sflag:$0x5] =	stream.linear.gather [hbm4b:s6+s3], $0xF00, $0x38;
	[tilespmem:$0x1C880] =	vst v63  }
0x1c: {  	_ =	swait.ge [sflag:s16], $0xF00  }
0x1d: {  	[sflag:s16] =	ssyncset.done $0x0  }
0x1e: {  	[sflag:s16] =	ssyncadd.s32 $0xFFFFF100  }
0x1f: {  	[bflag:$0x0] =	sbarrier.arrive $0xFFFF  }
0x20: {  	[tilespmem:s18], [sflag:$0x1] =	stream.indirect.gather [spmem:s1], $0x80, s3, s17, $0xb8;
	[tilespmem:$0x1C880] =	vst v63  }
0x21: {  	_ = 	snop  }
0x22: {  	[tilespmem:s19], [sflag:$0x2] =	stream.indirect.gather [spmem:s1], $0x80, s17, s17, $0xb8;
	[tilespmem:$0x1C880] =	vst v63  }
0x23: {  	_ =	swait.ge [sflag:s20], $0x4000  }
0x24: {  	[sflag:s20] =	ssyncset.done $0x0  }
0x25: {  	[sflag:s20] =	ssyncadd.s32 $0xFFFFC000  }
0x26: {  	[hbm4b:s8+s3] =	stream.linear.scatter [tilespmem:s18], [sflag:$0x3], $0x4000, $0x38;
	[tilespmem:$0x1C880] =	vst v63  }
0x27: {  	_ =	swait.ge [sflag:s21], $0x4000  }
0x28: {  	[sflag:s21] =	ssyncset.done $0x0  }
0x29: {  	[sflag:s21] =	ssyncadd.s32 $0xFFFFC000  }
0x2a: {  	[tilespmem:s18], [sflag:$0x1] =	stream.indirect.gather [spmem:s1], $0x80, s22, s17, $0xb8;
	[tilespmem:$0x1C880] =	vst v63  }
0x2b: {  	_ =	swait.ge [sflag:s23], $0x4000  }
0x2c: {  	[sflag:s23] =	ssyncset.done $0x0  }
0x2d: {  	[sflag:s23] =	ssyncadd.s32 $0xFFFFC000  }
0x2e: {  	[hbm4b:s9+s3] =	stream.linear.scatter [tilespmem:s19], [sflag:$0x4], $0x4000, $0x38;
	[tilespmem:$0x1C880] =	vst v63  }
0x2f: {  	_ =	swait.ge [sflag:s24], $0x4000  }
0x30: {  	[sflag:s24] =	ssyncset.done $0x0  }
0x31: {  	s28 =	simm.s32 $0x180;
	[sflag:s24] =	ssyncadd.s32 $0xFFFFC000  }
0x32: {  	[tilespmem:s19], [sflag:$0x2] =	stream.indirect.gather [spmem:s1], $0x80, s28, s17, $0xb8;
	[tilespmem:$0x1C880] =	vst v63  }
0x33: {  	_ =	swait.ge [sflag:s20], $0x4000  }
0x34: {  	s28 =	sshrl.u32 s12, $0x3;
	[sflag:s20] =	ssyncset.done $0x0  }
0x35: {  	s28 =	sadd.s32 s4, s28;
	[sflag:s20] =	ssyncadd.s32 $0xFFFFC000  }
0x36: {  	[hbm4b:s28+s3] =	stream.linear.scatter [tilespmem:s18], [sflag:$0x3], $0x4000, $0x38;
	[tilespmem:$0x1C880] =	vst v63  }
0x37: {  	_ =	swait.ge [sflag:s21], $0x4000  }
0x38: {  	[sflag:s21] =	ssyncset.done $0x0  }
0x39: {  	s28 =	simm.s32 $0x200;
	[sflag:s21] =	ssyncadd.s32 $0xFFFFC000  }
0x3a: {  	[tilespmem:s18], [sflag:$0x1] =	stream.indirect.gather [spmem:s1], $0x80, s28, s17, $0xb8;
	[tilespmem:$0x1C880] =	vst v63  }
0x3b: {  	_ =	swait.ge [sflag:s23], $0x4000  }
0x3c: {  	s29 =	sadd.s32 $0x8000, s12;
	s31 =	sadd.s32 $0x1800, s13;
	[sflag:s23] =	ssyncset.done $0x0  }
0x3d: {  	s30 =	simm.s32 $0x300;
	s28 =	simm.s32 $0x2800;
	[sflag:s23] =	ssyncadd.s32 $0xFFFFC000  }
.LBB2_2:
0x3e: {  	[hbm4b:s31+s3] =	stream.linear.scatter [tilespmem:s19], [sflag:$0x4], $0x4000, $0x38;
	[tilespmem:$0x1C880] =	vst v63  }
0x3f: {  	s31 =	smov.u32 s28  }
0x40: {  	p1 =	sne.s32 s28, $0xD800;
	s28 =	sadd.s32 $0x1000, s28;
	_ =	swait.ge [sflag:s24], $0x4000  }
0x41: {  	[sflag:s24] =	ssyncset.done $0x0  }
0x42: {  	s0 =	sadd.s32 $0xFFFFFF80, s30;
	[sflag:s24] =	ssyncadd.s32 $0xFFFFC000  }
0x43: {  	[tilespmem:s19], [sflag:$0x2] =	stream.indirect.gather [spmem:s1], $0x80, s0, s17, $0xb8;
	[tilespmem:$0x1C880] =	vst v63  }
0x44: {  	_ =	swait.ge [sflag:s20], $0x4000  }
0x45: {  	s0 =	sshrl.u32 s29, $0x3;
	[sflag:s20] =	ssyncset.done $0x0  }
0x46: {  	s0 =	sadd.s32 s4, s0;
	[sflag:s20] =	ssyncadd.s32 $0xFFFFC000  }
0x47: {  	[hbm4b:s0+s3] =	stream.linear.scatter [tilespmem:s18], [sflag:$0x3], $0x4000, $0x38;
	[tilespmem:$0x1C880] =	vst v63  }
0x48: {  	_ =	swait.ge [sflag:s21], $0x4000  }
0x49: {  	[sflag:s21] =	ssyncset.done $0x0  }
.Ltmp0:
0x4a: {  	[sflag:s21] =	ssyncadd.s32 $0xFFFFC000;
	(pc) =	sbr.rel @p1 .LBB2_2-.Ltmp0, $4  }
0x4b: {  	[tilespmem:s18], [sflag:$0x1] =	stream.indirect.gather [spmem:s1], $0x80, s30, s17, $0xb8;
	[tilespmem:$0x1C880] =	vst v63  }
0x4c: {  	_ =	swait.ge [sflag:s23], $0x4000  }
0x4d: {  	s29 =	sadd.s32 $0x8000, s29;
	[sflag:s23] =	ssyncset.done $0x0  }
0x4e: {  	s31 =	sadd.s32 s31, s13;
	s30 =	sadd.s32 $0x100, s30;
	[sflag:s23] =	ssyncadd.s32 $0xFFFFC000  }
0x4f: {  	[hbm4b:s31+s3] =	stream.linear.scatter [tilespmem:s19], [sflag:$0x4], $0x4000, $0x38;
	[tilespmem:$0x1C880] =	vst v63  }
0x50: {  	_ =	swait.ge [sflag:s24], $0x4000  }
0x51: {  	[sflag:s24] =	ssyncset.done $0x0  }
0x52: {  	[sflag:s24] =	ssyncadd.s32 $0xFFFFC000  }
0x53: {  	[tilespmem:s19], [sflag:$0x2] =	stream.indirect.gather [spmem:s1], $0x80, s25, s17, $0xb8;
	[tilespmem:$0x1C880] =	vst v63  }
0x54: {  	_ =	swait.ge [sflag:s20], $0x4000  }
0x55: {  	[sflag:s20] =	ssyncset.done $0x0  }
0x56: {  	[sflag:s20] =	ssyncadd.s32 $0xFFFFC000  }
0x57: {  	[hbm4b:s10+s3] =	stream.linear.scatter [tilespmem:s18], [sflag:$0x3], $0x4000, $0x38;
	[tilespmem:$0x1C880] =	vst v63  }
0x58: {  	_ =	swait.ge [sflag:s23], $0x4000  }
0x59: {  	[sflag:s23] =	ssyncset.done $0x0  }
0x5a: {  	s26 =	sadd.s32 $0x1, s26;
	[sflag:s23] =	ssyncadd.s32 $0xFFFFC000  }
0x5b: {  	[hbm4b:s11+s3] =	stream.linear.scatter [tilespmem:s19], [sflag:$0x4], $0x4000, $0x38;
	[tilespmem:$0x1C880] =	vst v63  }
0x5c: {  	p1 =	sne.s32 s26, s7;
	_ =	swait.ge [sflag:s21], $0x4000  }
.Ltmp1:
0x5d: {  	[sflag:s21] =	ssyncset.done $0x0;
	(pc) =	sbr.rel @p1 .LBB2_1-.Ltmp1, $4  }
0x5e: {  	[sflag:s21] =	ssyncadd.s32 $0xFFFFC000  }
0x5f: {  	_ =	swait.ge [sflag:s24], $0x4000  }
0x60: {  	[sflag:s24] =	ssyncset.done $0x0  }
0x61: {  	[sflag:s24] =	ssyncadd.s32 $0xFFFFC000  }
0x62: {  	_ =	sfence.sel $0x180000  }
0x63: {  	[bflag:$0x0] =	sbarrier.arrive $0xFFFF  }
0x64: {  	_ =	strace $0x90000047  }
0x65: {  	[bflag:$0x2] =	sbarrier.arrive $0xFFFF  }
0x66: {  	p0 =	sne.s32 s2, $0x0;
	s0 =	rddreg [dreg:$0x4]  }
0x67: {  	s0 =	sadd.s32 @!p0 $0x100000, s0  }
0x68: {  	[sflag:s0] =	ssyncadd.tile.s32 @!p0 $0x1;
	_ =	shalt  }
.Lfunc_end2:
_tile_overlayer_lowered:
.L_overlay_start_2:
0x69: {  	(tag) =	ssettag $0x2  }
0x6a: {  	s0 =	rddreg [dreg:$0x0];
	s2 =	stileid.u32  }
0x6b: {  	s1 =	rddreg [dreg:$0x1];
	p0 =	sne.s32 s2, $0x0  }
0x6c: {  	s3 =	rddreg [dreg:$0x2];
	[bflag:$0x3] =	sbarrier.arrive $0xFFFF;
	s2 =	simm.s32 @!p0 $0x1C05  }
0x6d: {  	[timem:s3], [sflag:s2] =	dma.local @!p0 [hbm:s0], s1  }
0x6e: {  	s0 =	simm.s32 @!p0 $0x5  }
0x6f: {  	_ =	swait.ge @!p0 [sflag:s0], s1  }
0x70: {  	s1 =	ssub.s32 @!p0 $0x0, s1;
	[sflag:s0] =	ssyncset.done @!p0 $0x0  }
0x71: {  	[sflag:s0] =	ssyncadd.s32 @!p0 s1  }
0x72: {  	[bflag:$0x3] =	sbarrier.arrive $0xFFFF  }
0x73: {  	_ =	shalt  }

// kernel: kernel.19.cloned.1.call-start
scs
__scs_entry_jumppad:
0x0: {  	(pc) =	sbr.rel $0x88, $3  }
0x1: {  	(tag) =	ssettag $0x0;
	lr =	simm.s32 $0x1  }
0x2: {  	[smem:$0x3F8D] =	sst lr;
	_ =	strace $0xD0000000  }
0x3: {  	_ = 	snop  }
0x4: {  	_ = 	snop  }
0x5: {  	_ = 	snop  }
0x6: {  	_ = 	snop  }
0x7: {  	_ = 	snop  }
__scs_overlays_trampoline_lowered:
0x8: {  	[smem:$0x3F9C] =	sst s0  }
0x9: {  	[smem:$0x3F9D] =	sst s1  }
0xa: {  	[smem:$0x3F9E] =	sst s2  }
0xb: {  	[smem:$0x3F9F] =	sst s3  }
0xc: {  	[smem:$0x3FA0] =	sst s4  }
0xd: {  	[smem:$0x3FA1] =	sst s5  }
0xe: {  	[smem:$0x3FA2] =	sst s6  }
0xf: {  	[smem:$0x3FA3] =	sst s7  }
0x10: {  	[smem:$0x3FA4] =	sst s8  }
0x11: {  	[smem:$0x3FA5] =	sst s9;
	s0 =	simm.s32 @!p0 $0x0  }
0x12: {  	s1 =	sld [smem:$0x3F8B];
	s0 =	simm.s32 @p0 $0x1  }
0x13: {  	[smem:$0x3FA6] =	sst s0;
	s0 =	simm.s32 @!p1 $0x0  }
0x14: {  	s2 =	sld [smem:$0x3F8A];
	s0 =	simm.s32 @p1 $0x1  }
0x15: {  	[smem:$0x3FA7] =	sst s0;
	s0 =	simm.s32 @!p2 $0x0  }
0x16: {  	s3 =	sld [smem:$0x3FDB];
	s0 =	simm.s32 @p2 $0x1  }
0x17: {  	s4 =	simm.s32 $0x1BF5;
	[smem:$0x3FA9] =	sst s0  }
0x18: {  	s0 =	sld [smem:$0x3F8C];
	_ =	swait.ge [sflag:s4], $0x0  }
0x19: {  	s7 =	sld [smem:$0x3F8D]  }
0x1a: {  	s8 =	sadd.s32 $0xFFFFE003, lr  }
0x1b: {  	s9 =	sadd.s32 $0xFFFFFEF7, lr;
	s5 =	simm.s32 $0xFFFFFFFF;
	p2 =	slt.u32 s8, $0xFFFFF086  }
0x1c: {  	p1 =	slt.u32 s9, $0xF7A;
	s5 =	simm.s32 @!p2 $0x0  }
0x1d: {  	s5 =	simm.s32 @p1 $0x1;
	p0 =	seq.s32 s7, s2  }
0x1e: {  	s7 =	smul.u32 @!p0 $0xF7A, s2;
	p2 =	seq.s32 @!p0 s5, $0x0  }
0x1f: {  	s9 =	smul.u32 $0xF7A, s1;
	s8 =	simm.s32 @!p0 $0x1BF5;
	p2 =	por !p2, p0  }
0x20: {  	[sflag:s8] =	ssyncset.s32 @!p0 $0xFFFFF086;
	s6 =	sadd.s32 @!p0 s3, s7;
	s7 =	simm.s32 @!p0 $0x108  }
0x21: {  	s3 =	sadd.s32 s3, s9;
	s6 =	sadd.s32 @!p0 $0x88, s6;
	s7 =	simm.s32 @p2 $0x1082  }
0x22: {  	[simem:s7], [sflag:s8] =	dma.local @!p0 [hbm:s6], $0xF7A  }
0x23: {  	s9 =	sor.u32 $0xD0000000, s2;
	s6 =	simm.s32 $0x108;
	_ =	swait.ge @!p0 [sflag:s8], $0x0  }
0x24: {  	s3 =	sadd.s32 $0x88, s3;
	s6 =	simm.s32 @!p1 $0x1082;
	[sflag:s4] =	ssyncset.s32 $0xFFFFF086  }
0x25: {  	[simem:s6], [sflag:s4] =	dma.local [hbm:s3], $0xF7A  }
0x26: {  	[smem:$0x3F8D] =	sst s1;
	(tag) =	ssettag s2;
	_ =	strace s9  }
0x27: {  	s1 =	sld [smem:$0x3F9D]  }
0x28: {  	s2 =	sld [smem:$0x3F9E]  }
0x29: {  	s4 =	sld [smem:$0x3FA0]  }
0x2a: {  	p0 =	seq.s32 s5, $0x0;
	s5 =	sld [smem:$0x3FA1]  }
0x2b: {  	s6 =	sld [smem:$0x3FA2]  }
0x2c: {  	s7 =	sld [smem:$0x3FA3]  }
0x2d: {  	s3 =	simm.s32 $0x108;
	s8 =	sld [smem:$0x3FA4]  }
0x2e: {  	s3 =	simm.s32 @!p0 $0x1082;
	s9 =	sld [smem:$0x3FA5]  }
0x2f: {  	lr =	sadd.s32 s0, s3;
	s0 =	sld [smem:$0x3F9C]  }
0x30: {  	s3 =	sld [smem:$0x3F9F]  }
0x31: {  	[smem:$0x3FA8] =	sst s10  }
0x32: {  	s10 =	sld [smem:$0x3FA6];
	_ =	sdelay $0x3  }
0x33: {  	p0 =	seq.s32 s10, $0x1;
	s10 =	sld [smem:$0x3FA8];
	_ =	sdelay $0x3  }
0x34: {  	[smem:$0x3FA8] =	sst s10  }
0x35: {  	s10 =	sld [smem:$0x3FA7];
	_ =	sdelay $0x3  }
0x36: {  	p1 =	seq.s32 s10, $0x1;
	s10 =	sld [smem:$0x3FA8];
	_ =	sdelay $0x3  }
0x37: {  	[smem:$0x3FA8] =	sst s10  }
0x38: {  	s10 =	sld [smem:$0x3FA9]  }
0x39: {  	_ = 	snop;
	(pc) =	sbr.ind lr, $3  }
0x3a: {  	_ = 	snop  }
0x3b: {  	_ = 	snop  }
0x3c: {  	p2 =	seq.s32 s10, $0x1;
	s10 =	sld [smem:$0x3FA8]  }
0x3d: {  	_ =	shalt  }
0x3e: {  	_ =	shalt  }
0x3f: {  	_ =	shalt  }
0x40: {  	_ =	shalt  }
0x41: {  	_ =	shalt  }
0x42: {  	_ =	shalt  }
0x43: {  	_ =	shalt  }
0x44: {  	_ =	shalt  }
0x45: {  	_ =	shalt  }
0x46: {  	_ =	shalt  }
0x47: {  	_ =	shalt  }
0x48: {  	_ =	shalt  }
0x49: {  	_ =	shalt  }
0x4a: {  	_ =	shalt  }
0x4b: {  	_ =	shalt  }
0x4c: {  	_ =	shalt  }
0x4d: {  	_ =	shalt  }
0x4e: {  	_ =	shalt  }
0x4f: {  	_ =	shalt  }
0x50: {  	_ =	shalt  }
0x51: {  	_ =	shalt  }
0x52: {  	_ =	shalt  }
0x53: {  	_ =	shalt  }
0x54: {  	_ =	shalt  }
0x55: {  	_ =	shalt  }
0x56: {  	_ =	shalt  }
0x57: {  	_ =	shalt  }
0x58: {  	_ =	shalt  }
0x59: {  	_ =	shalt  }
0x5a: {  	_ =	shalt  }
0x5b: {  	_ =	shalt  }
0x5c: {  	_ =	shalt  }
0x5d: {  	_ =	shalt  }
0x5e: {  	_ =	shalt  }
0x5f: {  	_ =	shalt  }
0x60: {  	_ =	shalt  }
0x61: {  	_ =	shalt  }
0x62: {  	_ =	shalt  }
0x63: {  	_ =	shalt  }
0x64: {  	_ =	shalt  }
0x65: {  	_ =	shalt  }
0x66: {  	_ =	shalt  }
0x67: {  	_ =	shalt  }
0x68: {  	_ =	shalt  }
0x69: {  	_ =	shalt  }
0x6a: {  	_ =	shalt  }
0x6b: {  	_ =	shalt  }
0x6c: {  	_ =	shalt  }
0x6d: {  	_ =	shalt  }
0x6e: {  	_ =	shalt  }
0x6f: {  	_ =	shalt  }
0x70: {  	_ =	shalt  }
0x71: {  	_ =	shalt  }
0x72: {  	_ =	shalt  }
0x73: {  	_ =	shalt  }
0x74: {  	_ =	shalt  }
0x75: {  	_ =	shalt  }
0x76: {  	_ =	shalt  }
0x77: {  	_ =	shalt  }
0x78: {  	_ =	shalt  }
0x79: {  	_ =	shalt  }
0x7a: {  	_ =	shalt  }
0x7b: {  	_ =	shalt  }
0x7c: {  	_ =	shalt  }
0x7d: {  	_ =	shalt  }
0x7e: {  	_ =	shalt  }
0x7f: {  	_ =	shalt  }
0x80: {  	_ =	shalt  }
0x81: {  	_ =	shalt  }
0x82: {  	_ =	shalt  }
0x83: {  	_ =	shalt  }
0x84: {  	_ =	shalt  }
0x85: {  	_ =	shalt  }
0x86: {  	_ =	shalt  }
0x87: {  	_ =	shalt  }
.Lfunc_end0:
.L_simem_size_0:
called_computation.1_lowered:
.L_overlay_start_0:
0x88: {  	s2 =	sld [smem:$0x3FD9]  }
0x89: {  	s3 =	sld [smem:$0x3FFE];
	_ =	sdelay $0x1  }
0x8a: {  	s1 =	srdreg.scid  }
0x8b: {  	s0 =	sand.u32 $0x1, s1  }
0x8c: {  	s14 =	sshll.u32 s0, $0xA;
	s2 =	sadd.s32 s3, s2  }
0x8d: {  	s2 =	sadd.s32 s2, s14  }
0x8e: {  	[smem:$0x3FB4] =	sst s2  }
0x8f: {  	_ = 	snop  }
0x90: {  	s2 =	sld [smem:$0x3FD0];
	_ =	sdelay $0x2  }
0x91: {  	s15 =	simm.s32 $0xA;
	s4 =	simm.s32 $0x10  }
0x92: {  	[smem:s4], [sflag:s15] =	dma.local [hbm:s2], $0x1  }
0x93: {  	_ =	swait.eq [sflag:s15], $0x1  }
0x94: {  	[sflag:s15] =	ssyncset.done $0x0  }
0x95: {  	s16 =	sld [smem:$0x10];
	[sflag:s15] =	ssyncadd.s32 $0xFFFFFFFF  }
0x96: {  	s17 =	sld [smem:$0x11];
	(tm) =	ssettm $0x1  }
0x97: {  	s18 =	sld [smem:$0x3FFB];
	_ =	sdelay $0x3  }
0x98: {  	_ =	strace s18  }
0x99: {  	s4 =	sld [smem:$0x3FFC];
	_ =	sdelay $0x3  }
0x9a: {  	_ =	strace s4  }
0x9b: {  	s4 =	sld [smem:$0x3FFD];
	_ =	sdelay $0x3  }
0x9c: {  	_ =	strace s4  }
0x9d: {  	_ =	strace $0x8FFFFFFF  }
0x9e: {  	s19 =	sld [smem:$0x3FDB];
	_ =	sdelay $0x1  }
0x9f: {  	s5 =	simm.s32 $_scs_section_size  }
0xa0: {  	s6 =	simm.s32 $_size__tile_overlayer_lowered;
	s7 =	simm.s32 $_tile_overlayer_lowered  }
0xa1: {  	s22 =	simm.s32 $0x1BFF;
	s21 =	sshll.u32 s7, $0x1;
	s4 =	sadd.s32 s5, s19  }
0xa2: {  	s8 =	simm.s32 $0x0;
	s20 =	sshll.u32 s6, $0x1;
	s6 =	sadd.s32 s21, s4  }
0xa3: {  	[timem:s8], [sflag:s22] =	dma.local [hbm:s6], s20  }
0xa4: {  	_ =	swait.ge [sflag:s22], s20  }
0xa5: {  	s5 =	ssub.s32 $0x0, s20;
	[sflag:s22] =	ssyncset.done $0x0  }
0xa6: {  	[sflag:s22] =	ssyncadd.s32 s5;
	_ =	sdelay $0x1  }
0xa7: {  	s23 =	simm.s32 $0x1B8B  }
0xa8: {  	_ =	swait.ge [sflag:s23], $0x1  }
0xa9: {  	[sflag:s23] =	ssyncset.done $0x0  }
0xaa: {  	s25 =	simm.s32 $0x1B8E;
	s24 =	sld [smem:$0x3FFE];
	[sflag:s23] =	ssyncadd.s32 $0xFFFFFFFF  }
0xab: {  	s26 =	simm.s32 $execute0_lowered;
	[smem:$0x3FD2] =	sst s25  }
0xac: {  	s6 =	sshll.u32 s26, $0x1;
	_ =	strace $0x80000049;
	[dreg:$0x1] =	wrdreg $0xFFFFFFFF  }
0xad: {  	s28 =	simm.s32 $_size_execute0_lowered;
	s4 =	sadd.s32 s4, s6;
	[dreg:$0x0] =	wrdreg $0x0  }
0xae: {  	s6 =	sshll.u32 s28, $0x1;
	[dreg:$0x2] =	wrdreg s4  }
0xaf: {  	[dreg:$0x3] =	wrdreg s6  }
0xb0: {  	[dreg:$0x4] =	wrdreg $0xC0  }
0xb1: {  	_ =	task [dreg:s8], $0x5FFFF  }
0xb2: {  	[dreg:$0x1] =	wrdreg $0xFFFFFFFF  }
0xb3: {  	[dreg:$0x0] =	wrdreg $0x60  }
0xb4: {  	[dreg:$0x2] =	wrdreg s16  }
0xb5: {  	[dreg:$0x3] =	wrdreg s17  }
0xb6: {  	[dreg:$0x4] =	wrdreg s24  }
0xb7: {  	[dreg:$0x5] =	wrdreg $0x90000  }
0xb8: {  	[dreg:$0x6] =	wrdreg $0x9  }
0xb9: {  	_ =	task.clear_ibuf [dreg:s8], $0x7FFFF;
	_ =	strace $0x90000049  }
0xba: {  	s29 =	simm.s32 $0x9;
	_ =	strace $0x8000004B  }
0xbb: {  	_ =	swait.ge [sflag:s29], $0x1  }
0xbc: {  	[sflag:s29] =	ssyncadd.s32 $0xFFFFFFFF  }
0xbd: {  	_ =	strace $0x9000004B  }
0xbe: {  	_ =	sfence  }
0xbf: {  	s30 =	sld [smem:$0x0];
	_ =	sdelay $0x2  }
0xc0: {  	s31 =	sshll.u32 s1, $0xD;
	s1 =	sshrl.u32 s1, $0x2  }
0xc1: {  	s3 =	sand.u32 $0x4000, s31;
	s1 =	sadd.s32 s1, s30  }
0xc2: {  	s0 =	sor.u32 s3, s0;
	s1 =	sshll.u32 s1, $0x11  }
0xc3: {  	s0 =	sor.u32 s1, s0  }
0xc4: {  	s0 =	sadd.s32 $0x8F2B, s0  }
0xc5: {  	[sflag:s0] =	ssyncadd.remote.s32 $0x1  }
0xc6: {  	_ =	sfence.sel $0xFFFF  }
0xc7: {  	[dreg:$0x0] =	wrdreg $0xFFFFFFFF;
	(pc) =	sbr.abs _section_cstart, $3  }
0xc8: {  	[dreg:$0x1] =	wrdreg $0xFFFFFFFF  }
0xc9: {  	_ =	task.clear_ibuf [dreg:s8], $0x2FFFF;
	_ =	strace $0x9FFFFFFF  }
0xca: {  	(tm) =	ssettm $0x7FFFFFFF  }
0xcb: {  	_ =	shalt  }
tec
execute0_lowered:
.L_overlay_start_1:
0x0: {  	(tag) =	ssettag $0x1  }
0x1: {  	s5 =	rddreg [dreg:$0x0]  }
0x2: {  	s6 =	rddreg [dreg:$0x1]  }
0x3: {  	s4 =	rddreg [dreg:$0x2]  }
0x4: {  	s1 =	rddreg [dreg:$0x3]  }
0x5: {  	s2 =	srdreg.scid;
	s3 =	simm.s32 $0x0;
	s18 =	simm.s32 $0x1000  }
0x6: {  	s19 =	simm.s32 $0x5000;
	s12 =	sand.u32 $0x1, s2;
	s2 =	stileid.u32  }
0x7: {  	s20 =	simm.s32 $0x1;
	s21 =	simm.s32 $0x3;
	s9 =	smul.u32 $0x7D000, s2  }
0x8: {  	s22 =	simm.s32 $0x100;
	s23 =	simm.s32 $0x2;
	s10 =	smul.u32 $0x3E80, s2  }
0x9: {  	[smem:$0x7FF] =	sst s3;
	s4 =	sadd.s32 $0x5400, s4;
	s13 =	smul.u32 $0xF0000, s2  }
0xa: {  	s7 =	ssub.s32 $0x2, s12;
	_ =	strace $0x8000004A;
	s14 =	smul.u32 $0x78000, s12  }
0xb: {  	s24 =	sshll.u32 s2, $0x1;
	s16 =	smul.u32 $0x1E000, s2;
	s8 =	sshrl.u32 s7, $0x1  }
0xc: {  	s17 =	smul.u32 $0xF000, s12;
	p0 =	sgt.u32 s2, $0x9;
	s7 =	ssub.s32 s7, s8  }
0xd: {  	s8 =	sor.u32 s12, s24;
	s9 =	sshrl.u32 s9, $0x2;
	s5 =	sadd.s32 s5, s10  }
0xe: {  	s30 =	sadd.s32 s14, s13;
	s31 =	sadd.s32 s16, s4;
	s14 =	sshll.u32 @!p0 s2, $0x6  }
0xf: {  	s16 =	simm.s32 $0x5;
	s24 =	simm.s32 $0x4;
	s11 =	smul.u32 $0x78000, s8  }
0x10: {  	s15 =	sadd.s32 s9, s1;
	s25 =	sshll.u32 s8, $0x9;
	s26 =	smul.u32 $0xF000, s8  }
0x11: {  	s7 =	smax.u32 s7, $0x1;
	s12 =	sadd.s32 $0x8000, s30;
	s13 =	sadd.s32 s17, s31  }
0x12: {  	s14 =	sor.u32 @!p0 $0x1C05, s14;
	s17 =	simm.s32 $0x80;
	s6 =	sadd.s32 s6, s25  }
0x13: {  	s15 =	sshrl.u32 @!p0 s15, $0x3;
	s25 =	simm.s32 $0xE80;
	s28 =	sshrl.u32 s11, $0x3  }
0x14: {  	s29 =	sadd.s32 s4, s26;
	s26 =	simm.s32 $0x0;
	s8 =	sadd.s32 s4, s28  }
0x15: {  	s9 =	sadd.s32 $0x800, s29;
	s11 =	sadd.s32 $0xE800, s29;
	s10 =	sadd.s32 $0xE000, s8  }
.LBB2_1:
0x16: {  	[spmem:s15], [sflag:s14] =	dma.local @!p0 [hbm:s5], $0x3E80  }
0x17: {  	s28 =	simm.s32 @!p0 $0x5  }
0x18: {  	_ =	swait.ge @!p0 [sflag:s28], $0x3E80  }
0x19: {  	[sflag:s28] =	ssyncset.done @!p0 $0x0  }
0x1a: {  	[sflag:s28] =	ssyncadd.s32 @!p0 $0xFFFFC180  }
0x1b: {  	[tilespmem:s3], [sflag:$0x5] =	stream.linear.gather [hbm4b:s6+s3], $0xF00, $0x38;
	[tilespmem:$0x1C880] =	vst v63  }
0x1c: {  	_ =	swait.ge [sflag:s16], $0xF00  }
0x1d: {  	[sflag:s16] =	ssyncset.done $0x0  }
0x1e: {  	[sflag:s16] =	ssyncadd.s32 $0xFFFFF100  }
0x1f: {  	[bflag:$0x0] =	sbarrier.arrive $0xFFFF  }
0x20: {  	[tilespmem:s18], [sflag:$0x1] =	stream.indirect.gather [spmem:s1], $0x80, s3, s17, $0xb8;
	[tilespmem:$0x1C880] =	vst v63  }
0x21: {  	_ = 	snop  }
0x22: {  	[tilespmem:s19], [sflag:$0x2] =	stream.indirect.gather [spmem:s1], $0x80, s17, s17, $0xb8;
	[tilespmem:$0x1C880] =	vst v63  }
0x23: {  	_ =	swait.ge [sflag:s20], $0x4000  }
0x24: {  	[sflag:s20] =	ssyncset.done $0x0  }
0x25: {  	[sflag:s20] =	ssyncadd.s32 $0xFFFFC000  }
0x26: {  	[hbm4b:s8+s3] =	stream.linear.scatter [tilespmem:s18], [sflag:$0x3], $0x4000, $0x38;
	[tilespmem:$0x1C880] =	vst v63  }
0x27: {  	_ =	swait.ge [sflag:s21], $0x4000  }
0x28: {  	[sflag:s21] =	ssyncset.done $0x0  }
0x29: {  	[sflag:s21] =	ssyncadd.s32 $0xFFFFC000  }
0x2a: {  	[tilespmem:s18], [sflag:$0x1] =	stream.indirect.gather [spmem:s1], $0x80, s22, s17, $0xb8;
	[tilespmem:$0x1C880] =	vst v63  }
0x2b: {  	_ =	swait.ge [sflag:s23], $0x4000  }
0x2c: {  	[sflag:s23] =	ssyncset.done $0x0  }
0x2d: {  	[sflag:s23] =	ssyncadd.s32 $0xFFFFC000  }
0x2e: {  	[hbm4b:s9+s3] =	stream.linear.scatter [tilespmem:s19], [sflag:$0x4], $0x4000, $0x38;
	[tilespmem:$0x1C880] =	vst v63  }
0x2f: {  	_ =	swait.ge [sflag:s24], $0x4000  }
0x30: {  	[sflag:s24] =	ssyncset.done $0x0  }
0x31: {  	s28 =	simm.s32 $0x180;
	[sflag:s24] =	ssyncadd.s32 $0xFFFFC000  }
0x32: {  	[tilespmem:s19], [sflag:$0x2] =	stream.indirect.gather [spmem:s1], $0x80, s28, s17, $0xb8;
	[tilespmem:$0x1C880] =	vst v63  }
0x33: {  	_ =	swait.ge [sflag:s20], $0x4000  }
0x34: {  	s28 =	sshrl.u32 s12, $0x3;
	[sflag:s20] =	ssyncset.done $0x0  }
0x35: {  	s28 =	sadd.s32 s4, s28;
	[sflag:s20] =	ssyncadd.s32 $0xFFFFC000  }
0x36: {  	[hbm4b:s28+s3] =	stream.linear.scatter [tilespmem:s18], [sflag:$0x3], $0x4000, $0x38;
	[tilespmem:$0x1C880] =	vst v63  }
0x37: {  	_ =	swait.ge [sflag:s21], $0x4000  }
0x38: {  	[sflag:s21] =	ssyncset.done $0x0  }
0x39: {  	s28 =	simm.s32 $0x200;
	[sflag:s21] =	ssyncadd.s32 $0xFFFFC000  }
0x3a: {  	[tilespmem:s18], [sflag:$0x1] =	stream.indirect.gather [spmem:s1], $0x80, s28, s17, $0xb8;
	[tilespmem:$0x1C880] =	vst v63  }
0x3b: {  	_ =	swait.ge [sflag:s23], $0x4000  }
0x3c: {  	s29 =	sadd.s32 $0x8000, s12;
	s31 =	sadd.s32 $0x1800, s13;
	[sflag:s23] =	ssyncset.done $0x0  }
0x3d: {  	s30 =	simm.s32 $0x300;
	s28 =	simm.s32 $0x2800;
	[sflag:s23] =	ssyncadd.s32 $0xFFFFC000  }
.LBB2_2:
0x3e: {  	[hbm4b:s31+s3] =	stream.linear.scatter [tilespmem:s19], [sflag:$0x4], $0x4000, $0x38;
	[tilespmem:$0x1C880] =	vst v63  }
0x3f: {  	s31 =	smov.u32 s28  }
0x40: {  	p1 =	sne.s32 s28, $0xD800;
	s28 =	sadd.s32 $0x1000, s28;
	_ =	swait.ge [sflag:s24], $0x4000  }
0x41: {  	[sflag:s24] =	ssyncset.done $0x0  }
0x42: {  	s0 =	sadd.s32 $0xFFFFFF80, s30;
	[sflag:s24] =	ssyncadd.s32 $0xFFFFC000  }
0x43: {  	[tilespmem:s19], [sflag:$0x2] =	stream.indirect.gather [spmem:s1], $0x80, s0, s17, $0xb8;
	[tilespmem:$0x1C880] =	vst v63  }
0x44: {  	_ =	swait.ge [sflag:s20], $0x4000  }
0x45: {  	s0 =	sshrl.u32 s29, $0x3;
	[sflag:s20] =	ssyncset.done $0x0  }
0x46: {  	s0 =	sadd.s32 s4, s0;
	[sflag:s20] =	ssyncadd.s32 $0xFFFFC000  }
0x47: {  	[hbm4b:s0+s3] =	stream.linear.scatter [tilespmem:s18], [sflag:$0x3], $0x4000, $0x38;
	[tilespmem:$0x1C880] =	vst v63  }
0x48: {  	_ =	swait.ge [sflag:s21], $0x4000  }
0x49: {  	[sflag:s21] =	ssyncset.done $0x0  }
.Ltmp0:
0x4a: {  	[sflag:s21] =	ssyncadd.s32 $0xFFFFC000;
	(pc) =	sbr.rel @p1 .LBB2_2-.Ltmp0, $4  }
0x4b: {  	[tilespmem:s18], [sflag:$0x1] =	stream.indirect.gather [spmem:s1], $0x80, s30, s17, $0xb8;
	[tilespmem:$0x1C880] =	vst v63  }
0x4c: {  	_ =	swait.ge [sflag:s23], $0x4000  }
0x4d: {  	s29 =	sadd.s32 $0x8000, s29;
	[sflag:s23] =	ssyncset.done $0x0  }
0x4e: {  	s31 =	sadd.s32 s31, s13;
	s30 =	sadd.s32 $0x100, s30;
	[sflag:s23] =	ssyncadd.s32 $0xFFFFC000  }
0x4f: {  	[hbm4b:s31+s3] =	stream.linear.scatter [tilespmem:s19], [sflag:$0x4], $0x4000, $0x38;
	[tilespmem:$0x1C880] =	vst v63  }
0x50: {  	_ =	swait.ge [sflag:s24], $0x4000  }
0x51: {  	[sflag:s24] =	ssyncset.done $0x0  }
0x52: {  	[sflag:s24] =	ssyncadd.s32 $0xFFFFC000  }
0x53: {  	[tilespmem:s19], [sflag:$0x2] =	stream.indirect.gather [spmem:s1], $0x80, s25, s17, $0xb8;
	[tilespmem:$0x1C880] =	vst v63  }
0x54: {  	_ =	swait.ge [sflag:s20], $0x4000  }
0x55: {  	[sflag:s20] =	ssyncset.done $0x0  }
0x56: {  	[sflag:s20] =	ssyncadd.s32 $0xFFFFC000  }
0x57: {  	[hbm4b:s10+s3] =	stream.linear.scatter [tilespmem:s18], [sflag:$0x3], $0x4000, $0x38;
	[tilespmem:$0x1C880] =	vst v63  }
0x58: {  	_ =	swait.ge [sflag:s23], $0x4000  }
0x59: {  	[sflag:s23] =	ssyncset.done $0x0  }
0x5a: {  	s26 =	sadd.s32 $0x1, s26;
	[sflag:s23] =	ssyncadd.s32 $0xFFFFC000  }
0x5b: {  	[hbm4b:s11+s3] =	stream.linear.scatter [tilespmem:s19], [sflag:$0x4], $0x4000, $0x38;
	[tilespmem:$0x1C880] =	vst v63  }
0x5c: {  	p1 =	sne.s32 s26, s7;
	_ =	swait.ge [sflag:s21], $0x4000  }
.Ltmp1:
0x5d: {  	[sflag:s21] =	ssyncset.done $0x0;
	(pc) =	sbr.rel @p1 .LBB2_1-.Ltmp1, $4  }
0x5e: {  	[sflag:s21] =	ssyncadd.s32 $0xFFFFC000  }
0x5f: {  	_ =	swait.ge [sflag:s24], $0x4000  }
0x60: {  	[sflag:s24] =	ssyncset.done $0x0  }
0x61: {  	[sflag:s24] =	ssyncadd.s32 $0xFFFFC000  }
0x62: {  	_ =	sfence.sel $0x180000  }
0x63: {  	[bflag:$0x0] =	sbarrier.arrive $0xFFFF  }
0x64: {  	_ =	strace $0x9000004A  }
0x65: {  	[bflag:$0x2] =	sbarrier.arrive $0xFFFF  }
0x66: {  	p0 =	sne.s32 s2, $0x0;
	s0 =	rddreg [dreg:$0x4]  }
0x67: {  	s0 =	sadd.s32 @!p0 $0x100000, s0  }
0x68: {  	[sflag:s0] =	ssyncadd.tile.s32 @!p0 $0x1;
	_ =	shalt  }
.Lfunc_end2:
_tile_overlayer_lowered:
.L_overlay_start_2:
0x69: {  	(tag) =	ssettag $0x2  }
0x6a: {  	s0 =	rddreg [dreg:$0x0];
	s2 =	stileid.u32  }
0x6b: {  	s1 =	rddreg [dreg:$0x1];
	p0 =	sne.s32 s2, $0x0  }
0x6c: {  	s3 =	rddreg [dreg:$0x2];
	[bflag:$0x3] =	sbarrier.arrive $0xFFFF;
	s2 =	simm.s32 @!p0 $0x1C05  }
0x6d: {  	[timem:s3], [sflag:s2] =	dma.local @!p0 [hbm:s0], s1  }
0x6e: {  	s0 =	simm.s32 @!p0 $0x5  }
0x6f: {  	_ =	swait.ge @!p0 [sflag:s0], s1  }
0x70: {  	s1 =	ssub.s32 @!p0 $0x0, s1;
	[sflag:s0] =	ssyncset.done @!p0 $0x0  }
0x71: {  	[sflag:s0] =	ssyncadd.s32 @!p0 s1  }
0x72: {  	[bflag:$0x3] =	sbarrier.arrive $0xFFFF  }
0x73: {  	_ =	shalt  }

// kernel: kernel.22.cloned.1.call-start
scs
__scs_entry_jumppad:
0x0: {  	(pc) =	sbr.rel $0x88, $3  }
0x1: {  	(tag) =	ssettag $0x0;
	lr =	simm.s32 $0x1  }
0x2: {  	[smem:$0x3F8D] =	sst lr;
	_ =	strace $0xD0000000  }
0x3: {  	_ = 	snop  }
0x4: {  	_ = 	snop  }
0x5: {  	_ = 	snop  }
0x6: {  	_ = 	snop  }
0x7: {  	_ = 	snop  }
__scs_overlays_trampoline_lowered:
0x8: {  	[smem:$0x3F9C] =	sst s0  }
0x9: {  	[smem:$0x3F9D] =	sst s1  }
0xa: {  	[smem:$0x3F9E] =	sst s2  }
0xb: {  	[smem:$0x3F9F] =	sst s3  }
0xc: {  	[smem:$0x3FA0] =	sst s4  }
0xd: {  	[smem:$0x3FA1] =	sst s5  }
0xe: {  	[smem:$0x3FA2] =	sst s6  }
0xf: {  	[smem:$0x3FA3] =	sst s7  }
0x10: {  	[smem:$0x3FA4] =	sst s8  }
0x11: {  	[smem:$0x3FA5] =	sst s9;
	s0 =	simm.s32 @!p0 $0x0  }
0x12: {  	s1 =	sld [smem:$0x3F8B];
	s0 =	simm.s32 @p0 $0x1  }
0x13: {  	[smem:$0x3FA6] =	sst s0;
	s0 =	simm.s32 @!p1 $0x0  }
0x14: {  	s2 =	sld [smem:$0x3F8A];
	s0 =	simm.s32 @p1 $0x1  }
0x15: {  	[smem:$0x3FA7] =	sst s0;
	s0 =	simm.s32 @!p2 $0x0  }
0x16: {  	s3 =	sld [smem:$0x3FDB];
	s0 =	simm.s32 @p2 $0x1  }
0x17: {  	s4 =	simm.s32 $0x1BF5;
	[smem:$0x3FA9] =	sst s0  }
0x18: {  	s0 =	sld [smem:$0x3F8C];
	_ =	swait.ge [sflag:s4], $0x0  }
0x19: {  	s7 =	sld [smem:$0x3F8D]  }
0x1a: {  	s8 =	sadd.s32 $0xFFFFE003, lr  }
0x1b: {  	s9 =	sadd.s32 $0xFFFFFEF7, lr;
	s5 =	simm.s32 $0xFFFFFFFF;
	p2 =	slt.u32 s8, $0xFFFFF086  }
0x1c: {  	p1 =	slt.u32 s9, $0xF7A;
	s5 =	simm.s32 @!p2 $0x0  }
0x1d: {  	s5 =	simm.s32 @p1 $0x1;
	p0 =	seq.s32 s7, s2  }
0x1e: {  	s7 =	smul.u32 @!p0 $0xF7A, s2;
	p2 =	seq.s32 @!p0 s5, $0x0  }
0x1f: {  	s9 =	smul.u32 $0xF7A, s1;
	s8 =	simm.s32 @!p0 $0x1BF5;
	p2 =	por !p2, p0  }
0x20: {  	[sflag:s8] =	ssyncset.s32 @!p0 $0xFFFFF086;
	s6 =	sadd.s32 @!p0 s3, s7;
	s7 =	simm.s32 @!p0 $0x108  }
0x21: {  	s3 =	sadd.s32 s3, s9;
	s6 =	sadd.s32 @!p0 $0x88, s6;
	s7 =	simm.s32 @p2 $0x1082  }
0x22: {  	[simem:s7], [sflag:s8] =	dma.local @!p0 [hbm:s6], $0xF7A  }
0x23: {  	s9 =	sor.u32 $0xD0000000, s2;
	s6 =	simm.s32 $0x108;
	_ =	swait.ge @!p0 [sflag:s8], $0x0  }
0x24: {  	s3 =	sadd.s32 $0x88, s3;
	s6 =	simm.s32 @!p1 $0x1082;
	[sflag:s4] =	ssyncset.s32 $0xFFFFF086  }
0x25: {  	[simem:s6], [sflag:s4] =	dma.local [hbm:s3], $0xF7A  }
0x26: {  	[smem:$0x3F8D] =	sst s1;
	(tag) =	ssettag s2;
	_ =	strace s9  }
0x27: {  	s1 =	sld [smem:$0x3F9D]  }
0x28: {  	s2 =	sld [smem:$0x3F9E]  }
0x29: {  	s4 =	sld [smem:$0x3FA0]  }
0x2a: {  	p0 =	seq.s32 s5, $0x0;
	s5 =	sld [smem:$0x3FA1]  }
0x2b: {  	s6 =	sld [smem:$0x3FA2]  }
0x2c: {  	s7 =	sld [smem:$0x3FA3]  }
0x2d: {  	s3 =	simm.s32 $0x108;
	s8 =	sld [smem:$0x3FA4]  }
0x2e: {  	s3 =	simm.s32 @!p0 $0x1082;
	s9 =	sld [smem:$0x3FA5]  }
0x2f: {  	lr =	sadd.s32 s0, s3;
	s0 =	sld [smem:$0x3F9C]  }
0x30: {  	s3 =	sld [smem:$0x3F9F]  }
0x31: {  	[smem:$0x3FA8] =	sst s10  }
0x32: {  	s10 =	sld [smem:$0x3FA6];
	_ =	sdelay $0x3  }
0x33: {  	p0 =	seq.s32 s10, $0x1;
	s10 =	sld [smem:$0x3FA8];
	_ =	sdelay $0x3  }
0x34: {  	[smem:$0x3FA8] =	sst s10  }
0x35: {  	s10 =	sld [smem:$0x3FA7];
	_ =	sdelay $0x3  }
0x36: {  	p1 =	seq.s32 s10, $0x1;
	s10 =	sld [smem:$0x3FA8];
	_ =	sdelay $0x3  }
0x37: {  	[smem:$0x3FA8] =	sst s10  }
0x38: {  	s10 =	sld [smem:$0x3FA9]  }
0x39: {  	_ = 	snop;
	(pc) =	sbr.ind lr, $3  }
0x3a: {  	_ = 	snop  }
0x3b: {  	_ = 	snop  }
0x3c: {  	p2 =	seq.s32 s10, $0x1;
	s10 =	sld [smem:$0x3FA8]  }
0x3d: {  	_ =	shalt  }
0x3e: {  	_ =	shalt  }
0x3f: {  	_ =	shalt  }
0x40: {  	_ =	shalt  }
0x41: {  	_ =	shalt  }
0x42: {  	_ =	shalt  }
0x43: {  	_ =	shalt  }
0x44: {  	_ =	shalt  }
0x45: {  	_ =	shalt  }
0x46: {  	_ =	shalt  }
0x47: {  	_ =	shalt  }
0x48: {  	_ =	shalt  }
0x49: {  	_ =	shalt  }
0x4a: {  	_ =	shalt  }
0x4b: {  	_ =	shalt  }
0x4c: {  	_ =	shalt  }
0x4d: {  	_ =	shalt  }
0x4e: {  	_ =	shalt  }
0x4f: {  	_ =	shalt  }
0x50: {  	_ =	shalt  }
0x51: {  	_ =	shalt  }
0x52: {  	_ =	shalt  }
0x53: {  	_ =	shalt  }
0x54: {  	_ =	shalt  }
0x55: {  	_ =	shalt  }
0x56: {  	_ =	shalt  }
0x57: {  	_ =	shalt  }
0x58: {  	_ =	shalt  }
0x59: {  	_ =	shalt  }
0x5a: {  	_ =	shalt  }
0x5b: {  	_ =	shalt  }
0x5c: {  	_ =	shalt  }
0x5d: {  	_ =	shalt  }
0x5e: {  	_ =	shalt  }
0x5f: {  	_ =	shalt  }
0x60: {  	_ =	shalt  }
0x61: {  	_ =	shalt  }
0x62: {  	_ =	shalt  }
0x63: {  	_ =	shalt  }
0x64: {  	_ =	shalt  }
0x65: {  	_ =	shalt  }
0x66: {  	_ =	shalt  }
0x67: {  	_ =	shalt  }
0x68: {  	_ =	shalt  }
0x69: {  	_ =	shalt  }
0x6a: {  	_ =	shalt  }
0x6b: {  	_ =	shalt  }
0x6c: {  	_ =	shalt  }
0x6d: {  	_ =	shalt  }
0x6e: {  	_ =	shalt  }
0x6f: {  	_ =	shalt  }
0x70: {  	_ =	shalt  }
0x71: {  	_ =	shalt  }
0x72: {  	_ =	shalt  }
0x73: {  	_ =	shalt  }
0x74: {  	_ =	shalt  }
0x75: {  	_ =	shalt  }
0x76: {  	_ =	shalt  }
0x77: {  	_ =	shalt  }
0x78: {  	_ =	shalt  }
0x79: {  	_ =	shalt  }
0x7a: {  	_ =	shalt  }
0x7b: {  	_ =	shalt  }
0x7c: {  	_ =	shalt  }
0x7d: {  	_ =	shalt  }
0x7e: {  	_ =	shalt  }
0x7f: {  	_ =	shalt  }
0x80: {  	_ =	shalt  }
0x81: {  	_ =	shalt  }
0x82: {  	_ =	shalt  }
0x83: {  	_ =	shalt  }
0x84: {  	_ =	shalt  }
0x85: {  	_ =	shalt  }
0x86: {  	_ =	shalt  }
0x87: {  	_ =	shalt  }
.Lfunc_end0:
.L_simem_size_0:
called_computation.2_lowered:
.L_overlay_start_0:
0x88: {  	s2 =	sld [smem:$0x3FD9]  }
0x89: {  	s3 =	sld [smem:$0x3FFE];
	_ =	sdelay $0x1  }
0x8a: {  	s1 =	srdreg.scid  }
0x8b: {  	s0 =	sand.u32 $0x1, s1  }
0x8c: {  	s14 =	sshll.u32 s0, $0xA;
	s2 =	sadd.s32 s3, s2  }
0x8d: {  	s2 =	sadd.s32 s2, s14  }
0x8e: {  	[smem:$0x3FB4] =	sst s2  }
0x8f: {  	_ = 	snop  }
0x90: {  	s2 =	sld [smem:$0x3FD0];
	_ =	sdelay $0x2  }
0x91: {  	s15 =	simm.s32 $0xA;
	s4 =	simm.s32 $0x10  }
0x92: {  	[smem:s4], [sflag:s15] =	dma.local [hbm:s2], $0x1  }
0x93: {  	_ =	swait.eq [sflag:s15], $0x1  }
0x94: {  	[sflag:s15] =	ssyncset.done $0x0  }
0x95: {  	s16 =	sld [smem:$0x10];
	[sflag:s15] =	ssyncadd.s32 $0xFFFFFFFF  }
0x96: {  	s17 =	sld [smem:$0x11];
	(tm) =	ssettm $0x1  }
0x97: {  	s18 =	sld [smem:$0x3FFB];
	_ =	sdelay $0x3  }
0x98: {  	_ =	strace s18  }
0x99: {  	s4 =	sld [smem:$0x3FFC];
	_ =	sdelay $0x3  }
0x9a: {  	_ =	strace s4  }
0x9b: {  	s4 =	sld [smem:$0x3FFD];
	_ =	sdelay $0x3  }
0x9c: {  	_ =	strace s4  }
0x9d: {  	_ =	strace $0x8FFFFFFF  }
0x9e: {  	s19 =	sld [smem:$0x3FDB];
	_ =	sdelay $0x1  }
0x9f: {  	s5 =	simm.s32 $_scs_section_size  }
0xa0: {  	s6 =	simm.s32 $_size__tile_overlayer_lowered;
	s7 =	simm.s32 $_tile_overlayer_lowered  }
0xa1: {  	s22 =	simm.s32 $0x1BFF;
	s21 =	sshll.u32 s7, $0x1;
	s4 =	sadd.s32 s5, s19  }
0xa2: {  	s8 =	simm.s32 $0x0;
	s20 =	sshll.u32 s6, $0x1;
	s6 =	sadd.s32 s21, s4  }
0xa3: {  	[timem:s8], [sflag:s22] =	dma.local [hbm:s6], s20  }
0xa4: {  	_ =	swait.ge [sflag:s22], s20  }
0xa5: {  	s5 =	ssub.s32 $0x0, s20;
	[sflag:s22] =	ssyncset.done $0x0  }
0xa6: {  	[sflag:s22] =	ssyncadd.s32 s5;
	_ =	sdelay $0x1  }
0xa7: {  	s23 =	simm.s32 $0x1B8B  }
0xa8: {  	_ =	swait.ge [sflag:s23], $0x1  }
0xa9: {  	[sflag:s23] =	ssyncset.done $0x0  }
0xaa: {  	s25 =	simm.s32 $0x1B8E;
	s24 =	sld [smem:$0x3FFE];
	[sflag:s23] =	ssyncadd.s32 $0xFFFFFFFF  }
0xab: {  	s26 =	simm.s32 $execute0_lowered;
	[smem:$0x3FD2] =	sst s25  }
0xac: {  	s6 =	sshll.u32 s26, $0x1;
	_ =	strace $0x8000004C;
	[dreg:$0x1] =	wrdreg $0xFFFFFFFF  }
0xad: {  	s28 =	simm.s32 $_size_execute0_lowered;
	s4 =	sadd.s32 s4, s6;
	[dreg:$0x0] =	wrdreg $0x0  }
0xae: {  	s6 =	sshll.u32 s28, $0x1;
	[dreg:$0x2] =	wrdreg s4  }
0xaf: {  	[dreg:$0x3] =	wrdreg s6  }
0xb0: {  	[dreg:$0x4] =	wrdreg $0xC0  }
0xb1: {  	_ =	task [dreg:s8], $0x5FFFF  }
0xb2: {  	[dreg:$0x1] =	wrdreg $0xFFFFFFFF  }
0xb3: {  	[dreg:$0x0] =	wrdreg $0x60  }
0xb4: {  	[dreg:$0x2] =	wrdreg s16  }
0xb5: {  	[dreg:$0x3] =	wrdreg s17  }
0xb6: {  	[dreg:$0x4] =	wrdreg s24  }
0xb7: {  	[dreg:$0x5] =	wrdreg $0x90000  }
0xb8: {  	[dreg:$0x6] =	wrdreg $0x9  }
0xb9: {  	_ =	task.clear_ibuf [dreg:s8], $0x7FFFF;
	_ =	strace $0x9000004C  }
0xba: {  	s29 =	simm.s32 $0x9;
	_ =	strace $0x8000004E  }
0xbb: {  	_ =	swait.ge [sflag:s29], $0x1  }
0xbc: {  	[sflag:s29] =	ssyncadd.s32 $0xFFFFFFFF  }
0xbd: {  	_ =	strace $0x9000004E  }
0xbe: {  	_ =	sfence  }
0xbf: {  	s30 =	sld [smem:$0x0];
	_ =	sdelay $0x2  }
0xc0: {  	s31 =	sshll.u32 s1, $0xD;
	s1 =	sshrl.u32 s1, $0x2  }
0xc1: {  	s3 =	sand.u32 $0x4000, s31;
	s1 =	sadd.s32 s1, s30  }
0xc2: {  	s0 =	sor.u32 s3, s0;
	s1 =	sshll.u32 s1, $0x11  }
0xc3: {  	s0 =	sor.u32 s1, s0  }
0xc4: {  	s0 =	sadd.s32 $0x8F2B, s0  }
0xc5: {  	[sflag:s0] =	ssyncadd.remote.s32 $0x1  }
0xc6: {  	_ =	sfence.sel $0xFFFF  }
0xc7: {  	[dreg:$0x0] =	wrdreg $0xFFFFFFFF;
	(pc) =	sbr.abs _section_cstart, $3  }
0xc8: {  	[dreg:$0x1] =	wrdreg $0xFFFFFFFF  }
0xc9: {  	_ =	task.clear_ibuf [dreg:s8], $0x2FFFF;
	_ =	strace $0x9FFFFFFF  }
0xca: {  	(tm) =	ssettm $0x7FFFFFFF  }
0xcb: {  	_ =	shalt  }
tec
execute0_lowered:
.L_overlay_start_1:
0x0: {  	(tag) =	ssettag $0x1  }
0x1: {  	s5 =	rddreg [dreg:$0x0]  }
0x2: {  	s6 =	rddreg [dreg:$0x1]  }
0x3: {  	s4 =	rddreg [dreg:$0x2]  }
0x4: {  	s1 =	rddreg [dreg:$0x3]  }
0x5: {  	s2 =	srdreg.scid;
	s3 =	simm.s32 $0x0;
	s18 =	simm.s32 $0x1000  }
0x6: {  	s19 =	simm.s32 $0x5000;
	s12 =	sand.u32 $0x1, s2;
	s2 =	stileid.u32  }
0x7: {  	s20 =	simm.s32 $0x1;
	s21 =	simm.s32 $0x3;
	s9 =	smul.u32 $0x7D000, s2  }
0x8: {  	s22 =	simm.s32 $0x100;
	s23 =	simm.s32 $0x2;
	s10 =	smul.u32 $0x3E80, s2  }
0x9: {  	[smem:$0x7FF] =	sst s3;
	s4 =	sadd.s32 $0x5400, s4;
	s13 =	smul.u32 $0xF0000, s2  }
0xa: {  	s7 =	ssub.s32 $0x2, s12;
	_ =	strace $0x8000004D;
	s14 =	smul.u32 $0x78000, s12  }
0xb: {  	s24 =	sshll.u32 s2, $0x1;
	s16 =	smul.u32 $0x1E000, s2;
	s8 =	sshrl.u32 s7, $0x1  }
0xc: {  	s17 =	smul.u32 $0xF000, s12;
	p0 =	sgt.u32 s2, $0x9;
	s7 =	ssub.s32 s7, s8  }
0xd: {  	s8 =	sor.u32 s12, s24;
	s9 =	sshrl.u32 s9, $0x2;
	s5 =	sadd.s32 s5, s10  }
0xe: {  	s30 =	sadd.s32 s14, s13;
	s31 =	sadd.s32 s16, s4;
	s14 =	sshll.u32 @!p0 s2, $0x6  }
0xf: {  	s16 =	simm.s32 $0x5;
	s24 =	simm.s32 $0x4;
	s11 =	smul.u32 $0x78000, s8  }
0x10: {  	s15 =	sadd.s32 s9, s1;
	s25 =	sshll.u32 s8, $0x9;
	s26 =	smul.u32 $0xF000, s8  }
0x11: {  	s7 =	smax.u32 s7, $0x1;
	s12 =	sadd.s32 $0x8000, s30;
	s13 =	sadd.s32 s17, s31  }
0x12: {  	s14 =	sor.u32 @!p0 $0x1C05, s14;
	s17 =	simm.s32 $0x80;
	s6 =	sadd.s32 s6, s25  }
0x13: {  	s15 =	sshrl.u32 @!p0 s15, $0x3;
	s25 =	simm.s32 $0xE80;
	s28 =	sshrl.u32 s11, $0x3  }
0x14: {  	s29 =	sadd.s32 s4, s26;
	s26 =	simm.s32 $0x0;
	s8 =	sadd.s32 s4, s28  }
0x15: {  	s9 =	sadd.s32 $0x800, s29;
	s11 =	sadd.s32 $0xE800, s29;
	s10 =	sadd.s32 $0xE000, s8  }
.LBB2_1:
0x16: {  	[spmem:s15], [sflag:s14] =	dma.local @!p0 [hbm:s5], $0x3E80  }
0x17: {  	s28 =	simm.s32 @!p0 $0x5  }
0x18: {  	_ =	swait.ge @!p0 [sflag:s28], $0x3E80  }
0x19: {  	[sflag:s28] =	ssyncset.done @!p0 $0x0  }
0x1a: {  	[sflag:s28] =	ssyncadd.s32 @!p0 $0xFFFFC180  }
0x1b: {  	[tilespmem:s3], [sflag:$0x5] =	stream.linear.gather [hbm4b:s6+s3], $0xF00, $0x38;
	[tilespmem:$0x1C880] =	vst v63  }
0x1c: {  	_ =	swait.ge [sflag:s16], $0xF00  }
0x1d: {  	[sflag:s16] =	ssyncset.done $0x0  }
0x1e: {  	[sflag:s16] =	ssyncadd.s32 $0xFFFFF100  }
0x1f: {  	[bflag:$0x0] =	sbarrier.arrive $0xFFFF  }
0x20: {  	[tilespmem:s18], [sflag:$0x1] =	stream.indirect.gather [spmem:s1], $0x80, s3, s17, $0xb8;
	[tilespmem:$0x1C880] =	vst v63  }
0x21: {  	_ = 	snop  }
0x22: {  	[tilespmem:s19], [sflag:$0x2] =	stream.indirect.gather [spmem:s1], $0x80, s17, s17, $0xb8;
	[tilespmem:$0x1C880] =	vst v63  }
0x23: {  	_ =	swait.ge [sflag:s20], $0x4000  }
0x24: {  	[sflag:s20] =	ssyncset.done $0x0  }
0x25: {  	[sflag:s20] =	ssyncadd.s32 $0xFFFFC000  }
0x26: {  	[hbm4b:s8+s3] =	stream.linear.scatter [tilespmem:s18], [sflag:$0x3], $0x4000, $0x38;
	[tilespmem:$0x1C880] =	vst v63  }
0x27: {  	_ =	swait.ge [sflag:s21], $0x4000  }
0x28: {  	[sflag:s21] =	ssyncset.done $0x0  }
0x29: {  	[sflag:s21] =	ssyncadd.s32 $0xFFFFC000  }
0x2a: {  	[tilespmem:s18], [sflag:$0x1] =	stream.indirect.gather [spmem:s1], $0x80, s22, s17, $0xb8;
	[tilespmem:$0x1C880] =	vst v63  }
0x2b: {  	_ =	swait.ge [sflag:s23], $0x4000  }
0x2c: {  	[sflag:s23] =	ssyncset.done $0x0  }
0x2d: {  	[sflag:s23] =	ssyncadd.s32 $0xFFFFC000  }
0x2e: {  	[hbm4b:s9+s3] =	stream.linear.scatter [tilespmem:s19], [sflag:$0x4], $0x4000, $0x38;
	[tilespmem:$0x1C880] =	vst v63  }
0x2f: {  	_ =	swait.ge [sflag:s24], $0x4000  }
0x30: {  	[sflag:s24] =	ssyncset.done $0x0  }
0x31: {  	s28 =	simm.s32 $0x180;
	[sflag:s24] =	ssyncadd.s32 $0xFFFFC000  }
0x32: {  	[tilespmem:s19], [sflag:$0x2] =	stream.indirect.gather [spmem:s1], $0x80, s28, s17, $0xb8;
	[tilespmem:$0x1C880] =	vst v63  }
0x33: {  	_ =	swait.ge [sflag:s20], $0x4000  }
0x34: {  	s28 =	sshrl.u32 s12, $0x3;
	[sflag:s20] =	ssyncset.done $0x0  }
0x35: {  	s28 =	sadd.s32 s4, s28;
	[sflag:s20] =	ssyncadd.s32 $0xFFFFC000  }
0x36: {  	[hbm4b:s28+s3] =	stream.linear.scatter [tilespmem:s18], [sflag:$0x3], $0x4000, $0x38;
	[tilespmem:$0x1C880] =	vst v63  }
0x37: {  	_ =	swait.ge [sflag:s21], $0x4000  }
0x38: {  	[sflag:s21] =	ssyncset.done $0x0  }
0x39: {  	s28 =	simm.s32 $0x200;
	[sflag:s21] =	ssyncadd.s32 $0xFFFFC000  }
0x3a: {  	[tilespmem:s18], [sflag:$0x1] =	stream.indirect.gather [spmem:s1], $0x80, s28, s17, $0xb8;
	[tilespmem:$0x1C880] =	vst v63  }
0x3b: {  	_ =	swait.ge [sflag:s23], $0x4000  }
0x3c: {  	s29 =	sadd.s32 $0x8000, s12;
	s31 =	sadd.s32 $0x1800, s13;
	[sflag:s23] =	ssyncset.done $0x0  }
0x3d: {  	s30 =	simm.s32 $0x300;
	s28 =	simm.s32 $0x2800;
	[sflag:s23] =	ssyncadd.s32 $0xFFFFC000  }
.LBB2_2:
0x3e: {  	[hbm4b:s31+s3] =	stream.linear.scatter [tilespmem:s19], [sflag:$0x4], $0x4000, $0x38;
	[tilespmem:$0x1C880] =	vst v63  }
0x3f: {  	s31 =	smov.u32 s28  }
0x40: {  	p1 =	sne.s32 s28, $0xD800;
	s28 =	sadd.s32 $0x1000, s28;
	_ =	swait.ge [sflag:s24], $0x4000  }
0x41: {  	[sflag:s24] =	ssyncset.done $0x0  }
0x42: {  	s0 =	sadd.s32 $0xFFFFFF80, s30;
	[sflag:s24] =	ssyncadd.s32 $0xFFFFC000  }
0x43: {  	[tilespmem:s19], [sflag:$0x2] =	stream.indirect.gather [spmem:s1], $0x80, s0, s17, $0xb8;
	[tilespmem:$0x1C880] =	vst v63  }
0x44: {  	_ =	swait.ge [sflag:s20], $0x4000  }
0x45: {  	s0 =	sshrl.u32 s29, $0x3;
	[sflag:s20] =	ssyncset.done $0x0  }
0x46: {  	s0 =	sadd.s32 s4, s0;
	[sflag:s20] =	ssyncadd.s32 $0xFFFFC000  }
0x47: {  	[hbm4b:s0+s3] =	stream.linear.scatter [tilespmem:s18], [sflag:$0x3], $0x4000, $0x38;
	[tilespmem:$0x1C880] =	vst v63  }
0x48: {  	_ =	swait.ge [sflag:s21], $0x4000  }
0x49: {  	[sflag:s21] =	ssyncset.done $0x0  }
.Ltmp0:
0x4a: {  	[sflag:s21] =	ssyncadd.s32 $0xFFFFC000;
	(pc) =	sbr.rel @p1 .LBB2_2-.Ltmp0, $4  }
0x4b: {  	[tilespmem:s18], [sflag:$0x1] =	stream.indirect.gather [spmem:s1], $0x80, s30, s17, $0xb8;
	[tilespmem:$0x1C880] =	vst v63  }
0x4c: {  	_ =	swait.ge [sflag:s23], $0x4000  }
0x4d: {  	s29 =	sadd.s32 $0x8000, s29;
	[sflag:s23] =	ssyncset.done $0x0  }
0x4e: {  	s31 =	sadd.s32 s31, s13;
	s30 =	sadd.s32 $0x100, s30;
	[sflag:s23] =	ssyncadd.s32 $0xFFFFC000  }
0x4f: {  	[hbm4b:s31+s3] =	stream.linear.scatter [tilespmem:s19], [sflag:$0x4], $0x4000, $0x38;
	[tilespmem:$0x1C880] =	vst v63  }
0x50: {  	_ =	swait.ge [sflag:s24], $0x4000  }
0x51: {  	[sflag:s24] =	ssyncset.done $0x0  }
0x52: {  	[sflag:s24] =	ssyncadd.s32 $0xFFFFC000  }
0x53: {  	[tilespmem:s19], [sflag:$0x2] =	stream.indirect.gather [spmem:s1], $0x80, s25, s17, $0xb8;
	[tilespmem:$0x1C880] =	vst v63  }
0x54: {  	_ =	swait.ge [sflag:s20], $0x4000  }
0x55: {  	[sflag:s20] =	ssyncset.done $0x0  }
0x56: {  	[sflag:s20] =	ssyncadd.s32 $0xFFFFC000  }
0x57: {  	[hbm4b:s10+s3] =	stream.linear.scatter [tilespmem:s18], [sflag:$0x3], $0x4000, $0x38;
	[tilespmem:$0x1C880] =	vst v63  }
0x58: {  	_ =	swait.ge [sflag:s23], $0x4000  }
0x59: {  	[sflag:s23] =	ssyncset.done $0x0  }
0x5a: {  	s26 =	sadd.s32 $0x1, s26;
	[sflag:s23] =	ssyncadd.s32 $0xFFFFC000  }
0x5b: {  	[hbm4b:s11+s3] =	stream.linear.scatter [tilespmem:s19], [sflag:$0x4], $0x4000, $0x38;
	[tilespmem:$0x1C880] =	vst v63  }
0x5c: {  	p1 =	sne.s32 s26, s7;
	_ =	swait.ge [sflag:s21], $0x4000  }
.Ltmp1:
0x5d: {  	[sflag:s21] =	ssyncset.done $0x0;
	(pc) =	sbr.rel @p1 .LBB2_1-.Ltmp1, $4  }
0x5e: {  	[sflag:s21] =	ssyncadd.s32 $0xFFFFC000  }
0x5f: {  	_ =	swait.ge [sflag:s24], $0x4000  }
0x60: {  	[sflag:s24] =	ssyncset.done $0x0  }
0x61: {  	[sflag:s24] =	ssyncadd.s32 $0xFFFFC000  }
0x62: {  	_ =	sfence.sel $0x180000  }
0x63: {  	[bflag:$0x0] =	sbarrier.arrive $0xFFFF  }
0x64: {  	_ =	strace $0x9000004D  }
0x65: {  	[bflag:$0x2] =	sbarrier.arrive $0xFFFF  }
0x66: {  	p0 =	sne.s32 s2, $0x0;
	s0 =	rddreg [dreg:$0x4]  }
0x67: {  	s0 =	sadd.s32 @!p0 $0x100000, s0  }
0x68: {  	[sflag:s0] =	ssyncadd.tile.s32 @!p0 $0x1;
	_ =	shalt  }
.Lfunc_end2:
_tile_overlayer_lowered:
.L_overlay_start_2:
0x69: {  	(tag) =	ssettag $0x2  }
0x6a: {  	s0 =	rddreg [dreg:$0x0];
	s2 =	stileid.u32  }
0x6b: {  	s1 =	rddreg [dreg:$0x1];
	p0 =	sne.s32 s2, $0x0  }
0x6c: {  	s3 =	rddreg [dreg:$0x2];
	[bflag:$0x3] =	sbarrier.arrive $0xFFFF;
	s2 =	simm.s32 @!p0 $0x1C05  }
0x6d: {  	[timem:s3], [sflag:s2] =	dma.local @!p0 [hbm:s0], s1  }
0x6e: {  	s0 =	simm.s32 @!p0 $0x5  }
0x6f: {  	_ =	swait.ge @!p0 [sflag:s0], s1  }
0x70: {  	s1 =	ssub.s32 @!p0 $0x0, s1;
	[sflag:s0] =	ssyncset.done @!p0 $0x0  }
0x71: {  	[sflag:s0] =	ssyncadd.s32 @!p0 s1  }
0x72: {  	[bflag:$0x3] =	sbarrier.arrive $0xFFFF  }
0x73: {  	_ =	shalt  }

</sc_bundles>
